<compile_context>
chip_gen: v7x
topology: tpu7x:2x2x1
jax: 0.10.2.dev20260603
libtpu: 0.0.44.dev20260713+nightly
codegen_flags: <defaults>
</compile_context>

<pallas_src>
import functools

import jax
import jax.numpy as jnp
from jax import lax
from jax.experimental import pallas as pl
from jax.experimental.pallas import tpu as pltpu
from jax.experimental.pallas import tpu_sc as plsc

NUM_ROWS = 100000
EMBED_DIM = 64
BATCH = 16384

NC = 2
NS = 16
L = 16
NW = NC * NS
B_PER_W = BATCH // NW
CHUNK = 256
N_CHUNKS = B_PER_W // CHUNK
GROUPS = CHUNK // L
CW = 2048


SPLIT = 51200
PACK_BLOCKS = SPLIT // CW


def _pack_body(lo_ref, hi_ref, dst_ref):
    lo = jnp.transpose(lo_ref[...], (1, 0))
    hi = jnp.transpose(hi_ref[...], (1, 0))
    dst_ref[...] = jnp.concatenate([lo, hi], axis=1)


def _pack_tables(tab_t):
    return pl.pallas_call(
        _pack_body,
        grid=(PACK_BLOCKS,),
        in_specs=[
            pl.BlockSpec((EMBED_DIM, CW), lambda c: (0, c)),
            pl.BlockSpec((EMBED_DIM, CW),
                         lambda c: (0, jnp.minimum(c + PACK_BLOCKS,
                                                   2 * PACK_BLOCKS - 2))),
        ],
        out_specs=pl.BlockSpec((CW, 2 * EMBED_DIM), lambda c: (c, 0)),
        out_shape=jax.ShapeDtypeStruct((SPLIT, 2 * EMBED_DIM), jnp.float32),
    )(tab_t, tab_t)


def _perm_xor(v, s, lanes):
    idx = jnp.bitwise_xor(lanes, s)
    return jnp.take_along_axis(v, idx, axis=0, mode="promise_in_bounds")


def _butterfly_rowsum(vecs, lanes):
    s = 1
    while len(vecs) > 1:
        mask = (jnp.bitwise_and(lanes, s) == 0)
        nxt = []
        for i in range(0, len(vecs), 2):
            a, b = vecs[i], vecs[i + 1]
            nxt.append(jnp.where(mask, a + _perm_xor(a, s, lanes),
                                 b + _perm_xor(b, s, lanes)))
        vecs = nxt
        s *= 2
    return vecs[0]


def _tt_body(uid_hbm, iid_hbm, utab_hbm, itab_hbm, out_hbm,
             uid_v, iid_v, urows_v, irows_v, out_v, sem_u, sem_i):
    wid = lax.axis_index("s") * NC + lax.axis_index("c")
    base = wid * B_PER_W

    pltpu.sync_copy(uid_hbm.at[pl.ds(base, B_PER_W)], uid_v)
    pltpu.sync_copy(iid_hbm.at[pl.ds(base, B_PER_W)], iid_v)

    lanes = lax.iota(jnp.int32, L)

    def block(b, carry):
        uvec = uid_v[pl.ds(b * L, L)]
        ivec = iid_v[pl.ds(b * L, L)]
        upair = jnp.where(uvec >= SPLIT, uvec - SPLIT, uvec)
        ipair = jnp.where(ivec >= SPLIT, ivec - SPLIT, ivec)
        for j in range(L):
            pltpu.async_copy(utab_hbm.at[upair[j]],
                             urows_v.at[j], sem_u).wait()
            pltpu.async_copy(itab_hbm.at[ipair[j]],
                             irows_v.at[j], sem_i).wait()
        partials = []
        for j in range(L):
            uge = uvec[j] >= SPLIT
            ige = ivec[j] >= SPLIT
            p = None
            for k in range(EMBED_DIM // L):
                u_lo = urows_v[j, pl.ds(k * L, L)]
                u_hi = urows_v[j, pl.ds(EMBED_DIM + k * L, L)]
                v_lo = irows_v[j, pl.ds(k * L, L)]
                v_hi = irows_v[j, pl.ds(EMBED_DIM + k * L, L)]
                u = jnp.where(uge, u_hi, u_lo)
                v = jnp.where(ige, v_hi, v_lo)
                p = u * v if p is None else p + u * v
            partials.append(p)
        score = _butterfly_rowsum(partials, lanes)
        prob = 1.0 / (1.0 + jnp.exp(-score))
        out_v[pl.ds(b * L, L)] = prob
        return carry

    lax.fori_loop(0, B_PER_W // L, block, 0, unroll=False)

    pltpu.sync_copy(out_v, out_hbm.at[pl.ds(base, B_PER_W)])


@jax.jit
def kernel(user_ids, item_ids, user_table, item_table):
    upacked = _pack_tables(user_table.T)
    ipacked = _pack_tables(item_table.T)
    mesh = plsc.VectorSubcoreMesh(core_axis_name="c", subcore_axis_name="s")
    run = pl.kernel(
        _tt_body,
        out_type=jax.ShapeDtypeStruct((BATCH,), jnp.float32),
        mesh=mesh,
        scratch_types=[
            pltpu.VMEM((B_PER_W,), jnp.int32),
            pltpu.VMEM((B_PER_W,), jnp.int32),
            pltpu.VMEM((L, 2 * EMBED_DIM), jnp.float32),
            pltpu.VMEM((L, 2 * EMBED_DIM), jnp.float32),
            pltpu.VMEM((B_PER_W,), jnp.float32),
            pltpu.SemaphoreType.DMA,
            pltpu.SemaphoreType.DMA,
        ],
    )
    return run(user_ids.astype(jnp.int32), item_ids.astype(jnp.int32),
               upacked, ipacked)

# --- scband reference (transcript-rebuilt; emitter-appended) ---
"""Pipeline reference for scband-two-tower-binary-model-17008070492579 (READ-ONLY COPY).

The authoritative reference and input builder live on the scoring server;
editing this copy changes nothing except your own understanding.
"""

import jax, jax.numpy as jnp
import numpy as np

NUM_USERS = 100000
NUM_ITEMS = 100000
EMBED_DIM = 64
BATCH = 16384

def setup_inputs(seed: int = 0) -> dict:
    key = jax.random.key(seed)
    k1, k2, k3, k4 = jax.random.split(key, 4)
    user_ids = jax.random.randint(k1, (BATCH,), 0, NUM_USERS, dtype=jnp.int64 if jax.config.read('jax_enable_x64') else jnp.int32)
    item_ids = jax.random.randint(k2, (BATCH,), 0, NUM_ITEMS, dtype=jnp.int64 if jax.config.read('jax_enable_x64') else jnp.int32)
    user_table = jax.random.normal(k3, (NUM_USERS, EMBED_DIM), dtype=jnp.float32) * 0.02
    item_table = jax.random.normal(k4, (NUM_ITEMS, EMBED_DIM), dtype=jnp.float32) * 0.02
    return {"user_ids": user_ids, "item_ids": item_ids, "user_table": user_table, "item_table": item_table}

def reference(user_ids, item_ids, user_table, item_table):
    # FeatureEmbeddingLayer: embedding lookup per id tower
    user_emb = jnp.take(user_table, user_ids, axis=0)   # [B, D] gather
    item_emb = jnp.take(item_table, item_ids, axis=0)   # [B, D] gather
    interaction_score = jnp.sum(user_emb * item_emb, axis=1)  # [B]
    interaction_prob = jax.nn.sigmoid(interaction_score)
    return interaction_prob

if __name__ == "__main__":
    import jax
    _d = setup_inputs()
    print(jax.jit(kernel)(*tuple(_d.values())))

</pallas_src>

<mosaic_0001>
#map = affine_map<(d0, d1) -> (0)>
#map1 = affine_map<(d0, d1) -> (0, 0)>
module attributes {stable_mosaic.version = 14 : i64} {
  func.func @_tt_body(%arg0: i32, %arg1: i32, %arg2: memref<16384xi32, #tpu.memory_space<hbm>>, %arg3: memref<16384xi32, #tpu.memory_space<hbm>>, %arg4: memref<51200x128xf32, #tpu.memory_space<hbm>>, %arg5: memref<51200x128xf32, #tpu.memory_space<hbm>>, %arg6: memref<16384xf32, #tpu.memory_space<hbm>>, %arg7: memref<512xi32, #tpu.memory_space<vmem>>, %arg8: memref<512xi32, #tpu.memory_space<vmem>>, %arg9: memref<16x128xf32, #tpu.memory_space<vmem>>, %arg10: memref<16x128xf32, #tpu.memory_space<vmem>>, %arg11: memref<512xf32, #tpu.memory_space<vmem>>, %arg12: memref<!tpu.dma_semaphore, #tpu.memory_space<semaphore_mem>>, %arg13: memref<!tpu.dma_semaphore, #tpu.memory_space<semaphore_mem>>) attributes {dimension_semantics = [#tpu.dimension_semantics<core_parallel>, #tpu.dimension_semantics<subcore_parallel>], iteration_bounds = array<i64: 2, 16>, scalar_prefetch = 0 : i64, scratch_operands = 7 : i64, tpu.core_type = #tpu.core_type<sc_vector_subcore>, window_params = [{transform_indices = #map}, {transform_indices = #map}, {transform_indices = #map1}, {transform_indices = #map1}, {transform_indices = #map}]} {
    %mul3A = arith.constant 2 : i32
    %mul3A_0 = arith.muli %arg1, %mul3A : i32
    %add3A = arith.addi %mul3A_0, %arg0 : i32
    %mul3A_1 = arith.constant 512 : i32
    %mul3A_2 = arith.muli %add3A, %mul3A_1 : i32
    "tpu.region"() ({
      %run_scoped3A = tpu.sem_alloc : memref<!tpu.dma_semaphore, #tpu.memory_space<semaphore_mem>>
      %dma_start3A = tpu.memref_slice %arg2[%mul3A_2] : memref<16384xi32, #tpu.memory_space<hbm>> -> memref<512xi32, #tpu.memory_space<hbm>>
      %dma_start3A_8 = tpu.memref_slice %arg2[%mul3A_2] : memref<16384xi32, #tpu.memory_space<hbm>> -> memref<512xi32, #tpu.memory_space<hbm>>
      tpu.enqueue_dma source(%dma_start3A_8 : memref<512xi32, #tpu.memory_space<hbm>>) target(%arg7 : memref<512xi32, #tpu.memory_space<vmem>>) target_semaphore(%run_scoped3A : memref<!tpu.dma_semaphore, #tpu.memory_space<semaphore_mem>>)
      %dma_wait3A = tpu.memref_slice %arg2[%mul3A_2] : memref<16384xi32, #tpu.memory_space<hbm>> -> memref<512xi32, #tpu.memory_space<hbm>>
      %dma_wait3A_9 = tpu.memref_slice %arg2[%mul3A_2] : memref<16384xi32, #tpu.memory_space<hbm>> -> memref<512xi32, #tpu.memory_space<hbm>>
      tpu.wait_dma2 semaphore(%run_scoped3A : memref<!tpu.dma_semaphore, #tpu.memory_space<semaphore_mem>>) src(%dma_wait3A_9 : memref<512xi32, #tpu.memory_space<hbm>>) dst(%arg7 : memref<512xi32, #tpu.memory_space<vmem>>)
      tpu.yield
    }) : () -> ()
    "tpu.region"() ({
      %run_scoped3A = tpu.sem_alloc : memref<!tpu.dma_semaphore, #tpu.memory_space<semaphore_mem>>
      %dma_start3A = tpu.memref_slice %arg3[%mul3A_2] : memref<16384xi32, #tpu.memory_space<hbm>> -> memref<512xi32, #tpu.memory_space<hbm>>
      %dma_start3A_8 = tpu.memref_slice %arg3[%mul3A_2] : memref<16384xi32, #tpu.memory_space<hbm>> -> memref<512xi32, #tpu.memory_space<hbm>>
      tpu.enqueue_dma source(%dma_start3A_8 : memref<512xi32, #tpu.memory_space<hbm>>) target(%arg8 : memref<512xi32, #tpu.memory_space<vmem>>) target_semaphore(%run_scoped3A : memref<!tpu.dma_semaphore, #tpu.memory_space<semaphore_mem>>)
      %dma_wait3A = tpu.memref_slice %arg3[%mul3A_2] : memref<16384xi32, #tpu.memory_space<hbm>> -> memref<512xi32, #tpu.memory_space<hbm>>
      %dma_wait3A_9 = tpu.memref_slice %arg3[%mul3A_2] : memref<16384xi32, #tpu.memory_space<hbm>> -> memref<512xi32, #tpu.memory_space<hbm>>
      tpu.wait_dma2 semaphore(%run_scoped3A : memref<!tpu.dma_semaphore, #tpu.memory_space<semaphore_mem>>) src(%dma_wait3A_9 : memref<512xi32, #tpu.memory_space<hbm>>) dst(%arg8 : memref<512xi32, #tpu.memory_space<vmem>>)
      tpu.yield
    }) : () -> ()
    %iota3A = tpu.iota {dimensions = array<i32: 0>} : vector<16xi32>
    %scan3A = arith.constant 0 : i32
    %scan3A_3 = arith.constant 0 : i32
    %scan3A_4 = arith.constant 32 : i32
    %scan3A_5 = arith.addi %scan3A_3, %scan3A_4 : i32
    %scan3A_6 = arith.constant 1 : i32
    scf.for %scan3A_8 = %scan3A_3 to %scan3A_5 step %scan3A_6  : i32 {
      %mul3A_9 = arith.constant 16 : i32
      %mul3A_10 = arith.muli %scan3A_8, %mul3A_9 : i32
      %get3A = arith.index_cast %mul3A_10 : i32 to index
      %get3A_11 = tpu.vector_load %arg7[%get3A] {strides = array<i32>} : memref<512xi32, #tpu.memory_space<vmem>>, vector<16xi32>,
      %get3A_12 = vector.shape_cast %get3A_11 : vector<16xi32> to vector<16xi32>
      %mul3A_13 = arith.constant 16 : i32
      %mul3A_14 = arith.muli %scan3A_8, %mul3A_13 : i32
      %get3A_15 = arith.index_cast %mul3A_14 : i32 to index
      %get3A_16 = tpu.vector_load %arg8[%get3A_15] {strides = array<i32>} : memref<512xi32, #tpu.memory_space<vmem>>, vector<16xi32>,
      %get3A_17 = vector.shape_cast %get3A_16 : vector<16xi32> to vector<16xi32>
      %ge3A = arith.constant 51200 : i32
      %ge3A_18 = vector.broadcast %ge3A : i32 to vector<16xi32>
      %ge3A_19 = arith.cmpi sge, %get3A_12, %ge3A_18 : vector<16xi32>
      %sub3A = arith.constant 51200 : i32
      %sub3A_20 = vector.broadcast %sub3A : i32 to vector<16xi32>
      %sub3A_21 = arith.subi %get3A_12, %sub3A_20 : vector<16xi32>
      %select_n3A = arith.select %ge3A_19, %sub3A_21, %get3A_12 : vector<16xi1>, vector<16xi32>
      %ge3A_22 = arith.constant 51200 : i32
      %ge3A_23 = vector.broadcast %ge3A_22 : i32 to vector<16xi32>
      %ge3A_24 = arith.cmpi sge, %get3A_17, %ge3A_23 : vector<16xi32>
      %sub3A_25 = arith.constant 51200 : i32
      %sub3A_26 = vector.broadcast %sub3A_25 : i32 to vector<16xi32>
      %sub3A_27 = arith.subi %get3A_17, %sub3A_26 : vector<16xi32>
      %select_n3A_28 = arith.select %ge3A_24, %sub3A_27, %get3A_17 : vector<16xi1>, vector<16xi32>
      %slice3A = vector.extract_strided_slice %select_n3A {offsets = [0], sizes = [1], strides = [1]} : vector<16xi32> to vector<1xi32>
      %squeeze3A = vector.extract %slice3A[0] : i32 from vector<1xi32>
      %dma_start3A = arith.constant 0 : i32
      %dma_start3A_29 = arith.constant 0 : i32
      %dma_start3A_30 = tpu.memref_slice %arg9[%dma_start3A, %dma_start3A_29] : memref<16x128xf32, #tpu.memory_space<vmem>> -> memref<1x128xf32, #tpu.memory_space<vmem>>
      %dma_start3A_31 = tpu.memref_squeeze %dma_start3A_30 : memref<1x128xf32, #tpu.memory_space<vmem>> -> memref<128xf32, #tpu.memory_space<vmem>>
      %dma_start3A_32 = arith.constant 0 : i32
      %dma_start3A_33 = tpu.memref_slice %arg4[%squeeze3A, %dma_start3A_32] : memref<51200x128xf32, #tpu.memory_space<hbm>> -> memref<1x128xf32, #tpu.memory_space<hbm>>
      %dma_start3A_34 = tpu.memref_squeeze %dma_start3A_33 : memref<1x128xf32, #tpu.memory_space<hbm>> -> memref<128xf32, #tpu.memory_space<hbm>>
      %dma_start3A_35 = arith.constant 0 : i32
      %dma_start3A_36 = tpu.memref_slice %arg9[%dma_start3A, %dma_start3A_35] : memref<16x128xf32, #tpu.memory_space<vmem>> -> memref<1x128xf32, #tpu.memory_space<vmem>>
      %dma_start3A_37 = tpu.memref_squeeze %dma_start3A_36 : memref<1x128xf32, #tpu.memory_space<vmem>> -> memref<128xf32, #tpu.memory_space<vmem>>
      %dma_start3A_38 = arith.constant 0 : i32
      %dma_start3A_39 = tpu.memref_slice %arg4[%squeeze3A, %dma_start3A_38] : memref<51200x128xf32, #tpu.memory_space<hbm>> -> memref<1x128xf32, #tpu.memory_space<hbm>>
      %dma_start3A_40 = tpu.memref_squeeze %dma_start3A_39 : memref<1x128xf32, #tpu.memory_space<hbm>> -> memref<128xf32, #tpu.memory_space<hbm>>
      tpu.enqueue_dma source(%dma_start3A_40 : memref<128xf32, #tpu.memory_space<hbm>>) target(%dma_start3A_37 : memref<128xf32, #tpu.memory_space<vmem>>) target_semaphore(%arg12 : memref<!tpu.dma_semaphore, #tpu.memory_space<semaphore_mem>>)
      %dma_wait3A = arith.constant 0 : i32
      %dma_wait3A_41 = arith.constant 0 : i32
      %dma_wait3A_42 = tpu.memref_slice %arg9[%dma_wait3A, %dma_wait3A_41] : memref<16x128xf32, #tpu.memory_space<vmem>> -> memref<1x128xf32, #tpu.memory_space<vmem>>
      %dma_wait3A_43 = tpu.memref_squeeze %dma_wait3A_42 : memref<1x128xf32, #tpu.memory_space<vmem>> -> memref<128xf32, #tpu.memory_space<vmem>>
      %dma_wait3A_44 = arith.constant 0 : i32
      %dma_wait3A_45 = tpu.memref_slice %arg4[%squeeze3A, %dma_wait3A_44] : memref<51200x128xf32, #tpu.memory_space<hbm>> -> memref<1x128xf32, #tpu.memory_space<hbm>>
      %dma_wait3A_46 = tpu.memref_squeeze %dma_wait3A_45 : memref<1x128xf32, #tpu.memory_space<hbm>> -> memref<128xf32, #tpu.memory_space<hbm>>
      %dma_wait3A_47 = arith.constant 0 : i32
      %dma_wait3A_48 = tpu.memref_slice %arg9[%dma_wait3A, %dma_wait3A_47] : memref<16x128xf32, #tpu.memory_space<vmem>> -> memref<1x128xf32, #tpu.memory_space<vmem>>
      %dma_wait3A_49 = tpu.memref_squeeze %dma_wait3A_48 : memref<1x128xf32, #tpu.memory_space<vmem>> -> memref<128xf32, #tpu.memory_space<vmem>>
      %dma_wait3A_50 = arith.constant 0 : i32
      %dma_wait3A_51 = tpu.memref_slice %arg4[%squeeze3A, %dma_wait3A_50] : memref<51200x128xf32, #tpu.memory_space<hbm>> -> memref<1x128xf32, #tpu.memory_space<hbm>>
      %dma_wait3A_52 = tpu.memref_squeeze %dma_wait3A_51 : memref<1x128xf32, #tpu.memory_space<hbm>> -> memref<128xf32, #tpu.memory_space<hbm>>
      tpu.wait_dma2 semaphore(%arg12 : memref<!tpu.dma_semaphore, #tpu.memory_space<semaphore_mem>>) src(%dma_wait3A_52 : memref<128xf32, #tpu.memory_space<hbm>>) dst(%dma_wait3A_49 : memref<128xf32, #tpu.memory_space<vmem>>)
      %slice3A_53 = vector.extract_strided_slice %select_n3A_28 {offsets = [0], sizes = [1], strides = [1]} : vector<16xi32> to vector<1xi32>
      %squeeze3A_54 = vector.extract %slice3A_53[0] : i32 from vector<1xi32>
      %dma_start3A_55 = arith.constant 0 : i32
      %dma_start3A_56 = arith.constant 0 : i32
      %dma_start3A_57 = tpu.memref_slice %arg10[%dma_start3A_55, %dma_start3A_56] : memref<16x128xf32, #tpu.memory_space<vmem>> -> memref<1x128xf32, #tpu.memory_space<vmem>>
      %dma_start3A_58 = tpu.memref_squeeze %dma_start3A_57 : memref<1x128xf32, #tpu.memory_space<vmem>> -> memref<128xf32, #tpu.memory_space<vmem>>
      %dma_start3A_59 = arith.constant 0 : i32
      %dma_start3A_60 = tpu.memref_slice %arg5[%squeeze3A_54, %dma_start3A_59] : memref<51200x128xf32, #tpu.memory_space<hbm>> -> memref<1x128xf32, #tpu.memory_space<hbm>>
      %dma_start3A_61 = tpu.memref_squeeze %dma_start3A_60 : memref<1x128xf32, #tpu.memory_space<hbm>> -> memref<128xf32, #tpu.memory_space<hbm>>
      %dma_start3A_62 = arith.constant 0 : i32
      %dma_start3A_63 = tpu.memref_slice %arg10[%dma_start3A_55, %dma_start3A_62] : memref<16x128xf32, #tpu.memory_space<vmem>> -> memref<1x128xf32, #tpu.memory_space<vmem>>
      %dma_start3A_64 = tpu.memref_squeeze %dma_start3A_63 : memref<1x128xf32, #tpu.memory_space<vmem>> -> memref<128xf32, #tpu.memory_space<vmem>>
      %dma_start3A_65 = arith.constant 0 : i32
      %dma_start3A_66 = tpu.memref_slice %arg5[%squeeze3A_54, %dma_start3A_65] : memref<51200x128xf32, #tpu.memory_space<hbm>> -> memref<1x128xf32, #tpu.memory_space<hbm>>
      %dma_start3A_67 = tpu.memref_squeeze %dma_start3A_66 : memref<1x128xf32, #tpu.memory_space<hbm>> -> memref<128xf32, #tpu.memory_space<hbm>>
      tpu.enqueue_dma source(%dma_start3A_67 : memref<128xf32, #tpu.memory_space<hbm>>) target(%dma_start3A_64 : memref<128xf32, #tpu.memory_space<vmem>>) target_semaphore(%arg13 : memref<!tpu.dma_semaphore, #tpu.memory_space<semaphore_mem>>)
      %dma_wait3A_68 = arith.constant 0 : i32
      %dma_wait3A_69 = arith.constant 0 : i32
      %dma_wait3A_70 = tpu.memref_slice %arg10[%dma_wait3A_68, %dma_wait3A_69] : memref<16x128xf32, #tpu.memory_space<vmem>> -> memref<1x128xf32, #tpu.memory_space<vmem>>
      %dma_wait3A_71 = tpu.memref_squeeze %dma_wait3A_70 : memref<1x128xf32, #tpu.memory_space<vmem>> -> memref<128xf32, #tpu.memory_space<vmem>>
      %dma_wait3A_72 = arith.constant 0 : i32
      %dma_wait3A_73 = tpu.memref_slice %arg5[%squeeze3A_54, %dma_wait3A_72] : memref<51200x128xf32, #tpu.memory_space<hbm>> -> memref<1x128xf32, #tpu.memory_space<hbm>>
      %dma_wait3A_74 = tpu.memref_squeeze %dma_wait3A_73 : memref<1x128xf32, #tpu.memory_space<hbm>> -> memref<128xf32, #tpu.memory_space<hbm>>
      %dma_wait3A_75 = arith.constant 0 : i32
      %dma_wait3A_76 = tpu.memref_slice %arg10[%dma_wait3A_68, %dma_wait3A_75] : memref<16x128xf32, #tpu.memory_space<vmem>> -> memref<1x128xf32, #tpu.memory_space<vmem>>
      %dma_wait3A_77 = tpu.memref_squeeze %dma_wait3A_76 : memref<1x128xf32, #tpu.memory_space<vmem>> -> memref<128xf32, #tpu.memory_space<vmem>>
      %dma_wait3A_78 = arith.constant 0 : i32
      %dma_wait3A_79 = tpu.memref_slice %arg5[%squeeze3A_54, %dma_wait3A_78] : memref<51200x128xf32, #tpu.memory_space<hbm>> -> memref<1x128xf32, #tpu.memory_space<hbm>>
      %dma_wait3A_80 = tpu.memref_squeeze %dma_wait3A_79 : memref<1x128xf32, #tpu.memory_space<hbm>> -> memref<128xf32, #tpu.memory_space<hbm>>
      tpu.wait_dma2 semaphore(%arg13 : memref<!tpu.dma_semaphore, #tpu.memory_space<semaphore_mem>>) src(%dma_wait3A_80 : memref<128xf32, #tpu.memory_space<hbm>>) dst(%dma_wait3A_77 : memref<128xf32, #tpu.memory_space<vmem>>)
      %slice3A_81 = vector.extract_strided_slice %select_n3A {offsets = [1], sizes = [1], strides = [1]} : vector<16xi32> to vector<1xi32>
      %squeeze3A_82 = vector.extract %slice3A_81[0] : i32 from vector<1xi32>
      %dma_start3A_83 = arith.constant 1 : i32
      %dma_start3A_84 = arith.constant 0 : i32
      %dma_start3A_85 = tpu.memref_slice %arg9[%dma_start3A_83, %dma_start3A_84] : memref<16x128xf32, #tpu.memory_space<vmem>> -> memref<1x128xf32, #tpu.memory_space<vmem>>
      %dma_start3A_86 = tpu.memref_squeeze %dma_start3A_85 : memref<1x128xf32, #tpu.memory_space<vmem>> -> memref<128xf32, #tpu.memory_space<vmem>>
      %dma_start3A_87 = arith.constant 0 : i32
      %dma_start3A_88 = tpu.memref_slice %arg4[%squeeze3A_82, %dma_start3A_87] : memref<51200x128xf32, #tpu.memory_space<hbm>> -> memref<1x128xf32, #tpu.memory_space<hbm>>
      %dma_start3A_89 = tpu.memref_squeeze %dma_start3A_88 : memref<1x128xf32, #tpu.memory_space<hbm>> -> memref<128xf32, #tpu.memory_space<hbm>>
      %dma_start3A_90 = arith.constant 0 : i32
      %dma_start3A_91 = tpu.memref_slice %arg9[%dma_start3A_83, %dma_start3A_90] : memref<16x128xf32, #tpu.memory_space<vmem>> -> memref<1x128xf32, #tpu.memory_space<vmem>>
      %dma_start3A_92 = tpu.memref_squeeze %dma_start3A_91 : memref<1x128xf32, #tpu.memory_space<vmem>> -> memref<128xf32, #tpu.memory_space<vmem>>
      %dma_start3A_93 = arith.constant 0 : i32
      %dma_start3A_94 = tpu.memref_slice %arg4[%squeeze3A_82, %dma_start3A_93] : memref<51200x128xf32, #tpu.memory_space<hbm>> -> memref<1x128xf32, #tpu.memory_space<hbm>>
      %dma_start3A_95 = tpu.memref_squeeze %dma_start3A_94 : memref<1x128xf32, #tpu.memory_space<hbm>> -> memref<128xf32, #tpu.memory_space<hbm>>
      tpu.enqueue_dma source(%dma_start3A_95 : memref<128xf32, #tpu.memory_space<hbm>>) target(%dma_start3A_92 : memref<128xf32, #tpu.memory_space<vmem>>) target_semaphore(%arg12 : memref<!tpu.dma_semaphore, #tpu.memory_space<semaphore_mem>>)
      %dma_wait3A_96 = arith.constant 1 : i32
      %dma_wait3A_97 = arith.constant 0 : i32
      %dma_wait3A_98 = tpu.memref_slice %arg9[%dma_wait3A_96, %dma_wait3A_97] : memref<16x128xf32, #tpu.memory_space<vmem>> -> memref<1x128xf32, #tpu.memory_space<vmem>>
      %dma_wait3A_99 = tpu.memref_squeeze %dma_wait3A_98 : memref<1x128xf32, #tpu.memory_space<vmem>> -> memref<128xf32, #tpu.memory_space<vmem>>
      %dma_wait3A_100 = arith.constant 0 : i32
      %dma_wait3A_101 = tpu.memref_slice %arg4[%squeeze3A_82, %dma_wait3A_100] : memref<51200x128xf32, #tpu.memory_space<hbm>> -> memref<1x128xf32, #tpu.memory_space<hbm>>
      %dma_wait3A_102 = tpu.memref_squeeze %dma_wait3A_101 : memref<1x128xf32, #tpu.memory_space<hbm>> -> memref<128xf32, #tpu.memory_space<hbm>>
      %dma_wait3A_103 = arith.constant 0 : i32
      %dma_wait3A_104 = tpu.memref_slice %arg9[%dma_wait3A_96, %dma_wait3A_103] : memref<16x128xf32, #tpu.memory_space<vmem>> -> memref<1x128xf32, #tpu.memory_space<vmem>>
      %dma_wait3A_105 = tpu.memref_squeeze %dma_wait3A_104 : memref<1x128xf32, #tpu.memory_space<vmem>> -> memref<128xf32, #tpu.memory_space<vmem>>
      %dma_wait3A_106 = arith.constant 0 : i32
      %dma_wait3A_107 = tpu.memref_slice %arg4[%squeeze3A_82, %dma_wait3A_106] : memref<51200x128xf32, #tpu.memory_space<hbm>> -> memref<1x128xf32, #tpu.memory_space<hbm>>
      %dma_wait3A_108 = tpu.memref_squeeze %dma_wait3A_107 : memref<1x128xf32, #tpu.memory_space<hbm>> -> memref<128xf32, #tpu.memory_space<hbm>>
      tpu.wait_dma2 semaphore(%arg12 : memref<!tpu.dma_semaphore, #tpu.memory_space<semaphore_mem>>) src(%dma_wait3A_108 : memref<128xf32, #tpu.memory_space<hbm>>) dst(%dma_wait3A_105 : memref<128xf32, #tpu.memory_space<vmem>>)
      %slice3A_109 = vector.extract_strided_slice %select_n3A_28 {offsets = [1], sizes = [1], strides = [1]} : vector<16xi32> to vector<1xi32>
      %squeeze3A_110 = vector.extract %slice3A_109[0] : i32 from vector<1xi32>
      %dma_start3A_111 = arith.constant 1 : i32
      %dma_start3A_112 = arith.constant 0 : i32
      %dma_start3A_113 = tpu.memref_slice %arg10[%dma_start3A_111, %dma_start3A_112] : memref<16x128xf32, #tpu.memory_space<vmem>> -> memref<1x128xf32, #tpu.memory_space<vmem>>
      %dma_start3A_114 = tpu.memref_squeeze %dma_start3A_113 : memref<1x128xf32, #tpu.memory_space<vmem>> -> memref<128xf32, #tpu.memory_space<vmem>>
      %dma_start3A_115 = arith.constant 0 : i32
      %dma_start3A_116 = tpu.memref_slice %arg5[%squeeze3A_110, %dma_start3A_115] : memref<51200x128xf32, #tpu.memory_space<hbm>> -> memref<1x128xf32, #tpu.memory_space<hbm>>
      %dma_start3A_117 = tpu.memref_squeeze %dma_start3A_116 : memref<1x128xf32, #tpu.memory_space<hbm>> -> memref<128xf32, #tpu.memory_space<hbm>>
      %dma_start3A_118 = arith.constant 0 : i32
      %dma_start3A_119 = tpu.memref_slice %arg10[%dma_start3A_111, %dma_start3A_118] : memref<16x128xf32, #tpu.memory_space<vmem>> -> memref<1x128xf32, #tpu.memory_space<vmem>>
      %dma_start3A_120 = tpu.memref_squeeze %dma_start3A_119 : memref<1x128xf32, #tpu.memory_space<vmem>> -> memref<128xf32, #tpu.memory_space<vmem>>
      %dma_start3A_121 = arith.constant 0 : i32
      %dma_start3A_122 = tpu.memref_slice %arg5[%squeeze3A_110, %dma_start3A_121] : memref<51200x128xf32, #tpu.memory_space<hbm>> -> memref<1x128xf32, #tpu.memory_space<hbm>>
      %dma_start3A_123 = tpu.memref_squeeze %dma_start3A_122 : memref<1x128xf32, #tpu.memory_space<hbm>> -> memref<128xf32, #tpu.memory_space<hbm>>
      tpu.enqueue_dma source(%dma_start3A_123 : memref<128xf32, #tpu.memory_space<hbm>>) target(%dma_start3A_120 : memref<128xf32, #tpu.memory_space<vmem>>) target_semaphore(%arg13 : memref<!tpu.dma_semaphore, #tpu.memory_space<semaphore_mem>>)
      %dma_wait3A_124 = arith.constant 1 : i32
      %dma_wait3A_125 = arith.constant 0 : i32
      %dma_wait3A_126 = tpu.memref_slice %arg10[%dma_wait3A_124, %dma_wait3A_125] : memref<16x128xf32, #tpu.memory_space<vmem>> -> memref<1x128xf32, #tpu.memory_space<vmem>>
      %dma_wait3A_127 = tpu.memref_squeeze %dma_wait3A_126 : memref<1x128xf32, #tpu.memory_space<vmem>> -> memref<128xf32, #tpu.memory_space<vmem>>
      %dma_wait3A_128 = arith.constant 0 : i32
      %dma_wait3A_129 = tpu.memref_slice %arg5[%squeeze3A_110, %dma_wait3A_128] : memref<51200x128xf32, #tpu.memory_space<hbm>> -> memref<1x128xf32, #tpu.memory_space<hbm>>
      %dma_wait3A_130 = tpu.memref_squeeze %dma_wait3A_129 : memref<1x128xf32, #tpu.memory_space<hbm>> -> memref<128xf32, #tpu.memory_space<hbm>>
      %dma_wait3A_131 = arith.constant 0 : i32
      %dma_wait3A_132 = tpu.memref_slice %arg10[%dma_wait3A_124, %dma_wait3A_131] : memref<16x128xf32, #tpu.memory_space<vmem>> -> memref<1x128xf32, #tpu.memory_space<vmem>>
      %dma_wait3A_133 = tpu.memref_squeeze %dma_wait3A_132 : memref<1x128xf32, #tpu.memory_space<vmem>> -> memref<128xf32, #tpu.memory_space<vmem>>
      %dma_wait3A_134 = arith.constant 0 : i32
      %dma_wait3A_135 = tpu.memref_slice %arg5[%squeeze3A_110, %dma_wait3A_134] : memref<51200x128xf32, #tpu.memory_space<hbm>> -> memref<1x128xf32, #tpu.memory_space<hbm>>
      %dma_wait3A_136 = tpu.memref_squeeze %dma_wait3A_135 : memref<1x128xf32, #tpu.memory_space<hbm>> -> memref<128xf32, #tpu.memory_space<hbm>>
      tpu.wait_dma2 semaphore(%arg13 : memref<!tpu.dma_semaphore, #tpu.memory_space<semaphore_mem>>) src(%dma_wait3A_136 : memref<128xf32, #tpu.memory_space<hbm>>) dst(%dma_wait3A_133 : memref<128xf32, #tpu.memory_space<vmem>>)
      %slice3A_137 = vector.extract_strided_slice %select_n3A {offsets = [2], sizes = [1], strides = [1]} : vector<16xi32> to vector<1xi32>
      %squeeze3A_138 = vector.extract %slice3A_137[0] : i32 from vector<1xi32>
      %dma_start3A_139 = arith.constant 2 : i32
      %dma_start3A_140 = arith.constant 0 : i32
      %dma_start3A_141 = tpu.memref_slice %arg9[%dma_start3A_139, %dma_start3A_140] : memref<16x128xf32, #tpu.memory_space<vmem>> -> memref<1x128xf32, #tpu.memory_space<vmem>>
      %dma_start3A_142 = tpu.memref_squeeze %dma_start3A_141 : memref<1x128xf32, #tpu.memory_space<vmem>> -> memref<128xf32, #tpu.memory_space<vmem>>
      %dma_start3A_143 = arith.constant 0 : i32
      %dma_start3A_144 = tpu.memref_slice %arg4[%squeeze3A_138, %dma_start3A_143] : memref<51200x128xf32, #tpu.memory_space<hbm>> -> memref<1x128xf32, #tpu.memory_space<hbm>>
      %dma_start3A_145 = tpu.memref_squeeze %dma_start3A_144 : memref<1x128xf32, #tpu.memory_space<hbm>> -> memref<128xf32, #tpu.memory_space<hbm>>
      %dma_start3A_146 = arith.constant 0 : i32
      %dma_start3A_147 = tpu.memref_slice %arg9[%dma_start3A_139, %dma_start3A_146] : memref<16x128xf32, #tpu.memory_space<vmem>> -> memref<1x128xf32, #tpu.memory_space<vmem>>
      %dma_start3A_148 = tpu.memref_squeeze %dma_start3A_147 : memref<1x128xf32, #tpu.memory_space<vmem>> -> memref<128xf32, #tpu.memory_space<vmem>>
      %dma_start3A_149 = arith.constant 0 : i32
      %dma_start3A_150 = tpu.memref_slice %arg4[%squeeze3A_138, %dma_start3A_149] : memref<51200x128xf32, #tpu.memory_space<hbm>> -> memref<1x128xf32, #tpu.memory_space<hbm>>
      %dma_start3A_151 = tpu.memref_squeeze %dma_start3A_150 : memref<1x128xf32, #tpu.memory_space<hbm>> -> memref<128xf32, #tpu.memory_space<hbm>>
      tpu.enqueue_dma source(%dma_start3A_151 : memref<128xf32, #tpu.memory_space<hbm>>) target(%dma_start3A_148 : memref<128xf32, #tpu.memory_space<vmem>>) target_semaphore(%arg12 : memref<!tpu.dma_semaphore, #tpu.memory_space<semaphore_mem>>)
      %dma_wait3A_152 = arith.constant 2 : i32
      %dma_wait3A_153 = arith.constant 0 : i32
      %dma_wait3A_154 = tpu.memref_slice %arg9[%dma_wait3A_152, %dma_wait3A_153] : memref<16x128xf32, #tpu.memory_space<vmem>> -> memref<1x128xf32, #tpu.memory_space<vmem>>
      %dma_wait3A_155 = tpu.memref_squeeze %dma_wait3A_154 : memref<1x128xf32, #tpu.memory_space<vmem>> -> memref<128xf32, #tpu.memory_space<vmem>>
      %dma_wait3A_156 = arith.constant 0 : i32
      %dma_wait3A_157 = tpu.memref_slice %arg4[%squeeze3A_138, %dma_wait3A_156] : memref<51200x128xf32, #tpu.memory_space<hbm>> -> memref<1x128xf32, #tpu.memory_space<hbm>>
      %dma_wait3A_158 = tpu.memref_squeeze %dma_wait3A_157 : memref<1x128xf32, #tpu.memory_space<hbm>> -> memref<128xf32, #tpu.memory_space<hbm>>
      %dma_wait3A_159 = arith.constant 0 : i32
      %dma_wait3A_160 = tpu.memref_slice %arg9[%dma_wait3A_152, %dma_wait3A_159] : memref<16x128xf32, #tpu.memory_space<vmem>> -> memref<1x128xf32, #tpu.memory_space<vmem>>
      %dma_wait3A_161 = tpu.memref_squeeze %dma_wait3A_160 : memref<1x128xf32, #tpu.memory_space<vmem>> -> memref<128xf32, #tpu.memory_space<vmem>>
      %dma_wait3A_162 = arith.constant 0 : i32
      %dma_wait3A_163 = tpu.memref_slice %arg4[%squeeze3A_138, %dma_wait3A_162] : memref<51200x128xf32, #tpu.memory_space<hbm>> -> memref<1x128xf32, #tpu.memory_space<hbm>>
      %dma_wait3A_164 = tpu.memref_squeeze %dma_wait3A_163 : memref<1x128xf32, #tpu.memory_space<hbm>> -> memref<128xf32, #tpu.memory_space<hbm>>
      tpu.wait_dma2 semaphore(%arg12 : memref<!tpu.dma_semaphore, #tpu.memory_space<semaphore_mem>>) src(%dma_wait3A_164 : memref<128xf32, #tpu.memory_space<hbm>>) dst(%dma_wait3A_161 : memref<128xf32, #tpu.memory_space<vmem>>)
      %slice3A_165 = vector.extract_strided_slice %select_n3A_28 {offsets = [2], sizes = [1], strides = [1]} : vector<16xi32> to vector<1xi32>
      %squeeze3A_166 = vector.extract %slice3A_165[0] : i32 from vector<1xi32>
      %dma_start3A_167 = arith.constant 2 : i32
      %dma_start3A_168 = arith.constant 0 : i32
      %dma_start3A_169 = tpu.memref_slice %arg10[%dma_start3A_167, %dma_start3A_168] : memref<16x128xf32, #tpu.memory_space<vmem>> -> memref<1x128xf32, #tpu.memory_space<vmem>>
      %dma_start3A_170 = tpu.memref_squeeze %dma_start3A_169 : memref<1x128xf32, #tpu.memory_space<vmem>> -> memref<128xf32, #tpu.memory_space<vmem>>
      %dma_start3A_171 = arith.constant 0 : i32
      %dma_start3A_172 = tpu.memref_slice %arg5[%squeeze3A_166, %dma_start3A_171] : memref<51200x128xf32, #tpu.memory_space<hbm>> -> memref<1x128xf32, #tpu.memory_space<hbm>>
      %dma_start3A_173 = tpu.memref_squeeze %dma_start3A_172 : memref<1x128xf32, #tpu.memory_space<hbm>> -> memref<128xf32, #tpu.memory_space<hbm>>
      %dma_start3A_174 = arith.constant 0 : i32
      %dma_start3A_175 = tpu.memref_slice %arg10[%dma_start3A_167, %dma_start3A_174] : memref<16x128xf32, #tpu.memory_space<vmem>> -> memref<1x128xf32, #tpu.memory_space<vmem>>
      %dma_start3A_176 = tpu.memref_squeeze %dma_start3A_175 : memref<1x128xf32, #tpu.memory_space<vmem>> -> memref<128xf32, #tpu.memory_space<vmem>>
      %dma_start3A_177 = arith.constant 0 : i32
      %dma_start3A_178 = tpu.memref_slice %arg5[%squeeze3A_166, %dma_start3A_177] : memref<51200x128xf32, #tpu.memory_space<hbm>> -> memref<1x128xf32, #tpu.memory_space<hbm>>
      %dma_start3A_179 = tpu.memref_squeeze %dma_start3A_178 : memref<1x128xf32, #tpu.memory_space<hbm>> -> memref<128xf32, #tpu.memory_space<hbm>>
      tpu.enqueue_dma source(%dma_start3A_179 : memref<128xf32, #tpu.memory_space<hbm>>) target(%dma_start3A_176 : memref<128xf32, #tpu.memory_space<vmem>>) target_semaphore(%arg13 : memref<!tpu.dma_semaphore, #tpu.memory_space<semaphore_mem>>)
      %dma_wait3A_180 = arith.constant 2 : i32
      %dma_wait3A_181 = arith.constant 0 : i32
      %dma_wait3A_182 = tpu.memref_slice %arg10[%dma_wait3A_180, %dma_wait3A_181] : memref<16x128xf32, #tpu.memory_space<vmem>> -> memref<1x128xf32, #tpu.memory_space<vmem>>
      %dma_wait3A_183 = tpu.memref_squeeze %dma_wait3A_182 : memref<1x128xf32, #tpu.memory_space<vmem>> -> memref<128xf32, #tpu.memory_space<vmem>>
      %dma_wait3A_184 = arith.constant 0 : i32
      %dma_wait3A_185 = tpu.memref_slice %arg5[%squeeze3A_166, %dma_wait3A_184] : memref<51200x128xf32, #tpu.memory_space<hbm>> -> memref<1x128xf32, #tpu.memory_space<hbm>>
      %dma_wait3A_186 = tpu.memref_squeeze %dma_wait3A_185 : memref<1x128xf32, #tpu.memory_space<hbm>> -> memref<128xf32, #tpu.memory_space<hbm>>
      %dma_wait3A_187 = arith.constant 0 : i32
      %dma_wait3A_188 = tpu.memref_slice %arg10[%dma_wait3A_180, %dma_wait3A_187] : memref<16x128xf32, #tpu.memory_space<vmem>> -> memref<1x128xf32, #tpu.memory_space<vmem>>
      %dma_wait3A_189 = tpu.memref_squeeze %dma_wait3A_188 : memref<1x128xf32, #tpu.memory_space<vmem>> -> memref<128xf32, #tpu.memory_space<vmem>>
      %dma_wait3A_190 = arith.constant 0 : i32
      %dma_wait3A_191 = tpu.memref_slice %arg5[%squeeze3A_166, %dma_wait3A_190] : memref<51200x128xf32, #tpu.memory_space<hbm>> -> memref<1x128xf32, #tpu.memory_space<hbm>>
      %dma_wait3A_192 = tpu.memref_squeeze %dma_wait3A_191 : memref<1x128xf32, #tpu.memory_space<hbm>> -> memref<128xf32, #tpu.memory_space<hbm>>
      tpu.wait_dma2 semaphore(%arg13 : memref<!tpu.dma_semaphore, #tpu.memory_space<semaphore_mem>>) src(%dma_wait3A_192 : memref<128xf32, #tpu.memory_space<hbm>>) dst(%dma_wait3A_189 : memref<128xf32, #tpu.memory_space<vmem>>)
      %slice3A_193 = vector.extract_strided_slice %select_n3A {offsets = [3], sizes = [1], strides = [1]} : vector<16xi32> to vector<1xi32>
      %squeeze3A_194 = vector.extract %slice3A_193[0] : i32 from vector<1xi32>
      %dma_start3A_195 = arith.constant 3 : i32
      %dma_start3A_196 = arith.constant 0 : i32
      %dma_start3A_197 = tpu.memref_slice %arg9[%dma_start3A_195, %dma_start3A_196] : memref<16x128xf32, #tpu.memory_space<vmem>> -> memref<1x128xf32, #tpu.memory_space<vmem>>
      %dma_start3A_198 = tpu.memref_squeeze %dma_start3A_197 : memref<1x128xf32, #tpu.memory_space<vmem>> -> memref<128xf32, #tpu.memory_space<vmem>>
      %dma_start3A_199 = arith.constant 0 : i32
      %dma_start3A_200 = tpu.memref_slice %arg4[%squeeze3A_194, %dma_start3A_199] : memref<51200x128xf32, #tpu.memory_space<hbm>> -> memref<1x128xf32, #tpu.memory_space<hbm>>
      %dma_start3A_201 = tpu.memref_squeeze %dma_start3A_200 : memref<1x128xf32, #tpu.memory_space<hbm>> -> memref<128xf32, #tpu.memory_space<hbm>>
      %dma_start3A_202 = arith.constant 0 : i32
      %dma_start3A_203 = tpu.memref_slice %arg9[%dma_start3A_195, %dma_start3A_202] : memref<16x128xf32, #tpu.memory_space<vmem>> -> memref<1x128xf32, #tpu.memory_space<vmem>>
      %dma_start3A_204 = tpu.memref_squeeze %dma_start3A_203 : memref<1x128xf32, #tpu.memory_space<vmem>> -> memref<128xf32, #tpu.memory_space<vmem>>
      %dma_start3A_205 = arith.constant 0 : i32
      %dma_start3A_206 = tpu.memref_slice %arg4[%squeeze3A_194, %dma_start3A_205] : memref<51200x128xf32, #tpu.memory_space<hbm>> -> memref<1x128xf32, #tpu.memory_space<hbm>>
      %dma_start3A_207 = tpu.memref_squeeze %dma_start3A_206 : memref<1x128xf32, #tpu.memory_space<hbm>> -> memref<128xf32, #tpu.memory_space<hbm>>
      tpu.enqueue_dma source(%dma_start3A_207 : memref<128xf32, #tpu.memory_space<hbm>>) target(%dma_start3A_204 : memref<128xf32, #tpu.memory_space<vmem>>) target_semaphore(%arg12 : memref<!tpu.dma_semaphore, #tpu.memory_space<semaphore_mem>>)
      %dma_wait3A_208 = arith.constant 3 : i32
      %dma_wait3A_209 = arith.constant 0 : i32
      %dma_wait3A_210 = tpu.memref_slice %arg9[%dma_wait3A_208, %dma_wait3A_209] : memref<16x128xf32, #tpu.memory_space<vmem>> -> memref<1x128xf32, #tpu.memory_space<vmem>>
      %dma_wait3A_211 = tpu.memref_squeeze %dma_wait3A_210 : memref<1x128xf32, #tpu.memory_space<vmem>> -> memref<128xf32, #tpu.memory_space<vmem>>
      %dma_wait3A_212 = arith.constant 0 : i32
      %dma_wait3A_213 = tpu.memref_slice %arg4[%squeeze3A_194, %dma_wait3A_212] : memref<51200x128xf32, #tpu.memory_space<hbm>> -> memref<1x128xf32, #tpu.memory_space<hbm>>
      %dma_wait3A_214 = tpu.memref_squeeze %dma_wait3A_213 : memref<1x128xf32, #tpu.memory_space<hbm>> -> memref<128xf32, #tpu.memory_space<hbm>>
      %dma_wait3A_215 = arith.constant 0 : i32
      %dma_wait3A_216 = tpu.memref_slice %arg9[%dma_wait3A_208, %dma_wait3A_215] : memref<16x128xf32, #tpu.memory_space<vmem>> -> memref<1x128xf32, #tpu.memory_space<vmem>>
      %dma_wait3A_217 = tpu.memref_squeeze %dma_wait3A_216 : memref<1x128xf32, #tpu.memory_space<vmem>> -> memref<128xf32, #tpu.memory_space<vmem>>
      %dma_wait3A_218 = arith.constant 0 : i32
      %dma_wait3A_219 = tpu.memref_slice %arg4[%squeeze3A_194, %dma_wait3A_218] : memref<51200x128xf32, #tpu.memory_space<hbm>> -> memref<1x128xf32, #tpu.memory_space<hbm>>
      %dma_wait3A_220 = tpu.memref_squeeze %dma_wait3A_219 : memref<1x128xf32, #tpu.memory_space<hbm>> -> memref<128xf32, #tpu.memory_space<hbm>>
      tpu.wait_dma2 semaphore(%arg12 : memref<!tpu.dma_semaphore, #tpu.memory_space<semaphore_mem>>) src(%dma_wait3A_220 : memref<128xf32, #tpu.memory_space<hbm>>) dst(%dma_wait3A_217 : memref<128xf32, #tpu.memory_space<vmem>>)
      %slice3A_221 = vector.extract_strided_slice %select_n3A_28 {offsets = [3], sizes = [1], strides = [1]} : vector<16xi32> to vector<1xi32>
      %squeeze3A_222 = vector.extract %slice3A_221[0] : i32 from vector<1xi32>
      %dma_start3A_223 = arith.constant 3 : i32
      %dma_start3A_224 = arith.constant 0 : i32
      %dma_start3A_225 = tpu.memref_slice %arg10[%dma_start3A_223, %dma_start3A_224] : memref<16x128xf32, #tpu.memory_space<vmem>> -> memref<1x128xf32, #tpu.memory_space<vmem>>
      %dma_start3A_226 = tpu.memref_squeeze %dma_start3A_225 : memref<1x128xf32, #tpu.memory_space<vmem>> -> memref<128xf32, #tpu.memory_space<vmem>>
      %dma_start3A_227 = arith.constant 0 : i32
      %dma_start3A_228 = tpu.memref_slice %arg5[%squeeze3A_222, %dma_start3A_227] : memref<51200x128xf32, #tpu.memory_space<hbm>> -> memref<1x128xf32, #tpu.memory_space<hbm>>
      %dma_start3A_229 = tpu.memref_squeeze %dma_start3A_228 : memref<1x128xf32, #tpu.memory_space<hbm>> -> memref<128xf32, #tpu.memory_space<hbm>>
      %dma_start3A_230 = arith.constant 0 : i32
      %dma_start3A_231 = tpu.memref_slice %arg10[%dma_start3A_223, %dma_start3A_230] : memref<16x128xf32, #tpu.memory_space<vmem>> -> memref<1x128xf32, #tpu.memory_space<vmem>>
      %dma_start3A_232 = tpu.memref_squeeze %dma_start3A_231 : memref<1x128xf32, #tpu.memory_space<vmem>> -> memref<128xf32, #tpu.memory_space<vmem>>
      %dma_start3A_233 = arith.constant 0 : i32
      %dma_start3A_234 = tpu.memref_slice %arg5[%squeeze3A_222, %dma_start3A_233] : memref<51200x128xf32, #tpu.memory_space<hbm>> -> memref<1x128xf32, #tpu.memory_space<hbm>>
      %dma_start3A_235 = tpu.memref_squeeze %dma_start3A_234 : memref<1x128xf32, #tpu.memory_space<hbm>> -> memref<128xf32, #tpu.memory_space<hbm>>
      tpu.enqueue_dma source(%dma_start3A_235 : memref<128xf32, #tpu.memory_space<hbm>>) target(%dma_start3A_232 : memref<128xf32, #tpu.memory_space<vmem>>) target_semaphore(%arg13 : memref<!tpu.dma_semaphore, #tpu.memory_space<semaphore_mem>>)
      %dma_wait3A_236 = arith.constant 3 : i32
      %dma_wait3A_237 = arith.constant 0 : i32
      %dma_wait3A_238 = tpu.memref_slice %arg10[%dma_wait3A_236, %dma_wait3A_237] : memref<16x128xf32, #tpu.memory_space<vmem>> -> memref<1x128xf32, #tpu.memory_space<vmem>>
      %dma_wait3A_239 = tpu.memref_squeeze %dma_wait3A_238 : memref<1x128xf32, #tpu.memory_space<vmem>> -> memref<128xf32, #tpu.memory_space<vmem>>
      %dma_wait3A_240 = arith.constant 0 : i32
      %dma_wait3A_241 = tpu.memref_slice %arg5[%squeeze3A_222, %dma_wait3A_240] : memref<51200x128xf32, #tpu.memory_space<hbm>> -> memref<1x128xf32, #tpu.memory_space<hbm>>
      %dma_wait3A_242 = tpu.memref_squeeze %dma_wait3A_241 : memref<1x128xf32, #tpu.memory_space<hbm>> -> memref<128xf32, #tpu.memory_space<hbm>>
      %dma_wait3A_243 = arith.constant 0 : i32
      %dma_wait3A_244 = tpu.memref_slice %arg10[%dma_wait3A_236, %dma_wait3A_243] : memref<16x128xf32, #tpu.memory_space<vmem>> -> memref<1x128xf32, #tpu.memory_space<vmem>>
      %dma_wait3A_245 = tpu.memref_squeeze %dma_wait3A_244 : memref<1x128xf32, #tpu.memory_space<vmem>> -> memref<128xf32, #tpu.memory_space<vmem>>
      %dma_wait3A_246 = arith.constant 0 : i32
      %dma_wait3A_247 = tpu.memref_slice %arg5[%squeeze3A_222, %dma_wait3A_246] : memref<51200x128xf32, #tpu.memory_space<hbm>> -> memref<1x128xf32, #tpu.memory_space<hbm>>
      %dma_wait3A_248 = tpu.memref_squeeze %dma_wait3A_247 : memref<1x128xf32, #tpu.memory_space<hbm>> -> memref<128xf32, #tpu.memory_space<hbm>>
      tpu.wait_dma2 semaphore(%arg13 : memref<!tpu.dma_semaphore, #tpu.memory_space<semaphore_mem>>) src(%dma_wait3A_248 : memref<128xf32, #tpu.memory_space<hbm>>) dst(%dma_wait3A_245 : memref<128xf32, #tpu.memory_space<vmem>>)
      %slice3A_249 = vector.extract_strided_slice %select_n3A {offsets = [4], sizes = [1], strides = [1]} : vector<16xi32> to vector<1xi32>
      %squeeze3A_250 = vector.extract %slice3A_249[0] : i32 from vector<1xi32>
      %dma_start3A_251 = arith.constant 4 : i32
      %dma_start3A_252 = arith.constant 0 : i32
      %dma_start3A_253 = tpu.memref_slice %arg9[%dma_start3A_251, %dma_start3A_252] : memref<16x128xf32, #tpu.memory_space<vmem>> -> memref<1x128xf32, #tpu.memory_space<vmem>>
      %dma_start3A_254 = tpu.memref_squeeze %dma_start3A_253 : memref<1x128xf32, #tpu.memory_space<vmem>> -> memref<128xf32, #tpu.memory_space<vmem>>
      %dma_start3A_255 = arith.constant 0 : i32
      %dma_start3A_256 = tpu.memref_slice %arg4[%squeeze3A_250, %dma_start3A_255] : memref<51200x128xf32, #tpu.memory_space<hbm>> -> memref<1x128xf32, #tpu.memory_space<hbm>>
      %dma_start3A_257 = tpu.memref_squeeze %dma_start3A_256 : memref<1x128xf32, #tpu.memory_space<hbm>> -> memref<128xf32, #tpu.memory_space<hbm>>
      %dma_start3A_258 = arith.constant 0 : i32
      %dma_start3A_259 = tpu.memref_slice %arg9[%dma_start3A_251, %dma_start3A_258] : memref<16x128xf32, #tpu.memory_space<vmem>> -> memref<1x128xf32, #tpu.memory_space<vmem>>
      %dma_start3A_260 = tpu.memref_squeeze %dma_start3A_259 : memref<1x128xf32, #tpu.memory_space<vmem>> -> memref<128xf32, #tpu.memory_space<vmem>>
      %dma_start3A_261 = arith.constant 0 : i32
      %dma_start3A_262 = tpu.memref_slice %arg4[%squeeze3A_250, %dma_start3A_261] : memref<51200x128xf32, #tpu.memory_space<hbm>> -> memref<1x128xf32, #tpu.memory_space<hbm>>
      %dma_start3A_263 = tpu.memref_squeeze %dma_start3A_262 : memref<1x128xf32, #tpu.memory_space<hbm>> -> memref<128xf32, #tpu.memory_space<hbm>>
      tpu.enqueue_dma source(%dma_start3A_263 : memref<128xf32, #tpu.memory_space<hbm>>) target(%dma_start3A_260 : memref<128xf32, #tpu.memory_space<vmem>>) target_semaphore(%arg12 : memref<!tpu.dma_semaphore, #tpu.memory_space<semaphore_mem>>)
      %dma_wait3A_264 = arith.constant 4 : i32
      %dma_wait3A_265 = arith.constant 0 : i32
      %dma_wait3A_266 = tpu.memref_slice %arg9[%dma_wait3A_264, %dma_wait3A_265] : memref<16x128xf32, #tpu.memory_space<vmem>> -> memref<1x128xf32, #tpu.memory_space<vmem>>
      %dma_wait3A_267 = tpu.memref_squeeze %dma_wait3A_266 : memref<1x128xf32, #tpu.memory_space<vmem>> -> memref<128xf32, #tpu.memory_space<vmem>>
      %dma_wait3A_268 = arith.constant 0 : i32
      %dma_wait3A_269 = tpu.memref_slice %arg4[%squeeze3A_250, %dma_wait3A_268] : memref<51200x128xf32, #tpu.memory_space<hbm>> -> memref<1x128xf32, #tpu.memory_space<hbm>>
      %dma_wait3A_270 = tpu.memref_squeeze %dma_wait3A_269 : memref<1x128xf32, #tpu.memory_space<hbm>> -> memref<128xf32, #tpu.memory_space<hbm>>
      %dma_wait3A_271 = arith.constant 0 : i32
      %dma_wait3A_272 = tpu.memref_slice %arg9[%dma_wait3A_264, %dma_wait3A_271] : memref<16x128xf32, #tpu.memory_space<vmem>> -> memref<1x128xf32, #tpu.memory_space<vmem>>
      %dma_wait3A_273 = tpu.memref_squeeze %dma_wait3A_272 : memref<1x128xf32, #tpu.memory_space<vmem>> -> memref<128xf32, #tpu.memory_space<vmem>>
      %dma_wait3A_274 = arith.constant 0 : i32
      %dma_wait3A_275 = tpu.memref_slice %arg4[%squeeze3A_250, %dma_wait3A_274] : memref<51200x128xf32, #tpu.memory_space<hbm>> -> memref<1x128xf32, #tpu.memory_space<hbm>>
      %dma_wait3A_276 = tpu.memref_squeeze %dma_wait3A_275 : memref<1x128xf32, #tpu.memory_space<hbm>> -> memref<128xf32, #tpu.memory_space<hbm>>
      tpu.wait_dma2 semaphore(%arg12 : memref<!tpu.dma_semaphore, #tpu.memory_space<semaphore_mem>>) src(%dma_wait3A_276 : memref<128xf32, #tpu.memory_space<hbm>>) dst(%dma_wait3A_273 : memref<128xf32, #tpu.memory_space<vmem>>)
      %slice3A_277 = vector.extract_strided_slice %select_n3A_28 {offsets = [4], sizes = [1], strides = [1]} : vector<16xi32> to vector<1xi32>
      %squeeze3A_278 = vector.extract %slice3A_277[0] : i32 from vector<1xi32>
      %dma_start3A_279 = arith.constant 4 : i32
      %dma_start3A_280 = arith.constant 0 : i32
      %dma_start3A_281 = tpu.memref_slice %arg10[%dma_start3A_279, %dma_start3A_280] : memref<16x128xf32, #tpu.memory_space<vmem>> -> memref<1x128xf32, #tpu.memory_space<vmem>>
      %dma_start3A_282 = tpu.memref_squeeze %dma_start3A_281 : memref<1x128xf32, #tpu.memory_space<vmem>> -> memref<128xf32, #tpu.memory_space<vmem>>
      %dma_start3A_283 = arith.constant 0 : i32
      %dma_start3A_284 = tpu.memref_slice %arg5[%squeeze3A_278, %dma_start3A_283] : memref<51200x128xf32, #tpu.memory_space<hbm>> -> memref<1x128xf32, #tpu.memory_space<hbm>>
      %dma_start3A_285 = tpu.memref_squeeze %dma_start3A_284 : memref<1x128xf32, #tpu.memory_space<hbm>> -> memref<128xf32, #tpu.memory_space<hbm>>
      %dma_start3A_286 = arith.constant 0 : i32
      %dma_start3A_287 = tpu.memref_slice %arg10[%dma_start3A_279, %dma_start3A_286] : memref<16x128xf32, #tpu.memory_space<vmem>> -> memref<1x128xf32, #tpu.memory_space<vmem>>
      %dma_start3A_288 = tpu.memref_squeeze %dma_start3A_287 : memref<1x128xf32, #tpu.memory_space<vmem>> -> memref<128xf32, #tpu.memory_space<vmem>>
      %dma_start3A_289 = arith.constant 0 : i32
      %dma_start3A_290 = tpu.memref_slice %arg5[%squeeze3A_278, %dma_start3A_289] : memref<51200x128xf32, #tpu.memory_space<hbm>> -> memref<1x128xf32, #tpu.memory_space<hbm>>
      %dma_start3A_291 = tpu.memref_squeeze %dma_start3A_290 : memref<1x128xf32, #tpu.memory_space<hbm>> -> memref<128xf32, #tpu.memory_space<hbm>>
      tpu.enqueue_dma source(%dma_start3A_291 : memref<128xf32, #tpu.memory_space<hbm>>) target(%dma_start3A_288 : memref<128xf32, #tpu.memory_space<vmem>>) target_semaphore(%arg13 : memref<!tpu.dma_semaphore, #tpu.memory_space<semaphore_mem>>)
      %dma_wait3A_292 = arith.constant 4 : i32
      %dma_wait3A_293 = arith.constant 0 : i32
      %dma_wait3A_294 = tpu.memref_slice %arg10[%dma_wait3A_292, %dma_wait3A_293] : memref<16x128xf32, #tpu.memory_space<vmem>> -> memref<1x128xf32, #tpu.memory_space<vmem>>
      %dma_wait3A_295 = tpu.memref_squeeze %dma_wait3A_294 : memref<1x128xf32, #tpu.memory_space<vmem>> -> memref<128xf32, #tpu.memory_space<vmem>>
      %dma_wait3A_296 = arith.constant 0 : i32
      %dma_wait3A_297 = tpu.memref_slice %arg5[%squeeze3A_278, %dma_wait3A_296] : memref<51200x128xf32, #tpu.memory_space<hbm>> -> memref<1x128xf32, #tpu.memory_space<hbm>>
      %dma_wait3A_298 = tpu.memref_squeeze %dma_wait3A_297 : memref<1x128xf32, #tpu.memory_space<hbm>> -> memref<128xf32, #tpu.memory_space<hbm>>
      %dma_wait3A_299 = arith.constant 0 : i32
      %dma_wait3A_300 = tpu.memref_slice %arg10[%dma_wait3A_292, %dma_wait3A_299] : memref<16x128xf32, #tpu.memory_space<vmem>> -> memref<1x128xf32, #tpu.memory_space<vmem>>
      %dma_wait3A_301 = tpu.memref_squeeze %dma_wait3A_300 : memref<1x128xf32, #tpu.memory_space<vmem>> -> memref<128xf32, #tpu.memory_space<vmem>>
      %dma_wait3A_302 = arith.constant 0 : i32
      %dma_wait3A_303 = tpu.memref_slice %arg5[%squeeze3A_278, %dma_wait3A_302] : memref<51200x128xf32, #tpu.memory_space<hbm>> -> memref<1x128xf32, #tpu.memory_space<hbm>>
      %dma_wait3A_304 = tpu.memref_squeeze %dma_wait3A_303 : memref<1x128xf32, #tpu.memory_space<hbm>> -> memref<128xf32, #tpu.memory_space<hbm>>
      tpu.wait_dma2 semaphore(%arg13 : memref<!tpu.dma_semaphore, #tpu.memory_space<semaphore_mem>>) src(%dma_wait3A_304 : memref<128xf32, #tpu.memory_space<hbm>>) dst(%dma_wait3A_301 : memref<128xf32, #tpu.memory_space<vmem>>)
      %slice3A_305 = vector.extract_strided_slice %select_n3A {offsets = [5], sizes = [1], strides = [1]} : vector<16xi32> to vector<1xi32>
      %squeeze3A_306 = vector.extract %slice3A_305[0] : i32 from vector<1xi32>
      %dma_start3A_307 = arith.constant 5 : i32
      %dma_start3A_308 = arith.constant 0 : i32
      %dma_start3A_309 = tpu.memref_slice %arg9[%dma_start3A_307, %dma_start3A_308] : memref<16x128xf32, #tpu.memory_space<vmem>> -> memref<1x128xf32, #tpu.memory_space<vmem>>
      %dma_start3A_310 = tpu.memref_squeeze %dma_start3A_309 : memref<1x128xf32, #tpu.memory_space<vmem>> -> memref<128xf32, #tpu.memory_space<vmem>>
      %dma_start3A_311 = arith.constant 0 : i32
      %dma_start3A_312 = tpu.memref_slice %arg4[%squeeze3A_306, %dma_start3A_311] : memref<51200x128xf32, #tpu.memory_space<hbm>> -> memref<1x128xf32, #tpu.memory_space<hbm>>
      %dma_start3A_313 = tpu.memref_squeeze %dma_start3A_312 : memref<1x128xf32, #tpu.memory_space<hbm>> -> memref<128xf32, #tpu.memory_space<hbm>>
      %dma_start3A_314 = arith.constant 0 : i32
      %dma_start3A_315 = tpu.memref_slice %arg9[%dma_start3A_307, %dma_start3A_314] : memref<16x128xf32, #tpu.memory_space<vmem>> -> memref<1x128xf32, #tpu.memory_space<vmem>>
      %dma_start3A_316 = tpu.memref_squeeze %dma_start3A_315 : memref<1x128xf32, #tpu.memory_space<vmem>> -> memref<128xf32, #tpu.memory_space<vmem>>
      %dma_start3A_317 = arith.constant 0 : i32
      %dma_start3A_318 = tpu.memref_slice %arg4[%squeeze3A_306, %dma_start3A_317] : memref<51200x128xf32, #tpu.memory_space<hbm>> -> memref<1x128xf32, #tpu.memory_space<hbm>>
      %dma_start3A_319 = tpu.memref_squeeze %dma_start3A_318 : memref<1x128xf32, #tpu.memory_space<hbm>> -> memref<128xf32, #tpu.memory_space<hbm>>
      tpu.enqueue_dma source(%dma_start3A_319 : memref<128xf32, #tpu.memory_space<hbm>>) target(%dma_start3A_316 : memref<128xf32, #tpu.memory_space<vmem>>) target_semaphore(%arg12 : memref<!tpu.dma_semaphore, #tpu.memory_space<semaphore_mem>>)
      %dma_wait3A_320 = arith.constant 5 : i32
      %dma_wait3A_321 = arith.constant 0 : i32
      %dma_wait3A_322 = tpu.memref_slice %arg9[%dma_wait3A_320, %dma_wait3A_321] : memref<16x128xf32, #tpu.memory_space<vmem>> -> memref<1x128xf32, #tpu.memory_space<vmem>>
      %dma_wait3A_323 = tpu.memref_squeeze %dma_wait3A_322 : memref<1x128xf32, #tpu.memory_space<vmem>> -> memref<128xf32, #tpu.memory_space<vmem>>
      %dma_wait3A_324 = arith.constant 0 : i32
      %dma_wait3A_325 = tpu.memref_slice %arg4[%squeeze3A_306, %dma_wait3A_324] : memref<51200x128xf32, #tpu.memory_space<hbm>> -> memref<1x128xf32, #tpu.memory_space<hbm>>
      %dma_wait3A_326 = tpu.memref_squeeze %dma_wait3A_325 : memref<1x128xf32, #tpu.memory_space<hbm>> -> memref<128xf32, #tpu.memory_space<hbm>>
      %dma_wait3A_327 = arith.constant 0 : i32
      %dma_wait3A_328 = tpu.memref_slice %arg9[%dma_wait3A_320, %dma_wait3A_327] : memref<16x128xf32, #tpu.memory_space<vmem>> -> memref<1x128xf32, #tpu.memory_space<vmem>>
      %dma_wait3A_329 = tpu.memref_squeeze %dma_wait3A_328 : memref<1x128xf32, #tpu.memory_space<vmem>> -> memref<128xf32, #tpu.memory_space<vmem>>
      %dma_wait3A_330 = arith.constant 0 : i32
      %dma_wait3A_331 = tpu.memref_slice %arg4[%squeeze3A_306, %dma_wait3A_330] : memref<51200x128xf32, #tpu.memory_space<hbm>> -> memref<1x128xf32, #tpu.memory_space<hbm>>
      %dma_wait3A_332 = tpu.memref_squeeze %dma_wait3A_331 : memref<1x128xf32, #tpu.memory_space<hbm>> -> memref<128xf32, #tpu.memory_space<hbm>>
      tpu.wait_dma2 semaphore(%arg12 : memref<!tpu.dma_semaphore, #tpu.memory_space<semaphore_mem>>) src(%dma_wait3A_332 : memref<128xf32, #tpu.memory_space<hbm>>) dst(%dma_wait3A_329 : memref<128xf32, #tpu.memory_space<vmem>>)
      %slice3A_333 = vector.extract_strided_slice %select_n3A_28 {offsets = [5], sizes = [1], strides = [1]} : vector<16xi32> to vector<1xi32>
      %squeeze3A_334 = vector.extract %slice3A_333[0] : i32 from vector<1xi32>
      %dma_start3A_335 = arith.constant 5 : i32
      %dma_start3A_336 = arith.constant 0 : i32
      %dma_start3A_337 = tpu.memref_slice %arg10[%dma_start3A_335, %dma_start3A_336] : memref<16x128xf32, #tpu.memory_space<vmem>> -> memref<1x128xf32, #tpu.memory_space<vmem>>
      %dma_start3A_338 = tpu.memref_squeeze %dma_start3A_337 : memref<1x128xf32, #tpu.memory_space<vmem>> -> memref<128xf32, #tpu.memory_space<vmem>>
      %dma_start3A_339 = arith.constant 0 : i32
      %dma_start3A_340 = tpu.memref_slice %arg5[%squeeze3A_334, %dma_start3A_339] : memref<51200x128xf32, #tpu.memory_space<hbm>> -> memref<1x128xf32, #tpu.memory_space<hbm>>
      %dma_start3A_341 = tpu.memref_squeeze %dma_start3A_340 : memref<1x128xf32, #tpu.memory_space<hbm>> -> memref<128xf32, #tpu.memory_space<hbm>>
      %dma_start3A_342 = arith.constant 0 : i32
      %dma_start3A_343 = tpu.memref_slice %arg10[%dma_start3A_335, %dma_start3A_342] : memref<16x128xf32, #tpu.memory_space<vmem>> -> memref<1x128xf32, #tpu.memory_space<vmem>>
      %dma_start3A_344 = tpu.memref_squeeze %dma_start3A_343 : memref<1x128xf32, #tpu.memory_space<vmem>> -> memref<128xf32, #tpu.memory_space<vmem>>
      %dma_start3A_345 = arith.constant 0 : i32
      %dma_start3A_346 = tpu.memref_slice %arg5[%squeeze3A_334, %dma_start3A_345] : memref<51200x128xf32, #tpu.memory_space<hbm>> -> memref<1x128xf32, #tpu.memory_space<hbm>>
      %dma_start3A_347 = tpu.memref_squeeze %dma_start3A_346 : memref<1x128xf32, #tpu.memory_space<hbm>> -> memref<128xf32, #tpu.memory_space<hbm>>
      tpu.enqueue_dma source(%dma_start3A_347 : memref<128xf32, #tpu.memory_space<hbm>>) target(%dma_start3A_344 : memref<128xf32, #tpu.memory_space<vmem>>) target_semaphore(%arg13 : memref<!tpu.dma_semaphore, #tpu.memory_space<semaphore_mem>>)
      %dma_wait3A_348 = arith.constant 5 : i32
      %dma_wait3A_349 = arith.constant 0 : i32
      %dma_wait3A_350 = tpu.memref_slice %arg10[%dma_wait3A_348, %dma_wait3A_349] : memref<16x128xf32, #tpu.memory_space<vmem>> -> memref<1x128xf32, #tpu.memory_space<vmem>>
      %dma_wait3A_351 = tpu.memref_squeeze %dma_wait3A_350 : memref<1x128xf32, #tpu.memory_space<vmem>> -> memref<128xf32, #tpu.memory_space<vmem>>
      %dma_wait3A_352 = arith.constant 0 : i32
      %dma_wait3A_353 = tpu.memref_slice %arg5[%squeeze3A_334, %dma_wait3A_352] : memref<51200x128xf32, #tpu.memory_space<hbm>> -> memref<1x128xf32, #tpu.memory_space<hbm>>
      %dma_wait3A_354 = tpu.memref_squeeze %dma_wait3A_353 : memref<1x128xf32, #tpu.memory_space<hbm>> -> memref<128xf32, #tpu.memory_space<hbm>>
      %dma_wait3A_355 = arith.constant 0 : i32
      %dma_wait3A_356 = tpu.memref_slice %arg10[%dma_wait3A_348, %dma_wait3A_355] : memref<16x128xf32, #tpu.memory_space<vmem>> -> memref<1x128xf32, #tpu.memory_space<vmem>>
      %dma_wait3A_357 = tpu.memref_squeeze %dma_wait3A_356 : memref<1x128xf32, #tpu.memory_space<vmem>> -> memref<128xf32, #tpu.memory_space<vmem>>
      %dma_wait3A_358 = arith.constant 0 : i32
      %dma_wait3A_359 = tpu.memref_slice %arg5[%squeeze3A_334, %dma_wait3A_358] : memref<51200x128xf32, #tpu.memory_space<hbm>> -> memref<1x128xf32, #tpu.memory_space<hbm>>
      %dma_wait3A_360 = tpu.memref_squeeze %dma_wait3A_359 : memref<1x128xf32, #tpu.memory_space<hbm>> -> memref<128xf32, #tpu.memory_space<hbm>>
      tpu.wait_dma2 semaphore(%arg13 : memref<!tpu.dma_semaphore, #tpu.memory_space<semaphore_mem>>) src(%dma_wait3A_360 : memref<128xf32, #tpu.memory_space<hbm>>) dst(%dma_wait3A_357 : memref<128xf32, #tpu.memory_space<vmem>>)
      %slice3A_361 = vector.extract_strided_slice %select_n3A {offsets = [6], sizes = [1], strides = [1]} : vector<16xi32> to vector<1xi32>
      %squeeze3A_362 = vector.extract %slice3A_361[0] : i32 from vector<1xi32>
      %dma_start3A_363 = arith.constant 6 : i32
      %dma_start3A_364 = arith.constant 0 : i32
      %dma_start3A_365 = tpu.memref_slice %arg9[%dma_start3A_363, %dma_start3A_364] : memref<16x128xf32, #tpu.memory_space<vmem>> -> memref<1x128xf32, #tpu.memory_space<vmem>>
      %dma_start3A_366 = tpu.memref_squeeze %dma_start3A_365 : memref<1x128xf32, #tpu.memory_space<vmem>> -> memref<128xf32, #tpu.memory_space<vmem>>
      %dma_start3A_367 = arith.constant 0 : i32
      %dma_start3A_368 = tpu.memref_slice %arg4[%squeeze3A_362, %dma_start3A_367] : memref<51200x128xf32, #tpu.memory_space<hbm>> -> memref<1x128xf32, #tpu.memory_space<hbm>>
      %dma_start3A_369 = tpu.memref_squeeze %dma_start3A_368 : memref<1x128xf32, #tpu.memory_space<hbm>> -> memref<128xf32, #tpu.memory_space<hbm>>
      %dma_start3A_370 = arith.constant 0 : i32
      %dma_start3A_371 = tpu.memref_slice %arg9[%dma_start3A_363, %dma_start3A_370] : memref<16x128xf32, #tpu.memory_space<vmem>> -> memref<1x128xf32, #tpu.memory_space<vmem>>
      %dma_start3A_372 = tpu.memref_squeeze %dma_start3A_371 : memref<1x128xf32, #tpu.memory_space<vmem>> -> memref<128xf32, #tpu.memory_space<vmem>>
      %dma_start3A_373 = arith.constant 0 : i32
      %dma_start3A_374 = tpu.memref_slice %arg4[%squeeze3A_362, %dma_start3A_373] : memref<51200x128xf32, #tpu.memory_space<hbm>> -> memref<1x128xf32, #tpu.memory_space<hbm>>
      %dma_start3A_375 = tpu.memref_squeeze %dma_start3A_374 : memref<1x128xf32, #tpu.memory_space<hbm>> -> memref<128xf32, #tpu.memory_space<hbm>>
      tpu.enqueue_dma source(%dma_start3A_375 : memref<128xf32, #tpu.memory_space<hbm>>) target(%dma_start3A_372 : memref<128xf32, #tpu.memory_space<vmem>>) target_semaphore(%arg12 : memref<!tpu.dma_semaphore, #tpu.memory_space<semaphore_mem>>)
      %dma_wait3A_376 = arith.constant 6 : i32
      %dma_wait3A_377 = arith.constant 0 : i32
      %dma_wait3A_378 = tpu.memref_slice %arg9[%dma_wait3A_376, %dma_wait3A_377] : memref<16x128xf32, #tpu.memory_space<vmem>> -> memref<1x128xf32, #tpu.memory_space<vmem>>
      %dma_wait3A_379 = tpu.memref_squeeze %dma_wait3A_378 : memref<1x128xf32, #tpu.memory_space<vmem>> -> memref<128xf32, #tpu.memory_space<vmem>>
      %dma_wait3A_380 = arith.constant 0 : i32
      %dma_wait3A_381 = tpu.memref_slice %arg4[%squeeze3A_362, %dma_wait3A_380] : memref<51200x128xf32, #tpu.memory_space<hbm>> -> memref<1x128xf32, #tpu.memory_space<hbm>>
      %dma_wait3A_382 = tpu.memref_squeeze %dma_wait3A_381 : memref<1x128xf32, #tpu.memory_space<hbm>> -> memref<128xf32, #tpu.memory_space<hbm>>
      %dma_wait3A_383 = arith.constant 0 : i32
      %dma_wait3A_384 = tpu.memref_slice %arg9[%dma_wait3A_376, %dma_wait3A_383] : memref<16x128xf32, #tpu.memory_space<vmem>> -> memref<1x128xf32, #tpu.memory_space<vmem>>
      %dma_wait3A_385 = tpu.memref_squeeze %dma_wait3A_384 : memref<1x128xf32, #tpu.memory_space<vmem>> -> memref<128xf32, #tpu.memory_space<vmem>>
      %dma_wait3A_386 = arith.constant 0 : i32
      %dma_wait3A_387 = tpu.memref_slice %arg4[%squeeze3A_362, %dma_wait3A_386] : memref<51200x128xf32, #tpu.memory_space<hbm>> -> memref<1x128xf32, #tpu.memory_space<hbm>>
      %dma_wait3A_388 = tpu.memref_squeeze %dma_wait3A_387 : memref<1x128xf32, #tpu.memory_space<hbm>> -> memref<128xf32, #tpu.memory_space<hbm>>
      tpu.wait_dma2 semaphore(%arg12 : memref<!tpu.dma_semaphore, #tpu.memory_space<semaphore_mem>>) src(%dma_wait3A_388 : memref<128xf32, #tpu.memory_space<hbm>>) dst(%dma_wait3A_385 : memref<128xf32, #tpu.memory_space<vmem>>)
      %slice3A_389 = vector.extract_strided_slice %select_n3A_28 {offsets = [6], sizes = [1], strides = [1]} : vector<16xi32> to vector<1xi32>
      %squeeze3A_390 = vector.extract %slice3A_389[0] : i32 from vector<1xi32>
      %dma_start3A_391 = arith.constant 6 : i32
      %dma_start3A_392 = arith.constant 0 : i32
      %dma_start3A_393 = tpu.memref_slice %arg10[%dma_start3A_391, %dma_start3A_392] : memref<16x128xf32, #tpu.memory_space<vmem>> -> memref<1x128xf32, #tpu.memory_space<vmem>>
      %dma_start3A_394 = tpu.memref_squeeze %dma_start3A_393 : memref<1x128xf32, #tpu.memory_space<vmem>> -> memref<128xf32, #tpu.memory_space<vmem>>
      %dma_start3A_395 = arith.constant 0 : i32
      %dma_start3A_396 = tpu.memref_slice %arg5[%squeeze3A_390, %dma_start3A_395] : memref<51200x128xf32, #tpu.memory_space<hbm>> -> memref<1x128xf32, #tpu.memory_space<hbm>>
      %dma_start3A_397 = tpu.memref_squeeze %dma_start3A_396 : memref<1x128xf32, #tpu.memory_space<hbm>> -> memref<128xf32, #tpu.memory_space<hbm>>
      %dma_start3A_398 = arith.constant 0 : i32
      %dma_start3A_399 = tpu.memref_slice %arg10[%dma_start3A_391, %dma_start3A_398] : memref<16x128xf32, #tpu.memory_space<vmem>> -> memref<1x128xf32, #tpu.memory_space<vmem>>
      %dma_start3A_400 = tpu.memref_squeeze %dma_start3A_399 : memref<1x128xf32, #tpu.memory_space<vmem>> -> memref<128xf32, #tpu.memory_space<vmem>>
      %dma_start3A_401 = arith.constant 0 : i32
      %dma_start3A_402 = tpu.memref_slice %arg5[%squeeze3A_390, %dma_start3A_401] : memref<51200x128xf32, #tpu.memory_space<hbm>> -> memref<1x128xf32, #tpu.memory_space<hbm>>
      %dma_start3A_403 = tpu.memref_squeeze %dma_start3A_402 : memref<1x128xf32, #tpu.memory_space<hbm>> -> memref<128xf32, #tpu.memory_space<hbm>>
      tpu.enqueue_dma source(%dma_start3A_403 : memref<128xf32, #tpu.memory_space<hbm>>) target(%dma_start3A_400 : memref<128xf32, #tpu.memory_space<vmem>>) target_semaphore(%arg13 : memref<!tpu.dma_semaphore, #tpu.memory_space<semaphore_mem>>)
      %dma_wait3A_404 = arith.constant 6 : i32
      %dma_wait3A_405 = arith.constant 0 : i32
      %dma_wait3A_406 = tpu.memref_slice %arg10[%dma_wait3A_404, %dma_wait3A_405] : memref<16x128xf32, #tpu.memory_space<vmem>> -> memref<1x128xf32, #tpu.memory_space<vmem>>
      %dma_wait3A_407 = tpu.memref_squeeze %dma_wait3A_406 : memref<1x128xf32, #tpu.memory_space<vmem>> -> memref<128xf32, #tpu.memory_space<vmem>>
      %dma_wait3A_408 = arith.constant 0 : i32
      %dma_wait3A_409 = tpu.memref_slice %arg5[%squeeze3A_390, %dma_wait3A_408] : memref<51200x128xf32, #tpu.memory_space<hbm>> -> memref<1x128xf32, #tpu.memory_space<hbm>>
      %dma_wait3A_410 = tpu.memref_squeeze %dma_wait3A_409 : memref<1x128xf32, #tpu.memory_space<hbm>> -> memref<128xf32, #tpu.memory_space<hbm>>
      %dma_wait3A_411 = arith.constant 0 : i32
      %dma_wait3A_412 = tpu.memref_slice %arg10[%dma_wait3A_404, %dma_wait3A_411] : memref<16x128xf32, #tpu.memory_space<vmem>> -> memref<1x128xf32, #tpu.memory_space<vmem>>
      %dma_wait3A_413 = tpu.memref_squeeze %dma_wait3A_412 : memref<1x128xf32, #tpu.memory_space<vmem>> -> memref<128xf32, #tpu.memory_space<vmem>>
      %dma_wait3A_414 = arith.constant 0 : i32
      %dma_wait3A_415 = tpu.memref_slice %arg5[%squeeze3A_390, %dma_wait3A_414] : memref<51200x128xf32, #tpu.memory_space<hbm>> -> memref<1x128xf32, #tpu.memory_space<hbm>>
      %dma_wait3A_416 = tpu.memref_squeeze %dma_wait3A_415 : memref<1x128xf32, #tpu.memory_space<hbm>> -> memref<128xf32, #tpu.memory_space<hbm>>
      tpu.wait_dma2 semaphore(%arg13 : memref<!tpu.dma_semaphore, #tpu.memory_space<semaphore_mem>>) src(%dma_wait3A_416 : memref<128xf32, #tpu.memory_space<hbm>>) dst(%dma_wait3A_413 : memref<128xf32, #tpu.memory_space<vmem>>)
      %slice3A_417 = vector.extract_strided_slice %select_n3A {offsets = [7], sizes = [1], strides = [1]} : vector<16xi32> to vector<1xi32>
      %squeeze3A_418 = vector.extract %slice3A_417[0] : i32 from vector<1xi32>
      %dma_start3A_419 = arith.constant 7 : i32
      %dma_start3A_420 = arith.constant 0 : i32
      %dma_start3A_421 = tpu.memref_slice %arg9[%dma_start3A_419, %dma_start3A_420] : memref<16x128xf32, #tpu.memory_space<vmem>> -> memref<1x128xf32, #tpu.memory_space<vmem>>
      %dma_start3A_422 = tpu.memref_squeeze %dma_start3A_421 : memref<1x128xf32, #tpu.memory_space<vmem>> -> memref<128xf32, #tpu.memory_space<vmem>>
      %dma_start3A_423 = arith.constant 0 : i32
      %dma_start3A_424 = tpu.memref_slice %arg4[%squeeze3A_418, %dma_start3A_423] : memref<51200x128xf32, #tpu.memory_space<hbm>> -> memref<1x128xf32, #tpu.memory_space<hbm>>
      %dma_start3A_425 = tpu.memref_squeeze %dma_start3A_424 : memref<1x128xf32, #tpu.memory_space<hbm>> -> memref<128xf32, #tpu.memory_space<hbm>>
      %dma_start3A_426 = arith.constant 0 : i32
      %dma_start3A_427 = tpu.memref_slice %arg9[%dma_start3A_419, %dma_start3A_426] : memref<16x128xf32, #tpu.memory_space<vmem>> -> memref<1x128xf32, #tpu.memory_space<vmem>>
      %dma_start3A_428 = tpu.memref_squeeze %dma_start3A_427 : memref<1x128xf32, #tpu.memory_space<vmem>> -> memref<128xf32, #tpu.memory_space<vmem>>
      %dma_start3A_429 = arith.constant 0 : i32
      %dma_start3A_430 = tpu.memref_slice %arg4[%squeeze3A_418, %dma_start3A_429] : memref<51200x128xf32, #tpu.memory_space<hbm>> -> memref<1x128xf32, #tpu.memory_space<hbm>>
      %dma_start3A_431 = tpu.memref_squeeze %dma_start3A_430 : memref<1x128xf32, #tpu.memory_space<hbm>> -> memref<128xf32, #tpu.memory_space<hbm>>
      tpu.enqueue_dma source(%dma_start3A_431 : memref<128xf32, #tpu.memory_space<hbm>>) target(%dma_start3A_428 : memref<128xf32, #tpu.memory_space<vmem>>) target_semaphore(%arg12 : memref<!tpu.dma_semaphore, #tpu.memory_space<semaphore_mem>>)
      %dma_wait3A_432 = arith.constant 7 : i32
      %dma_wait3A_433 = arith.constant 0 : i32
      %dma_wait3A_434 = tpu.memref_slice %arg9[%dma_wait3A_432, %dma_wait3A_433] : memref<16x128xf32, #tpu.memory_space<vmem>> -> memref<1x128xf32, #tpu.memory_space<vmem>>
      %dma_wait3A_435 = tpu.memref_squeeze %dma_wait3A_434 : memref<1x128xf32, #tpu.memory_space<vmem>> -> memref<128xf32, #tpu.memory_space<vmem>>
      %dma_wait3A_436 = arith.constant 0 : i32
      %dma_wait3A_437 = tpu.memref_slice %arg4[%squeeze3A_418, %dma_wait3A_436] : memref<51200x128xf32, #tpu.memory_space<hbm>> -> memref<1x128xf32, #tpu.memory_space<hbm>>
      %dma_wait3A_438 = tpu.memref_squeeze %dma_wait3A_437 : memref<1x128xf32, #tpu.memory_space<hbm>> -> memref<128xf32, #tpu.memory_space<hbm>>
      %dma_wait3A_439 = arith.constant 0 : i32
      %dma_wait3A_440 = tpu.memref_slice %arg9[%dma_wait3A_432, %dma_wait3A_439] : memref<16x128xf32, #tpu.memory_space<vmem>> -> memref<1x128xf32, #tpu.memory_space<vmem>>
      %dma_wait3A_441 = tpu.memref_squeeze %dma_wait3A_440 : memref<1x128xf32, #tpu.memory_space<vmem>> -> memref<128xf32, #tpu.memory_space<vmem>>
      %dma_wait3A_442 = arith.constant 0 : i32
      %dma_wait3A_443 = tpu.memref_slice %arg4[%squeeze3A_418, %dma_wait3A_442] : memref<51200x128xf32, #tpu.memory_space<hbm>> -> memref<1x128xf32, #tpu.memory_space<hbm>>
      %dma_wait3A_444 = tpu.memref_squeeze %dma_wait3A_443 : memref<1x128xf32, #tpu.memory_space<hbm>> -> memref<128xf32, #tpu.memory_space<hbm>>
      tpu.wait_dma2 semaphore(%arg12 : memref<!tpu.dma_semaphore, #tpu.memory_space<semaphore_mem>>) src(%dma_wait3A_444 : memref<128xf32, #tpu.memory_space<hbm>>) dst(%dma_wait3A_441 : memref<128xf32, #tpu.memory_space<vmem>>)
      %slice3A_445 = vector.extract_strided_slice %select_n3A_28 {offsets = [7], sizes = [1], strides = [1]} : vector<16xi32> to vector<1xi32>
      %squeeze3A_446 = vector.extract %slice3A_445[0] : i32 from vector<1xi32>
      %dma_start3A_447 = arith.constant 7 : i32
      %dma_start3A_448 = arith.constant 0 : i32
      %dma_start3A_449 = tpu.memref_slice %arg10[%dma_start3A_447, %dma_start3A_448] : memref<16x128xf32, #tpu.memory_space<vmem>> -> memref<1x128xf32, #tpu.memory_space<vmem>>
      %dma_start3A_450 = tpu.memref_squeeze %dma_start3A_449 : memref<1x128xf32, #tpu.memory_space<vmem>> -> memref<128xf32, #tpu.memory_space<vmem>>
      %dma_start3A_451 = arith.constant 0 : i32
      %dma_start3A_452 = tpu.memref_slice %arg5[%squeeze3A_446, %dma_start3A_451] : memref<51200x128xf32, #tpu.memory_space<hbm>> -> memref<1x128xf32, #tpu.memory_space<hbm>>
      %dma_start3A_453 = tpu.memref_squeeze %dma_start3A_452 : memref<1x128xf32, #tpu.memory_space<hbm>> -> memref<128xf32, #tpu.memory_space<hbm>>
      %dma_start3A_454 = arith.constant 0 : i32
      %dma_start3A_455 = tpu.memref_slice %arg10[%dma_start3A_447, %dma_start3A_454] : memref<16x128xf32, #tpu.memory_space<vmem>> -> memref<1x128xf32, #tpu.memory_space<vmem>>
      %dma_start3A_456 = tpu.memref_squeeze %dma_start3A_455 : memref<1x128xf32, #tpu.memory_space<vmem>> -> memref<128xf32, #tpu.memory_space<vmem>>
      %dma_start3A_457 = arith.constant 0 : i32
      %dma_start3A_458 = tpu.memref_slice %arg5[%squeeze3A_446, %dma_start3A_457] : memref<51200x128xf32, #tpu.memory_space<hbm>> -> memref<1x128xf32, #tpu.memory_space<hbm>>
      %dma_start3A_459 = tpu.memref_squeeze %dma_start3A_458 : memref<1x128xf32, #tpu.memory_space<hbm>> -> memref<128xf32, #tpu.memory_space<hbm>>
      tpu.enqueue_dma source(%dma_start3A_459 : memref<128xf32, #tpu.memory_space<hbm>>) target(%dma_start3A_456 : memref<128xf32, #tpu.memory_space<vmem>>) target_semaphore(%arg13 : memref<!tpu.dma_semaphore, #tpu.memory_space<semaphore_mem>>)
      %dma_wait3A_460 = arith.constant 7 : i32
      %dma_wait3A_461 = arith.constant 0 : i32
      %dma_wait3A_462 = tpu.memref_slice %arg10[%dma_wait3A_460, %dma_wait3A_461] : memref<16x128xf32, #tpu.memory_space<vmem>> -> memref<1x128xf32, #tpu.memory_space<vmem>>
      %dma_wait3A_463 = tpu.memref_squeeze %dma_wait3A_462 : memref<1x128xf32, #tpu.memory_space<vmem>> -> memref<128xf32, #tpu.memory_space<vmem>>
      %dma_wait3A_464 = arith.constant 0 : i32
      %dma_wait3A_465 = tpu.memref_slice %arg5[%squeeze3A_446, %dma_wait3A_464] : memref<51200x128xf32, #tpu.memory_space<hbm>> -> memref<1x128xf32, #tpu.memory_space<hbm>>
      %dma_wait3A_466 = tpu.memref_squeeze %dma_wait3A_465 : memref<1x128xf32, #tpu.memory_space<hbm>> -> memref<128xf32, #tpu.memory_space<hbm>>
      %dma_wait3A_467 = arith.constant 0 : i32
      %dma_wait3A_468 = tpu.memref_slice %arg10[%dma_wait3A_460, %dma_wait3A_467] : memref<16x128xf32, #tpu.memory_space<vmem>> -> memref<1x128xf32, #tpu.memory_space<vmem>>
      %dma_wait3A_469 = tpu.memref_squeeze %dma_wait3A_468 : memref<1x128xf32, #tpu.memory_space<vmem>> -> memref<128xf32, #tpu.memory_space<vmem>>
      %dma_wait3A_470 = arith.constant 0 : i32
      %dma_wait3A_471 = tpu.memref_slice %arg5[%squeeze3A_446, %dma_wait3A_470] : memref<51200x128xf32, #tpu.memory_space<hbm>> -> memref<1x128xf32, #tpu.memory_space<hbm>>
      %dma_wait3A_472 = tpu.memref_squeeze %dma_wait3A_471 : memref<1x128xf32, #tpu.memory_space<hbm>> -> memref<128xf32, #tpu.memory_space<hbm>>
      tpu.wait_dma2 semaphore(%arg13 : memref<!tpu.dma_semaphore, #tpu.memory_space<semaphore_mem>>) src(%dma_wait3A_472 : memref<128xf32, #tpu.memory_space<hbm>>) dst(%dma_wait3A_469 : memref<128xf32, #tpu.memory_space<vmem>>)
      %slice3A_473 = vector.extract_strided_slice %select_n3A {offsets = [8], sizes = [1], strides = [1]} : vector<16xi32> to vector<1xi32>
      %squeeze3A_474 = vector.extract %slice3A_473[0] : i32 from vector<1xi32>
      %dma_start3A_475 = arith.constant 8 : i32
      %dma_start3A_476 = arith.constant 0 : i32
      %dma_start3A_477 = tpu.memref_slice %arg9[%dma_start3A_475, %dma_start3A_476] : memref<16x128xf32, #tpu.memory_space<vmem>> -> memref<1x128xf32, #tpu.memory_space<vmem>>
      %dma_start3A_478 = tpu.memref_squeeze %dma_start3A_477 : memref<1x128xf32, #tpu.memory_space<vmem>> -> memref<128xf32, #tpu.memory_space<vmem>>
      %dma_start3A_479 = arith.constant 0 : i32
      %dma_start3A_480 = tpu.memref_slice %arg4[%squeeze3A_474, %dma_start3A_479] : memref<51200x128xf32, #tpu.memory_space<hbm>> -> memref<1x128xf32, #tpu.memory_space<hbm>>
      %dma_start3A_481 = tpu.memref_squeeze %dma_start3A_480 : memref<1x128xf32, #tpu.memory_space<hbm>> -> memref<128xf32, #tpu.memory_space<hbm>>
      %dma_start3A_482 = arith.constant 0 : i32
      %dma_start3A_483 = tpu.memref_slice %arg9[%dma_start3A_475, %dma_start3A_482] : memref<16x128xf32, #tpu.memory_space<vmem>> -> memref<1x128xf32, #tpu.memory_space<vmem>>
      %dma_start3A_484 = tpu.memref_squeeze %dma_start3A_483 : memref<1x128xf32, #tpu.memory_space<vmem>> -> memref<128xf32, #tpu.memory_space<vmem>>
      %dma_start3A_485 = arith.constant 0 : i32
      %dma_start3A_486 = tpu.memref_slice %arg4[%squeeze3A_474, %dma_start3A_485] : memref<51200x128xf32, #tpu.memory_space<hbm>> -> memref<1x128xf32, #tpu.memory_space<hbm>>
      %dma_start3A_487 = tpu.memref_squeeze %dma_start3A_486 : memref<1x128xf32, #tpu.memory_space<hbm>> -> memref<128xf32, #tpu.memory_space<hbm>>
      tpu.enqueue_dma source(%dma_start3A_487 : memref<128xf32, #tpu.memory_space<hbm>>) target(%dma_start3A_484 : memref<128xf32, #tpu.memory_space<vmem>>) target_semaphore(%arg12 : memref<!tpu.dma_semaphore, #tpu.memory_space<semaphore_mem>>)
      %dma_wait3A_488 = arith.constant 8 : i32
      %dma_wait3A_489 = arith.constant 0 : i32
      %dma_wait3A_490 = tpu.memref_slice %arg9[%dma_wait3A_488, %dma_wait3A_489] : memref<16x128xf32, #tpu.memory_space<vmem>> -> memref<1x128xf32, #tpu.memory_space<vmem>>
      %dma_wait3A_491 = tpu.memref_squeeze %dma_wait3A_490 : memref<1x128xf32, #tpu.memory_space<vmem>> -> memref<128xf32, #tpu.memory_space<vmem>>
      %dma_wait3A_492 = arith.constant 0 : i32
      %dma_wait3A_493 = tpu.memref_slice %arg4[%squeeze3A_474, %dma_wait3A_492] : memref<51200x128xf32, #tpu.memory_space<hbm>> -> memref<1x128xf32, #tpu.memory_space<hbm>>
      %dma_wait3A_494 = tpu.memref_squeeze %dma_wait3A_493 : memref<1x128xf32, #tpu.memory_space<hbm>> -> memref<128xf32, #tpu.memory_space<hbm>>
      %dma_wait3A_495 = arith.constant 0 : i32
      %dma_wait3A_496 = tpu.memref_slice %arg9[%dma_wait3A_488, %dma_wait3A_495] : memref<16x128xf32, #tpu.memory_space<vmem>> -> memref<1x128xf32, #tpu.memory_space<vmem>>
      %dma_wait3A_497 = tpu.memref_squeeze %dma_wait3A_496 : memref<1x128xf32, #tpu.memory_space<vmem>> -> memref<128xf32, #tpu.memory_space<vmem>>
      %dma_wait3A_498 = arith.constant 0 : i32
      %dma_wait3A_499 = tpu.memref_slice %arg4[%squeeze3A_474, %dma_wait3A_498] : memref<51200x128xf32, #tpu.memory_space<hbm>> -> memref<1x128xf32, #tpu.memory_space<hbm>>
      %dma_wait3A_500 = tpu.memref_squeeze %dma_wait3A_499 : memref<1x128xf32, #tpu.memory_space<hbm>> -> memref<128xf32, #tpu.memory_space<hbm>>
      tpu.wait_dma2 semaphore(%arg12 : memref<!tpu.dma_semaphore, #tpu.memory_space<semaphore_mem>>) src(%dma_wait3A_500 : memref<128xf32, #tpu.memory_space<hbm>>) dst(%dma_wait3A_497 : memref<128xf32, #tpu.memory_space<vmem>>)
      %slice3A_501 = vector.extract_strided_slice %select_n3A_28 {offsets = [8], sizes = [1], strides = [1]} : vector<16xi32> to vector<1xi32>
      %squeeze3A_502 = vector.extract %slice3A_501[0] : i32 from vector<1xi32>
      %dma_start3A_503 = arith.constant 8 : i32
      %dma_start3A_504 = arith.constant 0 : i32
      %dma_start3A_505 = tpu.memref_slice %arg10[%dma_start3A_503, %dma_start3A_504] : memref<16x128xf32, #tpu.memory_space<vmem>> -> memref<1x128xf32, #tpu.memory_space<vmem>>
      %dma_start3A_506 = tpu.memref_squeeze %dma_start3A_505 : memref<1x128xf32, #tpu.memory_space<vmem>> -> memref<128xf32, #tpu.memory_space<vmem>>
      %dma_start3A_507 = arith.constant 0 : i32
      %dma_start3A_508 = tpu.memref_slice %arg5[%squeeze3A_502, %dma_start3A_507] : memref<51200x128xf32, #tpu.memory_space<hbm>> -> memref<1x128xf32, #tpu.memory_space<hbm>>
      %dma_start3A_509 = tpu.memref_squeeze %dma_start3A_508 : memref<1x128xf32, #tpu.memory_space<hbm>> -> memref<128xf32, #tpu.memory_space<hbm>>
      %dma_start3A_510 = arith.constant 0 : i32
      %dma_start3A_511 = tpu.memref_slice %arg10[%dma_start3A_503, %dma_start3A_510] : memref<16x128xf32, #tpu.memory_space<vmem>> -> memref<1x128xf32, #tpu.memory_space<vmem>>
      %dma_start3A_512 = tpu.memref_squeeze %dma_start3A_511 : memref<1x128xf32, #tpu.memory_space<vmem>> -> memref<128xf32, #tpu.memory_space<vmem>>
      %dma_start3A_513 = arith.constant 0 : i32
      %dma_start3A_514 = tpu.memref_slice %arg5[%squeeze3A_502, %dma_start3A_513] : memref<51200x128xf32, #tpu.memory_space<hbm>> -> memref<1x128xf32, #tpu.memory_space<hbm>>
      %dma_start3A_515 = tpu.memref_squeeze %dma_start3A_514 : memref<1x128xf32, #tpu.memory_space<hbm>> -> memref<128xf32, #tpu.memory_space<hbm>>
      tpu.enqueue_dma source(%dma_start3A_515 : memref<128xf32, #tpu.memory_space<hbm>>) target(%dma_start3A_512 : memref<128xf32, #tpu.memory_space<vmem>>) target_semaphore(%arg13 : memref<!tpu.dma_semaphore, #tpu.memory_space<semaphore_mem>>)
      %dma_wait3A_516 = arith.constant 8 : i32
      %dma_wait3A_517 = arith.constant 0 : i32
      %dma_wait3A_518 = tpu.memref_slice %arg10[%dma_wait3A_516, %dma_wait3A_517] : memref<16x128xf32, #tpu.memory_space<vmem>> -> memref<1x128xf32, #tpu.memory_space<vmem>>
      %dma_wait3A_519 = tpu.memref_squeeze %dma_wait3A_518 : memref<1x128xf32, #tpu.memory_space<vmem>> -> memref<128xf32, #tpu.memory_space<vmem>>
      %dma_wait3A_520 = arith.constant 0 : i32
      %dma_wait3A_521 = tpu.memref_slice %arg5[%squeeze3A_502, %dma_wait3A_520] : memref<51200x128xf32, #tpu.memory_space<hbm>> -> memref<1x128xf32, #tpu.memory_space<hbm>>
      %dma_wait3A_522 = tpu.memref_squeeze %dma_wait3A_521 : memref<1x128xf32, #tpu.memory_space<hbm>> -> memref<128xf32, #tpu.memory_space<hbm>>
      %dma_wait3A_523 = arith.constant 0 : i32
      %dma_wait3A_524 = tpu.memref_slice %arg10[%dma_wait3A_516, %dma_wait3A_523] : memref<16x128xf32, #tpu.memory_space<vmem>> -> memref<1x128xf32, #tpu.memory_space<vmem>>
      %dma_wait3A_525 = tpu.memref_squeeze %dma_wait3A_524 : memref<1x128xf32, #tpu.memory_space<vmem>> -> memref<128xf32, #tpu.memory_space<vmem>>
      %dma_wait3A_526 = arith.constant 0 : i32
      %dma_wait3A_527 = tpu.memref_slice %arg5[%squeeze3A_502, %dma_wait3A_526] : memref<51200x128xf32, #tpu.memory_space<hbm>> -> memref<1x128xf32, #tpu.memory_space<hbm>>
      %dma_wait3A_528 = tpu.memref_squeeze %dma_wait3A_527 : memref<1x128xf32, #tpu.memory_space<hbm>> -> memref<128xf32, #tpu.memory_space<hbm>>
      tpu.wait_dma2 semaphore(%arg13 : memref<!tpu.dma_semaphore, #tpu.memory_space<semaphore_mem>>) src(%dma_wait3A_528 : memref<128xf32, #tpu.memory_space<hbm>>) dst(%dma_wait3A_525 : memref<128xf32, #tpu.memory_space<vmem>>)
      %slice3A_529 = vector.extract_strided_slice %select_n3A {offsets = [9], sizes = [1], strides = [1]} : vector<16xi32> to vector<1xi32>
      %squeeze3A_530 = vector.extract %slice3A_529[0] : i32 from vector<1xi32>
      %dma_start3A_531 = arith.constant 9 : i32
      %dma_start3A_532 = arith.constant 0 : i32
      %dma_start3A_533 = tpu.memref_slice %arg9[%dma_start3A_531, %dma_start3A_532] : memref<16x128xf32, #tpu.memory_space<vmem>> -> memref<1x128xf32, #tpu.memory_space<vmem>>
      %dma_start3A_534 = tpu.memref_squeeze %dma_start3A_533 : memref<1x128xf32, #tpu.memory_space<vmem>> -> memref<128xf32, #tpu.memory_space<vmem>>
      %dma_start3A_535 = arith.constant 0 : i32
      %dma_start3A_536 = tpu.memref_slice %arg4[%squeeze3A_530, %dma_start3A_535] : memref<51200x128xf32, #tpu.memory_space<hbm>> -> memref<1x128xf32, #tpu.memory_space<hbm>>
      %dma_start3A_537 = tpu.memref_squeeze %dma_start3A_536 : memref<1x128xf32, #tpu.memory_space<hbm>> -> memref<128xf32, #tpu.memory_space<hbm>>
      %dma_start3A_538 = arith.constant 0 : i32
      %dma_start3A_539 = tpu.memref_slice %arg9[%dma_start3A_531, %dma_start3A_538] : memref<16x128xf32, #tpu.memory_space<vmem>> -> memref<1x128xf32, #tpu.memory_space<vmem>>
      %dma_start3A_540 = tpu.memref_squeeze %dma_start3A_539 : memref<1x128xf32, #tpu.memory_space<vmem>> -> memref<128xf32, #tpu.memory_space<vmem>>
      %dma_start3A_541 = arith.constant 0 : i32
      %dma_start3A_542 = tpu.memref_slice %arg4[%squeeze3A_530, %dma_start3A_541] : memref<51200x128xf32, #tpu.memory_space<hbm>> -> memref<1x128xf32, #tpu.memory_space<hbm>>
      %dma_start3A_543 = tpu.memref_squeeze %dma_start3A_542 : memref<1x128xf32, #tpu.memory_space<hbm>> -> memref<128xf32, #tpu.memory_space<hbm>>
      tpu.enqueue_dma source(%dma_start3A_543 : memref<128xf32, #tpu.memory_space<hbm>>) target(%dma_start3A_540 : memref<128xf32, #tpu.memory_space<vmem>>) target_semaphore(%arg12 : memref<!tpu.dma_semaphore, #tpu.memory_space<semaphore_mem>>)
      %dma_wait3A_544 = arith.constant 9 : i32
      %dma_wait3A_545 = arith.constant 0 : i32
      %dma_wait3A_546 = tpu.memref_slice %arg9[%dma_wait3A_544, %dma_wait3A_545] : memref<16x128xf32, #tpu.memory_space<vmem>> -> memref<1x128xf32, #tpu.memory_space<vmem>>
      %dma_wait3A_547 = tpu.memref_squeeze %dma_wait3A_546 : memref<1x128xf32, #tpu.memory_space<vmem>> -> memref<128xf32, #tpu.memory_space<vmem>>
      %dma_wait3A_548 = arith.constant 0 : i32
      %dma_wait3A_549 = tpu.memref_slice %arg4[%squeeze3A_530, %dma_wait3A_548] : memref<51200x128xf32, #tpu.memory_space<hbm>> -> memref<1x128xf32, #tpu.memory_space<hbm>>
      %dma_wait3A_550 = tpu.memref_squeeze %dma_wait3A_549 : memref<1x128xf32, #tpu.memory_space<hbm>> -> memref<128xf32, #tpu.memory_space<hbm>>
      %dma_wait3A_551 = arith.constant 0 : i32
      %dma_wait3A_552 = tpu.memref_slice %arg9[%dma_wait3A_544, %dma_wait3A_551] : memref<16x128xf32, #tpu.memory_space<vmem>> -> memref<1x128xf32, #tpu.memory_space<vmem>>
      %dma_wait3A_553 = tpu.memref_squeeze %dma_wait3A_552 : memref<1x128xf32, #tpu.memory_space<vmem>> -> memref<128xf32, #tpu.memory_space<vmem>>
      %dma_wait3A_554 = arith.constant 0 : i32
      %dma_wait3A_555 = tpu.memref_slice %arg4[%squeeze3A_530, %dma_wait3A_554] : memref<51200x128xf32, #tpu.memory_space<hbm>> -> memref<1x128xf32, #tpu.memory_space<hbm>>
      %dma_wait3A_556 = tpu.memref_squeeze %dma_wait3A_555 : memref<1x128xf32, #tpu.memory_space<hbm>> -> memref<128xf32, #tpu.memory_space<hbm>>
      tpu.wait_dma2 semaphore(%arg12 : memref<!tpu.dma_semaphore, #tpu.memory_space<semaphore_mem>>) src(%dma_wait3A_556 : memref<128xf32, #tpu.memory_space<hbm>>) dst(%dma_wait3A_553 : memref<128xf32, #tpu.memory_space<vmem>>)
      %slice3A_557 = vector.extract_strided_slice %select_n3A_28 {offsets = [9], sizes = [1], strides = [1]} : vector<16xi32> to vector<1xi32>
      %squeeze3A_558 = vector.extract %slice3A_557[0] : i32 from vector<1xi32>
      %dma_start3A_559 = arith.constant 9 : i32
      %dma_start3A_560 = arith.constant 0 : i32
      %dma_start3A_561 = tpu.memref_slice %arg10[%dma_start3A_559, %dma_start3A_560] : memref<16x128xf32, #tpu.memory_space<vmem>> -> memref<1x128xf32, #tpu.memory_space<vmem>>
      %dma_start3A_562 = tpu.memref_squeeze %dma_start3A_561 : memref<1x128xf32, #tpu.memory_space<vmem>> -> memref<128xf32, #tpu.memory_space<vmem>>
      %dma_start3A_563 = arith.constant 0 : i32
      %dma_start3A_564 = tpu.memref_slice %arg5[%squeeze3A_558, %dma_start3A_563] : memref<51200x128xf32, #tpu.memory_space<hbm>> -> memref<1x128xf32, #tpu.memory_space<hbm>>
      %dma_start3A_565 = tpu.memref_squeeze %dma_start3A_564 : memref<1x128xf32, #tpu.memory_space<hbm>> -> memref<128xf32, #tpu.memory_space<hbm>>
      %dma_start3A_566 = arith.constant 0 : i32
      %dma_start3A_567 = tpu.memref_slice %arg10[%dma_start3A_559, %dma_start3A_566] : memref<16x128xf32, #tpu.memory_space<vmem>> -> memref<1x128xf32, #tpu.memory_space<vmem>>
      %dma_start3A_568 = tpu.memref_squeeze %dma_start3A_567 : memref<1x128xf32, #tpu.memory_space<vmem>> -> memref<128xf32, #tpu.memory_space<vmem>>
      %dma_start3A_569 = arith.constant 0 : i32
      %dma_start3A_570 = tpu.memref_slice %arg5[%squeeze3A_558, %dma_start3A_569] : memref<51200x128xf32, #tpu.memory_space<hbm>> -> memref<1x128xf32, #tpu.memory_space<hbm>>
      %dma_start3A_571 = tpu.memref_squeeze %dma_start3A_570 : memref<1x128xf32, #tpu.memory_space<hbm>> -> memref<128xf32, #tpu.memory_space<hbm>>
      tpu.enqueue_dma source(%dma_start3A_571 : memref<128xf32, #tpu.memory_space<hbm>>) target(%dma_start3A_568 : memref<128xf32, #tpu.memory_space<vmem>>) target_semaphore(%arg13 : memref<!tpu.dma_semaphore, #tpu.memory_space<semaphore_mem>>)
      %dma_wait3A_572 = arith.constant 9 : i32
      %dma_wait3A_573 = arith.constant 0 : i32
      %dma_wait3A_574 = tpu.memref_slice %arg10[%dma_wait3A_572, %dma_wait3A_573] : memref<16x128xf32, #tpu.memory_space<vmem>> -> memref<1x128xf32, #tpu.memory_space<vmem>>
      %dma_wait3A_575 = tpu.memref_squeeze %dma_wait3A_574 : memref<1x128xf32, #tpu.memory_space<vmem>> -> memref<128xf32, #tpu.memory_space<vmem>>
      %dma_wait3A_576 = arith.constant 0 : i32
      %dma_wait3A_577 = tpu.memref_slice %arg5[%squeeze3A_558, %dma_wait3A_576] : memref<51200x128xf32, #tpu.memory_space<hbm>> -> memref<1x128xf32, #tpu.memory_space<hbm>>
      %dma_wait3A_578 = tpu.memref_squeeze %dma_wait3A_577 : memref<1x128xf32, #tpu.memory_space<hbm>> -> memref<128xf32, #tpu.memory_space<hbm>>
      %dma_wait3A_579 = arith.constant 0 : i32
      %dma_wait3A_580 = tpu.memref_slice %arg10[%dma_wait3A_572, %dma_wait3A_579] : memref<16x128xf32, #tpu.memory_space<vmem>> -> memref<1x128xf32, #tpu.memory_space<vmem>>
      %dma_wait3A_581 = tpu.memref_squeeze %dma_wait3A_580 : memref<1x128xf32, #tpu.memory_space<vmem>> -> memref<128xf32, #tpu.memory_space<vmem>>
      %dma_wait3A_582 = arith.constant 0 : i32
      %dma_wait3A_583 = tpu.memref_slice %arg5[%squeeze3A_558, %dma_wait3A_582] : memref<51200x128xf32, #tpu.memory_space<hbm>> -> memref<1x128xf32, #tpu.memory_space<hbm>>
      %dma_wait3A_584 = tpu.memref_squeeze %dma_wait3A_583 : memref<1x128xf32, #tpu.memory_space<hbm>> -> memref<128xf32, #tpu.memory_space<hbm>>
      tpu.wait_dma2 semaphore(%arg13 : memref<!tpu.dma_semaphore, #tpu.memory_space<semaphore_mem>>) src(%dma_wait3A_584 : memref<128xf32, #tpu.memory_space<hbm>>) dst(%dma_wait3A_581 : memref<128xf32, #tpu.memory_space<vmem>>)
      %slice3A_585 = vector.extract_strided_slice %select_n3A {offsets = [10], sizes = [1], strides = [1]} : vector<16xi32> to vector<1xi32>
      %squeeze3A_586 = vector.extract %slice3A_585[0] : i32 from vector<1xi32>
      %dma_start3A_587 = arith.constant 10 : i32
      %dma_start3A_588 = arith.constant 0 : i32
      %dma_start3A_589 = tpu.memref_slice %arg9[%dma_start3A_587, %dma_start3A_588] : memref<16x128xf32, #tpu.memory_space<vmem>> -> memref<1x128xf32, #tpu.memory_space<vmem>>
      %dma_start3A_590 = tpu.memref_squeeze %dma_start3A_589 : memref<1x128xf32, #tpu.memory_space<vmem>> -> memref<128xf32, #tpu.memory_space<vmem>>
      %dma_start3A_591 = arith.constant 0 : i32
      %dma_start3A_592 = tpu.memref_slice %arg4[%squeeze3A_586, %dma_start3A_591] : memref<51200x128xf32, #tpu.memory_space<hbm>> -> memref<1x128xf32, #tpu.memory_space<hbm>>
      %dma_start3A_593 = tpu.memref_squeeze %dma_start3A_592 : memref<1x128xf32, #tpu.memory_space<hbm>> -> memref<128xf32, #tpu.memory_space<hbm>>
      %dma_start3A_594 = arith.constant 0 : i32
      %dma_start3A_595 = tpu.memref_slice %arg9[%dma_start3A_587, %dma_start3A_594] : memref<16x128xf32, #tpu.memory_space<vmem>> -> memref<1x128xf32, #tpu.memory_space<vmem>>
      %dma_start3A_596 = tpu.memref_squeeze %dma_start3A_595 : memref<1x128xf32, #tpu.memory_space<vmem>> -> memref<128xf32, #tpu.memory_space<vmem>>
      %dma_start3A_597 = arith.constant 0 : i32
      %dma_start3A_598 = tpu.memref_slice %arg4[%squeeze3A_586, %dma_start3A_597] : memref<51200x128xf32, #tpu.memory_space<hbm>> -> memref<1x128xf32, #tpu.memory_space<hbm>>
      %dma_start3A_599 = tpu.memref_squeeze %dma_start3A_598 : memref<1x128xf32, #tpu.memory_space<hbm>> -> memref<128xf32, #tpu.memory_space<hbm>>
      tpu.enqueue_dma source(%dma_start3A_599 : memref<128xf32, #tpu.memory_space<hbm>>) target(%dma_start3A_596 : memref<128xf32, #tpu.memory_space<vmem>>) target_semaphore(%arg12 : memref<!tpu.dma_semaphore, #tpu.memory_space<semaphore_mem>>)
      %dma_wait3A_600 = arith.constant 10 : i32
      %dma_wait3A_601 = arith.constant 0 : i32
      %dma_wait3A_602 = tpu.memref_slice %arg9[%dma_wait3A_600, %dma_wait3A_601] : memref<16x128xf32, #tpu.memory_space<vmem>> -> memref<1x128xf32, #tpu.memory_space<vmem>>
      %dma_wait3A_603 = tpu.memref_squeeze %dma_wait3A_602 : memref<1x128xf32, #tpu.memory_space<vmem>> -> memref<128xf32, #tpu.memory_space<vmem>>
      %dma_wait3A_604 = arith.constant 0 : i32
      %dma_wait3A_605 = tpu.memref_slice %arg4[%squeeze3A_586, %dma_wait3A_604] : memref<51200x128xf32, #tpu.memory_space<hbm>> -> memref<1x128xf32, #tpu.memory_space<hbm>>
      %dma_wait3A_606 = tpu.memref_squeeze %dma_wait3A_605 : memref<1x128xf32, #tpu.memory_space<hbm>> -> memref<128xf32, #tpu.memory_space<hbm>>
      %dma_wait3A_607 = arith.constant 0 : i32
      %dma_wait3A_608 = tpu.memref_slice %arg9[%dma_wait3A_600, %dma_wait3A_607] : memref<16x128xf32, #tpu.memory_space<vmem>> -> memref<1x128xf32, #tpu.memory_space<vmem>>
      %dma_wait3A_609 = tpu.memref_squeeze %dma_wait3A_608 : memref<1x128xf32, #tpu.memory_space<vmem>> -> memref<128xf32, #tpu.memory_space<vmem>>
      %dma_wait3A_610 = arith.constant 0 : i32
      %dma_wait3A_611 = tpu.memref_slice %arg4[%squeeze3A_586, %dma_wait3A_610] : memref<51200x128xf32, #tpu.memory_space<hbm>> -> memref<1x128xf32, #tpu.memory_space<hbm>>
      %dma_wait3A_612 = tpu.memref_squeeze %dma_wait3A_611 : memref<1x128xf32, #tpu.memory_space<hbm>> -> memref<128xf32, #tpu.memory_space<hbm>>
      tpu.wait_dma2 semaphore(%arg12 : memref<!tpu.dma_semaphore, #tpu.memory_space<semaphore_mem>>) src(%dma_wait3A_612 : memref<128xf32, #tpu.memory_space<hbm>>) dst(%dma_wait3A_609 : memref<128xf32, #tpu.memory_space<vmem>>)
      %slice3A_613 = vector.extract_strided_slice %select_n3A_28 {offsets = [10], sizes = [1], strides = [1]} : vector<16xi32> to vector<1xi32>
      %squeeze3A_614 = vector.extract %slice3A_613[0] : i32 from vector<1xi32>
      %dma_start3A_615 = arith.constant 10 : i32
      %dma_start3A_616 = arith.constant 0 : i32
      %dma_start3A_617 = tpu.memref_slice %arg10[%dma_start3A_615, %dma_start3A_616] : memref<16x128xf32, #tpu.memory_space<vmem>> -> memref<1x128xf32, #tpu.memory_space<vmem>>
      %dma_start3A_618 = tpu.memref_squeeze %dma_start3A_617 : memref<1x128xf32, #tpu.memory_space<vmem>> -> memref<128xf32, #tpu.memory_space<vmem>>
      %dma_start3A_619 = arith.constant 0 : i32
      %dma_start3A_620 = tpu.memref_slice %arg5[%squeeze3A_614, %dma_start3A_619] : memref<51200x128xf32, #tpu.memory_space<hbm>> -> memref<1x128xf32, #tpu.memory_space<hbm>>
      %dma_start3A_621 = tpu.memref_squeeze %dma_start3A_620 : memref<1x128xf32, #tpu.memory_space<hbm>> -> memref<128xf32, #tpu.memory_space<hbm>>
      %dma_start3A_622 = arith.constant 0 : i32
      %dma_start3A_623 = tpu.memref_slice %arg10[%dma_start3A_615, %dma_start3A_622] : memref<16x128xf32, #tpu.memory_space<vmem>> -> memref<1x128xf32, #tpu.memory_space<vmem>>
      %dma_start3A_624 = tpu.memref_squeeze %dma_start3A_623 : memref<1x128xf32, #tpu.memory_space<vmem>> -> memref<128xf32, #tpu.memory_space<vmem>>
      %dma_start3A_625 = arith.constant 0 : i32
      %dma_start3A_626 = tpu.memref_slice %arg5[%squeeze3A_614, %dma_start3A_625] : memref<51200x128xf32, #tpu.memory_space<hbm>> -> memref<1x128xf32, #tpu.memory_space<hbm>>
      %dma_start3A_627 = tpu.memref_squeeze %dma_start3A_626 : memref<1x128xf32, #tpu.memory_space<hbm>> -> memref<128xf32, #tpu.memory_space<hbm>>
      tpu.enqueue_dma source(%dma_start3A_627 : memref<128xf32, #tpu.memory_space<hbm>>) target(%dma_start3A_624 : memref<128xf32, #tpu.memory_space<vmem>>) target_semaphore(%arg13 : memref<!tpu.dma_semaphore, #tpu.memory_space<semaphore_mem>>)
      %dma_wait3A_628 = arith.constant 10 : i32
      %dma_wait3A_629 = arith.constant 0 : i32
      %dma_wait3A_630 = tpu.memref_slice %arg10[%dma_wait3A_628, %dma_wait3A_629] : memref<16x128xf32, #tpu.memory_space<vmem>> -> memref<1x128xf32, #tpu.memory_space<vmem>>
      %dma_wait3A_631 = tpu.memref_squeeze %dma_wait3A_630 : memref<1x128xf32, #tpu.memory_space<vmem>> -> memref<128xf32, #tpu.memory_space<vmem>>
      %dma_wait3A_632 = arith.constant 0 : i32
      %dma_wait3A_633 = tpu.memref_slice %arg5[%squeeze3A_614, %dma_wait3A_632] : memref<51200x128xf32, #tpu.memory_space<hbm>> -> memref<1x128xf32, #tpu.memory_space<hbm>>
      %dma_wait3A_634 = tpu.memref_squeeze %dma_wait3A_633 : memref<1x128xf32, #tpu.memory_space<hbm>> -> memref<128xf32, #tpu.memory_space<hbm>>
      %dma_wait3A_635 = arith.constant 0 : i32
      %dma_wait3A_636 = tpu.memref_slice %arg10[%dma_wait3A_628, %dma_wait3A_635] : memref<16x128xf32, #tpu.memory_space<vmem>> -> memref<1x128xf32, #tpu.memory_space<vmem>>
      %dma_wait3A_637 = tpu.memref_squeeze %dma_wait3A_636 : memref<1x128xf32, #tpu.memory_space<vmem>> -> memref<128xf32, #tpu.memory_space<vmem>>
      %dma_wait3A_638 = arith.constant 0 : i32
      %dma_wait3A_639 = tpu.memref_slice %arg5[%squeeze3A_614, %dma_wait3A_638] : memref<51200x128xf32, #tpu.memory_space<hbm>> -> memref<1x128xf32, #tpu.memory_space<hbm>>
      %dma_wait3A_640 = tpu.memref_squeeze %dma_wait3A_639 : memref<1x128xf32, #tpu.memory_space<hbm>> -> memref<128xf32, #tpu.memory_space<hbm>>
      tpu.wait_dma2 semaphore(%arg13 : memref<!tpu.dma_semaphore, #tpu.memory_space<semaphore_mem>>) src(%dma_wait3A_640 : memref<128xf32, #tpu.memory_space<hbm>>) dst(%dma_wait3A_637 : memref<128xf32, #tpu.memory_space<vmem>>)
      %slice3A_641 = vector.extract_strided_slice %select_n3A {offsets = [11], sizes = [1], strides = [1]} : vector<16xi32> to vector<1xi32>
      %squeeze3A_642 = vector.extract %slice3A_641[0] : i32 from vector<1xi32>
      %dma_start3A_643 = arith.constant 11 : i32
      %dma_start3A_644 = arith.constant 0 : i32
      %dma_start3A_645 = tpu.memref_slice %arg9[%dma_start3A_643, %dma_start3A_644] : memref<16x128xf32, #tpu.memory_space<vmem>> -> memref<1x128xf32, #tpu.memory_space<vmem>>
      %dma_start3A_646 = tpu.memref_squeeze %dma_start3A_645 : memref<1x128xf32, #tpu.memory_space<vmem>> -> memref<128xf32, #tpu.memory_space<vmem>>
      %dma_start3A_647 = arith.constant 0 : i32
      %dma_start3A_648 = tpu.memref_slice %arg4[%squeeze3A_642, %dma_start3A_647] : memref<51200x128xf32, #tpu.memory_space<hbm>> -> memref<1x128xf32, #tpu.memory_space<hbm>>
      %dma_start3A_649 = tpu.memref_squeeze %dma_start3A_648 : memref<1x128xf32, #tpu.memory_space<hbm>> -> memref<128xf32, #tpu.memory_space<hbm>>
      %dma_start3A_650 = arith.constant 0 : i32
      %dma_start3A_651 = tpu.memref_slice %arg9[%dma_start3A_643, %dma_start3A_650] : memref<16x128xf32, #tpu.memory_space<vmem>> -> memref<1x128xf32, #tpu.memory_space<vmem>>
      %dma_start3A_652 = tpu.memref_squeeze %dma_start3A_651 : memref<1x128xf32, #tpu.memory_space<vmem>> -> memref<128xf32, #tpu.memory_space<vmem>>
      %dma_start3A_653 = arith.constant 0 : i32
      %dma_start3A_654 = tpu.memref_slice %arg4[%squeeze3A_642, %dma_start3A_653] : memref<51200x128xf32, #tpu.memory_space<hbm>> -> memref<1x128xf32, #tpu.memory_space<hbm>>
      %dma_start3A_655 = tpu.memref_squeeze %dma_start3A_654 : memref<1x128xf32, #tpu.memory_space<hbm>> -> memref<128xf32, #tpu.memory_space<hbm>>
      tpu.enqueue_dma source(%dma_start3A_655 : memref<128xf32, #tpu.memory_space<hbm>>) target(%dma_start3A_652 : memref<128xf32, #tpu.memory_space<vmem>>) target_semaphore(%arg12 : memref<!tpu.dma_semaphore, #tpu.memory_space<semaphore_mem>>)
      %dma_wait3A_656 = arith.constant 11 : i32
      %dma_wait3A_657 = arith.constant 0 : i32
      %dma_wait3A_658 = tpu.memref_slice %arg9[%dma_wait3A_656, %dma_wait3A_657] : memref<16x128xf32, #tpu.memory_space<vmem>> -> memref<1x128xf32, #tpu.memory_space<vmem>>
      %dma_wait3A_659 = tpu.memref_squeeze %dma_wait3A_658 : memref<1x128xf32, #tpu.memory_space<vmem>> -> memref<128xf32, #tpu.memory_space<vmem>>
      %dma_wait3A_660 = arith.constant 0 : i32
      %dma_wait3A_661 = tpu.memref_slice %arg4[%squeeze3A_642, %dma_wait3A_660] : memref<51200x128xf32, #tpu.memory_space<hbm>> -> memref<1x128xf32, #tpu.memory_space<hbm>>
      %dma_wait3A_662 = tpu.memref_squeeze %dma_wait3A_661 : memref<1x128xf32, #tpu.memory_space<hbm>> -> memref<128xf32, #tpu.memory_space<hbm>>
      %dma_wait3A_663 = arith.constant 0 : i32
      %dma_wait3A_664 = tpu.memref_slice %arg9[%dma_wait3A_656, %dma_wait3A_663] : memref<16x128xf32, #tpu.memory_space<vmem>> -> memref<1x128xf32, #tpu.memory_space<vmem>>
      %dma_wait3A_665 = tpu.memref_squeeze %dma_wait3A_664 : memref<1x128xf32, #tpu.memory_space<vmem>> -> memref<128xf32, #tpu.memory_space<vmem>>
      %dma_wait3A_666 = arith.constant 0 : i32
      %dma_wait3A_667 = tpu.memref_slice %arg4[%squeeze3A_642, %dma_wait3A_666] : memref<51200x128xf32, #tpu.memory_space<hbm>> -> memref<1x128xf32, #tpu.memory_space<hbm>>
      %dma_wait3A_668 = tpu.memref_squeeze %dma_wait3A_667 : memref<1x128xf32, #tpu.memory_space<hbm>> -> memref<128xf32, #tpu.memory_space<hbm>>
      tpu.wait_dma2 semaphore(%arg12 : memref<!tpu.dma_semaphore, #tpu.memory_space<semaphore_mem>>) src(%dma_wait3A_668 : memref<128xf32, #tpu.memory_space<hbm>>) dst(%dma_wait3A_665 : memref<128xf32, #tpu.memory_space<vmem>>)
      %slice3A_669 = vector.extract_strided_slice %select_n3A_28 {offsets = [11], sizes = [1], strides = [1]} : vector<16xi32> to vector<1xi32>
      %squeeze3A_670 = vector.extract %slice3A_669[0] : i32 from vector<1xi32>
      %dma_start3A_671 = arith.constant 11 : i32
      %dma_start3A_672 = arith.constant 0 : i32
      %dma_start3A_673 = tpu.memref_slice %arg10[%dma_start3A_671, %dma_start3A_672] : memref<16x128xf32, #tpu.memory_space<vmem>> -> memref<1x128xf32, #tpu.memory_space<vmem>>
      %dma_start3A_674 = tpu.memref_squeeze %dma_start3A_673 : memref<1x128xf32, #tpu.memory_space<vmem>> -> memref<128xf32, #tpu.memory_space<vmem>>
      %dma_start3A_675 = arith.constant 0 : i32
      %dma_start3A_676 = tpu.memref_slice %arg5[%squeeze3A_670, %dma_start3A_675] : memref<51200x128xf32, #tpu.memory_space<hbm>> -> memref<1x128xf32, #tpu.memory_space<hbm>>
      %dma_start3A_677 = tpu.memref_squeeze %dma_start3A_676 : memref<1x128xf32, #tpu.memory_space<hbm>> -> memref<128xf32, #tpu.memory_space<hbm>>
      %dma_start3A_678 = arith.constant 0 : i32
      %dma_start3A_679 = tpu.memref_slice %arg10[%dma_start3A_671, %dma_start3A_678] : memref<16x128xf32, #tpu.memory_space<vmem>> -> memref<1x128xf32, #tpu.memory_space<vmem>>
      %dma_start3A_680 = tpu.memref_squeeze %dma_start3A_679 : memref<1x128xf32, #tpu.memory_space<vmem>> -> memref<128xf32, #tpu.memory_space<vmem>>
      %dma_start3A_681 = arith.constant 0 : i32
      %dma_start3A_682 = tpu.memref_slice %arg5[%squeeze3A_670, %dma_start3A_681] : memref<51200x128xf32, #tpu.memory_space<hbm>> -> memref<1x128xf32, #tpu.memory_space<hbm>>
      %dma_start3A_683 = tpu.memref_squeeze %dma_start3A_682 : memref<1x128xf32, #tpu.memory_space<hbm>> -> memref<128xf32, #tpu.memory_space<hbm>>
      tpu.enqueue_dma source(%dma_start3A_683 : memref<128xf32, #tpu.memory_space<hbm>>) target(%dma_start3A_680 : memref<128xf32, #tpu.memory_space<vmem>>) target_semaphore(%arg13 : memref<!tpu.dma_semaphore, #tpu.memory_space<semaphore_mem>>)
      %dma_wait3A_684 = arith.constant 11 : i32
      %dma_wait3A_685 = arith.constant 0 : i32
      %dma_wait3A_686 = tpu.memref_slice %arg10[%dma_wait3A_684, %dma_wait3A_685] : memref<16x128xf32, #tpu.memory_space<vmem>> -> memref<1x128xf32, #tpu.memory_space<vmem>>
      %dma_wait3A_687 = tpu.memref_squeeze %dma_wait3A_686 : memref<1x128xf32, #tpu.memory_space<vmem>> -> memref<128xf32, #tpu.memory_space<vmem>>
      %dma_wait3A_688 = arith.constant 0 : i32
      %dma_wait3A_689 = tpu.memref_slice %arg5[%squeeze3A_670, %dma_wait3A_688] : memref<51200x128xf32, #tpu.memory_space<hbm>> -> memref<1x128xf32, #tpu.memory_space<hbm>>
      %dma_wait3A_690 = tpu.memref_squeeze %dma_wait3A_689 : memref<1x128xf32, #tpu.memory_space<hbm>> -> memref<128xf32, #tpu.memory_space<hbm>>
      %dma_wait3A_691 = arith.constant 0 : i32
      %dma_wait3A_692 = tpu.memref_slice %arg10[%dma_wait3A_684, %dma_wait3A_691] : memref<16x128xf32, #tpu.memory_space<vmem>> -> memref<1x128xf32, #tpu.memory_space<vmem>>
      %dma_wait3A_693 = tpu.memref_squeeze %dma_wait3A_692 : memref<1x128xf32, #tpu.memory_space<vmem>> -> memref<128xf32, #tpu.memory_space<vmem>>
      %dma_wait3A_694 = arith.constant 0 : i32
      %dma_wait3A_695 = tpu.memref_slice %arg5[%squeeze3A_670, %dma_wait3A_694] : memref<51200x128xf32, #tpu.memory_space<hbm>> -> memref<1x128xf32, #tpu.memory_space<hbm>>
      %dma_wait3A_696 = tpu.memref_squeeze %dma_wait3A_695 : memref<1x128xf32, #tpu.memory_space<hbm>> -> memref<128xf32, #tpu.memory_space<hbm>>
      tpu.wait_dma2 semaphore(%arg13 : memref<!tpu.dma_semaphore, #tpu.memory_space<semaphore_mem>>) src(%dma_wait3A_696 : memref<128xf32, #tpu.memory_space<hbm>>) dst(%dma_wait3A_693 : memref<128xf32, #tpu.memory_space<vmem>>)
      %slice3A_697 = vector.extract_strided_slice %select_n3A {offsets = [12], sizes = [1], strides = [1]} : vector<16xi32> to vector<1xi32>
      %squeeze3A_698 = vector.extract %slice3A_697[0] : i32 from vector<1xi32>
      %dma_start3A_699 = arith.constant 12 : i32
      %dma_start3A_700 = arith.constant 0 : i32
      %dma_start3A_701 = tpu.memref_slice %arg9[%dma_start3A_699, %dma_start3A_700] : memref<16x128xf32, #tpu.memory_space<vmem>> -> memref<1x128xf32, #tpu.memory_space<vmem>>
      %dma_start3A_702 = tpu.memref_squeeze %dma_start3A_701 : memref<1x128xf32, #tpu.memory_space<vmem>> -> memref<128xf32, #tpu.memory_space<vmem>>
      %dma_start3A_703 = arith.constant 0 : i32
      %dma_start3A_704 = tpu.memref_slice %arg4[%squeeze3A_698, %dma_start3A_703] : memref<51200x128xf32, #tpu.memory_space<hbm>> -> memref<1x128xf32, #tpu.memory_space<hbm>>
      %dma_start3A_705 = tpu.memref_squeeze %dma_start3A_704 : memref<1x128xf32, #tpu.memory_space<hbm>> -> memref<128xf32, #tpu.memory_space<hbm>>
      %dma_start3A_706 = arith.constant 0 : i32
      %dma_start3A_707 = tpu.memref_slice %arg9[%dma_start3A_699, %dma_start3A_706] : memref<16x128xf32, #tpu.memory_space<vmem>> -> memref<1x128xf32, #tpu.memory_space<vmem>>
      %dma_start3A_708 = tpu.memref_squeeze %dma_start3A_707 : memref<1x128xf32, #tpu.memory_space<vmem>> -> memref<128xf32, #tpu.memory_space<vmem>>
      %dma_start3A_709 = arith.constant 0 : i32
      %dma_start3A_710 = tpu.memref_slice %arg4[%squeeze3A_698, %dma_start3A_709] : memref<51200x128xf32, #tpu.memory_space<hbm>> -> memref<1x128xf32, #tpu.memory_space<hbm>>
      %dma_start3A_711 = tpu.memref_squeeze %dma_start3A_710 : memref<1x128xf32, #tpu.memory_space<hbm>> -> memref<128xf32, #tpu.memory_space<hbm>>
      tpu.enqueue_dma source(%dma_start3A_711 : memref<128xf32, #tpu.memory_space<hbm>>) target(%dma_start3A_708 : memref<128xf32, #tpu.memory_space<vmem>>) target_semaphore(%arg12 : memref<!tpu.dma_semaphore, #tpu.memory_space<semaphore_mem>>)
      %dma_wait3A_712 = arith.constant 12 : i32
      %dma_wait3A_713 = arith.constant 0 : i32
      %dma_wait3A_714 = tpu.memref_slice %arg9[%dma_wait3A_712, %dma_wait3A_713] : memref<16x128xf32, #tpu.memory_space<vmem>> -> memref<1x128xf32, #tpu.memory_space<vmem>>
      %dma_wait3A_715 = tpu.memref_squeeze %dma_wait3A_714 : memref<1x128xf32, #tpu.memory_space<vmem>> -> memref<128xf32, #tpu.memory_space<vmem>>
      %dma_wait3A_716 = arith.constant 0 : i32
      %dma_wait3A_717 = tpu.memref_slice %arg4[%squeeze3A_698, %dma_wait3A_716] : memref<51200x128xf32, #tpu.memory_space<hbm>> -> memref<1x128xf32, #tpu.memory_space<hbm>>
      %dma_wait3A_718 = tpu.memref_squeeze %dma_wait3A_717 : memref<1x128xf32, #tpu.memory_space<hbm>> -> memref<128xf32, #tpu.memory_space<hbm>>
      %dma_wait3A_719 = arith.constant 0 : i32
      %dma_wait3A_720 = tpu.memref_slice %arg9[%dma_wait3A_712, %dma_wait3A_719] : memref<16x128xf32, #tpu.memory_space<vmem>> -> memref<1x128xf32, #tpu.memory_space<vmem>>
      %dma_wait3A_721 = tpu.memref_squeeze %dma_wait3A_720 : memref<1x128xf32, #tpu.memory_space<vmem>> -> memref<128xf32, #tpu.memory_space<vmem>>
      %dma_wait3A_722 = arith.constant 0 : i32
      %dma_wait3A_723 = tpu.memref_slice %arg4[%squeeze3A_698, %dma_wait3A_722] : memref<51200x128xf32, #tpu.memory_space<hbm>> -> memref<1x128xf32, #tpu.memory_space<hbm>>
      %dma_wait3A_724 = tpu.memref_squeeze %dma_wait3A_723 : memref<1x128xf32, #tpu.memory_space<hbm>> -> memref<128xf32, #tpu.memory_space<hbm>>
      tpu.wait_dma2 semaphore(%arg12 : memref<!tpu.dma_semaphore, #tpu.memory_space<semaphore_mem>>) src(%dma_wait3A_724 : memref<128xf32, #tpu.memory_space<hbm>>) dst(%dma_wait3A_721 : memref<128xf32, #tpu.memory_space<vmem>>)
      %slice3A_725 = vector.extract_strided_slice %select_n3A_28 {offsets = [12], sizes = [1], strides = [1]} : vector<16xi32> to vector<1xi32>
      %squeeze3A_726 = vector.extract %slice3A_725[0] : i32 from vector<1xi32>
      %dma_start3A_727 = arith.constant 12 : i32
      %dma_start3A_728 = arith.constant 0 : i32
      %dma_start3A_729 = tpu.memref_slice %arg10[%dma_start3A_727, %dma_start3A_728] : memref<16x128xf32, #tpu.memory_space<vmem>> -> memref<1x128xf32, #tpu.memory_space<vmem>>
      %dma_start3A_730 = tpu.memref_squeeze %dma_start3A_729 : memref<1x128xf32, #tpu.memory_space<vmem>> -> memref<128xf32, #tpu.memory_space<vmem>>
      %dma_start3A_731 = arith.constant 0 : i32
      %dma_start3A_732 = tpu.memref_slice %arg5[%squeeze3A_726, %dma_start3A_731] : memref<51200x128xf32, #tpu.memory_space<hbm>> -> memref<1x128xf32, #tpu.memory_space<hbm>>
      %dma_start3A_733 = tpu.memref_squeeze %dma_start3A_732 : memref<1x128xf32, #tpu.memory_space<hbm>> -> memref<128xf32, #tpu.memory_space<hbm>>
      %dma_start3A_734 = arith.constant 0 : i32
      %dma_start3A_735 = tpu.memref_slice %arg10[%dma_start3A_727, %dma_start3A_734] : memref<16x128xf32, #tpu.memory_space<vmem>> -> memref<1x128xf32, #tpu.memory_space<vmem>>
      %dma_start3A_736 = tpu.memref_squeeze %dma_start3A_735 : memref<1x128xf32, #tpu.memory_space<vmem>> -> memref<128xf32, #tpu.memory_space<vmem>>
      %dma_start3A_737 = arith.constant 0 : i32
      %dma_start3A_738 = tpu.memref_slice %arg5[%squeeze3A_726, %dma_start3A_737] : memref<51200x128xf32, #tpu.memory_space<hbm>> -> memref<1x128xf32, #tpu.memory_space<hbm>>
      %dma_start3A_739 = tpu.memref_squeeze %dma_start3A_738 : memref<1x128xf32, #tpu.memory_space<hbm>> -> memref<128xf32, #tpu.memory_space<hbm>>
      tpu.enqueue_dma source(%dma_start3A_739 : memref<128xf32, #tpu.memory_space<hbm>>) target(%dma_start3A_736 : memref<128xf32, #tpu.memory_space<vmem>>) target_semaphore(%arg13 : memref<!tpu.dma_semaphore, #tpu.memory_space<semaphore_mem>>)
      %dma_wait3A_740 = arith.constant 12 : i32
      %dma_wait3A_741 = arith.constant 0 : i32
      %dma_wait3A_742 = tpu.memref_slice %arg10[%dma_wait3A_740, %dma_wait3A_741] : memref<16x128xf32, #tpu.memory_space<vmem>> -> memref<1x128xf32, #tpu.memory_space<vmem>>
      %dma_wait3A_743 = tpu.memref_squeeze %dma_wait3A_742 : memref<1x128xf32, #tpu.memory_space<vmem>> -> memref<128xf32, #tpu.memory_space<vmem>>
      %dma_wait3A_744 = arith.constant 0 : i32
      %dma_wait3A_745 = tpu.memref_slice %arg5[%squeeze3A_726, %dma_wait3A_744] : memref<51200x128xf32, #tpu.memory_space<hbm>> -> memref<1x128xf32, #tpu.memory_space<hbm>>
      %dma_wait3A_746 = tpu.memref_squeeze %dma_wait3A_745 : memref<1x128xf32, #tpu.memory_space<hbm>> -> memref<128xf32, #tpu.memory_space<hbm>>
      %dma_wait3A_747 = arith.constant 0 : i32
      %dma_wait3A_748 = tpu.memref_slice %arg10[%dma_wait3A_740, %dma_wait3A_747] : memref<16x128xf32, #tpu.memory_space<vmem>> -> memref<1x128xf32, #tpu.memory_space<vmem>>
      %dma_wait3A_749 = tpu.memref_squeeze %dma_wait3A_748 : memref<1x128xf32, #tpu.memory_space<vmem>> -> memref<128xf32, #tpu.memory_space<vmem>>
      %dma_wait3A_750 = arith.constant 0 : i32
      %dma_wait3A_751 = tpu.memref_slice %arg5[%squeeze3A_726, %dma_wait3A_750] : memref<51200x128xf32, #tpu.memory_space<hbm>> -> memref<1x128xf32, #tpu.memory_space<hbm>>
      %dma_wait3A_752 = tpu.memref_squeeze %dma_wait3A_751 : memref<1x128xf32, #tpu.memory_space<hbm>> -> memref<128xf32, #tpu.memory_space<hbm>>
      tpu.wait_dma2 semaphore(%arg13 : memref<!tpu.dma_semaphore, #tpu.memory_space<semaphore_mem>>) src(%dma_wait3A_752 : memref<128xf32, #tpu.memory_space<hbm>>) dst(%dma_wait3A_749 : memref<128xf32, #tpu.memory_space<vmem>>)
      %slice3A_753 = vector.extract_strided_slice %select_n3A {offsets = [13], sizes = [1], strides = [1]} : vector<16xi32> to vector<1xi32>
      %squeeze3A_754 = vector.extract %slice3A_753[0] : i32 from vector<1xi32>
      %dma_start3A_755 = arith.constant 13 : i32
      %dma_start3A_756 = arith.constant 0 : i32
      %dma_start3A_757 = tpu.memref_slice %arg9[%dma_start3A_755, %dma_start3A_756] : memref<16x128xf32, #tpu.memory_space<vmem>> -> memref<1x128xf32, #tpu.memory_space<vmem>>
      %dma_start3A_758 = tpu.memref_squeeze %dma_start3A_757 : memref<1x128xf32, #tpu.memory_space<vmem>> -> memref<128xf32, #tpu.memory_space<vmem>>
      %dma_start3A_759 = arith.constant 0 : i32
      %dma_start3A_760 = tpu.memref_slice %arg4[%squeeze3A_754, %dma_start3A_759] : memref<51200x128xf32, #tpu.memory_space<hbm>> -> memref<1x128xf32, #tpu.memory_space<hbm>>
      %dma_start3A_761 = tpu.memref_squeeze %dma_start3A_760 : memref<1x128xf32, #tpu.memory_space<hbm>> -> memref<128xf32, #tpu.memory_space<hbm>>
      %dma_start3A_762 = arith.constant 0 : i32
      %dma_start3A_763 = tpu.memref_slice %arg9[%dma_start3A_755, %dma_start3A_762] : memref<16x128xf32, #tpu.memory_space<vmem>> -> memref<1x128xf32, #tpu.memory_space<vmem>>
      %dma_start3A_764 = tpu.memref_squeeze %dma_start3A_763 : memref<1x128xf32, #tpu.memory_space<vmem>> -> memref<128xf32, #tpu.memory_space<vmem>>
      %dma_start3A_765 = arith.constant 0 : i32
      %dma_start3A_766 = tpu.memref_slice %arg4[%squeeze3A_754, %dma_start3A_765] : memref<51200x128xf32, #tpu.memory_space<hbm>> -> memref<1x128xf32, #tpu.memory_space<hbm>>
      %dma_start3A_767 = tpu.memref_squeeze %dma_start3A_766 : memref<1x128xf32, #tpu.memory_space<hbm>> -> memref<128xf32, #tpu.memory_space<hbm>>
      tpu.enqueue_dma source(%dma_start3A_767 : memref<128xf32, #tpu.memory_space<hbm>>) target(%dma_start3A_764 : memref<128xf32, #tpu.memory_space<vmem>>) target_semaphore(%arg12 : memref<!tpu.dma_semaphore, #tpu.memory_space<semaphore_mem>>)
      %dma_wait3A_768 = arith.constant 13 : i32
      %dma_wait3A_769 = arith.constant 0 : i32
      %dma_wait3A_770 = tpu.memref_slice %arg9[%dma_wait3A_768, %dma_wait3A_769] : memref<16x128xf32, #tpu.memory_space<vmem>> -> memref<1x128xf32, #tpu.memory_space<vmem>>
      %dma_wait3A_771 = tpu.memref_squeeze %dma_wait3A_770 : memref<1x128xf32, #tpu.memory_space<vmem>> -> memref<128xf32, #tpu.memory_space<vmem>>
      %dma_wait3A_772 = arith.constant 0 : i32
      %dma_wait3A_773 = tpu.memref_slice %arg4[%squeeze3A_754, %dma_wait3A_772] : memref<51200x128xf32, #tpu.memory_space<hbm>> -> memref<1x128xf32, #tpu.memory_space<hbm>>
      %dma_wait3A_774 = tpu.memref_squeeze %dma_wait3A_773 : memref<1x128xf32, #tpu.memory_space<hbm>> -> memref<128xf32, #tpu.memory_space<hbm>>
      %dma_wait3A_775 = arith.constant 0 : i32
      %dma_wait3A_776 = tpu.memref_slice %arg9[%dma_wait3A_768, %dma_wait3A_775] : memref<16x128xf32, #tpu.memory_space<vmem>> -> memref<1x128xf32, #tpu.memory_space<vmem>>
      %dma_wait3A_777 = tpu.memref_squeeze %dma_wait3A_776 : memref<1x128xf32, #tpu.memory_space<vmem>> -> memref<128xf32, #tpu.memory_space<vmem>>
      %dma_wait3A_778 = arith.constant 0 : i32
      %dma_wait3A_779 = tpu.memref_slice %arg4[%squeeze3A_754, %dma_wait3A_778] : memref<51200x128xf32, #tpu.memory_space<hbm>> -> memref<1x128xf32, #tpu.memory_space<hbm>>
      %dma_wait3A_780 = tpu.memref_squeeze %dma_wait3A_779 : memref<1x128xf32, #tpu.memory_space<hbm>> -> memref<128xf32, #tpu.memory_space<hbm>>
      tpu.wait_dma2 semaphore(%arg12 : memref<!tpu.dma_semaphore, #tpu.memory_space<semaphore_mem>>) src(%dma_wait3A_780 : memref<128xf32, #tpu.memory_space<hbm>>) dst(%dma_wait3A_777 : memref<128xf32, #tpu.memory_space<vmem>>)
      %slice3A_781 = vector.extract_strided_slice %select_n3A_28 {offsets = [13], sizes = [1], strides = [1]} : vector<16xi32> to vector<1xi32>
      %squeeze3A_782 = vector.extract %slice3A_781[0] : i32 from vector<1xi32>
      %dma_start3A_783 = arith.constant 13 : i32
      %dma_start3A_784 = arith.constant 0 : i32
      %dma_start3A_785 = tpu.memref_slice %arg10[%dma_start3A_783, %dma_start3A_784] : memref<16x128xf32, #tpu.memory_space<vmem>> -> memref<1x128xf32, #tpu.memory_space<vmem>>
      %dma_start3A_786 = tpu.memref_squeeze %dma_start3A_785 : memref<1x128xf32, #tpu.memory_space<vmem>> -> memref<128xf32, #tpu.memory_space<vmem>>
      %dma_start3A_787 = arith.constant 0 : i32
      %dma_start3A_788 = tpu.memref_slice %arg5[%squeeze3A_782, %dma_start3A_787] : memref<51200x128xf32, #tpu.memory_space<hbm>> -> memref<1x128xf32, #tpu.memory_space<hbm>>
      %dma_start3A_789 = tpu.memref_squeeze %dma_start3A_788 : memref<1x128xf32, #tpu.memory_space<hbm>> -> memref<128xf32, #tpu.memory_space<hbm>>
      %dma_start3A_790 = arith.constant 0 : i32
      %dma_start3A_791 = tpu.memref_slice %arg10[%dma_start3A_783, %dma_start3A_790] : memref<16x128xf32, #tpu.memory_space<vmem>> -> memref<1x128xf32, #tpu.memory_space<vmem>>
      %dma_start3A_792 = tpu.memref_squeeze %dma_start3A_791 : memref<1x128xf32, #tpu.memory_space<vmem>> -> memref<128xf32, #tpu.memory_space<vmem>>
      %dma_start3A_793 = arith.constant 0 : i32
      %dma_start3A_794 = tpu.memref_slice %arg5[%squeeze3A_782, %dma_start3A_793] : memref<51200x128xf32, #tpu.memory_space<hbm>> -> memref<1x128xf32, #tpu.memory_space<hbm>>
      %dma_start3A_795 = tpu.memref_squeeze %dma_start3A_794 : memref<1x128xf32, #tpu.memory_space<hbm>> -> memref<128xf32, #tpu.memory_space<hbm>>
      tpu.enqueue_dma source(%dma_start3A_795 : memref<128xf32, #tpu.memory_space<hbm>>) target(%dma_start3A_792 : memref<128xf32, #tpu.memory_space<vmem>>) target_semaphore(%arg13 : memref<!tpu.dma_semaphore, #tpu.memory_space<semaphore_mem>>)
      %dma_wait3A_796 = arith.constant 13 : i32
      %dma_wait3A_797 = arith.constant 0 : i32
      %dma_wait3A_798 = tpu.memref_slice %arg10[%dma_wait3A_796, %dma_wait3A_797] : memref<16x128xf32, #tpu.memory_space<vmem>> -> memref<1x128xf32, #tpu.memory_space<vmem>>
      %dma_wait3A_799 = tpu.memref_squeeze %dma_wait3A_798 : memref<1x128xf32, #tpu.memory_space<vmem>> -> memref<128xf32, #tpu.memory_space<vmem>>
      %dma_wait3A_800 = arith.constant 0 : i32
      %dma_wait3A_801 = tpu.memref_slice %arg5[%squeeze3A_782, %dma_wait3A_800] : memref<51200x128xf32, #tpu.memory_space<hbm>> -> memref<1x128xf32, #tpu.memory_space<hbm>>
      %dma_wait3A_802 = tpu.memref_squeeze %dma_wait3A_801 : memref<1x128xf32, #tpu.memory_space<hbm>> -> memref<128xf32, #tpu.memory_space<hbm>>
      %dma_wait3A_803 = arith.constant 0 : i32
      %dma_wait3A_804 = tpu.memref_slice %arg10[%dma_wait3A_796, %dma_wait3A_803] : memref<16x128xf32, #tpu.memory_space<vmem>> -> memref<1x128xf32, #tpu.memory_space<vmem>>
      %dma_wait3A_805 = tpu.memref_squeeze %dma_wait3A_804 : memref<1x128xf32, #tpu.memory_space<vmem>> -> memref<128xf32, #tpu.memory_space<vmem>>
      %dma_wait3A_806 = arith.constant 0 : i32
      %dma_wait3A_807 = tpu.memref_slice %arg5[%squeeze3A_782, %dma_wait3A_806] : memref<51200x128xf32, #tpu.memory_space<hbm>> -> memref<1x128xf32, #tpu.memory_space<hbm>>
      %dma_wait3A_808 = tpu.memref_squeeze %dma_wait3A_807 : memref<1x128xf32, #tpu.memory_space<hbm>> -> memref<128xf32, #tpu.memory_space<hbm>>
      tpu.wait_dma2 semaphore(%arg13 : memref<!tpu.dma_semaphore, #tpu.memory_space<semaphore_mem>>) src(%dma_wait3A_808 : memref<128xf32, #tpu.memory_space<hbm>>) dst(%dma_wait3A_805 : memref<128xf32, #tpu.memory_space<vmem>>)
      %slice3A_809 = vector.extract_strided_slice %select_n3A {offsets = [14], sizes = [1], strides = [1]} : vector<16xi32> to vector<1xi32>
      %squeeze3A_810 = vector.extract %slice3A_809[0] : i32 from vector<1xi32>
      %dma_start3A_811 = arith.constant 14 : i32
      %dma_start3A_812 = arith.constant 0 : i32
      %dma_start3A_813 = tpu.memref_slice %arg9[%dma_start3A_811, %dma_start3A_812] : memref<16x128xf32, #tpu.memory_space<vmem>> -> memref<1x128xf32, #tpu.memory_space<vmem>>
      %dma_start3A_814 = tpu.memref_squeeze %dma_start3A_813 : memref<1x128xf32, #tpu.memory_space<vmem>> -> memref<128xf32, #tpu.memory_space<vmem>>
      %dma_start3A_815 = arith.constant 0 : i32
      %dma_start3A_816 = tpu.memref_slice %arg4[%squeeze3A_810, %dma_start3A_815] : memref<51200x128xf32, #tpu.memory_space<hbm>> -> memref<1x128xf32, #tpu.memory_space<hbm>>
      %dma_start3A_817 = tpu.memref_squeeze %dma_start3A_816 : memref<1x128xf32, #tpu.memory_space<hbm>> -> memref<128xf32, #tpu.memory_space<hbm>>
      %dma_start3A_818 = arith.constant 0 : i32
      %dma_start3A_819 = tpu.memref_slice %arg9[%dma_start3A_811, %dma_start3A_818] : memref<16x128xf32, #tpu.memory_space<vmem>> -> memref<1x128xf32, #tpu.memory_space<vmem>>
      %dma_start3A_820 = tpu.memref_squeeze %dma_start3A_819 : memref<1x128xf32, #tpu.memory_space<vmem>> -> memref<128xf32, #tpu.memory_space<vmem>>
      %dma_start3A_821 = arith.constant 0 : i32
      %dma_start3A_822 = tpu.memref_slice %arg4[%squeeze3A_810, %dma_start3A_821] : memref<51200x128xf32, #tpu.memory_space<hbm>> -> memref<1x128xf32, #tpu.memory_space<hbm>>
      %dma_start3A_823 = tpu.memref_squeeze %dma_start3A_822 : memref<1x128xf32, #tpu.memory_space<hbm>> -> memref<128xf32, #tpu.memory_space<hbm>>
      tpu.enqueue_dma source(%dma_start3A_823 : memref<128xf32, #tpu.memory_space<hbm>>) target(%dma_start3A_820 : memref<128xf32, #tpu.memory_space<vmem>>) target_semaphore(%arg12 : memref<!tpu.dma_semaphore, #tpu.memory_space<semaphore_mem>>)
      %dma_wait3A_824 = arith.constant 14 : i32
      %dma_wait3A_825 = arith.constant 0 : i32
      %dma_wait3A_826 = tpu.memref_slice %arg9[%dma_wait3A_824, %dma_wait3A_825] : memref<16x128xf32, #tpu.memory_space<vmem>> -> memref<1x128xf32, #tpu.memory_space<vmem>>
      %dma_wait3A_827 = tpu.memref_squeeze %dma_wait3A_826 : memref<1x128xf32, #tpu.memory_space<vmem>> -> memref<128xf32, #tpu.memory_space<vmem>>
      %dma_wait3A_828 = arith.constant 0 : i32
      %dma_wait3A_829 = tpu.memref_slice %arg4[%squeeze3A_810, %dma_wait3A_828] : memref<51200x128xf32, #tpu.memory_space<hbm>> -> memref<1x128xf32, #tpu.memory_space<hbm>>
      %dma_wait3A_830 = tpu.memref_squeeze %dma_wait3A_829 : memref<1x128xf32, #tpu.memory_space<hbm>> -> memref<128xf32, #tpu.memory_space<hbm>>
      %dma_wait3A_831 = arith.constant 0 : i32
      %dma_wait3A_832 = tpu.memref_slice %arg9[%dma_wait3A_824, %dma_wait3A_831] : memref<16x128xf32, #tpu.memory_space<vmem>> -> memref<1x128xf32, #tpu.memory_space<vmem>>
      %dma_wait3A_833 = tpu.memref_squeeze %dma_wait3A_832 : memref<1x128xf32, #tpu.memory_space<vmem>> -> memref<128xf32, #tpu.memory_space<vmem>>
      %dma_wait3A_834 = arith.constant 0 : i32
      %dma_wait3A_835 = tpu.memref_slice %arg4[%squeeze3A_810, %dma_wait3A_834] : memref<51200x128xf32, #tpu.memory_space<hbm>> -> memref<1x128xf32, #tpu.memory_space<hbm>>
      %dma_wait3A_836 = tpu.memref_squeeze %dma_wait3A_835 : memref<1x128xf32, #tpu.memory_space<hbm>> -> memref<128xf32, #tpu.memory_space<hbm>>
      tpu.wait_dma2 semaphore(%arg12 : memref<!tpu.dma_semaphore, #tpu.memory_space<semaphore_mem>>) src(%dma_wait3A_836 : memref<128xf32, #tpu.memory_space<hbm>>) dst(%dma_wait3A_833 : memref<128xf32, #tpu.memory_space<vmem>>)
      %slice3A_837 = vector.extract_strided_slice %select_n3A_28 {offsets = [14], sizes = [1], strides = [1]} : vector<16xi32> to vector<1xi32>
      %squeeze3A_838 = vector.extract %slice3A_837[0] : i32 from vector<1xi32>
      %dma_start3A_839 = arith.constant 14 : i32
      %dma_start3A_840 = arith.constant 0 : i32
      %dma_start3A_841 = tpu.memref_slice %arg10[%dma_start3A_839, %dma_start3A_840] : memref<16x128xf32, #tpu.memory_space<vmem>> -> memref<1x128xf32, #tpu.memory_space<vmem>>
      %dma_start3A_842 = tpu.memref_squeeze %dma_start3A_841 : memref<1x128xf32, #tpu.memory_space<vmem>> -> memref<128xf32, #tpu.memory_space<vmem>>
      %dma_start3A_843 = arith.constant 0 : i32
      %dma_start3A_844 = tpu.memref_slice %arg5[%squeeze3A_838, %dma_start3A_843] : memref<51200x128xf32, #tpu.memory_space<hbm>> -> memref<1x128xf32, #tpu.memory_space<hbm>>
      %dma_start3A_845 = tpu.memref_squeeze %dma_start3A_844 : memref<1x128xf32, #tpu.memory_space<hbm>> -> memref<128xf32, #tpu.memory_space<hbm>>
      %dma_start3A_846 = arith.constant 0 : i32
      %dma_start3A_847 = tpu.memref_slice %arg10[%dma_start3A_839, %dma_start3A_846] : memref<16x128xf32, #tpu.memory_space<vmem>> -> memref<1x128xf32, #tpu.memory_space<vmem>>
      %dma_start3A_848 = tpu.memref_squeeze %dma_start3A_847 : memref<1x128xf32, #tpu.memory_space<vmem>> -> memref<128xf32, #tpu.memory_space<vmem>>
      %dma_start3A_849 = arith.constant 0 : i32
      %dma_start3A_850 = tpu.memref_slice %arg5[%squeeze3A_838, %dma_start3A_849] : memref<51200x128xf32, #tpu.memory_space<hbm>> -> memref<1x128xf32, #tpu.memory_space<hbm>>
      %dma_start3A_851 = tpu.memref_squeeze %dma_start3A_850 : memref<1x128xf32, #tpu.memory_space<hbm>> -> memref<128xf32, #tpu.memory_space<hbm>>
      tpu.enqueue_dma source(%dma_start3A_851 : memref<128xf32, #tpu.memory_space<hbm>>) target(%dma_start3A_848 : memref<128xf32, #tpu.memory_space<vmem>>) target_semaphore(%arg13 : memref<!tpu.dma_semaphore, #tpu.memory_space<semaphore_mem>>)
      %dma_wait3A_852 = arith.constant 14 : i32
      %dma_wait3A_853 = arith.constant 0 : i32
      %dma_wait3A_854 = tpu.memref_slice %arg10[%dma_wait3A_852, %dma_wait3A_853] : memref<16x128xf32, #tpu.memory_space<vmem>> -> memref<1x128xf32, #tpu.memory_space<vmem>>
      %dma_wait3A_855 = tpu.memref_squeeze %dma_wait3A_854 : memref<1x128xf32, #tpu.memory_space<vmem>> -> memref<128xf32, #tpu.memory_space<vmem>>
      %dma_wait3A_856 = arith.constant 0 : i32
      %dma_wait3A_857 = tpu.memref_slice %arg5[%squeeze3A_838, %dma_wait3A_856] : memref<51200x128xf32, #tpu.memory_space<hbm>> -> memref<1x128xf32, #tpu.memory_space<hbm>>
      %dma_wait3A_858 = tpu.memref_squeeze %dma_wait3A_857 : memref<1x128xf32, #tpu.memory_space<hbm>> -> memref<128xf32, #tpu.memory_space<hbm>>
      %dma_wait3A_859 = arith.constant 0 : i32
      %dma_wait3A_860 = tpu.memref_slice %arg10[%dma_wait3A_852, %dma_wait3A_859] : memref<16x128xf32, #tpu.memory_space<vmem>> -> memref<1x128xf32, #tpu.memory_space<vmem>>
      %dma_wait3A_861 = tpu.memref_squeeze %dma_wait3A_860 : memref<1x128xf32, #tpu.memory_space<vmem>> -> memref<128xf32, #tpu.memory_space<vmem>>
      %dma_wait3A_862 = arith.constant 0 : i32
      %dma_wait3A_863 = tpu.memref_slice %arg5[%squeeze3A_838, %dma_wait3A_862] : memref<51200x128xf32, #tpu.memory_space<hbm>> -> memref<1x128xf32, #tpu.memory_space<hbm>>
      %dma_wait3A_864 = tpu.memref_squeeze %dma_wait3A_863 : memref<1x128xf32, #tpu.memory_space<hbm>> -> memref<128xf32, #tpu.memory_space<hbm>>
      tpu.wait_dma2 semaphore(%arg13 : memref<!tpu.dma_semaphore, #tpu.memory_space<semaphore_mem>>) src(%dma_wait3A_864 : memref<128xf32, #tpu.memory_space<hbm>>) dst(%dma_wait3A_861 : memref<128xf32, #tpu.memory_space<vmem>>)
      %slice3A_865 = vector.extract_strided_slice %select_n3A {offsets = [15], sizes = [1], strides = [1]} : vector<16xi32> to vector<1xi32>
      %squeeze3A_866 = vector.extract %slice3A_865[0] : i32 from vector<1xi32>
      %dma_start3A_867 = arith.constant 15 : i32
      %dma_start3A_868 = arith.constant 0 : i32
      %dma_start3A_869 = tpu.memref_slice %arg9[%dma_start3A_867, %dma_start3A_868] : memref<16x128xf32, #tpu.memory_space<vmem>> -> memref<1x128xf32, #tpu.memory_space<vmem>>
      %dma_start3A_870 = tpu.memref_squeeze %dma_start3A_869 : memref<1x128xf32, #tpu.memory_space<vmem>> -> memref<128xf32, #tpu.memory_space<vmem>>
      %dma_start3A_871 = arith.constant 0 : i32
      %dma_start3A_872 = tpu.memref_slice %arg4[%squeeze3A_866, %dma_start3A_871] : memref<51200x128xf32, #tpu.memory_space<hbm>> -> memref<1x128xf32, #tpu.memory_space<hbm>>
      %dma_start3A_873 = tpu.memref_squeeze %dma_start3A_872 : memref<1x128xf32, #tpu.memory_space<hbm>> -> memref<128xf32, #tpu.memory_space<hbm>>
      %dma_start3A_874 = arith.constant 0 : i32
      %dma_start3A_875 = tpu.memref_slice %arg9[%dma_start3A_867, %dma_start3A_874] : memref<16x128xf32, #tpu.memory_space<vmem>> -> memref<1x128xf32, #tpu.memory_space<vmem>>
      %dma_start3A_876 = tpu.memref_squeeze %dma_start3A_875 : memref<1x128xf32, #tpu.memory_space<vmem>> -> memref<128xf32, #tpu.memory_space<vmem>>
      %dma_start3A_877 = arith.constant 0 : i32
      %dma_start3A_878 = tpu.memref_slice %arg4[%squeeze3A_866, %dma_start3A_877] : memref<51200x128xf32, #tpu.memory_space<hbm>> -> memref<1x128xf32, #tpu.memory_space<hbm>>
      %dma_start3A_879 = tpu.memref_squeeze %dma_start3A_878 : memref<1x128xf32, #tpu.memory_space<hbm>> -> memref<128xf32, #tpu.memory_space<hbm>>
      tpu.enqueue_dma source(%dma_start3A_879 : memref<128xf32, #tpu.memory_space<hbm>>) target(%dma_start3A_876 : memref<128xf32, #tpu.memory_space<vmem>>) target_semaphore(%arg12 : memref<!tpu.dma_semaphore, #tpu.memory_space<semaphore_mem>>)
      %dma_wait3A_880 = arith.constant 15 : i32
      %dma_wait3A_881 = arith.constant 0 : i32
      %dma_wait3A_882 = tpu.memref_slice %arg9[%dma_wait3A_880, %dma_wait3A_881] : memref<16x128xf32, #tpu.memory_space<vmem>> -> memref<1x128xf32, #tpu.memory_space<vmem>>
      %dma_wait3A_883 = tpu.memref_squeeze %dma_wait3A_882 : memref<1x128xf32, #tpu.memory_space<vmem>> -> memref<128xf32, #tpu.memory_space<vmem>>
      %dma_wait3A_884 = arith.constant 0 : i32
      %dma_wait3A_885 = tpu.memref_slice %arg4[%squeeze3A_866, %dma_wait3A_884] : memref<51200x128xf32, #tpu.memory_space<hbm>> -> memref<1x128xf32, #tpu.memory_space<hbm>>
      %dma_wait3A_886 = tpu.memref_squeeze %dma_wait3A_885 : memref<1x128xf32, #tpu.memory_space<hbm>> -> memref<128xf32, #tpu.memory_space<hbm>>
      %dma_wait3A_887 = arith.constant 0 : i32
      %dma_wait3A_888 = tpu.memref_slice %arg9[%dma_wait3A_880, %dma_wait3A_887] : memref<16x128xf32, #tpu.memory_space<vmem>> -> memref<1x128xf32, #tpu.memory_space<vmem>>
      %dma_wait3A_889 = tpu.memref_squeeze %dma_wait3A_888 : memref<1x128xf32, #tpu.memory_space<vmem>> -> memref<128xf32, #tpu.memory_space<vmem>>
      %dma_wait3A_890 = arith.constant 0 : i32
      %dma_wait3A_891 = tpu.memref_slice %arg4[%squeeze3A_866, %dma_wait3A_890] : memref<51200x128xf32, #tpu.memory_space<hbm>> -> memref<1x128xf32, #tpu.memory_space<hbm>>
      %dma_wait3A_892 = tpu.memref_squeeze %dma_wait3A_891 : memref<1x128xf32, #tpu.memory_space<hbm>> -> memref<128xf32, #tpu.memory_space<hbm>>
      tpu.wait_dma2 semaphore(%arg12 : memref<!tpu.dma_semaphore, #tpu.memory_space<semaphore_mem>>) src(%dma_wait3A_892 : memref<128xf32, #tpu.memory_space<hbm>>) dst(%dma_wait3A_889 : memref<128xf32, #tpu.memory_space<vmem>>)
      %slice3A_893 = vector.extract_strided_slice %select_n3A_28 {offsets = [15], sizes = [1], strides = [1]} : vector<16xi32> to vector<1xi32>
      %squeeze3A_894 = vector.extract %slice3A_893[0] : i32 from vector<1xi32>
      %dma_start3A_895 = arith.constant 15 : i32
      %dma_start3A_896 = arith.constant 0 : i32
      %dma_start3A_897 = tpu.memref_slice %arg10[%dma_start3A_895, %dma_start3A_896] : memref<16x128xf32, #tpu.memory_space<vmem>> -> memref<1x128xf32, #tpu.memory_space<vmem>>
      %dma_start3A_898 = tpu.memref_squeeze %dma_start3A_897 : memref<1x128xf32, #tpu.memory_space<vmem>> -> memref<128xf32, #tpu.memory_space<vmem>>
      %dma_start3A_899 = arith.constant 0 : i32
      %dma_start3A_900 = tpu.memref_slice %arg5[%squeeze3A_894, %dma_start3A_899] : memref<51200x128xf32, #tpu.memory_space<hbm>> -> memref<1x128xf32, #tpu.memory_space<hbm>>
      %dma_start3A_901 = tpu.memref_squeeze %dma_start3A_900 : memref<1x128xf32, #tpu.memory_space<hbm>> -> memref<128xf32, #tpu.memory_space<hbm>>
      %dma_start3A_902 = arith.constant 0 : i32
      %dma_start3A_903 = tpu.memref_slice %arg10[%dma_start3A_895, %dma_start3A_902] : memref<16x128xf32, #tpu.memory_space<vmem>> -> memref<1x128xf32, #tpu.memory_space<vmem>>
      %dma_start3A_904 = tpu.memref_squeeze %dma_start3A_903 : memref<1x128xf32, #tpu.memory_space<vmem>> -> memref<128xf32, #tpu.memory_space<vmem>>
      %dma_start3A_905 = arith.constant 0 : i32
      %dma_start3A_906 = tpu.memref_slice %arg5[%squeeze3A_894, %dma_start3A_905] : memref<51200x128xf32, #tpu.memory_space<hbm>> -> memref<1x128xf32, #tpu.memory_space<hbm>>
      %dma_start3A_907 = tpu.memref_squeeze %dma_start3A_906 : memref<1x128xf32, #tpu.memory_space<hbm>> -> memref<128xf32, #tpu.memory_space<hbm>>
      tpu.enqueue_dma source(%dma_start3A_907 : memref<128xf32, #tpu.memory_space<hbm>>) target(%dma_start3A_904 : memref<128xf32, #tpu.memory_space<vmem>>) target_semaphore(%arg13 : memref<!tpu.dma_semaphore, #tpu.memory_space<semaphore_mem>>)
      %dma_wait3A_908 = arith.constant 15 : i32
      %dma_wait3A_909 = arith.constant 0 : i32
      %dma_wait3A_910 = tpu.memref_slice %arg10[%dma_wait3A_908, %dma_wait3A_909] : memref<16x128xf32, #tpu.memory_space<vmem>> -> memref<1x128xf32, #tpu.memory_space<vmem>>
      %dma_wait3A_911 = tpu.memref_squeeze %dma_wait3A_910 : memref<1x128xf32, #tpu.memory_space<vmem>> -> memref<128xf32, #tpu.memory_space<vmem>>
      %dma_wait3A_912 = arith.constant 0 : i32
      %dma_wait3A_913 = tpu.memref_slice %arg5[%squeeze3A_894, %dma_wait3A_912] : memref<51200x128xf32, #tpu.memory_space<hbm>> -> memref<1x128xf32, #tpu.memory_space<hbm>>
      %dma_wait3A_914 = tpu.memref_squeeze %dma_wait3A_913 : memref<1x128xf32, #tpu.memory_space<hbm>> -> memref<128xf32, #tpu.memory_space<hbm>>
      %dma_wait3A_915 = arith.constant 0 : i32
      %dma_wait3A_916 = tpu.memref_slice %arg10[%dma_wait3A_908, %dma_wait3A_915] : memref<16x128xf32, #tpu.memory_space<vmem>> -> memref<1x128xf32, #tpu.memory_space<vmem>>
      %dma_wait3A_917 = tpu.memref_squeeze %dma_wait3A_916 : memref<1x128xf32, #tpu.memory_space<vmem>> -> memref<128xf32, #tpu.memory_space<vmem>>
      %dma_wait3A_918 = arith.constant 0 : i32
      %dma_wait3A_919 = tpu.memref_slice %arg5[%squeeze3A_894, %dma_wait3A_918] : memref<51200x128xf32, #tpu.memory_space<hbm>> -> memref<1x128xf32, #tpu.memory_space<hbm>>
      %dma_wait3A_920 = tpu.memref_squeeze %dma_wait3A_919 : memref<1x128xf32, #tpu.memory_space<hbm>> -> memref<128xf32, #tpu.memory_space<hbm>>
      tpu.wait_dma2 semaphore(%arg13 : memref<!tpu.dma_semaphore, #tpu.memory_space<semaphore_mem>>) src(%dma_wait3A_920 : memref<128xf32, #tpu.memory_space<hbm>>) dst(%dma_wait3A_917 : memref<128xf32, #tpu.memory_space<vmem>>)
      %slice3A_921 = vector.extract_strided_slice %get3A_12 {offsets = [0], sizes = [1], strides = [1]} : vector<16xi32> to vector<1xi32>
      %squeeze3A_922 = vector.extract %slice3A_921[0] : i32 from vector<1xi32>
      %ge3A_923 = arith.constant 51200 : i32
      %ge3A_924 = arith.cmpi sge, %squeeze3A_922, %ge3A_923 : i32
      %slice3A_925 = vector.extract_strided_slice %get3A_17 {offsets = [0], sizes = [1], strides = [1]} : vector<16xi32> to vector<1xi32>
      %squeeze3A_926 = vector.extract %slice3A_925[0] : i32 from vector<1xi32>
      %ge3A_927 = arith.constant 51200 : i32
      %ge3A_928 = arith.cmpi sge, %squeeze3A_926, %ge3A_927 : i32
      %get3A_929 = arith.constant 0 : i32
      %get3A_930 = arith.index_cast %get3A_929 : i32 to index
      %get3A_931 = arith.constant 0 : index
      %get3A_932 = tpu.vector_load %arg9[%get3A_930, %get3A_931] {strides = array<i32>} : memref<16x128xf32, #tpu.memory_space<vmem>>, vector<1x16xf32>,
      %get3A_933 = vector.shape_cast %get3A_932 : vector<1x16xf32> to vector<16xf32>
      %get3A_934 = arith.constant 0 : i32
      %get3A_935 = arith.index_cast %get3A_934 : i32 to index
      %get3A_936 = arith.constant 64 : index
      %get3A_937 = tpu.vector_load %arg9[%get3A_935, %get3A_936] {strides = array<i32>} : memref<16x128xf32, #tpu.memory_space<vmem>>, vector<1x16xf32>,
      %get3A_938 = vector.shape_cast %get3A_937 : vector<1x16xf32> to vector<16xf32>
      %get3A_939 = arith.constant 0 : i32
      %get3A_940 = arith.index_cast %get3A_939 : i32 to index
      %get3A_941 = arith.constant 0 : index
      %get3A_942 = tpu.vector_load %arg10[%get3A_940, %get3A_941] {strides = array<i32>} : memref<16x128xf32, #tpu.memory_space<vmem>>, vector<1x16xf32>,
      %get3A_943 = vector.shape_cast %get3A_942 : vector<1x16xf32> to vector<16xf32>
      %get3A_944 = arith.constant 0 : i32
      %get3A_945 = arith.index_cast %get3A_944 : i32 to index
      %get3A_946 = arith.constant 64 : index
      %get3A_947 = tpu.vector_load %arg10[%get3A_945, %get3A_946] {strides = array<i32>} : memref<16x128xf32, #tpu.memory_space<vmem>>, vector<1x16xf32>,
      %get3A_948 = vector.shape_cast %get3A_947 : vector<1x16xf32> to vector<16xf32>
      %select_n3A_949 = arith.select %ge3A_924, %get3A_938, %get3A_933 : vector<16xf32>
      %select_n3A_950 = arith.select %ge3A_928, %get3A_948, %get3A_943 : vector<16xf32>
      %mul3A_951 = arith.mulf %select_n3A_949, %select_n3A_950 : vector<16xf32>
      %get3A_952 = arith.constant 0 : i32
      %get3A_953 = arith.index_cast %get3A_952 : i32 to index
      %get3A_954 = arith.constant 16 : index
      %get3A_955 = tpu.vector_load %arg9[%get3A_953, %get3A_954] {strides = array<i32>} : memref<16x128xf32, #tpu.memory_space<vmem>>, vector<1x16xf32>,
      %get3A_956 = vector.shape_cast %get3A_955 : vector<1x16xf32> to vector<16xf32>
      %get3A_957 = arith.constant 0 : i32
      %get3A_958 = arith.index_cast %get3A_957 : i32 to index
      %get3A_959 = arith.constant 80 : index
      %get3A_960 = tpu.vector_load %arg9[%get3A_958, %get3A_959] {strides = array<i32>} : memref<16x128xf32, #tpu.memory_space<vmem>>, vector<1x16xf32>,
      %get3A_961 = vector.shape_cast %get3A_960 : vector<1x16xf32> to vector<16xf32>
      %get3A_962 = arith.constant 0 : i32
      %get3A_963 = arith.index_cast %get3A_962 : i32 to index
      %get3A_964 = arith.constant 16 : index
      %get3A_965 = tpu.vector_load %arg10[%get3A_963, %get3A_964] {strides = array<i32>} : memref<16x128xf32, #tpu.memory_space<vmem>>, vector<1x16xf32>,
      %get3A_966 = vector.shape_cast %get3A_965 : vector<1x16xf32> to vector<16xf32>
      %get3A_967 = arith.constant 0 : i32
      %get3A_968 = arith.index_cast %get3A_967 : i32 to index
      %get3A_969 = arith.constant 80 : index
      %get3A_970 = tpu.vector_load %arg10[%get3A_968, %get3A_969] {strides = array<i32>} : memref<16x128xf32, #tpu.memory_space<vmem>>, vector<1x16xf32>,
      %get3A_971 = vector.shape_cast %get3A_970 : vector<1x16xf32> to vector<16xf32>
      %select_n3A_972 = arith.select %ge3A_924, %get3A_961, %get3A_956 : vector<16xf32>
      %select_n3A_973 = arith.select %ge3A_928, %get3A_971, %get3A_966 : vector<16xf32>
      %mul3A_974 = arith.mulf %select_n3A_972, %select_n3A_973 : vector<16xf32>
      %add3A_975 = arith.addf %mul3A_951, %mul3A_974 : vector<16xf32>
      %get3A_976 = arith.constant 0 : i32
      %get3A_977 = arith.index_cast %get3A_976 : i32 to index
      %get3A_978 = arith.constant 32 : index
      %get3A_979 = tpu.vector_load %arg9[%get3A_977, %get3A_978] {strides = array<i32>} : memref<16x128xf32, #tpu.memory_space<vmem>>, vector<1x16xf32>,
      %get3A_980 = vector.shape_cast %get3A_979 : vector<1x16xf32> to vector<16xf32>
      %get3A_981 = arith.constant 0 : i32
      %get3A_982 = arith.index_cast %get3A_981 : i32 to index
      %get3A_983 = arith.constant 96 : index
      %get3A_984 = tpu.vector_load %arg9[%get3A_982, %get3A_983] {strides = array<i32>} : memref<16x128xf32, #tpu.memory_space<vmem>>, vector<1x16xf32>,
      %get3A_985 = vector.shape_cast %get3A_984 : vector<1x16xf32> to vector<16xf32>
      %get3A_986 = arith.constant 0 : i32
      %get3A_987 = arith.index_cast %get3A_986 : i32 to index
      %get3A_988 = arith.constant 32 : index
      %get3A_989 = tpu.vector_load %arg10[%get3A_987, %get3A_988] {strides = array<i32>} : memref<16x128xf32, #tpu.memory_space<vmem>>, vector<1x16xf32>,
      %get3A_990 = vector.shape_cast %get3A_989 : vector<1x16xf32> to vector<16xf32>
      %get3A_991 = arith.constant 0 : i32
      %get3A_992 = arith.index_cast %get3A_991 : i32 to index
      %get3A_993 = arith.constant 96 : index
      %get3A_994 = tpu.vector_load %arg10[%get3A_992, %get3A_993] {strides = array<i32>} : memref<16x128xf32, #tpu.memory_space<vmem>>, vector<1x16xf32>,
      %get3A_995 = vector.shape_cast %get3A_994 : vector<1x16xf32> to vector<16xf32>
      %select_n3A_996 = arith.select %ge3A_924, %get3A_985, %get3A_980 : vector<16xf32>
      %select_n3A_997 = arith.select %ge3A_928, %get3A_995, %get3A_990 : vector<16xf32>
      %mul3A_998 = arith.mulf %select_n3A_996, %select_n3A_997 : vector<16xf32>
      %add3A_999 = arith.addf %add3A_975, %mul3A_998 : vector<16xf32>
      %get3A_1000 = arith.constant 0 : i32
      %get3A_1001 = arith.index_cast %get3A_1000 : i32 to index
      %get3A_1002 = arith.constant 48 : index
      %get3A_1003 = tpu.vector_load %arg9[%get3A_1001, %get3A_1002] {strides = array<i32>} : memref<16x128xf32, #tpu.memory_space<vmem>>, vector<1x16xf32>,
      %get3A_1004 = vector.shape_cast %get3A_1003 : vector<1x16xf32> to vector<16xf32>
      %get3A_1005 = arith.constant 0 : i32
      %get3A_1006 = arith.index_cast %get3A_1005 : i32 to index
      %get3A_1007 = arith.constant 112 : index
      %get3A_1008 = tpu.vector_load %arg9[%get3A_1006, %get3A_1007] {strides = array<i32>} : memref<16x128xf32, #tpu.memory_space<vmem>>, vector<1x16xf32>,
      %get3A_1009 = vector.shape_cast %get3A_1008 : vector<1x16xf32> to vector<16xf32>
      %get3A_1010 = arith.constant 0 : i32
      %get3A_1011 = arith.index_cast %get3A_1010 : i32 to index
      %get3A_1012 = arith.constant 48 : index
      %get3A_1013 = tpu.vector_load %arg10[%get3A_1011, %get3A_1012] {strides = array<i32>} : memref<16x128xf32, #tpu.memory_space<vmem>>, vector<1x16xf32>,
      %get3A_1014 = vector.shape_cast %get3A_1013 : vector<1x16xf32> to vector<16xf32>
      %get3A_1015 = arith.constant 0 : i32
      %get3A_1016 = arith.index_cast %get3A_1015 : i32 to index
      %get3A_1017 = arith.constant 112 : index
      %get3A_1018 = tpu.vector_load %arg10[%get3A_1016, %get3A_1017] {strides = array<i32>} : memref<16x128xf32, #tpu.memory_space<vmem>>, vector<1x16xf32>,
      %get3A_1019 = vector.shape_cast %get3A_1018 : vector<1x16xf32> to vector<16xf32>
      %select_n3A_1020 = arith.select %ge3A_924, %get3A_1009, %get3A_1004 : vector<16xf32>
      %select_n3A_1021 = arith.select %ge3A_928, %get3A_1019, %get3A_1014 : vector<16xf32>
      %mul3A_1022 = arith.mulf %select_n3A_1020, %select_n3A_1021 : vector<16xf32>
      %add3A_1023 = arith.addf %add3A_999, %mul3A_1022 : vector<16xf32>
      %slice3A_1024 = vector.extract_strided_slice %get3A_12 {offsets = [1], sizes = [1], strides = [1]} : vector<16xi32> to vector<1xi32>
      %squeeze3A_1025 = vector.extract %slice3A_1024[0] : i32 from vector<1xi32>
      %ge3A_1026 = arith.constant 51200 : i32
      %ge3A_1027 = arith.cmpi sge, %squeeze3A_1025, %ge3A_1026 : i32
      %slice3A_1028 = vector.extract_strided_slice %get3A_17 {offsets = [1], sizes = [1], strides = [1]} : vector<16xi32> to vector<1xi32>
      %squeeze3A_1029 = vector.extract %slice3A_1028[0] : i32 from vector<1xi32>
      %ge3A_1030 = arith.constant 51200 : i32
      %ge3A_1031 = arith.cmpi sge, %squeeze3A_1029, %ge3A_1030 : i32
      %get3A_1032 = arith.constant 1 : i32
      %get3A_1033 = arith.index_cast %get3A_1032 : i32 to index
      %get3A_1034 = arith.constant 0 : index
      %get3A_1035 = tpu.vector_load %arg9[%get3A_1033, %get3A_1034] {strides = array<i32>} : memref<16x128xf32, #tpu.memory_space<vmem>>, vector<1x16xf32>,
      %get3A_1036 = vector.shape_cast %get3A_1035 : vector<1x16xf32> to vector<16xf32>
      %get3A_1037 = arith.constant 1 : i32
      %get3A_1038 = arith.index_cast %get3A_1037 : i32 to index
      %get3A_1039 = arith.constant 64 : index
      %get3A_1040 = tpu.vector_load %arg9[%get3A_1038, %get3A_1039] {strides = array<i32>} : memref<16x128xf32, #tpu.memory_space<vmem>>, vector<1x16xf32>,
      %get3A_1041 = vector.shape_cast %get3A_1040 : vector<1x16xf32> to vector<16xf32>
      %get3A_1042 = arith.constant 1 : i32
      %get3A_1043 = arith.index_cast %get3A_1042 : i32 to index
      %get3A_1044 = arith.constant 0 : index
      %get3A_1045 = tpu.vector_load %arg10[%get3A_1043, %get3A_1044] {strides = array<i32>} : memref<16x128xf32, #tpu.memory_space<vmem>>, vector<1x16xf32>,
      %get3A_1046 = vector.shape_cast %get3A_1045 : vector<1x16xf32> to vector<16xf32>
      %get3A_1047 = arith.constant 1 : i32
      %get3A_1048 = arith.index_cast %get3A_1047 : i32 to index
      %get3A_1049 = arith.constant 64 : index
      %get3A_1050 = tpu.vector_load %arg10[%get3A_1048, %get3A_1049] {strides = array<i32>} : memref<16x128xf32, #tpu.memory_space<vmem>>, vector<1x16xf32>,
      %get3A_1051 = vector.shape_cast %get3A_1050 : vector<1x16xf32> to vector<16xf32>
      %select_n3A_1052 = arith.select %ge3A_1027, %get3A_1041, %get3A_1036 : vector<16xf32>
      %select_n3A_1053 = arith.select %ge3A_1031, %get3A_1051, %get3A_1046 : vector<16xf32>
      %mul3A_1054 = arith.mulf %select_n3A_1052, %select_n3A_1053 : vector<16xf32>
      %get3A_1055 = arith.constant 1 : i32
      %get3A_1056 = arith.index_cast %get3A_1055 : i32 to index
      %get3A_1057 = arith.constant 16 : index
      %get3A_1058 = tpu.vector_load %arg9[%get3A_1056, %get3A_1057] {strides = array<i32>} : memref<16x128xf32, #tpu.memory_space<vmem>>, vector<1x16xf32>,
      %get3A_1059 = vector.shape_cast %get3A_1058 : vector<1x16xf32> to vector<16xf32>
      %get3A_1060 = arith.constant 1 : i32
      %get3A_1061 = arith.index_cast %get3A_1060 : i32 to index
      %get3A_1062 = arith.constant 80 : index
      %get3A_1063 = tpu.vector_load %arg9[%get3A_1061, %get3A_1062] {strides = array<i32>} : memref<16x128xf32, #tpu.memory_space<vmem>>, vector<1x16xf32>,
      %get3A_1064 = vector.shape_cast %get3A_1063 : vector<1x16xf32> to vector<16xf32>
      %get3A_1065 = arith.constant 1 : i32
      %get3A_1066 = arith.index_cast %get3A_1065 : i32 to index
      %get3A_1067 = arith.constant 16 : index
      %get3A_1068 = tpu.vector_load %arg10[%get3A_1066, %get3A_1067] {strides = array<i32>} : memref<16x128xf32, #tpu.memory_space<vmem>>, vector<1x16xf32>,
      %get3A_1069 = vector.shape_cast %get3A_1068 : vector<1x16xf32> to vector<16xf32>
      %get3A_1070 = arith.constant 1 : i32
      %get3A_1071 = arith.index_cast %get3A_1070 : i32 to index
      %get3A_1072 = arith.constant 80 : index
      %get3A_1073 = tpu.vector_load %arg10[%get3A_1071, %get3A_1072] {strides = array<i32>} : memref<16x128xf32, #tpu.memory_space<vmem>>, vector<1x16xf32>,
      %get3A_1074 = vector.shape_cast %get3A_1073 : vector<1x16xf32> to vector<16xf32>
      %select_n3A_1075 = arith.select %ge3A_1027, %get3A_1064, %get3A_1059 : vector<16xf32>
      %select_n3A_1076 = arith.select %ge3A_1031, %get3A_1074, %get3A_1069 : vector<16xf32>
      %mul3A_1077 = arith.mulf %select_n3A_1075, %select_n3A_1076 : vector<16xf32>
      %add3A_1078 = arith.addf %mul3A_1054, %mul3A_1077 : vector<16xf32>
      %get3A_1079 = arith.constant 1 : i32
      %get3A_1080 = arith.index_cast %get3A_1079 : i32 to index
      %get3A_1081 = arith.constant 32 : index
      %get3A_1082 = tpu.vector_load %arg9[%get3A_1080, %get3A_1081] {strides = array<i32>} : memref<16x128xf32, #tpu.memory_space<vmem>>, vector<1x16xf32>,
      %get3A_1083 = vector.shape_cast %get3A_1082 : vector<1x16xf32> to vector<16xf32>
      %get3A_1084 = arith.constant 1 : i32
      %get3A_1085 = arith.index_cast %get3A_1084 : i32 to index
      %get3A_1086 = arith.constant 96 : index
      %get3A_1087 = tpu.vector_load %arg9[%get3A_1085, %get3A_1086] {strides = array<i32>} : memref<16x128xf32, #tpu.memory_space<vmem>>, vector<1x16xf32>,
      %get3A_1088 = vector.shape_cast %get3A_1087 : vector<1x16xf32> to vector<16xf32>
      %get3A_1089 = arith.constant 1 : i32
      %get3A_1090 = arith.index_cast %get3A_1089 : i32 to index
      %get3A_1091 = arith.constant 32 : index
      %get3A_1092 = tpu.vector_load %arg10[%get3A_1090, %get3A_1091] {strides = array<i32>} : memref<16x128xf32, #tpu.memory_space<vmem>>, vector<1x16xf32>,
      %get3A_1093 = vector.shape_cast %get3A_1092 : vector<1x16xf32> to vector<16xf32>
      %get3A_1094 = arith.constant 1 : i32
      %get3A_1095 = arith.index_cast %get3A_1094 : i32 to index
      %get3A_1096 = arith.constant 96 : index
      %get3A_1097 = tpu.vector_load %arg10[%get3A_1095, %get3A_1096] {strides = array<i32>} : memref<16x128xf32, #tpu.memory_space<vmem>>, vector<1x16xf32>,
      %get3A_1098 = vector.shape_cast %get3A_1097 : vector<1x16xf32> to vector<16xf32>
      %select_n3A_1099 = arith.select %ge3A_1027, %get3A_1088, %get3A_1083 : vector<16xf32>
      %select_n3A_1100 = arith.select %ge3A_1031, %get3A_1098, %get3A_1093 : vector<16xf32>
      %mul3A_1101 = arith.mulf %select_n3A_1099, %select_n3A_1100 : vector<16xf32>
      %add3A_1102 = arith.addf %add3A_1078, %mul3A_1101 : vector<16xf32>
      %get3A_1103 = arith.constant 1 : i32
      %get3A_1104 = arith.index_cast %get3A_1103 : i32 to index
      %get3A_1105 = arith.constant 48 : index
      %get3A_1106 = tpu.vector_load %arg9[%get3A_1104, %get3A_1105] {strides = array<i32>} : memref<16x128xf32, #tpu.memory_space<vmem>>, vector<1x16xf32>,
      %get3A_1107 = vector.shape_cast %get3A_1106 : vector<1x16xf32> to vector<16xf32>
      %get3A_1108 = arith.constant 1 : i32
      %get3A_1109 = arith.index_cast %get3A_1108 : i32 to index
      %get3A_1110 = arith.constant 112 : index
      %get3A_1111 = tpu.vector_load %arg9[%get3A_1109, %get3A_1110] {strides = array<i32>} : memref<16x128xf32, #tpu.memory_space<vmem>>, vector<1x16xf32>,
      %get3A_1112 = vector.shape_cast %get3A_1111 : vector<1x16xf32> to vector<16xf32>
      %get3A_1113 = arith.constant 1 : i32
      %get3A_1114 = arith.index_cast %get3A_1113 : i32 to index
      %get3A_1115 = arith.constant 48 : index
      %get3A_1116 = tpu.vector_load %arg10[%get3A_1114, %get3A_1115] {strides = array<i32>} : memref<16x128xf32, #tpu.memory_space<vmem>>, vector<1x16xf32>,
      %get3A_1117 = vector.shape_cast %get3A_1116 : vector<1x16xf32> to vector<16xf32>
      %get3A_1118 = arith.constant 1 : i32
      %get3A_1119 = arith.index_cast %get3A_1118 : i32 to index
      %get3A_1120 = arith.constant 112 : index
      %get3A_1121 = tpu.vector_load %arg10[%get3A_1119, %get3A_1120] {strides = array<i32>} : memref<16x128xf32, #tpu.memory_space<vmem>>, vector<1x16xf32>,
      %get3A_1122 = vector.shape_cast %get3A_1121 : vector<1x16xf32> to vector<16xf32>
      %select_n3A_1123 = arith.select %ge3A_1027, %get3A_1112, %get3A_1107 : vector<16xf32>
      %select_n3A_1124 = arith.select %ge3A_1031, %get3A_1122, %get3A_1117 : vector<16xf32>
      %mul3A_1125 = arith.mulf %select_n3A_1123, %select_n3A_1124 : vector<16xf32>
      %add3A_1126 = arith.addf %add3A_1102, %mul3A_1125 : vector<16xf32>
      %slice3A_1127 = vector.extract_strided_slice %get3A_12 {offsets = [2], sizes = [1], strides = [1]} : vector<16xi32> to vector<1xi32>
      %squeeze3A_1128 = vector.extract %slice3A_1127[0] : i32 from vector<1xi32>
      %ge3A_1129 = arith.constant 51200 : i32
      %ge3A_1130 = arith.cmpi sge, %squeeze3A_1128, %ge3A_1129 : i32
      %slice3A_1131 = vector.extract_strided_slice %get3A_17 {offsets = [2], sizes = [1], strides = [1]} : vector<16xi32> to vector<1xi32>
      %squeeze3A_1132 = vector.extract %slice3A_1131[0] : i32 from vector<1xi32>
      %ge3A_1133 = arith.constant 51200 : i32
      %ge3A_1134 = arith.cmpi sge, %squeeze3A_1132, %ge3A_1133 : i32
      %get3A_1135 = arith.constant 2 : i32
      %get3A_1136 = arith.index_cast %get3A_1135 : i32 to index
      %get3A_1137 = arith.constant 0 : index
      %get3A_1138 = tpu.vector_load %arg9[%get3A_1136, %get3A_1137] {strides = array<i32>} : memref<16x128xf32, #tpu.memory_space<vmem>>, vector<1x16xf32>,
      %get3A_1139 = vector.shape_cast %get3A_1138 : vector<1x16xf32> to vector<16xf32>
      %get3A_1140 = arith.constant 2 : i32
      %get3A_1141 = arith.index_cast %get3A_1140 : i32 to index
      %get3A_1142 = arith.constant 64 : index
      %get3A_1143 = tpu.vector_load %arg9[%get3A_1141, %get3A_1142] {strides = array<i32>} : memref<16x128xf32, #tpu.memory_space<vmem>>, vector<1x16xf32>,
      %get3A_1144 = vector.shape_cast %get3A_1143 : vector<1x16xf32> to vector<16xf32>
      %get3A_1145 = arith.constant 2 : i32
      %get3A_1146 = arith.index_cast %get3A_1145 : i32 to index
      %get3A_1147 = arith.constant 0 : index
      %get3A_1148 = tpu.vector_load %arg10[%get3A_1146, %get3A_1147] {strides = array<i32>} : memref<16x128xf32, #tpu.memory_space<vmem>>, vector<1x16xf32>,
      %get3A_1149 = vector.shape_cast %get3A_1148 : vector<1x16xf32> to vector<16xf32>
      %get3A_1150 = arith.constant 2 : i32
      %get3A_1151 = arith.index_cast %get3A_1150 : i32 to index
      %get3A_1152 = arith.constant 64 : index
      %get3A_1153 = tpu.vector_load %arg10[%get3A_1151, %get3A_1152] {strides = array<i32>} : memref<16x128xf32, #tpu.memory_space<vmem>>, vector<1x16xf32>,
      %get3A_1154 = vector.shape_cast %get3A_1153 : vector<1x16xf32> to vector<16xf32>
      %select_n3A_1155 = arith.select %ge3A_1130, %get3A_1144, %get3A_1139 : vector<16xf32>
      %select_n3A_1156 = arith.select %ge3A_1134, %get3A_1154, %get3A_1149 : vector<16xf32>
      %mul3A_1157 = arith.mulf %select_n3A_1155, %select_n3A_1156 : vector<16xf32>
      %get3A_1158 = arith.constant 2 : i32
      %get3A_1159 = arith.index_cast %get3A_1158 : i32 to index
      %get3A_1160 = arith.constant 16 : index
      %get3A_1161 = tpu.vector_load %arg9[%get3A_1159, %get3A_1160] {strides = array<i32>} : memref<16x128xf32, #tpu.memory_space<vmem>>, vector<1x16xf32>,
      %get3A_1162 = vector.shape_cast %get3A_1161 : vector<1x16xf32> to vector<16xf32>
      %get3A_1163 = arith.constant 2 : i32
      %get3A_1164 = arith.index_cast %get3A_1163 : i32 to index
      %get3A_1165 = arith.constant 80 : index
      %get3A_1166 = tpu.vector_load %arg9[%get3A_1164, %get3A_1165] {strides = array<i32>} : memref<16x128xf32, #tpu.memory_space<vmem>>, vector<1x16xf32>,
      %get3A_1167 = vector.shape_cast %get3A_1166 : vector<1x16xf32> to vector<16xf32>
      %get3A_1168 = arith.constant 2 : i32
      %get3A_1169 = arith.index_cast %get3A_1168 : i32 to index
      %get3A_1170 = arith.constant 16 : index
      %get3A_1171 = tpu.vector_load %arg10[%get3A_1169, %get3A_1170] {strides = array<i32>} : memref<16x128xf32, #tpu.memory_space<vmem>>, vector<1x16xf32>,
      %get3A_1172 = vector.shape_cast %get3A_1171 : vector<1x16xf32> to vector<16xf32>
      %get3A_1173 = arith.constant 2 : i32
      %get3A_1174 = arith.index_cast %get3A_1173 : i32 to index
      %get3A_1175 = arith.constant 80 : index
      %get3A_1176 = tpu.vector_load %arg10[%get3A_1174, %get3A_1175] {strides = array<i32>} : memref<16x128xf32, #tpu.memory_space<vmem>>, vector<1x16xf32>,
      %get3A_1177 = vector.shape_cast %get3A_1176 : vector<1x16xf32> to vector<16xf32>
      %select_n3A_1178 = arith.select %ge3A_1130, %get3A_1167, %get3A_1162 : vector<16xf32>
      %select_n3A_1179 = arith.select %ge3A_1134, %get3A_1177, %get3A_1172 : vector<16xf32>
      %mul3A_1180 = arith.mulf %select_n3A_1178, %select_n3A_1179 : vector<16xf32>
      %add3A_1181 = arith.addf %mul3A_1157, %mul3A_1180 : vector<16xf32>
      %get3A_1182 = arith.constant 2 : i32
      %get3A_1183 = arith.index_cast %get3A_1182 : i32 to index
      %get3A_1184 = arith.constant 32 : index
      %get3A_1185 = tpu.vector_load %arg9[%get3A_1183, %get3A_1184] {strides = array<i32>} : memref<16x128xf32, #tpu.memory_space<vmem>>, vector<1x16xf32>,
      %get3A_1186 = vector.shape_cast %get3A_1185 : vector<1x16xf32> to vector<16xf32>
      %get3A_1187 = arith.constant 2 : i32
      %get3A_1188 = arith.index_cast %get3A_1187 : i32 to index
      %get3A_1189 = arith.constant 96 : index
      %get3A_1190 = tpu.vector_load %arg9[%get3A_1188, %get3A_1189] {strides = array<i32>} : memref<16x128xf32, #tpu.memory_space<vmem>>, vector<1x16xf32>,
      %get3A_1191 = vector.shape_cast %get3A_1190 : vector<1x16xf32> to vector<16xf32>
      %get3A_1192 = arith.constant 2 : i32
      %get3A_1193 = arith.index_cast %get3A_1192 : i32 to index
      %get3A_1194 = arith.constant 32 : index
      %get3A_1195 = tpu.vector_load %arg10[%get3A_1193, %get3A_1194] {strides = array<i32>} : memref<16x128xf32, #tpu.memory_space<vmem>>, vector<1x16xf32>,
      %get3A_1196 = vector.shape_cast %get3A_1195 : vector<1x16xf32> to vector<16xf32>
      %get3A_1197 = arith.constant 2 : i32
      %get3A_1198 = arith.index_cast %get3A_1197 : i32 to index
      %get3A_1199 = arith.constant 96 : index
      %get3A_1200 = tpu.vector_load %arg10[%get3A_1198, %get3A_1199] {strides = array<i32>} : memref<16x128xf32, #tpu.memory_space<vmem>>, vector<1x16xf32>,
      %get3A_1201 = vector.shape_cast %get3A_1200 : vector<1x16xf32> to vector<16xf32>
      %select_n3A_1202 = arith.select %ge3A_1130, %get3A_1191, %get3A_1186 : vector<16xf32>
      %select_n3A_1203 = arith.select %ge3A_1134, %get3A_1201, %get3A_1196 : vector<16xf32>
      %mul3A_1204 = arith.mulf %select_n3A_1202, %select_n3A_1203 : vector<16xf32>
      %add3A_1205 = arith.addf %add3A_1181, %mul3A_1204 : vector<16xf32>
      %get3A_1206 = arith.constant 2 : i32
      %get3A_1207 = arith.index_cast %get3A_1206 : i32 to index
      %get3A_1208 = arith.constant 48 : index
      %get3A_1209 = tpu.vector_load %arg9[%get3A_1207, %get3A_1208] {strides = array<i32>} : memref<16x128xf32, #tpu.memory_space<vmem>>, vector<1x16xf32>,
      %get3A_1210 = vector.shape_cast %get3A_1209 : vector<1x16xf32> to vector<16xf32>
      %get3A_1211 = arith.constant 2 : i32
      %get3A_1212 = arith.index_cast %get3A_1211 : i32 to index
      %get3A_1213 = arith.constant 112 : index
      %get3A_1214 = tpu.vector_load %arg9[%get3A_1212, %get3A_1213] {strides = array<i32>} : memref<16x128xf32, #tpu.memory_space<vmem>>, vector<1x16xf32>,
      %get3A_1215 = vector.shape_cast %get3A_1214 : vector<1x16xf32> to vector<16xf32>
      %get3A_1216 = arith.constant 2 : i32
      %get3A_1217 = arith.index_cast %get3A_1216 : i32 to index
      %get3A_1218 = arith.constant 48 : index
      %get3A_1219 = tpu.vector_load %arg10[%get3A_1217, %get3A_1218] {strides = array<i32>} : memref<16x128xf32, #tpu.memory_space<vmem>>, vector<1x16xf32>,
      %get3A_1220 = vector.shape_cast %get3A_1219 : vector<1x16xf32> to vector<16xf32>
      %get3A_1221 = arith.constant 2 : i32
      %get3A_1222 = arith.index_cast %get3A_1221 : i32 to index
      %get3A_1223 = arith.constant 112 : index
      %get3A_1224 = tpu.vector_load %arg10[%get3A_1222, %get3A_1223] {strides = array<i32>} : memref<16x128xf32, #tpu.memory_space<vmem>>, vector<1x16xf32>,
      %get3A_1225 = vector.shape_cast %get3A_1224 : vector<1x16xf32> to vector<16xf32>
      %select_n3A_1226 = arith.select %ge3A_1130, %get3A_1215, %get3A_1210 : vector<16xf32>
      %select_n3A_1227 = arith.select %ge3A_1134, %get3A_1225, %get3A_1220 : vector<16xf32>
      %mul3A_1228 = arith.mulf %select_n3A_1226, %select_n3A_1227 : vector<16xf32>
      %add3A_1229 = arith.addf %add3A_1205, %mul3A_1228 : vector<16xf32>
      %slice3A_1230 = vector.extract_strided_slice %get3A_12 {offsets = [3], sizes = [1], strides = [1]} : vector<16xi32> to vector<1xi32>
      %squeeze3A_1231 = vector.extract %slice3A_1230[0] : i32 from vector<1xi32>
      %ge3A_1232 = arith.constant 51200 : i32
      %ge3A_1233 = arith.cmpi sge, %squeeze3A_1231, %ge3A_1232 : i32
      %slice3A_1234 = vector.extract_strided_slice %get3A_17 {offsets = [3], sizes = [1], strides = [1]} : vector<16xi32> to vector<1xi32>
      %squeeze3A_1235 = vector.extract %slice3A_1234[0] : i32 from vector<1xi32>
      %ge3A_1236 = arith.constant 51200 : i32
      %ge3A_1237 = arith.cmpi sge, %squeeze3A_1235, %ge3A_1236 : i32
      %get3A_1238 = arith.constant 3 : i32
      %get3A_1239 = arith.index_cast %get3A_1238 : i32 to index
      %get3A_1240 = arith.constant 0 : index
      %get3A_1241 = tpu.vector_load %arg9[%get3A_1239, %get3A_1240] {strides = array<i32>} : memref<16x128xf32, #tpu.memory_space<vmem>>, vector<1x16xf32>,
      %get3A_1242 = vector.shape_cast %get3A_1241 : vector<1x16xf32> to vector<16xf32>
      %get3A_1243 = arith.constant 3 : i32
      %get3A_1244 = arith.index_cast %get3A_1243 : i32 to index
      %get3A_1245 = arith.constant 64 : index
      %get3A_1246 = tpu.vector_load %arg9[%get3A_1244, %get3A_1245] {strides = array<i32>} : memref<16x128xf32, #tpu.memory_space<vmem>>, vector<1x16xf32>,
      %get3A_1247 = vector.shape_cast %get3A_1246 : vector<1x16xf32> to vector<16xf32>
      %get3A_1248 = arith.constant 3 : i32
      %get3A_1249 = arith.index_cast %get3A_1248 : i32 to index
      %get3A_1250 = arith.constant 0 : index
      %get3A_1251 = tpu.vector_load %arg10[%get3A_1249, %get3A_1250] {strides = array<i32>} : memref<16x128xf32, #tpu.memory_space<vmem>>, vector<1x16xf32>,
      %get3A_1252 = vector.shape_cast %get3A_1251 : vector<1x16xf32> to vector<16xf32>
      %get3A_1253 = arith.constant 3 : i32
      %get3A_1254 = arith.index_cast %get3A_1253 : i32 to index
      %get3A_1255 = arith.constant 64 : index
      %get3A_1256 = tpu.vector_load %arg10[%get3A_1254, %get3A_1255] {strides = array<i32>} : memref<16x128xf32, #tpu.memory_space<vmem>>, vector<1x16xf32>,
      %get3A_1257 = vector.shape_cast %get3A_1256 : vector<1x16xf32> to vector<16xf32>
      %select_n3A_1258 = arith.select %ge3A_1233, %get3A_1247, %get3A_1242 : vector<16xf32>
      %select_n3A_1259 = arith.select %ge3A_1237, %get3A_1257, %get3A_1252 : vector<16xf32>
      %mul3A_1260 = arith.mulf %select_n3A_1258, %select_n3A_1259 : vector<16xf32>
      %get3A_1261 = arith.constant 3 : i32
      %get3A_1262 = arith.index_cast %get3A_1261 : i32 to index
      %get3A_1263 = arith.constant 16 : index
      %get3A_1264 = tpu.vector_load %arg9[%get3A_1262, %get3A_1263] {strides = array<i32>} : memref<16x128xf32, #tpu.memory_space<vmem>>, vector<1x16xf32>,
      %get3A_1265 = vector.shape_cast %get3A_1264 : vector<1x16xf32> to vector<16xf32>
      %get3A_1266 = arith.constant 3 : i32
      %get3A_1267 = arith.index_cast %get3A_1266 : i32 to index
      %get3A_1268 = arith.constant 80 : index
      %get3A_1269 = tpu.vector_load %arg9[%get3A_1267, %get3A_1268] {strides = array<i32>} : memref<16x128xf32, #tpu.memory_space<vmem>>, vector<1x16xf32>,
      %get3A_1270 = vector.shape_cast %get3A_1269 : vector<1x16xf32> to vector<16xf32>
      %get3A_1271 = arith.constant 3 : i32
      %get3A_1272 = arith.index_cast %get3A_1271 : i32 to index
      %get3A_1273 = arith.constant 16 : index
      %get3A_1274 = tpu.vector_load %arg10[%get3A_1272, %get3A_1273] {strides = array<i32>} : memref<16x128xf32, #tpu.memory_space<vmem>>, vector<1x16xf32>,
      %get3A_1275 = vector.shape_cast %get3A_1274 : vector<1x16xf32> to vector<16xf32>
      %get3A_1276 = arith.constant 3 : i32
      %get3A_1277 = arith.index_cast %get3A_1276 : i32 to index
      %get3A_1278 = arith.constant 80 : index
      %get3A_1279 = tpu.vector_load %arg10[%get3A_1277, %get3A_1278] {strides = array<i32>} : memref<16x128xf32, #tpu.memory_space<vmem>>, vector<1x16xf32>,
      %get3A_1280 = vector.shape_cast %get3A_1279 : vector<1x16xf32> to vector<16xf32>
      %select_n3A_1281 = arith.select %ge3A_1233, %get3A_1270, %get3A_1265 : vector<16xf32>
      %select_n3A_1282 = arith.select %ge3A_1237, %get3A_1280, %get3A_1275 : vector<16xf32>
      %mul3A_1283 = arith.mulf %select_n3A_1281, %select_n3A_1282 : vector<16xf32>
      %add3A_1284 = arith.addf %mul3A_1260, %mul3A_1283 : vector<16xf32>
      %get3A_1285 = arith.constant 3 : i32
      %get3A_1286 = arith.index_cast %get3A_1285 : i32 to index
      %get3A_1287 = arith.constant 32 : index
      %get3A_1288 = tpu.vector_load %arg9[%get3A_1286, %get3A_1287] {strides = array<i32>} : memref<16x128xf32, #tpu.memory_space<vmem>>, vector<1x16xf32>,
      %get3A_1289 = vector.shape_cast %get3A_1288 : vector<1x16xf32> to vector<16xf32>
      %get3A_1290 = arith.constant 3 : i32
      %get3A_1291 = arith.index_cast %get3A_1290 : i32 to index
      %get3A_1292 = arith.constant 96 : index
      %get3A_1293 = tpu.vector_load %arg9[%get3A_1291, %get3A_1292] {strides = array<i32>} : memref<16x128xf32, #tpu.memory_space<vmem>>, vector<1x16xf32>,
      %get3A_1294 = vector.shape_cast %get3A_1293 : vector<1x16xf32> to vector<16xf32>
      %get3A_1295 = arith.constant 3 : i32
      %get3A_1296 = arith.index_cast %get3A_1295 : i32 to index
      %get3A_1297 = arith.constant 32 : index
      %get3A_1298 = tpu.vector_load %arg10[%get3A_1296, %get3A_1297] {strides = array<i32>} : memref<16x128xf32, #tpu.memory_space<vmem>>, vector<1x16xf32>,
      %get3A_1299 = vector.shape_cast %get3A_1298 : vector<1x16xf32> to vector<16xf32>
      %get3A_1300 = arith.constant 3 : i32
      %get3A_1301 = arith.index_cast %get3A_1300 : i32 to index
      %get3A_1302 = arith.constant 96 : index
      %get3A_1303 = tpu.vector_load %arg10[%get3A_1301, %get3A_1302] {strides = array<i32>} : memref<16x128xf32, #tpu.memory_space<vmem>>, vector<1x16xf32>,
      %get3A_1304 = vector.shape_cast %get3A_1303 : vector<1x16xf32> to vector<16xf32>
      %select_n3A_1305 = arith.select %ge3A_1233, %get3A_1294, %get3A_1289 : vector<16xf32>
      %select_n3A_1306 = arith.select %ge3A_1237, %get3A_1304, %get3A_1299 : vector<16xf32>
      %mul3A_1307 = arith.mulf %select_n3A_1305, %select_n3A_1306 : vector<16xf32>
      %add3A_1308 = arith.addf %add3A_1284, %mul3A_1307 : vector<16xf32>
      %get3A_1309 = arith.constant 3 : i32
      %get3A_1310 = arith.index_cast %get3A_1309 : i32 to index
      %get3A_1311 = arith.constant 48 : index
      %get3A_1312 = tpu.vector_load %arg9[%get3A_1310, %get3A_1311] {strides = array<i32>} : memref<16x128xf32, #tpu.memory_space<vmem>>, vector<1x16xf32>,
      %get3A_1313 = vector.shape_cast %get3A_1312 : vector<1x16xf32> to vector<16xf32>
      %get3A_1314 = arith.constant 3 : i32
      %get3A_1315 = arith.index_cast %get3A_1314 : i32 to index
      %get3A_1316 = arith.constant 112 : index
      %get3A_1317 = tpu.vector_load %arg9[%get3A_1315, %get3A_1316] {strides = array<i32>} : memref<16x128xf32, #tpu.memory_space<vmem>>, vector<1x16xf32>,
      %get3A_1318 = vector.shape_cast %get3A_1317 : vector<1x16xf32> to vector<16xf32>
      %get3A_1319 = arith.constant 3 : i32
      %get3A_1320 = arith.index_cast %get3A_1319 : i32 to index
      %get3A_1321 = arith.constant 48 : index
      %get3A_1322 = tpu.vector_load %arg10[%get3A_1320, %get3A_1321] {strides = array<i32>} : memref<16x128xf32, #tpu.memory_space<vmem>>, vector<1x16xf32>,
      %get3A_1323 = vector.shape_cast %get3A_1322 : vector<1x16xf32> to vector<16xf32>
      %get3A_1324 = arith.constant 3 : i32
      %get3A_1325 = arith.index_cast %get3A_1324 : i32 to index
      %get3A_1326 = arith.constant 112 : index
      %get3A_1327 = tpu.vector_load %arg10[%get3A_1325, %get3A_1326] {strides = array<i32>} : memref<16x128xf32, #tpu.memory_space<vmem>>, vector<1x16xf32>,
      %get3A_1328 = vector.shape_cast %get3A_1327 : vector<1x16xf32> to vector<16xf32>
      %select_n3A_1329 = arith.select %ge3A_1233, %get3A_1318, %get3A_1313 : vector<16xf32>
      %select_n3A_1330 = arith.select %ge3A_1237, %get3A_1328, %get3A_1323 : vector<16xf32>
      %mul3A_1331 = arith.mulf %select_n3A_1329, %select_n3A_1330 : vector<16xf32>
      %add3A_1332 = arith.addf %add3A_1308, %mul3A_1331 : vector<16xf32>
      %slice3A_1333 = vector.extract_strided_slice %get3A_12 {offsets = [4], sizes = [1], strides = [1]} : vector<16xi32> to vector<1xi32>
      %squeeze3A_1334 = vector.extract %slice3A_1333[0] : i32 from vector<1xi32>
      %ge3A_1335 = arith.constant 51200 : i32
      %ge3A_1336 = arith.cmpi sge, %squeeze3A_1334, %ge3A_1335 : i32
      %slice3A_1337 = vector.extract_strided_slice %get3A_17 {offsets = [4], sizes = [1], strides = [1]} : vector<16xi32> to vector<1xi32>
      %squeeze3A_1338 = vector.extract %slice3A_1337[0] : i32 from vector<1xi32>
      %ge3A_1339 = arith.constant 51200 : i32
      %ge3A_1340 = arith.cmpi sge, %squeeze3A_1338, %ge3A_1339 : i32
      %get3A_1341 = arith.constant 4 : i32
      %get3A_1342 = arith.index_cast %get3A_1341 : i32 to index
      %get3A_1343 = arith.constant 0 : index
      %get3A_1344 = tpu.vector_load %arg9[%get3A_1342, %get3A_1343] {strides = array<i32>} : memref<16x128xf32, #tpu.memory_space<vmem>>, vector<1x16xf32>,
      %get3A_1345 = vector.shape_cast %get3A_1344 : vector<1x16xf32> to vector<16xf32>
      %get3A_1346 = arith.constant 4 : i32
      %get3A_1347 = arith.index_cast %get3A_1346 : i32 to index
      %get3A_1348 = arith.constant 64 : index
      %get3A_1349 = tpu.vector_load %arg9[%get3A_1347, %get3A_1348] {strides = array<i32>} : memref<16x128xf32, #tpu.memory_space<vmem>>, vector<1x16xf32>,
      %get3A_1350 = vector.shape_cast %get3A_1349 : vector<1x16xf32> to vector<16xf32>
      %get3A_1351 = arith.constant 4 : i32
      %get3A_1352 = arith.index_cast %get3A_1351 : i32 to index
      %get3A_1353 = arith.constant 0 : index
      %get3A_1354 = tpu.vector_load %arg10[%get3A_1352, %get3A_1353] {strides = array<i32>} : memref<16x128xf32, #tpu.memory_space<vmem>>, vector<1x16xf32>,
      %get3A_1355 = vector.shape_cast %get3A_1354 : vector<1x16xf32> to vector<16xf32>
      %get3A_1356 = arith.constant 4 : i32
      %get3A_1357 = arith.index_cast %get3A_1356 : i32 to index
      %get3A_1358 = arith.constant 64 : index
      %get3A_1359 = tpu.vector_load %arg10[%get3A_1357, %get3A_1358] {strides = array<i32>} : memref<16x128xf32, #tpu.memory_space<vmem>>, vector<1x16xf32>,
      %get3A_1360 = vector.shape_cast %get3A_1359 : vector<1x16xf32> to vector<16xf32>
      %select_n3A_1361 = arith.select %ge3A_1336, %get3A_1350, %get3A_1345 : vector<16xf32>
      %select_n3A_1362 = arith.select %ge3A_1340, %get3A_1360, %get3A_1355 : vector<16xf32>
      %mul3A_1363 = arith.mulf %select_n3A_1361, %select_n3A_1362 : vector<16xf32>
      %get3A_1364 = arith.constant 4 : i32
      %get3A_1365 = arith.index_cast %get3A_1364 : i32 to index
      %get3A_1366 = arith.constant 16 : index
      %get3A_1367 = tpu.vector_load %arg9[%get3A_1365, %get3A_1366] {strides = array<i32>} : memref<16x128xf32, #tpu.memory_space<vmem>>, vector<1x16xf32>,
      %get3A_1368 = vector.shape_cast %get3A_1367 : vector<1x16xf32> to vector<16xf32>
      %get3A_1369 = arith.constant 4 : i32
      %get3A_1370 = arith.index_cast %get3A_1369 : i32 to index
      %get3A_1371 = arith.constant 80 : index
      %get3A_1372 = tpu.vector_load %arg9[%get3A_1370, %get3A_1371] {strides = array<i32>} : memref<16x128xf32, #tpu.memory_space<vmem>>, vector<1x16xf32>,
      %get3A_1373 = vector.shape_cast %get3A_1372 : vector<1x16xf32> to vector<16xf32>
      %get3A_1374 = arith.constant 4 : i32
      %get3A_1375 = arith.index_cast %get3A_1374 : i32 to index
      %get3A_1376 = arith.constant 16 : index
      %get3A_1377 = tpu.vector_load %arg10[%get3A_1375, %get3A_1376] {strides = array<i32>} : memref<16x128xf32, #tpu.memory_space<vmem>>, vector<1x16xf32>,
      %get3A_1378 = vector.shape_cast %get3A_1377 : vector<1x16xf32> to vector<16xf32>
      %get3A_1379 = arith.constant 4 : i32
      %get3A_1380 = arith.index_cast %get3A_1379 : i32 to index
      %get3A_1381 = arith.constant 80 : index
      %get3A_1382 = tpu.vector_load %arg10[%get3A_1380, %get3A_1381] {strides = array<i32>} : memref<16x128xf32, #tpu.memory_space<vmem>>, vector<1x16xf32>,
      %get3A_1383 = vector.shape_cast %get3A_1382 : vector<1x16xf32> to vector<16xf32>
      %select_n3A_1384 = arith.select %ge3A_1336, %get3A_1373, %get3A_1368 : vector<16xf32>
      %select_n3A_1385 = arith.select %ge3A_1340, %get3A_1383, %get3A_1378 : vector<16xf32>
      %mul3A_1386 = arith.mulf %select_n3A_1384, %select_n3A_1385 : vector<16xf32>
      %add3A_1387 = arith.addf %mul3A_1363, %mul3A_1386 : vector<16xf32>
      %get3A_1388 = arith.constant 4 : i32
      %get3A_1389 = arith.index_cast %get3A_1388 : i32 to index
      %get3A_1390 = arith.constant 32 : index
      %get3A_1391 = tpu.vector_load %arg9[%get3A_1389, %get3A_1390] {strides = array<i32>} : memref<16x128xf32, #tpu.memory_space<vmem>>, vector<1x16xf32>,
      %get3A_1392 = vector.shape_cast %get3A_1391 : vector<1x16xf32> to vector<16xf32>
      %get3A_1393 = arith.constant 4 : i32
      %get3A_1394 = arith.index_cast %get3A_1393 : i32 to index
      %get3A_1395 = arith.constant 96 : index
      %get3A_1396 = tpu.vector_load %arg9[%get3A_1394, %get3A_1395] {strides = array<i32>} : memref<16x128xf32, #tpu.memory_space<vmem>>, vector<1x16xf32>,
      %get3A_1397 = vector.shape_cast %get3A_1396 : vector<1x16xf32> to vector<16xf32>
      %get3A_1398 = arith.constant 4 : i32
      %get3A_1399 = arith.index_cast %get3A_1398 : i32 to index
      %get3A_1400 = arith.constant 32 : index
      %get3A_1401 = tpu.vector_load %arg10[%get3A_1399, %get3A_1400] {strides = array<i32>} : memref<16x128xf32, #tpu.memory_space<vmem>>, vector<1x16xf32>,
      %get3A_1402 = vector.shape_cast %get3A_1401 : vector<1x16xf32> to vector<16xf32>
      %get3A_1403 = arith.constant 4 : i32
      %get3A_1404 = arith.index_cast %get3A_1403 : i32 to index
      %get3A_1405 = arith.constant 96 : index
      %get3A_1406 = tpu.vector_load %arg10[%get3A_1404, %get3A_1405] {strides = array<i32>} : memref<16x128xf32, #tpu.memory_space<vmem>>, vector<1x16xf32>,
      %get3A_1407 = vector.shape_cast %get3A_1406 : vector<1x16xf32> to vector<16xf32>
      %select_n3A_1408 = arith.select %ge3A_1336, %get3A_1397, %get3A_1392 : vector<16xf32>
      %select_n3A_1409 = arith.select %ge3A_1340, %get3A_1407, %get3A_1402 : vector<16xf32>
      %mul3A_1410 = arith.mulf %select_n3A_1408, %select_n3A_1409 : vector<16xf32>
      %add3A_1411 = arith.addf %add3A_1387, %mul3A_1410 : vector<16xf32>
      %get3A_1412 = arith.constant 4 : i32
      %get3A_1413 = arith.index_cast %get3A_1412 : i32 to index
      %get3A_1414 = arith.constant 48 : index
      %get3A_1415 = tpu.vector_load %arg9[%get3A_1413, %get3A_1414] {strides = array<i32>} : memref<16x128xf32, #tpu.memory_space<vmem>>, vector<1x16xf32>,
      %get3A_1416 = vector.shape_cast %get3A_1415 : vector<1x16xf32> to vector<16xf32>
      %get3A_1417 = arith.constant 4 : i32
      %get3A_1418 = arith.index_cast %get3A_1417 : i32 to index
      %get3A_1419 = arith.constant 112 : index
      %get3A_1420 = tpu.vector_load %arg9[%get3A_1418, %get3A_1419] {strides = array<i32>} : memref<16x128xf32, #tpu.memory_space<vmem>>, vector<1x16xf32>,
      %get3A_1421 = vector.shape_cast %get3A_1420 : vector<1x16xf32> to vector<16xf32>
      %get3A_1422 = arith.constant 4 : i32
      %get3A_1423 = arith.index_cast %get3A_1422 : i32 to index
      %get3A_1424 = arith.constant 48 : index
      %get3A_1425 = tpu.vector_load %arg10[%get3A_1423, %get3A_1424] {strides = array<i32>} : memref<16x128xf32, #tpu.memory_space<vmem>>, vector<1x16xf32>,
      %get3A_1426 = vector.shape_cast %get3A_1425 : vector<1x16xf32> to vector<16xf32>
      %get3A_1427 = arith.constant 4 : i32
      %get3A_1428 = arith.index_cast %get3A_1427 : i32 to index
      %get3A_1429 = arith.constant 112 : index
      %get3A_1430 = tpu.vector_load %arg10[%get3A_1428, %get3A_1429] {strides = array<i32>} : memref<16x128xf32, #tpu.memory_space<vmem>>, vector<1x16xf32>,
      %get3A_1431 = vector.shape_cast %get3A_1430 : vector<1x16xf32> to vector<16xf32>
      %select_n3A_1432 = arith.select %ge3A_1336, %get3A_1421, %get3A_1416 : vector<16xf32>
      %select_n3A_1433 = arith.select %ge3A_1340, %get3A_1431, %get3A_1426 : vector<16xf32>
      %mul3A_1434 = arith.mulf %select_n3A_1432, %select_n3A_1433 : vector<16xf32>
      %add3A_1435 = arith.addf %add3A_1411, %mul3A_1434 : vector<16xf32>
      %slice3A_1436 = vector.extract_strided_slice %get3A_12 {offsets = [5], sizes = [1], strides = [1]} : vector<16xi32> to vector<1xi32>
      %squeeze3A_1437 = vector.extract %slice3A_1436[0] : i32 from vector<1xi32>
      %ge3A_1438 = arith.constant 51200 : i32
      %ge3A_1439 = arith.cmpi sge, %squeeze3A_1437, %ge3A_1438 : i32
      %slice3A_1440 = vector.extract_strided_slice %get3A_17 {offsets = [5], sizes = [1], strides = [1]} : vector<16xi32> to vector<1xi32>
      %squeeze3A_1441 = vector.extract %slice3A_1440[0] : i32 from vector<1xi32>
      %ge3A_1442 = arith.constant 51200 : i32
      %ge3A_1443 = arith.cmpi sge, %squeeze3A_1441, %ge3A_1442 : i32
      %get3A_1444 = arith.constant 5 : i32
      %get3A_1445 = arith.index_cast %get3A_1444 : i32 to index
      %get3A_1446 = arith.constant 0 : index
      %get3A_1447 = tpu.vector_load %arg9[%get3A_1445, %get3A_1446] {strides = array<i32>} : memref<16x128xf32, #tpu.memory_space<vmem>>, vector<1x16xf32>,
      %get3A_1448 = vector.shape_cast %get3A_1447 : vector<1x16xf32> to vector<16xf32>
      %get3A_1449 = arith.constant 5 : i32
      %get3A_1450 = arith.index_cast %get3A_1449 : i32 to index
      %get3A_1451 = arith.constant 64 : index
      %get3A_1452 = tpu.vector_load %arg9[%get3A_1450, %get3A_1451] {strides = array<i32>} : memref<16x128xf32, #tpu.memory_space<vmem>>, vector<1x16xf32>,
      %get3A_1453 = vector.shape_cast %get3A_1452 : vector<1x16xf32> to vector<16xf32>
      %get3A_1454 = arith.constant 5 : i32
      %get3A_1455 = arith.index_cast %get3A_1454 : i32 to index
      %get3A_1456 = arith.constant 0 : index
      %get3A_1457 = tpu.vector_load %arg10[%get3A_1455, %get3A_1456] {strides = array<i32>} : memref<16x128xf32, #tpu.memory_space<vmem>>, vector<1x16xf32>,
      %get3A_1458 = vector.shape_cast %get3A_1457 : vector<1x16xf32> to vector<16xf32>
      %get3A_1459 = arith.constant 5 : i32
      %get3A_1460 = arith.index_cast %get3A_1459 : i32 to index
      %get3A_1461 = arith.constant 64 : index
      %get3A_1462 = tpu.vector_load %arg10[%get3A_1460, %get3A_1461] {strides = array<i32>} : memref<16x128xf32, #tpu.memory_space<vmem>>, vector<1x16xf32>,
      %get3A_1463 = vector.shape_cast %get3A_1462 : vector<1x16xf32> to vector<16xf32>
      %select_n3A_1464 = arith.select %ge3A_1439, %get3A_1453, %get3A_1448 : vector<16xf32>
      %select_n3A_1465 = arith.select %ge3A_1443, %get3A_1463, %get3A_1458 : vector<16xf32>
      %mul3A_1466 = arith.mulf %select_n3A_1464, %select_n3A_1465 : vector<16xf32>
      %get3A_1467 = arith.constant 5 : i32
      %get3A_1468 = arith.index_cast %get3A_1467 : i32 to index
      %get3A_1469 = arith.constant 16 : index
      %get3A_1470 = tpu.vector_load %arg9[%get3A_1468, %get3A_1469] {strides = array<i32>} : memref<16x128xf32, #tpu.memory_space<vmem>>, vector<1x16xf32>,
      %get3A_1471 = vector.shape_cast %get3A_1470 : vector<1x16xf32> to vector<16xf32>
      %get3A_1472 = arith.constant 5 : i32
      %get3A_1473 = arith.index_cast %get3A_1472 : i32 to index
      %get3A_1474 = arith.constant 80 : index
      %get3A_1475 = tpu.vector_load %arg9[%get3A_1473, %get3A_1474] {strides = array<i32>} : memref<16x128xf32, #tpu.memory_space<vmem>>, vector<1x16xf32>,
      %get3A_1476 = vector.shape_cast %get3A_1475 : vector<1x16xf32> to vector<16xf32>
      %get3A_1477 = arith.constant 5 : i32
      %get3A_1478 = arith.index_cast %get3A_1477 : i32 to index
      %get3A_1479 = arith.constant 16 : index
      %get3A_1480 = tpu.vector_load %arg10[%get3A_1478, %get3A_1479] {strides = array<i32>} : memref<16x128xf32, #tpu.memory_space<vmem>>, vector<1x16xf32>,
      %get3A_1481 = vector.shape_cast %get3A_1480 : vector<1x16xf32> to vector<16xf32>
      %get3A_1482 = arith.constant 5 : i32
      %get3A_1483 = arith.index_cast %get3A_1482 : i32 to index
      %get3A_1484 = arith.constant 80 : index
      %get3A_1485 = tpu.vector_load %arg10[%get3A_1483, %get3A_1484] {strides = array<i32>} : memref<16x128xf32, #tpu.memory_space<vmem>>, vector<1x16xf32>,
      %get3A_1486 = vector.shape_cast %get3A_1485 : vector<1x16xf32> to vector<16xf32>
      %select_n3A_1487 = arith.select %ge3A_1439, %get3A_1476, %get3A_1471 : vector<16xf32>
      %select_n3A_1488 = arith.select %ge3A_1443, %get3A_1486, %get3A_1481 : vector<16xf32>
      %mul3A_1489 = arith.mulf %select_n3A_1487, %select_n3A_1488 : vector<16xf32>
      %add3A_1490 = arith.addf %mul3A_1466, %mul3A_1489 : vector<16xf32>
      %get3A_1491 = arith.constant 5 : i32
      %get3A_1492 = arith.index_cast %get3A_1491 : i32 to index
      %get3A_1493 = arith.constant 32 : index
      %get3A_1494 = tpu.vector_load %arg9[%get3A_1492, %get3A_1493] {strides = array<i32>} : memref<16x128xf32, #tpu.memory_space<vmem>>, vector<1x16xf32>,
      %get3A_1495 = vector.shape_cast %get3A_1494 : vector<1x16xf32> to vector<16xf32>
      %get3A_1496 = arith.constant 5 : i32
      %get3A_1497 = arith.index_cast %get3A_1496 : i32 to index
      %get3A_1498 = arith.constant 96 : index
      %get3A_1499 = tpu.vector_load %arg9[%get3A_1497, %get3A_1498] {strides = array<i32>} : memref<16x128xf32, #tpu.memory_space<vmem>>, vector<1x16xf32>,
      %get3A_1500 = vector.shape_cast %get3A_1499 : vector<1x16xf32> to vector<16xf32>
      %get3A_1501 = arith.constant 5 : i32
      %get3A_1502 = arith.index_cast %get3A_1501 : i32 to index
      %get3A_1503 = arith.constant 32 : index
      %get3A_1504 = tpu.vector_load %arg10[%get3A_1502, %get3A_1503] {strides = array<i32>} : memref<16x128xf32, #tpu.memory_space<vmem>>, vector<1x16xf32>,
      %get3A_1505 = vector.shape_cast %get3A_1504 : vector<1x16xf32> to vector<16xf32>
      %get3A_1506 = arith.constant 5 : i32
      %get3A_1507 = arith.index_cast %get3A_1506 : i32 to index
      %get3A_1508 = arith.constant 96 : index
      %get3A_1509 = tpu.vector_load %arg10[%get3A_1507, %get3A_1508] {strides = array<i32>} : memref<16x128xf32, #tpu.memory_space<vmem>>, vector<1x16xf32>,
      %get3A_1510 = vector.shape_cast %get3A_1509 : vector<1x16xf32> to vector<16xf32>
      %select_n3A_1511 = arith.select %ge3A_1439, %get3A_1500, %get3A_1495 : vector<16xf32>
      %select_n3A_1512 = arith.select %ge3A_1443, %get3A_1510, %get3A_1505 : vector<16xf32>
      %mul3A_1513 = arith.mulf %select_n3A_1511, %select_n3A_1512 : vector<16xf32>
      %add3A_1514 = arith.addf %add3A_1490, %mul3A_1513 : vector<16xf32>
      %get3A_1515 = arith.constant 5 : i32
      %get3A_1516 = arith.index_cast %get3A_1515 : i32 to index
      %get3A_1517 = arith.constant 48 : index
      %get3A_1518 = tpu.vector_load %arg9[%get3A_1516, %get3A_1517] {strides = array<i32>} : memref<16x128xf32, #tpu.memory_space<vmem>>, vector<1x16xf32>,
      %get3A_1519 = vector.shape_cast %get3A_1518 : vector<1x16xf32> to vector<16xf32>
      %get3A_1520 = arith.constant 5 : i32
      %get3A_1521 = arith.index_cast %get3A_1520 : i32 to index
      %get3A_1522 = arith.constant 112 : index
      %get3A_1523 = tpu.vector_load %arg9[%get3A_1521, %get3A_1522] {strides = array<i32>} : memref<16x128xf32, #tpu.memory_space<vmem>>, vector<1x16xf32>,
      %get3A_1524 = vector.shape_cast %get3A_1523 : vector<1x16xf32> to vector<16xf32>
      %get3A_1525 = arith.constant 5 : i32
      %get3A_1526 = arith.index_cast %get3A_1525 : i32 to index
      %get3A_1527 = arith.constant 48 : index
      %get3A_1528 = tpu.vector_load %arg10[%get3A_1526, %get3A_1527] {strides = array<i32>} : memref<16x128xf32, #tpu.memory_space<vmem>>, vector<1x16xf32>,
      %get3A_1529 = vector.shape_cast %get3A_1528 : vector<1x16xf32> to vector<16xf32>
      %get3A_1530 = arith.constant 5 : i32
      %get3A_1531 = arith.index_cast %get3A_1530 : i32 to index
      %get3A_1532 = arith.constant 112 : index
      %get3A_1533 = tpu.vector_load %arg10[%get3A_1531, %get3A_1532] {strides = array<i32>} : memref<16x128xf32, #tpu.memory_space<vmem>>, vector<1x16xf32>,
      %get3A_1534 = vector.shape_cast %get3A_1533 : vector<1x16xf32> to vector<16xf32>
      %select_n3A_1535 = arith.select %ge3A_1439, %get3A_1524, %get3A_1519 : vector<16xf32>
      %select_n3A_1536 = arith.select %ge3A_1443, %get3A_1534, %get3A_1529 : vector<16xf32>
      %mul3A_1537 = arith.mulf %select_n3A_1535, %select_n3A_1536 : vector<16xf32>
      %add3A_1538 = arith.addf %add3A_1514, %mul3A_1537 : vector<16xf32>
      %slice3A_1539 = vector.extract_strided_slice %get3A_12 {offsets = [6], sizes = [1], strides = [1]} : vector<16xi32> to vector<1xi32>
      %squeeze3A_1540 = vector.extract %slice3A_1539[0] : i32 from vector<1xi32>
      %ge3A_1541 = arith.constant 51200 : i32
      %ge3A_1542 = arith.cmpi sge, %squeeze3A_1540, %ge3A_1541 : i32
      %slice3A_1543 = vector.extract_strided_slice %get3A_17 {offsets = [6], sizes = [1], strides = [1]} : vector<16xi32> to vector<1xi32>
      %squeeze3A_1544 = vector.extract %slice3A_1543[0] : i32 from vector<1xi32>
      %ge3A_1545 = arith.constant 51200 : i32
      %ge3A_1546 = arith.cmpi sge, %squeeze3A_1544, %ge3A_1545 : i32
      %get3A_1547 = arith.constant 6 : i32
      %get3A_1548 = arith.index_cast %get3A_1547 : i32 to index
      %get3A_1549 = arith.constant 0 : index
      %get3A_1550 = tpu.vector_load %arg9[%get3A_1548, %get3A_1549] {strides = array<i32>} : memref<16x128xf32, #tpu.memory_space<vmem>>, vector<1x16xf32>,
      %get3A_1551 = vector.shape_cast %get3A_1550 : vector<1x16xf32> to vector<16xf32>
      %get3A_1552 = arith.constant 6 : i32
      %get3A_1553 = arith.index_cast %get3A_1552 : i32 to index
      %get3A_1554 = arith.constant 64 : index
      %get3A_1555 = tpu.vector_load %arg9[%get3A_1553, %get3A_1554] {strides = array<i32>} : memref<16x128xf32, #tpu.memory_space<vmem>>, vector<1x16xf32>,
      %get3A_1556 = vector.shape_cast %get3A_1555 : vector<1x16xf32> to vector<16xf32>
      %get3A_1557 = arith.constant 6 : i32
      %get3A_1558 = arith.index_cast %get3A_1557 : i32 to index
      %get3A_1559 = arith.constant 0 : index
      %get3A_1560 = tpu.vector_load %arg10[%get3A_1558, %get3A_1559] {strides = array<i32>} : memref<16x128xf32, #tpu.memory_space<vmem>>, vector<1x16xf32>,
      %get3A_1561 = vector.shape_cast %get3A_1560 : vector<1x16xf32> to vector<16xf32>
      %get3A_1562 = arith.constant 6 : i32
      %get3A_1563 = arith.index_cast %get3A_1562 : i32 to index
      %get3A_1564 = arith.constant 64 : index
      %get3A_1565 = tpu.vector_load %arg10[%get3A_1563, %get3A_1564] {strides = array<i32>} : memref<16x128xf32, #tpu.memory_space<vmem>>, vector<1x16xf32>,
      %get3A_1566 = vector.shape_cast %get3A_1565 : vector<1x16xf32> to vector<16xf32>
      %select_n3A_1567 = arith.select %ge3A_1542, %get3A_1556, %get3A_1551 : vector<16xf32>
      %select_n3A_1568 = arith.select %ge3A_1546, %get3A_1566, %get3A_1561 : vector<16xf32>
      %mul3A_1569 = arith.mulf %select_n3A_1567, %select_n3A_1568 : vector<16xf32>
      %get3A_1570 = arith.constant 6 : i32
      %get3A_1571 = arith.index_cast %get3A_1570 : i32 to index
      %get3A_1572 = arith.constant 16 : index
      %get3A_1573 = tpu.vector_load %arg9[%get3A_1571, %get3A_1572] {strides = array<i32>} : memref<16x128xf32, #tpu.memory_space<vmem>>, vector<1x16xf32>,
      %get3A_1574 = vector.shape_cast %get3A_1573 : vector<1x16xf32> to vector<16xf32>
      %get3A_1575 = arith.constant 6 : i32
      %get3A_1576 = arith.index_cast %get3A_1575 : i32 to index
      %get3A_1577 = arith.constant 80 : index
      %get3A_1578 = tpu.vector_load %arg9[%get3A_1576, %get3A_1577] {strides = array<i32>} : memref<16x128xf32, #tpu.memory_space<vmem>>, vector<1x16xf32>,
      %get3A_1579 = vector.shape_cast %get3A_1578 : vector<1x16xf32> to vector<16xf32>
      %get3A_1580 = arith.constant 6 : i32
      %get3A_1581 = arith.index_cast %get3A_1580 : i32 to index
      %get3A_1582 = arith.constant 16 : index
      %get3A_1583 = tpu.vector_load %arg10[%get3A_1581, %get3A_1582] {strides = array<i32>} : memref<16x128xf32, #tpu.memory_space<vmem>>, vector<1x16xf32>,
      %get3A_1584 = vector.shape_cast %get3A_1583 : vector<1x16xf32> to vector<16xf32>
      %get3A_1585 = arith.constant 6 : i32
      %get3A_1586 = arith.index_cast %get3A_1585 : i32 to index
      %get3A_1587 = arith.constant 80 : index
      %get3A_1588 = tpu.vector_load %arg10[%get3A_1586, %get3A_1587] {strides = array<i32>} : memref<16x128xf32, #tpu.memory_space<vmem>>, vector<1x16xf32>,
      %get3A_1589 = vector.shape_cast %get3A_1588 : vector<1x16xf32> to vector<16xf32>
      %select_n3A_1590 = arith.select %ge3A_1542, %get3A_1579, %get3A_1574 : vector<16xf32>
      %select_n3A_1591 = arith.select %ge3A_1546, %get3A_1589, %get3A_1584 : vector<16xf32>
      %mul3A_1592 = arith.mulf %select_n3A_1590, %select_n3A_1591 : vector<16xf32>
      %add3A_1593 = arith.addf %mul3A_1569, %mul3A_1592 : vector<16xf32>
      %get3A_1594 = arith.constant 6 : i32
      %get3A_1595 = arith.index_cast %get3A_1594 : i32 to index
      %get3A_1596 = arith.constant 32 : index
      %get3A_1597 = tpu.vector_load %arg9[%get3A_1595, %get3A_1596] {strides = array<i32>} : memref<16x128xf32, #tpu.memory_space<vmem>>, vector<1x16xf32>,
      %get3A_1598 = vector.shape_cast %get3A_1597 : vector<1x16xf32> to vector<16xf32>
      %get3A_1599 = arith.constant 6 : i32
      %get3A_1600 = arith.index_cast %get3A_1599 : i32 to index
      %get3A_1601 = arith.constant 96 : index
      %get3A_1602 = tpu.vector_load %arg9[%get3A_1600, %get3A_1601] {strides = array<i32>} : memref<16x128xf32, #tpu.memory_space<vmem>>, vector<1x16xf32>,
      %get3A_1603 = vector.shape_cast %get3A_1602 : vector<1x16xf32> to vector<16xf32>
      %get3A_1604 = arith.constant 6 : i32
      %get3A_1605 = arith.index_cast %get3A_1604 : i32 to index
      %get3A_1606 = arith.constant 32 : index
      %get3A_1607 = tpu.vector_load %arg10[%get3A_1605, %get3A_1606] {strides = array<i32>} : memref<16x128xf32, #tpu.memory_space<vmem>>, vector<1x16xf32>,
      %get3A_1608 = vector.shape_cast %get3A_1607 : vector<1x16xf32> to vector<16xf32>
      %get3A_1609 = arith.constant 6 : i32
      %get3A_1610 = arith.index_cast %get3A_1609 : i32 to index
      %get3A_1611 = arith.constant 96 : index
      %get3A_1612 = tpu.vector_load %arg10[%get3A_1610, %get3A_1611] {strides = array<i32>} : memref<16x128xf32, #tpu.memory_space<vmem>>, vector<1x16xf32>,
      %get3A_1613 = vector.shape_cast %get3A_1612 : vector<1x16xf32> to vector<16xf32>
      %select_n3A_1614 = arith.select %ge3A_1542, %get3A_1603, %get3A_1598 : vector<16xf32>
      %select_n3A_1615 = arith.select %ge3A_1546, %get3A_1613, %get3A_1608 : vector<16xf32>
      %mul3A_1616 = arith.mulf %select_n3A_1614, %select_n3A_1615 : vector<16xf32>
      %add3A_1617 = arith.addf %add3A_1593, %mul3A_1616 : vector<16xf32>
      %get3A_1618 = arith.constant 6 : i32
      %get3A_1619 = arith.index_cast %get3A_1618 : i32 to index
      %get3A_1620 = arith.constant 48 : index
      %get3A_1621 = tpu.vector_load %arg9[%get3A_1619, %get3A_1620] {strides = array<i32>} : memref<16x128xf32, #tpu.memory_space<vmem>>, vector<1x16xf32>,
      %get3A_1622 = vector.shape_cast %get3A_1621 : vector<1x16xf32> to vector<16xf32>
      %get3A_1623 = arith.constant 6 : i32
      %get3A_1624 = arith.index_cast %get3A_1623 : i32 to index
      %get3A_1625 = arith.constant 112 : index
      %get3A_1626 = tpu.vector_load %arg9[%get3A_1624, %get3A_1625] {strides = array<i32>} : memref<16x128xf32, #tpu.memory_space<vmem>>, vector<1x16xf32>,
      %get3A_1627 = vector.shape_cast %get3A_1626 : vector<1x16xf32> to vector<16xf32>
      %get3A_1628 = arith.constant 6 : i32
      %get3A_1629 = arith.index_cast %get3A_1628 : i32 to index
      %get3A_1630 = arith.constant 48 : index
      %get3A_1631 = tpu.vector_load %arg10[%get3A_1629, %get3A_1630] {strides = array<i32>} : memref<16x128xf32, #tpu.memory_space<vmem>>, vector<1x16xf32>,
      %get3A_1632 = vector.shape_cast %get3A_1631 : vector<1x16xf32> to vector<16xf32>
      %get3A_1633 = arith.constant 6 : i32
      %get3A_1634 = arith.index_cast %get3A_1633 : i32 to index
      %get3A_1635 = arith.constant 112 : index
      %get3A_1636 = tpu.vector_load %arg10[%get3A_1634, %get3A_1635] {strides = array<i32>} : memref<16x128xf32, #tpu.memory_space<vmem>>, vector<1x16xf32>,
      %get3A_1637 = vector.shape_cast %get3A_1636 : vector<1x16xf32> to vector<16xf32>
      %select_n3A_1638 = arith.select %ge3A_1542, %get3A_1627, %get3A_1622 : vector<16xf32>
      %select_n3A_1639 = arith.select %ge3A_1546, %get3A_1637, %get3A_1632 : vector<16xf32>
      %mul3A_1640 = arith.mulf %select_n3A_1638, %select_n3A_1639 : vector<16xf32>
      %add3A_1641 = arith.addf %add3A_1617, %mul3A_1640 : vector<16xf32>
      %slice3A_1642 = vector.extract_strided_slice %get3A_12 {offsets = [7], sizes = [1], strides = [1]} : vector<16xi32> to vector<1xi32>
      %squeeze3A_1643 = vector.extract %slice3A_1642[0] : i32 from vector<1xi32>
      %ge3A_1644 = arith.constant 51200 : i32
      %ge3A_1645 = arith.cmpi sge, %squeeze3A_1643, %ge3A_1644 : i32
      %slice3A_1646 = vector.extract_strided_slice %get3A_17 {offsets = [7], sizes = [1], strides = [1]} : vector<16xi32> to vector<1xi32>
      %squeeze3A_1647 = vector.extract %slice3A_1646[0] : i32 from vector<1xi32>
      %ge3A_1648 = arith.constant 51200 : i32
      %ge3A_1649 = arith.cmpi sge, %squeeze3A_1647, %ge3A_1648 : i32
      %get3A_1650 = arith.constant 7 : i32
      %get3A_1651 = arith.index_cast %get3A_1650 : i32 to index
      %get3A_1652 = arith.constant 0 : index
      %get3A_1653 = tpu.vector_load %arg9[%get3A_1651, %get3A_1652] {strides = array<i32>} : memref<16x128xf32, #tpu.memory_space<vmem>>, vector<1x16xf32>,
      %get3A_1654 = vector.shape_cast %get3A_1653 : vector<1x16xf32> to vector<16xf32>
      %get3A_1655 = arith.constant 7 : i32
      %get3A_1656 = arith.index_cast %get3A_1655 : i32 to index
      %get3A_1657 = arith.constant 64 : index
      %get3A_1658 = tpu.vector_load %arg9[%get3A_1656, %get3A_1657] {strides = array<i32>} : memref<16x128xf32, #tpu.memory_space<vmem>>, vector<1x16xf32>,
      %get3A_1659 = vector.shape_cast %get3A_1658 : vector<1x16xf32> to vector<16xf32>
      %get3A_1660 = arith.constant 7 : i32
      %get3A_1661 = arith.index_cast %get3A_1660 : i32 to index
      %get3A_1662 = arith.constant 0 : index
      %get3A_1663 = tpu.vector_load %arg10[%get3A_1661, %get3A_1662] {strides = array<i32>} : memref<16x128xf32, #tpu.memory_space<vmem>>, vector<1x16xf32>,
      %get3A_1664 = vector.shape_cast %get3A_1663 : vector<1x16xf32> to vector<16xf32>
      %get3A_1665 = arith.constant 7 : i32
      %get3A_1666 = arith.index_cast %get3A_1665 : i32 to index
      %get3A_1667 = arith.constant 64 : index
      %get3A_1668 = tpu.vector_load %arg10[%get3A_1666, %get3A_1667] {strides = array<i32>} : memref<16x128xf32, #tpu.memory_space<vmem>>, vector<1x16xf32>,
      %get3A_1669 = vector.shape_cast %get3A_1668 : vector<1x16xf32> to vector<16xf32>
      %select_n3A_1670 = arith.select %ge3A_1645, %get3A_1659, %get3A_1654 : vector<16xf32>
      %select_n3A_1671 = arith.select %ge3A_1649, %get3A_1669, %get3A_1664 : vector<16xf32>
      %mul3A_1672 = arith.mulf %select_n3A_1670, %select_n3A_1671 : vector<16xf32>
      %get3A_1673 = arith.constant 7 : i32
      %get3A_1674 = arith.index_cast %get3A_1673 : i32 to index
      %get3A_1675 = arith.constant 16 : index
      %get3A_1676 = tpu.vector_load %arg9[%get3A_1674, %get3A_1675] {strides = array<i32>} : memref<16x128xf32, #tpu.memory_space<vmem>>, vector<1x16xf32>,
      %get3A_1677 = vector.shape_cast %get3A_1676 : vector<1x16xf32> to vector<16xf32>
      %get3A_1678 = arith.constant 7 : i32
      %get3A_1679 = arith.index_cast %get3A_1678 : i32 to index
      %get3A_1680 = arith.constant 80 : index
      %get3A_1681 = tpu.vector_load %arg9[%get3A_1679, %get3A_1680] {strides = array<i32>} : memref<16x128xf32, #tpu.memory_space<vmem>>, vector<1x16xf32>,
      %get3A_1682 = vector.shape_cast %get3A_1681 : vector<1x16xf32> to vector<16xf32>
      %get3A_1683 = arith.constant 7 : i32
      %get3A_1684 = arith.index_cast %get3A_1683 : i32 to index
      %get3A_1685 = arith.constant 16 : index
      %get3A_1686 = tpu.vector_load %arg10[%get3A_1684, %get3A_1685] {strides = array<i32>} : memref<16x128xf32, #tpu.memory_space<vmem>>, vector<1x16xf32>,
      %get3A_1687 = vector.shape_cast %get3A_1686 : vector<1x16xf32> to vector<16xf32>
      %get3A_1688 = arith.constant 7 : i32
      %get3A_1689 = arith.index_cast %get3A_1688 : i32 to index
      %get3A_1690 = arith.constant 80 : index
      %get3A_1691 = tpu.vector_load %arg10[%get3A_1689, %get3A_1690] {strides = array<i32>} : memref<16x128xf32, #tpu.memory_space<vmem>>, vector<1x16xf32>,
      %get3A_1692 = vector.shape_cast %get3A_1691 : vector<1x16xf32> to vector<16xf32>
      %select_n3A_1693 = arith.select %ge3A_1645, %get3A_1682, %get3A_1677 : vector<16xf32>
      %select_n3A_1694 = arith.select %ge3A_1649, %get3A_1692, %get3A_1687 : vector<16xf32>
      %mul3A_1695 = arith.mulf %select_n3A_1693, %select_n3A_1694 : vector<16xf32>
      %add3A_1696 = arith.addf %mul3A_1672, %mul3A_1695 : vector<16xf32>
      %get3A_1697 = arith.constant 7 : i32
      %get3A_1698 = arith.index_cast %get3A_1697 : i32 to index
      %get3A_1699 = arith.constant 32 : index
      %get3A_1700 = tpu.vector_load %arg9[%get3A_1698, %get3A_1699] {strides = array<i32>} : memref<16x128xf32, #tpu.memory_space<vmem>>, vector<1x16xf32>,
      %get3A_1701 = vector.shape_cast %get3A_1700 : vector<1x16xf32> to vector<16xf32>
      %get3A_1702 = arith.constant 7 : i32
      %get3A_1703 = arith.index_cast %get3A_1702 : i32 to index
      %get3A_1704 = arith.constant 96 : index
      %get3A_1705 = tpu.vector_load %arg9[%get3A_1703, %get3A_1704] {strides = array<i32>} : memref<16x128xf32, #tpu.memory_space<vmem>>, vector<1x16xf32>,
      %get3A_1706 = vector.shape_cast %get3A_1705 : vector<1x16xf32> to vector<16xf32>
      %get3A_1707 = arith.constant 7 : i32
      %get3A_1708 = arith.index_cast %get3A_1707 : i32 to index
      %get3A_1709 = arith.constant 32 : index
      %get3A_1710 = tpu.vector_load %arg10[%get3A_1708, %get3A_1709] {strides = array<i32>} : memref<16x128xf32, #tpu.memory_space<vmem>>, vector<1x16xf32>,
      %get3A_1711 = vector.shape_cast %get3A_1710 : vector<1x16xf32> to vector<16xf32>
      %get3A_1712 = arith.constant 7 : i32
      %get3A_1713 = arith.index_cast %get3A_1712 : i32 to index
      %get3A_1714 = arith.constant 96 : index
      %get3A_1715 = tpu.vector_load %arg10[%get3A_1713, %get3A_1714] {strides = array<i32>} : memref<16x128xf32, #tpu.memory_space<vmem>>, vector<1x16xf32>,
      %get3A_1716 = vector.shape_cast %get3A_1715 : vector<1x16xf32> to vector<16xf32>
      %select_n3A_1717 = arith.select %ge3A_1645, %get3A_1706, %get3A_1701 : vector<16xf32>
      %select_n3A_1718 = arith.select %ge3A_1649, %get3A_1716, %get3A_1711 : vector<16xf32>
      %mul3A_1719 = arith.mulf %select_n3A_1717, %select_n3A_1718 : vector<16xf32>
      %add3A_1720 = arith.addf %add3A_1696, %mul3A_1719 : vector<16xf32>
      %get3A_1721 = arith.constant 7 : i32
      %get3A_1722 = arith.index_cast %get3A_1721 : i32 to index
      %get3A_1723 = arith.constant 48 : index
      %get3A_1724 = tpu.vector_load %arg9[%get3A_1722, %get3A_1723] {strides = array<i32>} : memref<16x128xf32, #tpu.memory_space<vmem>>, vector<1x16xf32>,
      %get3A_1725 = vector.shape_cast %get3A_1724 : vector<1x16xf32> to vector<16xf32>
      %get3A_1726 = arith.constant 7 : i32
      %get3A_1727 = arith.index_cast %get3A_1726 : i32 to index
      %get3A_1728 = arith.constant 112 : index
      %get3A_1729 = tpu.vector_load %arg9[%get3A_1727, %get3A_1728] {strides = array<i32>} : memref<16x128xf32, #tpu.memory_space<vmem>>, vector<1x16xf32>,
      %get3A_1730 = vector.shape_cast %get3A_1729 : vector<1x16xf32> to vector<16xf32>
      %get3A_1731 = arith.constant 7 : i32
      %get3A_1732 = arith.index_cast %get3A_1731 : i32 to index
      %get3A_1733 = arith.constant 48 : index
      %get3A_1734 = tpu.vector_load %arg10[%get3A_1732, %get3A_1733] {strides = array<i32>} : memref<16x128xf32, #tpu.memory_space<vmem>>, vector<1x16xf32>,
      %get3A_1735 = vector.shape_cast %get3A_1734 : vector<1x16xf32> to vector<16xf32>
      %get3A_1736 = arith.constant 7 : i32
      %get3A_1737 = arith.index_cast %get3A_1736 : i32 to index
      %get3A_1738 = arith.constant 112 : index
      %get3A_1739 = tpu.vector_load %arg10[%get3A_1737, %get3A_1738] {strides = array<i32>} : memref<16x128xf32, #tpu.memory_space<vmem>>, vector<1x16xf32>,
      %get3A_1740 = vector.shape_cast %get3A_1739 : vector<1x16xf32> to vector<16xf32>
      %select_n3A_1741 = arith.select %ge3A_1645, %get3A_1730, %get3A_1725 : vector<16xf32>
      %select_n3A_1742 = arith.select %ge3A_1649, %get3A_1740, %get3A_1735 : vector<16xf32>
      %mul3A_1743 = arith.mulf %select_n3A_1741, %select_n3A_1742 : vector<16xf32>
      %add3A_1744 = arith.addf %add3A_1720, %mul3A_1743 : vector<16xf32>
      %slice3A_1745 = vector.extract_strided_slice %get3A_12 {offsets = [8], sizes = [1], strides = [1]} : vector<16xi32> to vector<1xi32>
      %squeeze3A_1746 = vector.extract %slice3A_1745[0] : i32 from vector<1xi32>
      %ge3A_1747 = arith.constant 51200 : i32
      %ge3A_1748 = arith.cmpi sge, %squeeze3A_1746, %ge3A_1747 : i32
      %slice3A_1749 = vector.extract_strided_slice %get3A_17 {offsets = [8], sizes = [1], strides = [1]} : vector<16xi32> to vector<1xi32>
      %squeeze3A_1750 = vector.extract %slice3A_1749[0] : i32 from vector<1xi32>
      %ge3A_1751 = arith.constant 51200 : i32
      %ge3A_1752 = arith.cmpi sge, %squeeze3A_1750, %ge3A_1751 : i32
      %get3A_1753 = arith.constant 8 : i32
      %get3A_1754 = arith.index_cast %get3A_1753 : i32 to index
      %get3A_1755 = arith.constant 0 : index
      %get3A_1756 = tpu.vector_load %arg9[%get3A_1754, %get3A_1755] {strides = array<i32>} : memref<16x128xf32, #tpu.memory_space<vmem>>, vector<1x16xf32>,
      %get3A_1757 = vector.shape_cast %get3A_1756 : vector<1x16xf32> to vector<16xf32>
      %get3A_1758 = arith.constant 8 : i32
      %get3A_1759 = arith.index_cast %get3A_1758 : i32 to index
      %get3A_1760 = arith.constant 64 : index
      %get3A_1761 = tpu.vector_load %arg9[%get3A_1759, %get3A_1760] {strides = array<i32>} : memref<16x128xf32, #tpu.memory_space<vmem>>, vector<1x16xf32>,
      %get3A_1762 = vector.shape_cast %get3A_1761 : vector<1x16xf32> to vector<16xf32>
      %get3A_1763 = arith.constant 8 : i32
      %get3A_1764 = arith.index_cast %get3A_1763 : i32 to index
      %get3A_1765 = arith.constant 0 : index
      %get3A_1766 = tpu.vector_load %arg10[%get3A_1764, %get3A_1765] {strides = array<i32>} : memref<16x128xf32, #tpu.memory_space<vmem>>, vector<1x16xf32>,
      %get3A_1767 = vector.shape_cast %get3A_1766 : vector<1x16xf32> to vector<16xf32>
      %get3A_1768 = arith.constant 8 : i32
      %get3A_1769 = arith.index_cast %get3A_1768 : i32 to index
      %get3A_1770 = arith.constant 64 : index
      %get3A_1771 = tpu.vector_load %arg10[%get3A_1769, %get3A_1770] {strides = array<i32>} : memref<16x128xf32, #tpu.memory_space<vmem>>, vector<1x16xf32>,
      %get3A_1772 = vector.shape_cast %get3A_1771 : vector<1x16xf32> to vector<16xf32>
      %select_n3A_1773 = arith.select %ge3A_1748, %get3A_1762, %get3A_1757 : vector<16xf32>
      %select_n3A_1774 = arith.select %ge3A_1752, %get3A_1772, %get3A_1767 : vector<16xf32>
      %mul3A_1775 = arith.mulf %select_n3A_1773, %select_n3A_1774 : vector<16xf32>
      %get3A_1776 = arith.constant 8 : i32
      %get3A_1777 = arith.index_cast %get3A_1776 : i32 to index
      %get3A_1778 = arith.constant 16 : index
      %get3A_1779 = tpu.vector_load %arg9[%get3A_1777, %get3A_1778] {strides = array<i32>} : memref<16x128xf32, #tpu.memory_space<vmem>>, vector<1x16xf32>,
      %get3A_1780 = vector.shape_cast %get3A_1779 : vector<1x16xf32> to vector<16xf32>
      %get3A_1781 = arith.constant 8 : i32
      %get3A_1782 = arith.index_cast %get3A_1781 : i32 to index
      %get3A_1783 = arith.constant 80 : index
      %get3A_1784 = tpu.vector_load %arg9[%get3A_1782, %get3A_1783] {strides = array<i32>} : memref<16x128xf32, #tpu.memory_space<vmem>>, vector<1x16xf32>,
      %get3A_1785 = vector.shape_cast %get3A_1784 : vector<1x16xf32> to vector<16xf32>
      %get3A_1786 = arith.constant 8 : i32
      %get3A_1787 = arith.index_cast %get3A_1786 : i32 to index
      %get3A_1788 = arith.constant 16 : index
      %get3A_1789 = tpu.vector_load %arg10[%get3A_1787, %get3A_1788] {strides = array<i32>} : memref<16x128xf32, #tpu.memory_space<vmem>>, vector<1x16xf32>,
      %get3A_1790 = vector.shape_cast %get3A_1789 : vector<1x16xf32> to vector<16xf32>
      %get3A_1791 = arith.constant 8 : i32
      %get3A_1792 = arith.index_cast %get3A_1791 : i32 to index
      %get3A_1793 = arith.constant 80 : index
      %get3A_1794 = tpu.vector_load %arg10[%get3A_1792, %get3A_1793] {strides = array<i32>} : memref<16x128xf32, #tpu.memory_space<vmem>>, vector<1x16xf32>,
      %get3A_1795 = vector.shape_cast %get3A_1794 : vector<1x16xf32> to vector<16xf32>
      %select_n3A_1796 = arith.select %ge3A_1748, %get3A_1785, %get3A_1780 : vector<16xf32>
      %select_n3A_1797 = arith.select %ge3A_1752, %get3A_1795, %get3A_1790 : vector<16xf32>
      %mul3A_1798 = arith.mulf %select_n3A_1796, %select_n3A_1797 : vector<16xf32>
      %add3A_1799 = arith.addf %mul3A_1775, %mul3A_1798 : vector<16xf32>
      %get3A_1800 = arith.constant 8 : i32
      %get3A_1801 = arith.index_cast %get3A_1800 : i32 to index
      %get3A_1802 = arith.constant 32 : index
      %get3A_1803 = tpu.vector_load %arg9[%get3A_1801, %get3A_1802] {strides = array<i32>} : memref<16x128xf32, #tpu.memory_space<vmem>>, vector<1x16xf32>,
      %get3A_1804 = vector.shape_cast %get3A_1803 : vector<1x16xf32> to vector<16xf32>
      %get3A_1805 = arith.constant 8 : i32
      %get3A_1806 = arith.index_cast %get3A_1805 : i32 to index
      %get3A_1807 = arith.constant 96 : index
      %get3A_1808 = tpu.vector_load %arg9[%get3A_1806, %get3A_1807] {strides = array<i32>} : memref<16x128xf32, #tpu.memory_space<vmem>>, vector<1x16xf32>,
      %get3A_1809 = vector.shape_cast %get3A_1808 : vector<1x16xf32> to vector<16xf32>
      %get3A_1810 = arith.constant 8 : i32
      %get3A_1811 = arith.index_cast %get3A_1810 : i32 to index
      %get3A_1812 = arith.constant 32 : index
      %get3A_1813 = tpu.vector_load %arg10[%get3A_1811, %get3A_1812] {strides = array<i32>} : memref<16x128xf32, #tpu.memory_space<vmem>>, vector<1x16xf32>,
      %get3A_1814 = vector.shape_cast %get3A_1813 : vector<1x16xf32> to vector<16xf32>
      %get3A_1815 = arith.constant 8 : i32
      %get3A_1816 = arith.index_cast %get3A_1815 : i32 to index
      %get3A_1817 = arith.constant 96 : index
      %get3A_1818 = tpu.vector_load %arg10[%get3A_1816, %get3A_1817] {strides = array<i32>} : memref<16x128xf32, #tpu.memory_space<vmem>>, vector<1x16xf32>,
      %get3A_1819 = vector.shape_cast %get3A_1818 : vector<1x16xf32> to vector<16xf32>
      %select_n3A_1820 = arith.select %ge3A_1748, %get3A_1809, %get3A_1804 : vector<16xf32>
      %select_n3A_1821 = arith.select %ge3A_1752, %get3A_1819, %get3A_1814 : vector<16xf32>
      %mul3A_1822 = arith.mulf %select_n3A_1820, %select_n3A_1821 : vector<16xf32>
      %add3A_1823 = arith.addf %add3A_1799, %mul3A_1822 : vector<16xf32>
      %get3A_1824 = arith.constant 8 : i32
      %get3A_1825 = arith.index_cast %get3A_1824 : i32 to index
      %get3A_1826 = arith.constant 48 : index
      %get3A_1827 = tpu.vector_load %arg9[%get3A_1825, %get3A_1826] {strides = array<i32>} : memref<16x128xf32, #tpu.memory_space<vmem>>, vector<1x16xf32>,
      %get3A_1828 = vector.shape_cast %get3A_1827 : vector<1x16xf32> to vector<16xf32>
      %get3A_1829 = arith.constant 8 : i32
      %get3A_1830 = arith.index_cast %get3A_1829 : i32 to index
      %get3A_1831 = arith.constant 112 : index
      %get3A_1832 = tpu.vector_load %arg9[%get3A_1830, %get3A_1831] {strides = array<i32>} : memref<16x128xf32, #tpu.memory_space<vmem>>, vector<1x16xf32>,
      %get3A_1833 = vector.shape_cast %get3A_1832 : vector<1x16xf32> to vector<16xf32>
      %get3A_1834 = arith.constant 8 : i32
      %get3A_1835 = arith.index_cast %get3A_1834 : i32 to index
      %get3A_1836 = arith.constant 48 : index
      %get3A_1837 = tpu.vector_load %arg10[%get3A_1835, %get3A_1836] {strides = array<i32>} : memref<16x128xf32, #tpu.memory_space<vmem>>, vector<1x16xf32>,
      %get3A_1838 = vector.shape_cast %get3A_1837 : vector<1x16xf32> to vector<16xf32>
      %get3A_1839 = arith.constant 8 : i32
      %get3A_1840 = arith.index_cast %get3A_1839 : i32 to index
      %get3A_1841 = arith.constant 112 : index
      %get3A_1842 = tpu.vector_load %arg10[%get3A_1840, %get3A_1841] {strides = array<i32>} : memref<16x128xf32, #tpu.memory_space<vmem>>, vector<1x16xf32>,
      %get3A_1843 = vector.shape_cast %get3A_1842 : vector<1x16xf32> to vector<16xf32>
      %select_n3A_1844 = arith.select %ge3A_1748, %get3A_1833, %get3A_1828 : vector<16xf32>
      %select_n3A_1845 = arith.select %ge3A_1752, %get3A_1843, %get3A_1838 : vector<16xf32>
      %mul3A_1846 = arith.mulf %select_n3A_1844, %select_n3A_1845 : vector<16xf32>
      %add3A_1847 = arith.addf %add3A_1823, %mul3A_1846 : vector<16xf32>
      %slice3A_1848 = vector.extract_strided_slice %get3A_12 {offsets = [9], sizes = [1], strides = [1]} : vector<16xi32> to vector<1xi32>
      %squeeze3A_1849 = vector.extract %slice3A_1848[0] : i32 from vector<1xi32>
      %ge3A_1850 = arith.constant 51200 : i32
      %ge3A_1851 = arith.cmpi sge, %squeeze3A_1849, %ge3A_1850 : i32
      %slice3A_1852 = vector.extract_strided_slice %get3A_17 {offsets = [9], sizes = [1], strides = [1]} : vector<16xi32> to vector<1xi32>
      %squeeze3A_1853 = vector.extract %slice3A_1852[0] : i32 from vector<1xi32>
      %ge3A_1854 = arith.constant 51200 : i32
      %ge3A_1855 = arith.cmpi sge, %squeeze3A_1853, %ge3A_1854 : i32
      %get3A_1856 = arith.constant 9 : i32
      %get3A_1857 = arith.index_cast %get3A_1856 : i32 to index
      %get3A_1858 = arith.constant 0 : index
      %get3A_1859 = tpu.vector_load %arg9[%get3A_1857, %get3A_1858] {strides = array<i32>} : memref<16x128xf32, #tpu.memory_space<vmem>>, vector<1x16xf32>,
      %get3A_1860 = vector.shape_cast %get3A_1859 : vector<1x16xf32> to vector<16xf32>
      %get3A_1861 = arith.constant 9 : i32
      %get3A_1862 = arith.index_cast %get3A_1861 : i32 to index
      %get3A_1863 = arith.constant 64 : index
      %get3A_1864 = tpu.vector_load %arg9[%get3A_1862, %get3A_1863] {strides = array<i32>} : memref<16x128xf32, #tpu.memory_space<vmem>>, vector<1x16xf32>,
      %get3A_1865 = vector.shape_cast %get3A_1864 : vector<1x16xf32> to vector<16xf32>
      %get3A_1866 = arith.constant 9 : i32
      %get3A_1867 = arith.index_cast %get3A_1866 : i32 to index
      %get3A_1868 = arith.constant 0 : index
      %get3A_1869 = tpu.vector_load %arg10[%get3A_1867, %get3A_1868] {strides = array<i32>} : memref<16x128xf32, #tpu.memory_space<vmem>>, vector<1x16xf32>,
      %get3A_1870 = vector.shape_cast %get3A_1869 : vector<1x16xf32> to vector<16xf32>
      %get3A_1871 = arith.constant 9 : i32
      %get3A_1872 = arith.index_cast %get3A_1871 : i32 to index
      %get3A_1873 = arith.constant 64 : index
      %get3A_1874 = tpu.vector_load %arg10[%get3A_1872, %get3A_1873] {strides = array<i32>} : memref<16x128xf32, #tpu.memory_space<vmem>>, vector<1x16xf32>,
      %get3A_1875 = vector.shape_cast %get3A_1874 : vector<1x16xf32> to vector<16xf32>
      %select_n3A_1876 = arith.select %ge3A_1851, %get3A_1865, %get3A_1860 : vector<16xf32>
      %select_n3A_1877 = arith.select %ge3A_1855, %get3A_1875, %get3A_1870 : vector<16xf32>
      %mul3A_1878 = arith.mulf %select_n3A_1876, %select_n3A_1877 : vector<16xf32>
      %get3A_1879 = arith.constant 9 : i32
      %get3A_1880 = arith.index_cast %get3A_1879 : i32 to index
      %get3A_1881 = arith.constant 16 : index
      %get3A_1882 = tpu.vector_load %arg9[%get3A_1880, %get3A_1881] {strides = array<i32>} : memref<16x128xf32, #tpu.memory_space<vmem>>, vector<1x16xf32>,
      %get3A_1883 = vector.shape_cast %get3A_1882 : vector<1x16xf32> to vector<16xf32>
      %get3A_1884 = arith.constant 9 : i32
      %get3A_1885 = arith.index_cast %get3A_1884 : i32 to index
      %get3A_1886 = arith.constant 80 : index
      %get3A_1887 = tpu.vector_load %arg9[%get3A_1885, %get3A_1886] {strides = array<i32>} : memref<16x128xf32, #tpu.memory_space<vmem>>, vector<1x16xf32>,
      %get3A_1888 = vector.shape_cast %get3A_1887 : vector<1x16xf32> to vector<16xf32>
      %get3A_1889 = arith.constant 9 : i32
      %get3A_1890 = arith.index_cast %get3A_1889 : i32 to index
      %get3A_1891 = arith.constant 16 : index
      %get3A_1892 = tpu.vector_load %arg10[%get3A_1890, %get3A_1891] {strides = array<i32>} : memref<16x128xf32, #tpu.memory_space<vmem>>, vector<1x16xf32>,
      %get3A_1893 = vector.shape_cast %get3A_1892 : vector<1x16xf32> to vector<16xf32>
      %get3A_1894 = arith.constant 9 : i32
      %get3A_1895 = arith.index_cast %get3A_1894 : i32 to index
      %get3A_1896 = arith.constant 80 : index
      %get3A_1897 = tpu.vector_load %arg10[%get3A_1895, %get3A_1896] {strides = array<i32>} : memref<16x128xf32, #tpu.memory_space<vmem>>, vector<1x16xf32>,
      %get3A_1898 = vector.shape_cast %get3A_1897 : vector<1x16xf32> to vector<16xf32>
      %select_n3A_1899 = arith.select %ge3A_1851, %get3A_1888, %get3A_1883 : vector<16xf32>
      %select_n3A_1900 = arith.select %ge3A_1855, %get3A_1898, %get3A_1893 : vector<16xf32>
      %mul3A_1901 = arith.mulf %select_n3A_1899, %select_n3A_1900 : vector<16xf32>
      %add3A_1902 = arith.addf %mul3A_1878, %mul3A_1901 : vector<16xf32>
      %get3A_1903 = arith.constant 9 : i32
      %get3A_1904 = arith.index_cast %get3A_1903 : i32 to index
      %get3A_1905 = arith.constant 32 : index
      %get3A_1906 = tpu.vector_load %arg9[%get3A_1904, %get3A_1905] {strides = array<i32>} : memref<16x128xf32, #tpu.memory_space<vmem>>, vector<1x16xf32>,
      %get3A_1907 = vector.shape_cast %get3A_1906 : vector<1x16xf32> to vector<16xf32>
      %get3A_1908 = arith.constant 9 : i32
      %get3A_1909 = arith.index_cast %get3A_1908 : i32 to index
      %get3A_1910 = arith.constant 96 : index
      %get3A_1911 = tpu.vector_load %arg9[%get3A_1909, %get3A_1910] {strides = array<i32>} : memref<16x128xf32, #tpu.memory_space<vmem>>, vector<1x16xf32>,
      %get3A_1912 = vector.shape_cast %get3A_1911 : vector<1x16xf32> to vector<16xf32>
      %get3A_1913 = arith.constant 9 : i32
      %get3A_1914 = arith.index_cast %get3A_1913 : i32 to index
      %get3A_1915 = arith.constant 32 : index
      %get3A_1916 = tpu.vector_load %arg10[%get3A_1914, %get3A_1915] {strides = array<i32>} : memref<16x128xf32, #tpu.memory_space<vmem>>, vector<1x16xf32>,
      %get3A_1917 = vector.shape_cast %get3A_1916 : vector<1x16xf32> to vector<16xf32>
      %get3A_1918 = arith.constant 9 : i32
      %get3A_1919 = arith.index_cast %get3A_1918 : i32 to index
      %get3A_1920 = arith.constant 96 : index
      %get3A_1921 = tpu.vector_load %arg10[%get3A_1919, %get3A_1920] {strides = array<i32>} : memref<16x128xf32, #tpu.memory_space<vmem>>, vector<1x16xf32>,
      %get3A_1922 = vector.shape_cast %get3A_1921 : vector<1x16xf32> to vector<16xf32>
      %select_n3A_1923 = arith.select %ge3A_1851, %get3A_1912, %get3A_1907 : vector<16xf32>
      %select_n3A_1924 = arith.select %ge3A_1855, %get3A_1922, %get3A_1917 : vector<16xf32>
      %mul3A_1925 = arith.mulf %select_n3A_1923, %select_n3A_1924 : vector<16xf32>
      %add3A_1926 = arith.addf %add3A_1902, %mul3A_1925 : vector<16xf32>
      %get3A_1927 = arith.constant 9 : i32
      %get3A_1928 = arith.index_cast %get3A_1927 : i32 to index
      %get3A_1929 = arith.constant 48 : index
      %get3A_1930 = tpu.vector_load %arg9[%get3A_1928, %get3A_1929] {strides = array<i32>} : memref<16x128xf32, #tpu.memory_space<vmem>>, vector<1x16xf32>,
      %get3A_1931 = vector.shape_cast %get3A_1930 : vector<1x16xf32> to vector<16xf32>
      %get3A_1932 = arith.constant 9 : i32
      %get3A_1933 = arith.index_cast %get3A_1932 : i32 to index
      %get3A_1934 = arith.constant 112 : index
      %get3A_1935 = tpu.vector_load %arg9[%get3A_1933, %get3A_1934] {strides = array<i32>} : memref<16x128xf32, #tpu.memory_space<vmem>>, vector<1x16xf32>,
      %get3A_1936 = vector.shape_cast %get3A_1935 : vector<1x16xf32> to vector<16xf32>
      %get3A_1937 = arith.constant 9 : i32
      %get3A_1938 = arith.index_cast %get3A_1937 : i32 to index
      %get3A_1939 = arith.constant 48 : index
      %get3A_1940 = tpu.vector_load %arg10[%get3A_1938, %get3A_1939] {strides = array<i32>} : memref<16x128xf32, #tpu.memory_space<vmem>>, vector<1x16xf32>,
      %get3A_1941 = vector.shape_cast %get3A_1940 : vector<1x16xf32> to vector<16xf32>
      %get3A_1942 = arith.constant 9 : i32
      %get3A_1943 = arith.index_cast %get3A_1942 : i32 to index
      %get3A_1944 = arith.constant 112 : index
      %get3A_1945 = tpu.vector_load %arg10[%get3A_1943, %get3A_1944] {strides = array<i32>} : memref<16x128xf32, #tpu.memory_space<vmem>>, vector<1x16xf32>,
      %get3A_1946 = vector.shape_cast %get3A_1945 : vector<1x16xf32> to vector<16xf32>
      %select_n3A_1947 = arith.select %ge3A_1851, %get3A_1936, %get3A_1931 : vector<16xf32>
      %select_n3A_1948 = arith.select %ge3A_1855, %get3A_1946, %get3A_1941 : vector<16xf32>
      %mul3A_1949 = arith.mulf %select_n3A_1947, %select_n3A_1948 : vector<16xf32>
      %add3A_1950 = arith.addf %add3A_1926, %mul3A_1949 : vector<16xf32>
      %slice3A_1951 = vector.extract_strided_slice %get3A_12 {offsets = [10], sizes = [1], strides = [1]} : vector<16xi32> to vector<1xi32>
      %squeeze3A_1952 = vector.extract %slice3A_1951[0] : i32 from vector<1xi32>
      %ge3A_1953 = arith.constant 51200 : i32
      %ge3A_1954 = arith.cmpi sge, %squeeze3A_1952, %ge3A_1953 : i32
      %slice3A_1955 = vector.extract_strided_slice %get3A_17 {offsets = [10], sizes = [1], strides = [1]} : vector<16xi32> to vector<1xi32>
      %squeeze3A_1956 = vector.extract %slice3A_1955[0] : i32 from vector<1xi32>
      %ge3A_1957 = arith.constant 51200 : i32
      %ge3A_1958 = arith.cmpi sge, %squeeze3A_1956, %ge3A_1957 : i32
      %get3A_1959 = arith.constant 10 : i32
      %get3A_1960 = arith.index_cast %get3A_1959 : i32 to index
      %get3A_1961 = arith.constant 0 : index
      %get3A_1962 = tpu.vector_load %arg9[%get3A_1960, %get3A_1961] {strides = array<i32>} : memref<16x128xf32, #tpu.memory_space<vmem>>, vector<1x16xf32>,
      %get3A_1963 = vector.shape_cast %get3A_1962 : vector<1x16xf32> to vector<16xf32>
      %get3A_1964 = arith.constant 10 : i32
      %get3A_1965 = arith.index_cast %get3A_1964 : i32 to index
      %get3A_1966 = arith.constant 64 : index
      %get3A_1967 = tpu.vector_load %arg9[%get3A_1965, %get3A_1966] {strides = array<i32>} : memref<16x128xf32, #tpu.memory_space<vmem>>, vector<1x16xf32>,
      %get3A_1968 = vector.shape_cast %get3A_1967 : vector<1x16xf32> to vector<16xf32>
      %get3A_1969 = arith.constant 10 : i32
      %get3A_1970 = arith.index_cast %get3A_1969 : i32 to index
      %get3A_1971 = arith.constant 0 : index
      %get3A_1972 = tpu.vector_load %arg10[%get3A_1970, %get3A_1971] {strides = array<i32>} : memref<16x128xf32, #tpu.memory_space<vmem>>, vector<1x16xf32>,
      %get3A_1973 = vector.shape_cast %get3A_1972 : vector<1x16xf32> to vector<16xf32>
      %get3A_1974 = arith.constant 10 : i32
      %get3A_1975 = arith.index_cast %get3A_1974 : i32 to index
      %get3A_1976 = arith.constant 64 : index
      %get3A_1977 = tpu.vector_load %arg10[%get3A_1975, %get3A_1976] {strides = array<i32>} : memref<16x128xf32, #tpu.memory_space<vmem>>, vector<1x16xf32>,
      %get3A_1978 = vector.shape_cast %get3A_1977 : vector<1x16xf32> to vector<16xf32>
      %select_n3A_1979 = arith.select %ge3A_1954, %get3A_1968, %get3A_1963 : vector<16xf32>
      %select_n3A_1980 = arith.select %ge3A_1958, %get3A_1978, %get3A_1973 : vector<16xf32>
      %mul3A_1981 = arith.mulf %select_n3A_1979, %select_n3A_1980 : vector<16xf32>
      %get3A_1982 = arith.constant 10 : i32
      %get3A_1983 = arith.index_cast %get3A_1982 : i32 to index
      %get3A_1984 = arith.constant 16 : index
      %get3A_1985 = tpu.vector_load %arg9[%get3A_1983, %get3A_1984] {strides = array<i32>} : memref<16x128xf32, #tpu.memory_space<vmem>>, vector<1x16xf32>,
      %get3A_1986 = vector.shape_cast %get3A_1985 : vector<1x16xf32> to vector<16xf32>
      %get3A_1987 = arith.constant 10 : i32
      %get3A_1988 = arith.index_cast %get3A_1987 : i32 to index
      %get3A_1989 = arith.constant 80 : index
      %get3A_1990 = tpu.vector_load %arg9[%get3A_1988, %get3A_1989] {strides = array<i32>} : memref<16x128xf32, #tpu.memory_space<vmem>>, vector<1x16xf32>,
      %get3A_1991 = vector.shape_cast %get3A_1990 : vector<1x16xf32> to vector<16xf32>
      %get3A_1992 = arith.constant 10 : i32
      %get3A_1993 = arith.index_cast %get3A_1992 : i32 to index
      %get3A_1994 = arith.constant 16 : index
      %get3A_1995 = tpu.vector_load %arg10[%get3A_1993, %get3A_1994] {strides = array<i32>} : memref<16x128xf32, #tpu.memory_space<vmem>>, vector<1x16xf32>,
      %get3A_1996 = vector.shape_cast %get3A_1995 : vector<1x16xf32> to vector<16xf32>
      %get3A_1997 = arith.constant 10 : i32
      %get3A_1998 = arith.index_cast %get3A_1997 : i32 to index
      %get3A_1999 = arith.constant 80 : index
      %get3A_2000 = tpu.vector_load %arg10[%get3A_1998, %get3A_1999] {strides = array<i32>} : memref<16x128xf32, #tpu.memory_space<vmem>>, vector<1x16xf32>,
      %get3A_2001 = vector.shape_cast %get3A_2000 : vector<1x16xf32> to vector<16xf32>
      %select_n3A_2002 = arith.select %ge3A_1954, %get3A_1991, %get3A_1986 : vector<16xf32>
      %select_n3A_2003 = arith.select %ge3A_1958, %get3A_2001, %get3A_1996 : vector<16xf32>
      %mul3A_2004 = arith.mulf %select_n3A_2002, %select_n3A_2003 : vector<16xf32>
      %add3A_2005 = arith.addf %mul3A_1981, %mul3A_2004 : vector<16xf32>
      %get3A_2006 = arith.constant 10 : i32
      %get3A_2007 = arith.index_cast %get3A_2006 : i32 to index
      %get3A_2008 = arith.constant 32 : index
      %get3A_2009 = tpu.vector_load %arg9[%get3A_2007, %get3A_2008] {strides = array<i32>} : memref<16x128xf32, #tpu.memory_space<vmem>>, vector<1x16xf32>,
      %get3A_2010 = vector.shape_cast %get3A_2009 : vector<1x16xf32> to vector<16xf32>
      %get3A_2011 = arith.constant 10 : i32
      %get3A_2012 = arith.index_cast %get3A_2011 : i32 to index
      %get3A_2013 = arith.constant 96 : index
      %get3A_2014 = tpu.vector_load %arg9[%get3A_2012, %get3A_2013] {strides = array<i32>} : memref<16x128xf32, #tpu.memory_space<vmem>>, vector<1x16xf32>,
      %get3A_2015 = vector.shape_cast %get3A_2014 : vector<1x16xf32> to vector<16xf32>
      %get3A_2016 = arith.constant 10 : i32
      %get3A_2017 = arith.index_cast %get3A_2016 : i32 to index
      %get3A_2018 = arith.constant 32 : index
      %get3A_2019 = tpu.vector_load %arg10[%get3A_2017, %get3A_2018] {strides = array<i32>} : memref<16x128xf32, #tpu.memory_space<vmem>>, vector<1x16xf32>,
      %get3A_2020 = vector.shape_cast %get3A_2019 : vector<1x16xf32> to vector<16xf32>
      %get3A_2021 = arith.constant 10 : i32
      %get3A_2022 = arith.index_cast %get3A_2021 : i32 to index
      %get3A_2023 = arith.constant 96 : index
      %get3A_2024 = tpu.vector_load %arg10[%get3A_2022, %get3A_2023] {strides = array<i32>} : memref<16x128xf32, #tpu.memory_space<vmem>>, vector<1x16xf32>,
      %get3A_2025 = vector.shape_cast %get3A_2024 : vector<1x16xf32> to vector<16xf32>
      %select_n3A_2026 = arith.select %ge3A_1954, %get3A_2015, %get3A_2010 : vector<16xf32>
      %select_n3A_2027 = arith.select %ge3A_1958, %get3A_2025, %get3A_2020 : vector<16xf32>
      %mul3A_2028 = arith.mulf %select_n3A_2026, %select_n3A_2027 : vector<16xf32>
      %add3A_2029 = arith.addf %add3A_2005, %mul3A_2028 : vector<16xf32>
      %get3A_2030 = arith.constant 10 : i32
      %get3A_2031 = arith.index_cast %get3A_2030 : i32 to index
      %get3A_2032 = arith.constant 48 : index
      %get3A_2033 = tpu.vector_load %arg9[%get3A_2031, %get3A_2032] {strides = array<i32>} : memref<16x128xf32, #tpu.memory_space<vmem>>, vector<1x16xf32>,
      %get3A_2034 = vector.shape_cast %get3A_2033 : vector<1x16xf32> to vector<16xf32>
      %get3A_2035 = arith.constant 10 : i32
      %get3A_2036 = arith.index_cast %get3A_2035 : i32 to index
      %get3A_2037 = arith.constant 112 : index
      %get3A_2038 = tpu.vector_load %arg9[%get3A_2036, %get3A_2037] {strides = array<i32>} : memref<16x128xf32, #tpu.memory_space<vmem>>, vector<1x16xf32>,
      %get3A_2039 = vector.shape_cast %get3A_2038 : vector<1x16xf32> to vector<16xf32>
      %get3A_2040 = arith.constant 10 : i32
      %get3A_2041 = arith.index_cast %get3A_2040 : i32 to index
      %get3A_2042 = arith.constant 48 : index
      %get3A_2043 = tpu.vector_load %arg10[%get3A_2041, %get3A_2042] {strides = array<i32>} : memref<16x128xf32, #tpu.memory_space<vmem>>, vector<1x16xf32>,
      %get3A_2044 = vector.shape_cast %get3A_2043 : vector<1x16xf32> to vector<16xf32>
      %get3A_2045 = arith.constant 10 : i32
      %get3A_2046 = arith.index_cast %get3A_2045 : i32 to index
      %get3A_2047 = arith.constant 112 : index
      %get3A_2048 = tpu.vector_load %arg10[%get3A_2046, %get3A_2047] {strides = array<i32>} : memref<16x128xf32, #tpu.memory_space<vmem>>, vector<1x16xf32>,
      %get3A_2049 = vector.shape_cast %get3A_2048 : vector<1x16xf32> to vector<16xf32>
      %select_n3A_2050 = arith.select %ge3A_1954, %get3A_2039, %get3A_2034 : vector<16xf32>
      %select_n3A_2051 = arith.select %ge3A_1958, %get3A_2049, %get3A_2044 : vector<16xf32>
      %mul3A_2052 = arith.mulf %select_n3A_2050, %select_n3A_2051 : vector<16xf32>
      %add3A_2053 = arith.addf %add3A_2029, %mul3A_2052 : vector<16xf32>
      %slice3A_2054 = vector.extract_strided_slice %get3A_12 {offsets = [11], sizes = [1], strides = [1]} : vector<16xi32> to vector<1xi32>
      %squeeze3A_2055 = vector.extract %slice3A_2054[0] : i32 from vector<1xi32>
      %ge3A_2056 = arith.constant 51200 : i32
      %ge3A_2057 = arith.cmpi sge, %squeeze3A_2055, %ge3A_2056 : i32
      %slice3A_2058 = vector.extract_strided_slice %get3A_17 {offsets = [11], sizes = [1], strides = [1]} : vector<16xi32> to vector<1xi32>
      %squeeze3A_2059 = vector.extract %slice3A_2058[0] : i32 from vector<1xi32>
      %ge3A_2060 = arith.constant 51200 : i32
      %ge3A_2061 = arith.cmpi sge, %squeeze3A_2059, %ge3A_2060 : i32
      %get3A_2062 = arith.constant 11 : i32
      %get3A_2063 = arith.index_cast %get3A_2062 : i32 to index
      %get3A_2064 = arith.constant 0 : index
      %get3A_2065 = tpu.vector_load %arg9[%get3A_2063, %get3A_2064] {strides = array<i32>} : memref<16x128xf32, #tpu.memory_space<vmem>>, vector<1x16xf32>,
      %get3A_2066 = vector.shape_cast %get3A_2065 : vector<1x16xf32> to vector<16xf32>
      %get3A_2067 = arith.constant 11 : i32
      %get3A_2068 = arith.index_cast %get3A_2067 : i32 to index
      %get3A_2069 = arith.constant 64 : index
      %get3A_2070 = tpu.vector_load %arg9[%get3A_2068, %get3A_2069] {strides = array<i32>} : memref<16x128xf32, #tpu.memory_space<vmem>>, vector<1x16xf32>,
      %get3A_2071 = vector.shape_cast %get3A_2070 : vector<1x16xf32> to vector<16xf32>
      %get3A_2072 = arith.constant 11 : i32
      %get3A_2073 = arith.index_cast %get3A_2072 : i32 to index
      %get3A_2074 = arith.constant 0 : index
      %get3A_2075 = tpu.vector_load %arg10[%get3A_2073, %get3A_2074] {strides = array<i32>} : memref<16x128xf32, #tpu.memory_space<vmem>>, vector<1x16xf32>,
      %get3A_2076 = vector.shape_cast %get3A_2075 : vector<1x16xf32> to vector<16xf32>
      %get3A_2077 = arith.constant 11 : i32
      %get3A_2078 = arith.index_cast %get3A_2077 : i32 to index
      %get3A_2079 = arith.constant 64 : index
      %get3A_2080 = tpu.vector_load %arg10[%get3A_2078, %get3A_2079] {strides = array<i32>} : memref<16x128xf32, #tpu.memory_space<vmem>>, vector<1x16xf32>,
      %get3A_2081 = vector.shape_cast %get3A_2080 : vector<1x16xf32> to vector<16xf32>
      %select_n3A_2082 = arith.select %ge3A_2057, %get3A_2071, %get3A_2066 : vector<16xf32>
      %select_n3A_2083 = arith.select %ge3A_2061, %get3A_2081, %get3A_2076 : vector<16xf32>
      %mul3A_2084 = arith.mulf %select_n3A_2082, %select_n3A_2083 : vector<16xf32>
      %get3A_2085 = arith.constant 11 : i32
      %get3A_2086 = arith.index_cast %get3A_2085 : i32 to index
      %get3A_2087 = arith.constant 16 : index
      %get3A_2088 = tpu.vector_load %arg9[%get3A_2086, %get3A_2087] {strides = array<i32>} : memref<16x128xf32, #tpu.memory_space<vmem>>, vector<1x16xf32>,
      %get3A_2089 = vector.shape_cast %get3A_2088 : vector<1x16xf32> to vector<16xf32>
      %get3A_2090 = arith.constant 11 : i32
      %get3A_2091 = arith.index_cast %get3A_2090 : i32 to index
      %get3A_2092 = arith.constant 80 : index
      %get3A_2093 = tpu.vector_load %arg9[%get3A_2091, %get3A_2092] {strides = array<i32>} : memref<16x128xf32, #tpu.memory_space<vmem>>, vector<1x16xf32>,
      %get3A_2094 = vector.shape_cast %get3A_2093 : vector<1x16xf32> to vector<16xf32>
      %get3A_2095 = arith.constant 11 : i32
      %get3A_2096 = arith.index_cast %get3A_2095 : i32 to index
      %get3A_2097 = arith.constant 16 : index
      %get3A_2098 = tpu.vector_load %arg10[%get3A_2096, %get3A_2097] {strides = array<i32>} : memref<16x128xf32, #tpu.memory_space<vmem>>, vector<1x16xf32>,
      %get3A_2099 = vector.shape_cast %get3A_2098 : vector<1x16xf32> to vector<16xf32>
      %get3A_2100 = arith.constant 11 : i32
      %get3A_2101 = arith.index_cast %get3A_2100 : i32 to index
      %get3A_2102 = arith.constant 80 : index
      %get3A_2103 = tpu.vector_load %arg10[%get3A_2101, %get3A_2102] {strides = array<i32>} : memref<16x128xf32, #tpu.memory_space<vmem>>, vector<1x16xf32>,
      %get3A_2104 = vector.shape_cast %get3A_2103 : vector<1x16xf32> to vector<16xf32>
      %select_n3A_2105 = arith.select %ge3A_2057, %get3A_2094, %get3A_2089 : vector<16xf32>
      %select_n3A_2106 = arith.select %ge3A_2061, %get3A_2104, %get3A_2099 : vector<16xf32>
      %mul3A_2107 = arith.mulf %select_n3A_2105, %select_n3A_2106 : vector<16xf32>
      %add3A_2108 = arith.addf %mul3A_2084, %mul3A_2107 : vector<16xf32>
      %get3A_2109 = arith.constant 11 : i32
      %get3A_2110 = arith.index_cast %get3A_2109 : i32 to index
      %get3A_2111 = arith.constant 32 : index
      %get3A_2112 = tpu.vector_load %arg9[%get3A_2110, %get3A_2111] {strides = array<i32>} : memref<16x128xf32, #tpu.memory_space<vmem>>, vector<1x16xf32>,
      %get3A_2113 = vector.shape_cast %get3A_2112 : vector<1x16xf32> to vector<16xf32>
      %get3A_2114 = arith.constant 11 : i32
      %get3A_2115 = arith.index_cast %get3A_2114 : i32 to index
      %get3A_2116 = arith.constant 96 : index
      %get3A_2117 = tpu.vector_load %arg9[%get3A_2115, %get3A_2116] {strides = array<i32>} : memref<16x128xf32, #tpu.memory_space<vmem>>, vector<1x16xf32>,
      %get3A_2118 = vector.shape_cast %get3A_2117 : vector<1x16xf32> to vector<16xf32>
      %get3A_2119 = arith.constant 11 : i32
      %get3A_2120 = arith.index_cast %get3A_2119 : i32 to index
      %get3A_2121 = arith.constant 32 : index
      %get3A_2122 = tpu.vector_load %arg10[%get3A_2120, %get3A_2121] {strides = array<i32>} : memref<16x128xf32, #tpu.memory_space<vmem>>, vector<1x16xf32>,
      %get3A_2123 = vector.shape_cast %get3A_2122 : vector<1x16xf32> to vector<16xf32>
      %get3A_2124 = arith.constant 11 : i32
      %get3A_2125 = arith.index_cast %get3A_2124 : i32 to index
      %get3A_2126 = arith.constant 96 : index
      %get3A_2127 = tpu.vector_load %arg10[%get3A_2125, %get3A_2126] {strides = array<i32>} : memref<16x128xf32, #tpu.memory_space<vmem>>, vector<1x16xf32>,
      %get3A_2128 = vector.shape_cast %get3A_2127 : vector<1x16xf32> to vector<16xf32>
      %select_n3A_2129 = arith.select %ge3A_2057, %get3A_2118, %get3A_2113 : vector<16xf32>
      %select_n3A_2130 = arith.select %ge3A_2061, %get3A_2128, %get3A_2123 : vector<16xf32>
      %mul3A_2131 = arith.mulf %select_n3A_2129, %select_n3A_2130 : vector<16xf32>
      %add3A_2132 = arith.addf %add3A_2108, %mul3A_2131 : vector<16xf32>
      %get3A_2133 = arith.constant 11 : i32
      %get3A_2134 = arith.index_cast %get3A_2133 : i32 to index
      %get3A_2135 = arith.constant 48 : index
      %get3A_2136 = tpu.vector_load %arg9[%get3A_2134, %get3A_2135] {strides = array<i32>} : memref<16x128xf32, #tpu.memory_space<vmem>>, vector<1x16xf32>,
      %get3A_2137 = vector.shape_cast %get3A_2136 : vector<1x16xf32> to vector<16xf32>
      %get3A_2138 = arith.constant 11 : i32
      %get3A_2139 = arith.index_cast %get3A_2138 : i32 to index
      %get3A_2140 = arith.constant 112 : index
      %get3A_2141 = tpu.vector_load %arg9[%get3A_2139, %get3A_2140] {strides = array<i32>} : memref<16x128xf32, #tpu.memory_space<vmem>>, vector<1x16xf32>,
      %get3A_2142 = vector.shape_cast %get3A_2141 : vector<1x16xf32> to vector<16xf32>
      %get3A_2143 = arith.constant 11 : i32
      %get3A_2144 = arith.index_cast %get3A_2143 : i32 to index
      %get3A_2145 = arith.constant 48 : index
      %get3A_2146 = tpu.vector_load %arg10[%get3A_2144, %get3A_2145] {strides = array<i32>} : memref<16x128xf32, #tpu.memory_space<vmem>>, vector<1x16xf32>,
      %get3A_2147 = vector.shape_cast %get3A_2146 : vector<1x16xf32> to vector<16xf32>
      %get3A_2148 = arith.constant 11 : i32
      %get3A_2149 = arith.index_cast %get3A_2148 : i32 to index
      %get3A_2150 = arith.constant 112 : index
      %get3A_2151 = tpu.vector_load %arg10[%get3A_2149, %get3A_2150] {strides = array<i32>} : memref<16x128xf32, #tpu.memory_space<vmem>>, vector<1x16xf32>,
      %get3A_2152 = vector.shape_cast %get3A_2151 : vector<1x16xf32> to vector<16xf32>
      %select_n3A_2153 = arith.select %ge3A_2057, %get3A_2142, %get3A_2137 : vector<16xf32>
      %select_n3A_2154 = arith.select %ge3A_2061, %get3A_2152, %get3A_2147 : vector<16xf32>
      %mul3A_2155 = arith.mulf %select_n3A_2153, %select_n3A_2154 : vector<16xf32>
      %add3A_2156 = arith.addf %add3A_2132, %mul3A_2155 : vector<16xf32>
      %slice3A_2157 = vector.extract_strided_slice %get3A_12 {offsets = [12], sizes = [1], strides = [1]} : vector<16xi32> to vector<1xi32>
      %squeeze3A_2158 = vector.extract %slice3A_2157[0] : i32 from vector<1xi32>
      %ge3A_2159 = arith.constant 51200 : i32
      %ge3A_2160 = arith.cmpi sge, %squeeze3A_2158, %ge3A_2159 : i32
      %slice3A_2161 = vector.extract_strided_slice %get3A_17 {offsets = [12], sizes = [1], strides = [1]} : vector<16xi32> to vector<1xi32>
      %squeeze3A_2162 = vector.extract %slice3A_2161[0] : i32 from vector<1xi32>
      %ge3A_2163 = arith.constant 51200 : i32
      %ge3A_2164 = arith.cmpi sge, %squeeze3A_2162, %ge3A_2163 : i32
      %get3A_2165 = arith.constant 12 : i32
      %get3A_2166 = arith.index_cast %get3A_2165 : i32 to index
      %get3A_2167 = arith.constant 0 : index
      %get3A_2168 = tpu.vector_load %arg9[%get3A_2166, %get3A_2167] {strides = array<i32>} : memref<16x128xf32, #tpu.memory_space<vmem>>, vector<1x16xf32>,
      %get3A_2169 = vector.shape_cast %get3A_2168 : vector<1x16xf32> to vector<16xf32>
      %get3A_2170 = arith.constant 12 : i32
      %get3A_2171 = arith.index_cast %get3A_2170 : i32 to index
      %get3A_2172 = arith.constant 64 : index
      %get3A_2173 = tpu.vector_load %arg9[%get3A_2171, %get3A_2172] {strides = array<i32>} : memref<16x128xf32, #tpu.memory_space<vmem>>, vector<1x16xf32>,
      %get3A_2174 = vector.shape_cast %get3A_2173 : vector<1x16xf32> to vector<16xf32>
      %get3A_2175 = arith.constant 12 : i32
      %get3A_2176 = arith.index_cast %get3A_2175 : i32 to index
      %get3A_2177 = arith.constant 0 : index
      %get3A_2178 = tpu.vector_load %arg10[%get3A_2176, %get3A_2177] {strides = array<i32>} : memref<16x128xf32, #tpu.memory_space<vmem>>, vector<1x16xf32>,
      %get3A_2179 = vector.shape_cast %get3A_2178 : vector<1x16xf32> to vector<16xf32>
      %get3A_2180 = arith.constant 12 : i32
      %get3A_2181 = arith.index_cast %get3A_2180 : i32 to index
      %get3A_2182 = arith.constant 64 : index
      %get3A_2183 = tpu.vector_load %arg10[%get3A_2181, %get3A_2182] {strides = array<i32>} : memref<16x128xf32, #tpu.memory_space<vmem>>, vector<1x16xf32>,
      %get3A_2184 = vector.shape_cast %get3A_2183 : vector<1x16xf32> to vector<16xf32>
      %select_n3A_2185 = arith.select %ge3A_2160, %get3A_2174, %get3A_2169 : vector<16xf32>
      %select_n3A_2186 = arith.select %ge3A_2164, %get3A_2184, %get3A_2179 : vector<16xf32>
      %mul3A_2187 = arith.mulf %select_n3A_2185, %select_n3A_2186 : vector<16xf32>
      %get3A_2188 = arith.constant 12 : i32
      %get3A_2189 = arith.index_cast %get3A_2188 : i32 to index
      %get3A_2190 = arith.constant 16 : index
      %get3A_2191 = tpu.vector_load %arg9[%get3A_2189, %get3A_2190] {strides = array<i32>} : memref<16x128xf32, #tpu.memory_space<vmem>>, vector<1x16xf32>,
      %get3A_2192 = vector.shape_cast %get3A_2191 : vector<1x16xf32> to vector<16xf32>
      %get3A_2193 = arith.constant 12 : i32
      %get3A_2194 = arith.index_cast %get3A_2193 : i32 to index
      %get3A_2195 = arith.constant 80 : index
      %get3A_2196 = tpu.vector_load %arg9[%get3A_2194, %get3A_2195] {strides = array<i32>} : memref<16x128xf32, #tpu.memory_space<vmem>>, vector<1x16xf32>,
      %get3A_2197 = vector.shape_cast %get3A_2196 : vector<1x16xf32> to vector<16xf32>
      %get3A_2198 = arith.constant 12 : i32
      %get3A_2199 = arith.index_cast %get3A_2198 : i32 to index
      %get3A_2200 = arith.constant 16 : index
      %get3A_2201 = tpu.vector_load %arg10[%get3A_2199, %get3A_2200] {strides = array<i32>} : memref<16x128xf32, #tpu.memory_space<vmem>>, vector<1x16xf32>,
      %get3A_2202 = vector.shape_cast %get3A_2201 : vector<1x16xf32> to vector<16xf32>
      %get3A_2203 = arith.constant 12 : i32
      %get3A_2204 = arith.index_cast %get3A_2203 : i32 to index
      %get3A_2205 = arith.constant 80 : index
      %get3A_2206 = tpu.vector_load %arg10[%get3A_2204, %get3A_2205] {strides = array<i32>} : memref<16x128xf32, #tpu.memory_space<vmem>>, vector<1x16xf32>,
      %get3A_2207 = vector.shape_cast %get3A_2206 : vector<1x16xf32> to vector<16xf32>
      %select_n3A_2208 = arith.select %ge3A_2160, %get3A_2197, %get3A_2192 : vector<16xf32>
      %select_n3A_2209 = arith.select %ge3A_2164, %get3A_2207, %get3A_2202 : vector<16xf32>
      %mul3A_2210 = arith.mulf %select_n3A_2208, %select_n3A_2209 : vector<16xf32>
      %add3A_2211 = arith.addf %mul3A_2187, %mul3A_2210 : vector<16xf32>
      %get3A_2212 = arith.constant 12 : i32
      %get3A_2213 = arith.index_cast %get3A_2212 : i32 to index
      %get3A_2214 = arith.constant 32 : index
      %get3A_2215 = tpu.vector_load %arg9[%get3A_2213, %get3A_2214] {strides = array<i32>} : memref<16x128xf32, #tpu.memory_space<vmem>>, vector<1x16xf32>,
      %get3A_2216 = vector.shape_cast %get3A_2215 : vector<1x16xf32> to vector<16xf32>
      %get3A_2217 = arith.constant 12 : i32
      %get3A_2218 = arith.index_cast %get3A_2217 : i32 to index
      %get3A_2219 = arith.constant 96 : index
      %get3A_2220 = tpu.vector_load %arg9[%get3A_2218, %get3A_2219] {strides = array<i32>} : memref<16x128xf32, #tpu.memory_space<vmem>>, vector<1x16xf32>,
      %get3A_2221 = vector.shape_cast %get3A_2220 : vector<1x16xf32> to vector<16xf32>
      %get3A_2222 = arith.constant 12 : i32
      %get3A_2223 = arith.index_cast %get3A_2222 : i32 to index
      %get3A_2224 = arith.constant 32 : index
      %get3A_2225 = tpu.vector_load %arg10[%get3A_2223, %get3A_2224] {strides = array<i32>} : memref<16x128xf32, #tpu.memory_space<vmem>>, vector<1x16xf32>,
      %get3A_2226 = vector.shape_cast %get3A_2225 : vector<1x16xf32> to vector<16xf32>
      %get3A_2227 = arith.constant 12 : i32
      %get3A_2228 = arith.index_cast %get3A_2227 : i32 to index
      %get3A_2229 = arith.constant 96 : index
      %get3A_2230 = tpu.vector_load %arg10[%get3A_2228, %get3A_2229] {strides = array<i32>} : memref<16x128xf32, #tpu.memory_space<vmem>>, vector<1x16xf32>,
      %get3A_2231 = vector.shape_cast %get3A_2230 : vector<1x16xf32> to vector<16xf32>
      %select_n3A_2232 = arith.select %ge3A_2160, %get3A_2221, %get3A_2216 : vector<16xf32>
      %select_n3A_2233 = arith.select %ge3A_2164, %get3A_2231, %get3A_2226 : vector<16xf32>
      %mul3A_2234 = arith.mulf %select_n3A_2232, %select_n3A_2233 : vector<16xf32>
      %add3A_2235 = arith.addf %add3A_2211, %mul3A_2234 : vector<16xf32>
      %get3A_2236 = arith.constant 12 : i32
      %get3A_2237 = arith.index_cast %get3A_2236 : i32 to index
      %get3A_2238 = arith.constant 48 : index
      %get3A_2239 = tpu.vector_load %arg9[%get3A_2237, %get3A_2238] {strides = array<i32>} : memref<16x128xf32, #tpu.memory_space<vmem>>, vector<1x16xf32>,
      %get3A_2240 = vector.shape_cast %get3A_2239 : vector<1x16xf32> to vector<16xf32>
      %get3A_2241 = arith.constant 12 : i32
      %get3A_2242 = arith.index_cast %get3A_2241 : i32 to index
      %get3A_2243 = arith.constant 112 : index
      %get3A_2244 = tpu.vector_load %arg9[%get3A_2242, %get3A_2243] {strides = array<i32>} : memref<16x128xf32, #tpu.memory_space<vmem>>, vector<1x16xf32>,
      %get3A_2245 = vector.shape_cast %get3A_2244 : vector<1x16xf32> to vector<16xf32>
      %get3A_2246 = arith.constant 12 : i32
      %get3A_2247 = arith.index_cast %get3A_2246 : i32 to index
      %get3A_2248 = arith.constant 48 : index
      %get3A_2249 = tpu.vector_load %arg10[%get3A_2247, %get3A_2248] {strides = array<i32>} : memref<16x128xf32, #tpu.memory_space<vmem>>, vector<1x16xf32>,
      %get3A_2250 = vector.shape_cast %get3A_2249 : vector<1x16xf32> to vector<16xf32>
      %get3A_2251 = arith.constant 12 : i32
      %get3A_2252 = arith.index_cast %get3A_2251 : i32 to index
      %get3A_2253 = arith.constant 112 : index
      %get3A_2254 = tpu.vector_load %arg10[%get3A_2252, %get3A_2253] {strides = array<i32>} : memref<16x128xf32, #tpu.memory_space<vmem>>, vector<1x16xf32>,
      %get3A_2255 = vector.shape_cast %get3A_2254 : vector<1x16xf32> to vector<16xf32>
      %select_n3A_2256 = arith.select %ge3A_2160, %get3A_2245, %get3A_2240 : vector<16xf32>
      %select_n3A_2257 = arith.select %ge3A_2164, %get3A_2255, %get3A_2250 : vector<16xf32>
      %mul3A_2258 = arith.mulf %select_n3A_2256, %select_n3A_2257 : vector<16xf32>
      %add3A_2259 = arith.addf %add3A_2235, %mul3A_2258 : vector<16xf32>
      %slice3A_2260 = vector.extract_strided_slice %get3A_12 {offsets = [13], sizes = [1], strides = [1]} : vector<16xi32> to vector<1xi32>
      %squeeze3A_2261 = vector.extract %slice3A_2260[0] : i32 from vector<1xi32>
      %ge3A_2262 = arith.constant 51200 : i32
      %ge3A_2263 = arith.cmpi sge, %squeeze3A_2261, %ge3A_2262 : i32
      %slice3A_2264 = vector.extract_strided_slice %get3A_17 {offsets = [13], sizes = [1], strides = [1]} : vector<16xi32> to vector<1xi32>
      %squeeze3A_2265 = vector.extract %slice3A_2264[0] : i32 from vector<1xi32>
      %ge3A_2266 = arith.constant 51200 : i32
      %ge3A_2267 = arith.cmpi sge, %squeeze3A_2265, %ge3A_2266 : i32
      %get3A_2268 = arith.constant 13 : i32
      %get3A_2269 = arith.index_cast %get3A_2268 : i32 to index
      %get3A_2270 = arith.constant 0 : index
      %get3A_2271 = tpu.vector_load %arg9[%get3A_2269, %get3A_2270] {strides = array<i32>} : memref<16x128xf32, #tpu.memory_space<vmem>>, vector<1x16xf32>,
      %get3A_2272 = vector.shape_cast %get3A_2271 : vector<1x16xf32> to vector<16xf32>
      %get3A_2273 = arith.constant 13 : i32
      %get3A_2274 = arith.index_cast %get3A_2273 : i32 to index
      %get3A_2275 = arith.constant 64 : index
      %get3A_2276 = tpu.vector_load %arg9[%get3A_2274, %get3A_2275] {strides = array<i32>} : memref<16x128xf32, #tpu.memory_space<vmem>>, vector<1x16xf32>,
      %get3A_2277 = vector.shape_cast %get3A_2276 : vector<1x16xf32> to vector<16xf32>
      %get3A_2278 = arith.constant 13 : i32
      %get3A_2279 = arith.index_cast %get3A_2278 : i32 to index
      %get3A_2280 = arith.constant 0 : index
      %get3A_2281 = tpu.vector_load %arg10[%get3A_2279, %get3A_2280] {strides = array<i32>} : memref<16x128xf32, #tpu.memory_space<vmem>>, vector<1x16xf32>,
      %get3A_2282 = vector.shape_cast %get3A_2281 : vector<1x16xf32> to vector<16xf32>
      %get3A_2283 = arith.constant 13 : i32
      %get3A_2284 = arith.index_cast %get3A_2283 : i32 to index
      %get3A_2285 = arith.constant 64 : index
      %get3A_2286 = tpu.vector_load %arg10[%get3A_2284, %get3A_2285] {strides = array<i32>} : memref<16x128xf32, #tpu.memory_space<vmem>>, vector<1x16xf32>,
      %get3A_2287 = vector.shape_cast %get3A_2286 : vector<1x16xf32> to vector<16xf32>
      %select_n3A_2288 = arith.select %ge3A_2263, %get3A_2277, %get3A_2272 : vector<16xf32>
      %select_n3A_2289 = arith.select %ge3A_2267, %get3A_2287, %get3A_2282 : vector<16xf32>
      %mul3A_2290 = arith.mulf %select_n3A_2288, %select_n3A_2289 : vector<16xf32>
      %get3A_2291 = arith.constant 13 : i32
      %get3A_2292 = arith.index_cast %get3A_2291 : i32 to index
      %get3A_2293 = arith.constant 16 : index
      %get3A_2294 = tpu.vector_load %arg9[%get3A_2292, %get3A_2293] {strides = array<i32>} : memref<16x128xf32, #tpu.memory_space<vmem>>, vector<1x16xf32>,
      %get3A_2295 = vector.shape_cast %get3A_2294 : vector<1x16xf32> to vector<16xf32>
      %get3A_2296 = arith.constant 13 : i32
      %get3A_2297 = arith.index_cast %get3A_2296 : i32 to index
      %get3A_2298 = arith.constant 80 : index
      %get3A_2299 = tpu.vector_load %arg9[%get3A_2297, %get3A_2298] {strides = array<i32>} : memref<16x128xf32, #tpu.memory_space<vmem>>, vector<1x16xf32>,
      %get3A_2300 = vector.shape_cast %get3A_2299 : vector<1x16xf32> to vector<16xf32>
      %get3A_2301 = arith.constant 13 : i32
      %get3A_2302 = arith.index_cast %get3A_2301 : i32 to index
      %get3A_2303 = arith.constant 16 : index
      %get3A_2304 = tpu.vector_load %arg10[%get3A_2302, %get3A_2303] {strides = array<i32>} : memref<16x128xf32, #tpu.memory_space<vmem>>, vector<1x16xf32>,
      %get3A_2305 = vector.shape_cast %get3A_2304 : vector<1x16xf32> to vector<16xf32>
      %get3A_2306 = arith.constant 13 : i32
      %get3A_2307 = arith.index_cast %get3A_2306 : i32 to index
      %get3A_2308 = arith.constant 80 : index
      %get3A_2309 = tpu.vector_load %arg10[%get3A_2307, %get3A_2308] {strides = array<i32>} : memref<16x128xf32, #tpu.memory_space<vmem>>, vector<1x16xf32>,
      %get3A_2310 = vector.shape_cast %get3A_2309 : vector<1x16xf32> to vector<16xf32>
      %select_n3A_2311 = arith.select %ge3A_2263, %get3A_2300, %get3A_2295 : vector<16xf32>
      %select_n3A_2312 = arith.select %ge3A_2267, %get3A_2310, %get3A_2305 : vector<16xf32>
      %mul3A_2313 = arith.mulf %select_n3A_2311, %select_n3A_2312 : vector<16xf32>
      %add3A_2314 = arith.addf %mul3A_2290, %mul3A_2313 : vector<16xf32>
      %get3A_2315 = arith.constant 13 : i32
      %get3A_2316 = arith.index_cast %get3A_2315 : i32 to index
      %get3A_2317 = arith.constant 32 : index
      %get3A_2318 = tpu.vector_load %arg9[%get3A_2316, %get3A_2317] {strides = array<i32>} : memref<16x128xf32, #tpu.memory_space<vmem>>, vector<1x16xf32>,
      %get3A_2319 = vector.shape_cast %get3A_2318 : vector<1x16xf32> to vector<16xf32>
      %get3A_2320 = arith.constant 13 : i32
      %get3A_2321 = arith.index_cast %get3A_2320 : i32 to index
      %get3A_2322 = arith.constant 96 : index
      %get3A_2323 = tpu.vector_load %arg9[%get3A_2321, %get3A_2322] {strides = array<i32>} : memref<16x128xf32, #tpu.memory_space<vmem>>, vector<1x16xf32>,
      %get3A_2324 = vector.shape_cast %get3A_2323 : vector<1x16xf32> to vector<16xf32>
      %get3A_2325 = arith.constant 13 : i32
      %get3A_2326 = arith.index_cast %get3A_2325 : i32 to index
      %get3A_2327 = arith.constant 32 : index
      %get3A_2328 = tpu.vector_load %arg10[%get3A_2326, %get3A_2327] {strides = array<i32>} : memref<16x128xf32, #tpu.memory_space<vmem>>, vector<1x16xf32>,
      %get3A_2329 = vector.shape_cast %get3A_2328 : vector<1x16xf32> to vector<16xf32>
      %get3A_2330 = arith.constant 13 : i32
      %get3A_2331 = arith.index_cast %get3A_2330 : i32 to index
      %get3A_2332 = arith.constant 96 : index
      %get3A_2333 = tpu.vector_load %arg10[%get3A_2331, %get3A_2332] {strides = array<i32>} : memref<16x128xf32, #tpu.memory_space<vmem>>, vector<1x16xf32>,
      %get3A_2334 = vector.shape_cast %get3A_2333 : vector<1x16xf32> to vector<16xf32>
      %select_n3A_2335 = arith.select %ge3A_2263, %get3A_2324, %get3A_2319 : vector<16xf32>
      %select_n3A_2336 = arith.select %ge3A_2267, %get3A_2334, %get3A_2329 : vector<16xf32>
      %mul3A_2337 = arith.mulf %select_n3A_2335, %select_n3A_2336 : vector<16xf32>
      %add3A_2338 = arith.addf %add3A_2314, %mul3A_2337 : vector<16xf32>
      %get3A_2339 = arith.constant 13 : i32
      %get3A_2340 = arith.index_cast %get3A_2339 : i32 to index
      %get3A_2341 = arith.constant 48 : index
      %get3A_2342 = tpu.vector_load %arg9[%get3A_2340, %get3A_2341] {strides = array<i32>} : memref<16x128xf32, #tpu.memory_space<vmem>>, vector<1x16xf32>,
      %get3A_2343 = vector.shape_cast %get3A_2342 : vector<1x16xf32> to vector<16xf32>
      %get3A_2344 = arith.constant 13 : i32
      %get3A_2345 = arith.index_cast %get3A_2344 : i32 to index
      %get3A_2346 = arith.constant 112 : index
      %get3A_2347 = tpu.vector_load %arg9[%get3A_2345, %get3A_2346] {strides = array<i32>} : memref<16x128xf32, #tpu.memory_space<vmem>>, vector<1x16xf32>,
      %get3A_2348 = vector.shape_cast %get3A_2347 : vector<1x16xf32> to vector<16xf32>
      %get3A_2349 = arith.constant 13 : i32
      %get3A_2350 = arith.index_cast %get3A_2349 : i32 to index
      %get3A_2351 = arith.constant 48 : index
      %get3A_2352 = tpu.vector_load %arg10[%get3A_2350, %get3A_2351] {strides = array<i32>} : memref<16x128xf32, #tpu.memory_space<vmem>>, vector<1x16xf32>,
      %get3A_2353 = vector.shape_cast %get3A_2352 : vector<1x16xf32> to vector<16xf32>
      %get3A_2354 = arith.constant 13 : i32
      %get3A_2355 = arith.index_cast %get3A_2354 : i32 to index
      %get3A_2356 = arith.constant 112 : index
      %get3A_2357 = tpu.vector_load %arg10[%get3A_2355, %get3A_2356] {strides = array<i32>} : memref<16x128xf32, #tpu.memory_space<vmem>>, vector<1x16xf32>,
      %get3A_2358 = vector.shape_cast %get3A_2357 : vector<1x16xf32> to vector<16xf32>
      %select_n3A_2359 = arith.select %ge3A_2263, %get3A_2348, %get3A_2343 : vector<16xf32>
      %select_n3A_2360 = arith.select %ge3A_2267, %get3A_2358, %get3A_2353 : vector<16xf32>
      %mul3A_2361 = arith.mulf %select_n3A_2359, %select_n3A_2360 : vector<16xf32>
      %add3A_2362 = arith.addf %add3A_2338, %mul3A_2361 : vector<16xf32>
      %slice3A_2363 = vector.extract_strided_slice %get3A_12 {offsets = [14], sizes = [1], strides = [1]} : vector<16xi32> to vector<1xi32>
      %squeeze3A_2364 = vector.extract %slice3A_2363[0] : i32 from vector<1xi32>
      %ge3A_2365 = arith.constant 51200 : i32
      %ge3A_2366 = arith.cmpi sge, %squeeze3A_2364, %ge3A_2365 : i32
      %slice3A_2367 = vector.extract_strided_slice %get3A_17 {offsets = [14], sizes = [1], strides = [1]} : vector<16xi32> to vector<1xi32>
      %squeeze3A_2368 = vector.extract %slice3A_2367[0] : i32 from vector<1xi32>
      %ge3A_2369 = arith.constant 51200 : i32
      %ge3A_2370 = arith.cmpi sge, %squeeze3A_2368, %ge3A_2369 : i32
      %get3A_2371 = arith.constant 14 : i32
      %get3A_2372 = arith.index_cast %get3A_2371 : i32 to index
      %get3A_2373 = arith.constant 0 : index
      %get3A_2374 = tpu.vector_load %arg9[%get3A_2372, %get3A_2373] {strides = array<i32>} : memref<16x128xf32, #tpu.memory_space<vmem>>, vector<1x16xf32>,
      %get3A_2375 = vector.shape_cast %get3A_2374 : vector<1x16xf32> to vector<16xf32>
      %get3A_2376 = arith.constant 14 : i32
      %get3A_2377 = arith.index_cast %get3A_2376 : i32 to index
      %get3A_2378 = arith.constant 64 : index
      %get3A_2379 = tpu.vector_load %arg9[%get3A_2377, %get3A_2378] {strides = array<i32>} : memref<16x128xf32, #tpu.memory_space<vmem>>, vector<1x16xf32>,
      %get3A_2380 = vector.shape_cast %get3A_2379 : vector<1x16xf32> to vector<16xf32>
      %get3A_2381 = arith.constant 14 : i32
      %get3A_2382 = arith.index_cast %get3A_2381 : i32 to index
      %get3A_2383 = arith.constant 0 : index
      %get3A_2384 = tpu.vector_load %arg10[%get3A_2382, %get3A_2383] {strides = array<i32>} : memref<16x128xf32, #tpu.memory_space<vmem>>, vector<1x16xf32>,
      %get3A_2385 = vector.shape_cast %get3A_2384 : vector<1x16xf32> to vector<16xf32>
      %get3A_2386 = arith.constant 14 : i32
      %get3A_2387 = arith.index_cast %get3A_2386 : i32 to index
      %get3A_2388 = arith.constant 64 : index
      %get3A_2389 = tpu.vector_load %arg10[%get3A_2387, %get3A_2388] {strides = array<i32>} : memref<16x128xf32, #tpu.memory_space<vmem>>, vector<1x16xf32>,
      %get3A_2390 = vector.shape_cast %get3A_2389 : vector<1x16xf32> to vector<16xf32>
      %select_n3A_2391 = arith.select %ge3A_2366, %get3A_2380, %get3A_2375 : vector<16xf32>
      %select_n3A_2392 = arith.select %ge3A_2370, %get3A_2390, %get3A_2385 : vector<16xf32>
      %mul3A_2393 = arith.mulf %select_n3A_2391, %select_n3A_2392 : vector<16xf32>
      %get3A_2394 = arith.constant 14 : i32
      %get3A_2395 = arith.index_cast %get3A_2394 : i32 to index
      %get3A_2396 = arith.constant 16 : index
      %get3A_2397 = tpu.vector_load %arg9[%get3A_2395, %get3A_2396] {strides = array<i32>} : memref<16x128xf32, #tpu.memory_space<vmem>>, vector<1x16xf32>,
      %get3A_2398 = vector.shape_cast %get3A_2397 : vector<1x16xf32> to vector<16xf32>
      %get3A_2399 = arith.constant 14 : i32
      %get3A_2400 = arith.index_cast %get3A_2399 : i32 to index
      %get3A_2401 = arith.constant 80 : index
      %get3A_2402 = tpu.vector_load %arg9[%get3A_2400, %get3A_2401] {strides = array<i32>} : memref<16x128xf32, #tpu.memory_space<vmem>>, vector<1x16xf32>,
      %get3A_2403 = vector.shape_cast %get3A_2402 : vector<1x16xf32> to vector<16xf32>
      %get3A_2404 = arith.constant 14 : i32
      %get3A_2405 = arith.index_cast %get3A_2404 : i32 to index
      %get3A_2406 = arith.constant 16 : index
      %get3A_2407 = tpu.vector_load %arg10[%get3A_2405, %get3A_2406] {strides = array<i32>} : memref<16x128xf32, #tpu.memory_space<vmem>>, vector<1x16xf32>,
      %get3A_2408 = vector.shape_cast %get3A_2407 : vector<1x16xf32> to vector<16xf32>
      %get3A_2409 = arith.constant 14 : i32
      %get3A_2410 = arith.index_cast %get3A_2409 : i32 to index
      %get3A_2411 = arith.constant 80 : index
      %get3A_2412 = tpu.vector_load %arg10[%get3A_2410, %get3A_2411] {strides = array<i32>} : memref<16x128xf32, #tpu.memory_space<vmem>>, vector<1x16xf32>,
      %get3A_2413 = vector.shape_cast %get3A_2412 : vector<1x16xf32> to vector<16xf32>
      %select_n3A_2414 = arith.select %ge3A_2366, %get3A_2403, %get3A_2398 : vector<16xf32>
      %select_n3A_2415 = arith.select %ge3A_2370, %get3A_2413, %get3A_2408 : vector<16xf32>
      %mul3A_2416 = arith.mulf %select_n3A_2414, %select_n3A_2415 : vector<16xf32>
      %add3A_2417 = arith.addf %mul3A_2393, %mul3A_2416 : vector<16xf32>
      %get3A_2418 = arith.constant 14 : i32
      %get3A_2419 = arith.index_cast %get3A_2418 : i32 to index
      %get3A_2420 = arith.constant 32 : index
      %get3A_2421 = tpu.vector_load %arg9[%get3A_2419, %get3A_2420] {strides = array<i32>} : memref<16x128xf32, #tpu.memory_space<vmem>>, vector<1x16xf32>,
      %get3A_2422 = vector.shape_cast %get3A_2421 : vector<1x16xf32> to vector<16xf32>
      %get3A_2423 = arith.constant 14 : i32
      %get3A_2424 = arith.index_cast %get3A_2423 : i32 to index
      %get3A_2425 = arith.constant 96 : index
      %get3A_2426 = tpu.vector_load %arg9[%get3A_2424, %get3A_2425] {strides = array<i32>} : memref<16x128xf32, #tpu.memory_space<vmem>>, vector<1x16xf32>,
      %get3A_2427 = vector.shape_cast %get3A_2426 : vector<1x16xf32> to vector<16xf32>
      %get3A_2428 = arith.constant 14 : i32
      %get3A_2429 = arith.index_cast %get3A_2428 : i32 to index
      %get3A_2430 = arith.constant 32 : index
      %get3A_2431 = tpu.vector_load %arg10[%get3A_2429, %get3A_2430] {strides = array<i32>} : memref<16x128xf32, #tpu.memory_space<vmem>>, vector<1x16xf32>,
      %get3A_2432 = vector.shape_cast %get3A_2431 : vector<1x16xf32> to vector<16xf32>
      %get3A_2433 = arith.constant 14 : i32
      %get3A_2434 = arith.index_cast %get3A_2433 : i32 to index
      %get3A_2435 = arith.constant 96 : index
      %get3A_2436 = tpu.vector_load %arg10[%get3A_2434, %get3A_2435] {strides = array<i32>} : memref<16x128xf32, #tpu.memory_space<vmem>>, vector<1x16xf32>,
      %get3A_2437 = vector.shape_cast %get3A_2436 : vector<1x16xf32> to vector<16xf32>
      %select_n3A_2438 = arith.select %ge3A_2366, %get3A_2427, %get3A_2422 : vector<16xf32>
      %select_n3A_2439 = arith.select %ge3A_2370, %get3A_2437, %get3A_2432 : vector<16xf32>
      %mul3A_2440 = arith.mulf %select_n3A_2438, %select_n3A_2439 : vector<16xf32>
      %add3A_2441 = arith.addf %add3A_2417, %mul3A_2440 : vector<16xf32>
      %get3A_2442 = arith.constant 14 : i32
      %get3A_2443 = arith.index_cast %get3A_2442 : i32 to index
      %get3A_2444 = arith.constant 48 : index
      %get3A_2445 = tpu.vector_load %arg9[%get3A_2443, %get3A_2444] {strides = array<i32>} : memref<16x128xf32, #tpu.memory_space<vmem>>, vector<1x16xf32>,
      %get3A_2446 = vector.shape_cast %get3A_2445 : vector<1x16xf32> to vector<16xf32>
      %get3A_2447 = arith.constant 14 : i32
      %get3A_2448 = arith.index_cast %get3A_2447 : i32 to index
      %get3A_2449 = arith.constant 112 : index
      %get3A_2450 = tpu.vector_load %arg9[%get3A_2448, %get3A_2449] {strides = array<i32>} : memref<16x128xf32, #tpu.memory_space<vmem>>, vector<1x16xf32>,
      %get3A_2451 = vector.shape_cast %get3A_2450 : vector<1x16xf32> to vector<16xf32>
      %get3A_2452 = arith.constant 14 : i32
      %get3A_2453 = arith.index_cast %get3A_2452 : i32 to index
      %get3A_2454 = arith.constant 48 : index
      %get3A_2455 = tpu.vector_load %arg10[%get3A_2453, %get3A_2454] {strides = array<i32>} : memref<16x128xf32, #tpu.memory_space<vmem>>, vector<1x16xf32>,
      %get3A_2456 = vector.shape_cast %get3A_2455 : vector<1x16xf32> to vector<16xf32>
      %get3A_2457 = arith.constant 14 : i32
      %get3A_2458 = arith.index_cast %get3A_2457 : i32 to index
      %get3A_2459 = arith.constant 112 : index
      %get3A_2460 = tpu.vector_load %arg10[%get3A_2458, %get3A_2459] {strides = array<i32>} : memref<16x128xf32, #tpu.memory_space<vmem>>, vector<1x16xf32>,
      %get3A_2461 = vector.shape_cast %get3A_2460 : vector<1x16xf32> to vector<16xf32>
      %select_n3A_2462 = arith.select %ge3A_2366, %get3A_2451, %get3A_2446 : vector<16xf32>
      %select_n3A_2463 = arith.select %ge3A_2370, %get3A_2461, %get3A_2456 : vector<16xf32>
      %mul3A_2464 = arith.mulf %select_n3A_2462, %select_n3A_2463 : vector<16xf32>
      %add3A_2465 = arith.addf %add3A_2441, %mul3A_2464 : vector<16xf32>
      %slice3A_2466 = vector.extract_strided_slice %get3A_12 {offsets = [15], sizes = [1], strides = [1]} : vector<16xi32> to vector<1xi32>
      %squeeze3A_2467 = vector.extract %slice3A_2466[0] : i32 from vector<1xi32>
      %ge3A_2468 = arith.constant 51200 : i32
      %ge3A_2469 = arith.cmpi sge, %squeeze3A_2467, %ge3A_2468 : i32
      %slice3A_2470 = vector.extract_strided_slice %get3A_17 {offsets = [15], sizes = [1], strides = [1]} : vector<16xi32> to vector<1xi32>
      %squeeze3A_2471 = vector.extract %slice3A_2470[0] : i32 from vector<1xi32>
      %ge3A_2472 = arith.constant 51200 : i32
      %ge3A_2473 = arith.cmpi sge, %squeeze3A_2471, %ge3A_2472 : i32
      %get3A_2474 = arith.constant 15 : i32
      %get3A_2475 = arith.index_cast %get3A_2474 : i32 to index
      %get3A_2476 = arith.constant 0 : index
      %get3A_2477 = tpu.vector_load %arg9[%get3A_2475, %get3A_2476] {strides = array<i32>} : memref<16x128xf32, #tpu.memory_space<vmem>>, vector<1x16xf32>,
      %get3A_2478 = vector.shape_cast %get3A_2477 : vector<1x16xf32> to vector<16xf32>
      %get3A_2479 = arith.constant 15 : i32
      %get3A_2480 = arith.index_cast %get3A_2479 : i32 to index
      %get3A_2481 = arith.constant 64 : index
      %get3A_2482 = tpu.vector_load %arg9[%get3A_2480, %get3A_2481] {strides = array<i32>} : memref<16x128xf32, #tpu.memory_space<vmem>>, vector<1x16xf32>,
      %get3A_2483 = vector.shape_cast %get3A_2482 : vector<1x16xf32> to vector<16xf32>
      %get3A_2484 = arith.constant 15 : i32
      %get3A_2485 = arith.index_cast %get3A_2484 : i32 to index
      %get3A_2486 = arith.constant 0 : index
      %get3A_2487 = tpu.vector_load %arg10[%get3A_2485, %get3A_2486] {strides = array<i32>} : memref<16x128xf32, #tpu.memory_space<vmem>>, vector<1x16xf32>,
      %get3A_2488 = vector.shape_cast %get3A_2487 : vector<1x16xf32> to vector<16xf32>
      %get3A_2489 = arith.constant 15 : i32
      %get3A_2490 = arith.index_cast %get3A_2489 : i32 to index
      %get3A_2491 = arith.constant 64 : index
      %get3A_2492 = tpu.vector_load %arg10[%get3A_2490, %get3A_2491] {strides = array<i32>} : memref<16x128xf32, #tpu.memory_space<vmem>>, vector<1x16xf32>,
      %get3A_2493 = vector.shape_cast %get3A_2492 : vector<1x16xf32> to vector<16xf32>
      %select_n3A_2494 = arith.select %ge3A_2469, %get3A_2483, %get3A_2478 : vector<16xf32>
      %select_n3A_2495 = arith.select %ge3A_2473, %get3A_2493, %get3A_2488 : vector<16xf32>
      %mul3A_2496 = arith.mulf %select_n3A_2494, %select_n3A_2495 : vector<16xf32>
      %get3A_2497 = arith.constant 15 : i32
      %get3A_2498 = arith.index_cast %get3A_2497 : i32 to index
      %get3A_2499 = arith.constant 16 : index
      %get3A_2500 = tpu.vector_load %arg9[%get3A_2498, %get3A_2499] {strides = array<i32>} : memref<16x128xf32, #tpu.memory_space<vmem>>, vector<1x16xf32>,
      %get3A_2501 = vector.shape_cast %get3A_2500 : vector<1x16xf32> to vector<16xf32>
      %get3A_2502 = arith.constant 15 : i32
      %get3A_2503 = arith.index_cast %get3A_2502 : i32 to index
      %get3A_2504 = arith.constant 80 : index
      %get3A_2505 = tpu.vector_load %arg9[%get3A_2503, %get3A_2504] {strides = array<i32>} : memref<16x128xf32, #tpu.memory_space<vmem>>, vector<1x16xf32>,
      %get3A_2506 = vector.shape_cast %get3A_2505 : vector<1x16xf32> to vector<16xf32>
      %get3A_2507 = arith.constant 15 : i32
      %get3A_2508 = arith.index_cast %get3A_2507 : i32 to index
      %get3A_2509 = arith.constant 16 : index
      %get3A_2510 = tpu.vector_load %arg10[%get3A_2508, %get3A_2509] {strides = array<i32>} : memref<16x128xf32, #tpu.memory_space<vmem>>, vector<1x16xf32>,
      %get3A_2511 = vector.shape_cast %get3A_2510 : vector<1x16xf32> to vector<16xf32>
      %get3A_2512 = arith.constant 15 : i32
      %get3A_2513 = arith.index_cast %get3A_2512 : i32 to index
      %get3A_2514 = arith.constant 80 : index
      %get3A_2515 = tpu.vector_load %arg10[%get3A_2513, %get3A_2514] {strides = array<i32>} : memref<16x128xf32, #tpu.memory_space<vmem>>, vector<1x16xf32>,
      %get3A_2516 = vector.shape_cast %get3A_2515 : vector<1x16xf32> to vector<16xf32>
      %select_n3A_2517 = arith.select %ge3A_2469, %get3A_2506, %get3A_2501 : vector<16xf32>
      %select_n3A_2518 = arith.select %ge3A_2473, %get3A_2516, %get3A_2511 : vector<16xf32>
      %mul3A_2519 = arith.mulf %select_n3A_2517, %select_n3A_2518 : vector<16xf32>
      %add3A_2520 = arith.addf %mul3A_2496, %mul3A_2519 : vector<16xf32>
      %get3A_2521 = arith.constant 15 : i32
      %get3A_2522 = arith.index_cast %get3A_2521 : i32 to index
      %get3A_2523 = arith.constant 32 : index
      %get3A_2524 = tpu.vector_load %arg9[%get3A_2522, %get3A_2523] {strides = array<i32>} : memref<16x128xf32, #tpu.memory_space<vmem>>, vector<1x16xf32>,
      %get3A_2525 = vector.shape_cast %get3A_2524 : vector<1x16xf32> to vector<16xf32>
      %get3A_2526 = arith.constant 15 : i32
      %get3A_2527 = arith.index_cast %get3A_2526 : i32 to index
      %get3A_2528 = arith.constant 96 : index
      %get3A_2529 = tpu.vector_load %arg9[%get3A_2527, %get3A_2528] {strides = array<i32>} : memref<16x128xf32, #tpu.memory_space<vmem>>, vector<1x16xf32>,
      %get3A_2530 = vector.shape_cast %get3A_2529 : vector<1x16xf32> to vector<16xf32>
      %get3A_2531 = arith.constant 15 : i32
      %get3A_2532 = arith.index_cast %get3A_2531 : i32 to index
      %get3A_2533 = arith.constant 32 : index
      %get3A_2534 = tpu.vector_load %arg10[%get3A_2532, %get3A_2533] {strides = array<i32>} : memref<16x128xf32, #tpu.memory_space<vmem>>, vector<1x16xf32>,
      %get3A_2535 = vector.shape_cast %get3A_2534 : vector<1x16xf32> to vector<16xf32>
      %get3A_2536 = arith.constant 15 : i32
      %get3A_2537 = arith.index_cast %get3A_2536 : i32 to index
      %get3A_2538 = arith.constant 96 : index
      %get3A_2539 = tpu.vector_load %arg10[%get3A_2537, %get3A_2538] {strides = array<i32>} : memref<16x128xf32, #tpu.memory_space<vmem>>, vector<1x16xf32>,
      %get3A_2540 = vector.shape_cast %get3A_2539 : vector<1x16xf32> to vector<16xf32>
      %select_n3A_2541 = arith.select %ge3A_2469, %get3A_2530, %get3A_2525 : vector<16xf32>
      %select_n3A_2542 = arith.select %ge3A_2473, %get3A_2540, %get3A_2535 : vector<16xf32>
      %mul3A_2543 = arith.mulf %select_n3A_2541, %select_n3A_2542 : vector<16xf32>
      %add3A_2544 = arith.addf %add3A_2520, %mul3A_2543 : vector<16xf32>
      %get3A_2545 = arith.constant 15 : i32
      %get3A_2546 = arith.index_cast %get3A_2545 : i32 to index
      %get3A_2547 = arith.constant 48 : index
      %get3A_2548 = tpu.vector_load %arg9[%get3A_2546, %get3A_2547] {strides = array<i32>} : memref<16x128xf32, #tpu.memory_space<vmem>>, vector<1x16xf32>,
      %get3A_2549 = vector.shape_cast %get3A_2548 : vector<1x16xf32> to vector<16xf32>
      %get3A_2550 = arith.constant 15 : i32
      %get3A_2551 = arith.index_cast %get3A_2550 : i32 to index
      %get3A_2552 = arith.constant 112 : index
      %get3A_2553 = tpu.vector_load %arg9[%get3A_2551, %get3A_2552] {strides = array<i32>} : memref<16x128xf32, #tpu.memory_space<vmem>>, vector<1x16xf32>,
      %get3A_2554 = vector.shape_cast %get3A_2553 : vector<1x16xf32> to vector<16xf32>
      %get3A_2555 = arith.constant 15 : i32
      %get3A_2556 = arith.index_cast %get3A_2555 : i32 to index
      %get3A_2557 = arith.constant 48 : index
      %get3A_2558 = tpu.vector_load %arg10[%get3A_2556, %get3A_2557] {strides = array<i32>} : memref<16x128xf32, #tpu.memory_space<vmem>>, vector<1x16xf32>,
      %get3A_2559 = vector.shape_cast %get3A_2558 : vector<1x16xf32> to vector<16xf32>
      %get3A_2560 = arith.constant 15 : i32
      %get3A_2561 = arith.index_cast %get3A_2560 : i32 to index
      %get3A_2562 = arith.constant 112 : index
      %get3A_2563 = tpu.vector_load %arg10[%get3A_2561, %get3A_2562] {strides = array<i32>} : memref<16x128xf32, #tpu.memory_space<vmem>>, vector<1x16xf32>,
      %get3A_2564 = vector.shape_cast %get3A_2563 : vector<1x16xf32> to vector<16xf32>
      %select_n3A_2565 = arith.select %ge3A_2469, %get3A_2554, %get3A_2549 : vector<16xf32>
      %select_n3A_2566 = arith.select %ge3A_2473, %get3A_2564, %get3A_2559 : vector<16xf32>
      %mul3A_2567 = arith.mulf %select_n3A_2565, %select_n3A_2566 : vector<16xf32>
      %add3A_2568 = arith.addf %add3A_2544, %mul3A_2567 : vector<16xf32>
      %and3A = arith.constant 1 : i32
      %and3A_2569 = vector.broadcast %and3A : i32 to vector<16xi32>
      %and3A_2570 = arith.andi %iota3A, %and3A_2569 : vector<16xi32>
      %eq3A = arith.constant 0 : i32
      %eq3A_2571 = vector.broadcast %eq3A : i32 to vector<16xi32>
      %eq3A_2572 = arith.cmpi eq, %and3A_2570, %eq3A_2571 : vector<16xi32>
      %xor3A = arith.constant 1 : i32
      %xor3A_2573 = vector.broadcast %xor3A : i32 to vector<16xi32>
      %xor3A_2574 = arith.xori %iota3A, %xor3A_2573 : vector<16xi32>
      %reshape3A = vector.shape_cast %xor3A_2574 : vector<16xi32> to vector<16x1xi32>
      %gather3A = vector.shape_cast %reshape3A : vector<16x1xi32> to vector<16xi32>
      %gather3A_2575 = tpu.dynamic_gather %add3A_1023[%gather3A] in [0] : vector<16xf32>, vector<16xi32> -> vector<16xf32>
      %add3A_2576 = arith.addf %add3A_1023, %gather3A_2575 : vector<16xf32>
      %xor3A_2577 = arith.constant 1 : i32
      %xor3A_2578 = vector.broadcast %xor3A_2577 : i32 to vector<16xi32>
      %xor3A_2579 = arith.xori %iota3A, %xor3A_2578 : vector<16xi32>
      %reshape3A_2580 = vector.shape_cast %xor3A_2579 : vector<16xi32> to vector<16x1xi32>
      %gather3A_2581 = vector.shape_cast %reshape3A_2580 : vector<16x1xi32> to vector<16xi32>
      %gather3A_2582 = tpu.dynamic_gather %add3A_1126[%gather3A_2581] in [0] : vector<16xf32>, vector<16xi32> -> vector<16xf32>
      %add3A_2583 = arith.addf %add3A_1126, %gather3A_2582 : vector<16xf32>
      %select_n3A_2584 = arith.select %eq3A_2572, %add3A_2576, %add3A_2583 : vector<16xi1>, vector<16xf32>
      %xor3A_2585 = arith.constant 1 : i32
      %xor3A_2586 = vector.broadcast %xor3A_2585 : i32 to vector<16xi32>
      %xor3A_2587 = arith.xori %iota3A, %xor3A_2586 : vector<16xi32>
      %reshape3A_2588 = vector.shape_cast %xor3A_2587 : vector<16xi32> to vector<16x1xi32>
      %gather3A_2589 = vector.shape_cast %reshape3A_2588 : vector<16x1xi32> to vector<16xi32>
      %gather3A_2590 = tpu.dynamic_gather %add3A_1229[%gather3A_2589] in [0] : vector<16xf32>, vector<16xi32> -> vector<16xf32>
      %add3A_2591 = arith.addf %add3A_1229, %gather3A_2590 : vector<16xf32>
      %xor3A_2592 = arith.constant 1 : i32
      %xor3A_2593 = vector.broadcast %xor3A_2592 : i32 to vector<16xi32>
      %xor3A_2594 = arith.xori %iota3A, %xor3A_2593 : vector<16xi32>
      %reshape3A_2595 = vector.shape_cast %xor3A_2594 : vector<16xi32> to vector<16x1xi32>
      %gather3A_2596 = vector.shape_cast %reshape3A_2595 : vector<16x1xi32> to vector<16xi32>
      %gather3A_2597 = tpu.dynamic_gather %add3A_1332[%gather3A_2596] in [0] : vector<16xf32>, vector<16xi32> -> vector<16xf32>
      %add3A_2598 = arith.addf %add3A_1332, %gather3A_2597 : vector<16xf32>
      %select_n3A_2599 = arith.select %eq3A_2572, %add3A_2591, %add3A_2598 : vector<16xi1>, vector<16xf32>
      %xor3A_2600 = arith.constant 1 : i32
      %xor3A_2601 = vector.broadcast %xor3A_2600 : i32 to vector<16xi32>
      %xor3A_2602 = arith.xori %iota3A, %xor3A_2601 : vector<16xi32>
      %reshape3A_2603 = vector.shape_cast %xor3A_2602 : vector<16xi32> to vector<16x1xi32>
      %gather3A_2604 = vector.shape_cast %reshape3A_2603 : vector<16x1xi32> to vector<16xi32>
      %gather3A_2605 = tpu.dynamic_gather %add3A_1435[%gather3A_2604] in [0] : vector<16xf32>, vector<16xi32> -> vector<16xf32>
      %add3A_2606 = arith.addf %add3A_1435, %gather3A_2605 : vector<16xf32>
      %xor3A_2607 = arith.constant 1 : i32
      %xor3A_2608 = vector.broadcast %xor3A_2607 : i32 to vector<16xi32>
      %xor3A_2609 = arith.xori %iota3A, %xor3A_2608 : vector<16xi32>
      %reshape3A_2610 = vector.shape_cast %xor3A_2609 : vector<16xi32> to vector<16x1xi32>
      %gather3A_2611 = vector.shape_cast %reshape3A_2610 : vector<16x1xi32> to vector<16xi32>
      %gather3A_2612 = tpu.dynamic_gather %add3A_1538[%gather3A_2611] in [0] : vector<16xf32>, vector<16xi32> -> vector<16xf32>
      %add3A_2613 = arith.addf %add3A_1538, %gather3A_2612 : vector<16xf32>
      %select_n3A_2614 = arith.select %eq3A_2572, %add3A_2606, %add3A_2613 : vector<16xi1>, vector<16xf32>
      %xor3A_2615 = arith.constant 1 : i32
      %xor3A_2616 = vector.broadcast %xor3A_2615 : i32 to vector<16xi32>
      %xor3A_2617 = arith.xori %iota3A, %xor3A_2616 : vector<16xi32>
      %reshape3A_2618 = vector.shape_cast %xor3A_2617 : vector<16xi32> to vector<16x1xi32>
      %gather3A_2619 = vector.shape_cast %reshape3A_2618 : vector<16x1xi32> to vector<16xi32>
      %gather3A_2620 = tpu.dynamic_gather %add3A_1641[%gather3A_2619] in [0] : vector<16xf32>, vector<16xi32> -> vector<16xf32>
      %add3A_2621 = arith.addf %add3A_1641, %gather3A_2620 : vector<16xf32>
      %xor3A_2622 = arith.constant 1 : i32
      %xor3A_2623 = vector.broadcast %xor3A_2622 : i32 to vector<16xi32>
      %xor3A_2624 = arith.xori %iota3A, %xor3A_2623 : vector<16xi32>
      %reshape3A_2625 = vector.shape_cast %xor3A_2624 : vector<16xi32> to vector<16x1xi32>
      %gather3A_2626 = vector.shape_cast %reshape3A_2625 : vector<16x1xi32> to vector<16xi32>
      %gather3A_2627 = tpu.dynamic_gather %add3A_1744[%gather3A_2626] in [0] : vector<16xf32>, vector<16xi32> -> vector<16xf32>
      %add3A_2628 = arith.addf %add3A_1744, %gather3A_2627 : vector<16xf32>
      %select_n3A_2629 = arith.select %eq3A_2572, %add3A_2621, %add3A_2628 : vector<16xi1>, vector<16xf32>
      %xor3A_2630 = arith.constant 1 : i32
      %xor3A_2631 = vector.broadcast %xor3A_2630 : i32 to vector<16xi32>
      %xor3A_2632 = arith.xori %iota3A, %xor3A_2631 : vector<16xi32>
      %reshape3A_2633 = vector.shape_cast %xor3A_2632 : vector<16xi32> to vector<16x1xi32>
      %gather3A_2634 = vector.shape_cast %reshape3A_2633 : vector<16x1xi32> to vector<16xi32>
      %gather3A_2635 = tpu.dynamic_gather %add3A_1847[%gather3A_2634] in [0] : vector<16xf32>, vector<16xi32> -> vector<16xf32>
      %add3A_2636 = arith.addf %add3A_1847, %gather3A_2635 : vector<16xf32>
      %xor3A_2637 = arith.constant 1 : i32
      %xor3A_2638 = vector.broadcast %xor3A_2637 : i32 to vector<16xi32>
      %xor3A_2639 = arith.xori %iota3A, %xor3A_2638 : vector<16xi32>
      %reshape3A_2640 = vector.shape_cast %xor3A_2639 : vector<16xi32> to vector<16x1xi32>
      %gather3A_2641 = vector.shape_cast %reshape3A_2640 : vector<16x1xi32> to vector<16xi32>
      %gather3A_2642 = tpu.dynamic_gather %add3A_1950[%gather3A_2641] in [0] : vector<16xf32>, vector<16xi32> -> vector<16xf32>
      %add3A_2643 = arith.addf %add3A_1950, %gather3A_2642 : vector<16xf32>
      %select_n3A_2644 = arith.select %eq3A_2572, %add3A_2636, %add3A_2643 : vector<16xi1>, vector<16xf32>
      %xor3A_2645 = arith.constant 1 : i32
      %xor3A_2646 = vector.broadcast %xor3A_2645 : i32 to vector<16xi32>
      %xor3A_2647 = arith.xori %iota3A, %xor3A_2646 : vector<16xi32>
      %reshape3A_2648 = vector.shape_cast %xor3A_2647 : vector<16xi32> to vector<16x1xi32>
      %gather3A_2649 = vector.shape_cast %reshape3A_2648 : vector<16x1xi32> to vector<16xi32>
      %gather3A_2650 = tpu.dynamic_gather %add3A_2053[%gather3A_2649] in [0] : vector<16xf32>, vector<16xi32> -> vector<16xf32>
      %add3A_2651 = arith.addf %add3A_2053, %gather3A_2650 : vector<16xf32>
      %xor3A_2652 = arith.constant 1 : i32
      %xor3A_2653 = vector.broadcast %xor3A_2652 : i32 to vector<16xi32>
      %xor3A_2654 = arith.xori %iota3A, %xor3A_2653 : vector<16xi32>
      %reshape3A_2655 = vector.shape_cast %xor3A_2654 : vector<16xi32> to vector<16x1xi32>
      %gather3A_2656 = vector.shape_cast %reshape3A_2655 : vector<16x1xi32> to vector<16xi32>
      %gather3A_2657 = tpu.dynamic_gather %add3A_2156[%gather3A_2656] in [0] : vector<16xf32>, vector<16xi32> -> vector<16xf32>
      %add3A_2658 = arith.addf %add3A_2156, %gather3A_2657 : vector<16xf32>
      %select_n3A_2659 = arith.select %eq3A_2572, %add3A_2651, %add3A_2658 : vector<16xi1>, vector<16xf32>
      %xor3A_2660 = arith.constant 1 : i32
      %xor3A_2661 = vector.broadcast %xor3A_2660 : i32 to vector<16xi32>
      %xor3A_2662 = arith.xori %iota3A, %xor3A_2661 : vector<16xi32>
      %reshape3A_2663 = vector.shape_cast %xor3A_2662 : vector<16xi32> to vector<16x1xi32>
      %gather3A_2664 = vector.shape_cast %reshape3A_2663 : vector<16x1xi32> to vector<16xi32>
      %gather3A_2665 = tpu.dynamic_gather %add3A_2259[%gather3A_2664] in [0] : vector<16xf32>, vector<16xi32> -> vector<16xf32>
      %add3A_2666 = arith.addf %add3A_2259, %gather3A_2665 : vector<16xf32>
      %xor3A_2667 = arith.constant 1 : i32
      %xor3A_2668 = vector.broadcast %xor3A_2667 : i32 to vector<16xi32>
      %xor3A_2669 = arith.xori %iota3A, %xor3A_2668 : vector<16xi32>
      %reshape3A_2670 = vector.shape_cast %xor3A_2669 : vector<16xi32> to vector<16x1xi32>
      %gather3A_2671 = vector.shape_cast %reshape3A_2670 : vector<16x1xi32> to vector<16xi32>
      %gather3A_2672 = tpu.dynamic_gather %add3A_2362[%gather3A_2671] in [0] : vector<16xf32>, vector<16xi32> -> vector<16xf32>
      %add3A_2673 = arith.addf %add3A_2362, %gather3A_2672 : vector<16xf32>
      %select_n3A_2674 = arith.select %eq3A_2572, %add3A_2666, %add3A_2673 : vector<16xi1>, vector<16xf32>
      %xor3A_2675 = arith.constant 1 : i32
      %xor3A_2676 = vector.broadcast %xor3A_2675 : i32 to vector<16xi32>
      %xor3A_2677 = arith.xori %iota3A, %xor3A_2676 : vector<16xi32>
      %reshape3A_2678 = vector.shape_cast %xor3A_2677 : vector<16xi32> to vector<16x1xi32>
      %gather3A_2679 = vector.shape_cast %reshape3A_2678 : vector<16x1xi32> to vector<16xi32>
      %gather3A_2680 = tpu.dynamic_gather %add3A_2465[%gather3A_2679] in [0] : vector<16xf32>, vector<16xi32> -> vector<16xf32>
      %add3A_2681 = arith.addf %add3A_2465, %gather3A_2680 : vector<16xf32>
      %xor3A_2682 = arith.constant 1 : i32
      %xor3A_2683 = vector.broadcast %xor3A_2682 : i32 to vector<16xi32>
      %xor3A_2684 = arith.xori %iota3A, %xor3A_2683 : vector<16xi32>
      %reshape3A_2685 = vector.shape_cast %xor3A_2684 : vector<16xi32> to vector<16x1xi32>
      %gather3A_2686 = vector.shape_cast %reshape3A_2685 : vector<16x1xi32> to vector<16xi32>
      %gather3A_2687 = tpu.dynamic_gather %add3A_2568[%gather3A_2686] in [0] : vector<16xf32>, vector<16xi32> -> vector<16xf32>
      %add3A_2688 = arith.addf %add3A_2568, %gather3A_2687 : vector<16xf32>
      %select_n3A_2689 = arith.select %eq3A_2572, %add3A_2681, %add3A_2688 : vector<16xi1>, vector<16xf32>
      %and3A_2690 = arith.constant 2 : i32
      %and3A_2691 = vector.broadcast %and3A_2690 : i32 to vector<16xi32>
      %and3A_2692 = arith.andi %iota3A, %and3A_2691 : vector<16xi32>
      %eq3A_2693 = arith.constant 0 : i32
      %eq3A_2694 = vector.broadcast %eq3A_2693 : i32 to vector<16xi32>
      %eq3A_2695 = arith.cmpi eq, %and3A_2692, %eq3A_2694 : vector<16xi32>
      %xor3A_2696 = arith.constant 2 : i32
      %xor3A_2697 = vector.broadcast %xor3A_2696 : i32 to vector<16xi32>
      %xor3A_2698 = arith.xori %iota3A, %xor3A_2697 : vector<16xi32>
      %reshape3A_2699 = vector.shape_cast %xor3A_2698 : vector<16xi32> to vector<16x1xi32>
      %gather3A_2700 = vector.shape_cast %reshape3A_2699 : vector<16x1xi32> to vector<16xi32>
      %gather3A_2701 = tpu.dynamic_gather %select_n3A_2584[%gather3A_2700] in [0] : vector<16xf32>, vector<16xi32> -> vector<16xf32>
      %add3A_2702 = arith.addf %select_n3A_2584, %gather3A_2701 : vector<16xf32>
      %xor3A_2703 = arith.constant 2 : i32
      %xor3A_2704 = vector.broadcast %xor3A_2703 : i32 to vector<16xi32>
      %xor3A_2705 = arith.xori %iota3A, %xor3A_2704 : vector<16xi32>
      %reshape3A_2706 = vector.shape_cast %xor3A_2705 : vector<16xi32> to vector<16x1xi32>
      %gather3A_2707 = vector.shape_cast %reshape3A_2706 : vector<16x1xi32> to vector<16xi32>
      %gather3A_2708 = tpu.dynamic_gather %select_n3A_2599[%gather3A_2707] in [0] : vector<16xf32>, vector<16xi32> -> vector<16xf32>
      %add3A_2709 = arith.addf %select_n3A_2599, %gather3A_2708 : vector<16xf32>
      %select_n3A_2710 = arith.select %eq3A_2695, %add3A_2702, %add3A_2709 : vector<16xi1>, vector<16xf32>
      %xor3A_2711 = arith.constant 2 : i32
      %xor3A_2712 = vector.broadcast %xor3A_2711 : i32 to vector<16xi32>
      %xor3A_2713 = arith.xori %iota3A, %xor3A_2712 : vector<16xi32>
      %reshape3A_2714 = vector.shape_cast %xor3A_2713 : vector<16xi32> to vector<16x1xi32>
      %gather3A_2715 = vector.shape_cast %reshape3A_2714 : vector<16x1xi32> to vector<16xi32>
      %gather3A_2716 = tpu.dynamic_gather %select_n3A_2614[%gather3A_2715] in [0] : vector<16xf32>, vector<16xi32> -> vector<16xf32>
      %add3A_2717 = arith.addf %select_n3A_2614, %gather3A_2716 : vector<16xf32>
      %xor3A_2718 = arith.constant 2 : i32
      %xor3A_2719 = vector.broadcast %xor3A_2718 : i32 to vector<16xi32>
      %xor3A_2720 = arith.xori %iota3A, %xor3A_2719 : vector<16xi32>
      %reshape3A_2721 = vector.shape_cast %xor3A_2720 : vector<16xi32> to vector<16x1xi32>
      %gather3A_2722 = vector.shape_cast %reshape3A_2721 : vector<16x1xi32> to vector<16xi32>
      %gather3A_2723 = tpu.dynamic_gather %select_n3A_2629[%gather3A_2722] in [0] : vector<16xf32>, vector<16xi32> -> vector<16xf32>
      %add3A_2724 = arith.addf %select_n3A_2629, %gather3A_2723 : vector<16xf32>
      %select_n3A_2725 = arith.select %eq3A_2695, %add3A_2717, %add3A_2724 : vector<16xi1>, vector<16xf32>
      %xor3A_2726 = arith.constant 2 : i32
      %xor3A_2727 = vector.broadcast %xor3A_2726 : i32 to vector<16xi32>
      %xor3A_2728 = arith.xori %iota3A, %xor3A_2727 : vector<16xi32>
      %reshape3A_2729 = vector.shape_cast %xor3A_2728 : vector<16xi32> to vector<16x1xi32>
      %gather3A_2730 = vector.shape_cast %reshape3A_2729 : vector<16x1xi32> to vector<16xi32>
      %gather3A_2731 = tpu.dynamic_gather %select_n3A_2644[%gather3A_2730] in [0] : vector<16xf32>, vector<16xi32> -> vector<16xf32>
      %add3A_2732 = arith.addf %select_n3A_2644, %gather3A_2731 : vector<16xf32>
      %xor3A_2733 = arith.constant 2 : i32
      %xor3A_2734 = vector.broadcast %xor3A_2733 : i32 to vector<16xi32>
      %xor3A_2735 = arith.xori %iota3A, %xor3A_2734 : vector<16xi32>
      %reshape3A_2736 = vector.shape_cast %xor3A_2735 : vector<16xi32> to vector<16x1xi32>
      %gather3A_2737 = vector.shape_cast %reshape3A_2736 : vector<16x1xi32> to vector<16xi32>
      %gather3A_2738 = tpu.dynamic_gather %select_n3A_2659[%gather3A_2737] in [0] : vector<16xf32>, vector<16xi32> -> vector<16xf32>
      %add3A_2739 = arith.addf %select_n3A_2659, %gather3A_2738 : vector<16xf32>
      %select_n3A_2740 = arith.select %eq3A_2695, %add3A_2732, %add3A_2739 : vector<16xi1>, vector<16xf32>
      %xor3A_2741 = arith.constant 2 : i32
      %xor3A_2742 = vector.broadcast %xor3A_2741 : i32 to vector<16xi32>
      %xor3A_2743 = arith.xori %iota3A, %xor3A_2742 : vector<16xi32>
      %reshape3A_2744 = vector.shape_cast %xor3A_2743 : vector<16xi32> to vector<16x1xi32>
      %gather3A_2745 = vector.shape_cast %reshape3A_2744 : vector<16x1xi32> to vector<16xi32>
      %gather3A_2746 = tpu.dynamic_gather %select_n3A_2674[%gather3A_2745] in [0] : vector<16xf32>, vector<16xi32> -> vector<16xf32>
      %add3A_2747 = arith.addf %select_n3A_2674, %gather3A_2746 : vector<16xf32>
      %xor3A_2748 = arith.constant 2 : i32
      %xor3A_2749 = vector.broadcast %xor3A_2748 : i32 to vector<16xi32>
      %xor3A_2750 = arith.xori %iota3A, %xor3A_2749 : vector<16xi32>
      %reshape3A_2751 = vector.shape_cast %xor3A_2750 : vector<16xi32> to vector<16x1xi32>
      %gather3A_2752 = vector.shape_cast %reshape3A_2751 : vector<16x1xi32> to vector<16xi32>
      %gather3A_2753 = tpu.dynamic_gather %select_n3A_2689[%gather3A_2752] in [0] : vector<16xf32>, vector<16xi32> -> vector<16xf32>
      %add3A_2754 = arith.addf %select_n3A_2689, %gather3A_2753 : vector<16xf32>
      %select_n3A_2755 = arith.select %eq3A_2695, %add3A_2747, %add3A_2754 : vector<16xi1>, vector<16xf32>
      %and3A_2756 = arith.constant 4 : i32
      %and3A_2757 = vector.broadcast %and3A_2756 : i32 to vector<16xi32>
      %and3A_2758 = arith.andi %iota3A, %and3A_2757 : vector<16xi32>
      %eq3A_2759 = arith.constant 0 : i32
      %eq3A_2760 = vector.broadcast %eq3A_2759 : i32 to vector<16xi32>
      %eq3A_2761 = arith.cmpi eq, %and3A_2758, %eq3A_2760 : vector<16xi32>
      %xor3A_2762 = arith.constant 4 : i32
      %xor3A_2763 = vector.broadcast %xor3A_2762 : i32 to vector<16xi32>
      %xor3A_2764 = arith.xori %iota3A, %xor3A_2763 : vector<16xi32>
      %reshape3A_2765 = vector.shape_cast %xor3A_2764 : vector<16xi32> to vector<16x1xi32>
      %gather3A_2766 = vector.shape_cast %reshape3A_2765 : vector<16x1xi32> to vector<16xi32>
      %gather3A_2767 = tpu.dynamic_gather %select_n3A_2710[%gather3A_2766] in [0] : vector<16xf32>, vector<16xi32> -> vector<16xf32>
      %add3A_2768 = arith.addf %select_n3A_2710, %gather3A_2767 : vector<16xf32>
      %xor3A_2769 = arith.constant 4 : i32
      %xor3A_2770 = vector.broadcast %xor3A_2769 : i32 to vector<16xi32>
      %xor3A_2771 = arith.xori %iota3A, %xor3A_2770 : vector<16xi32>
      %reshape3A_2772 = vector.shape_cast %xor3A_2771 : vector<16xi32> to vector<16x1xi32>
      %gather3A_2773 = vector.shape_cast %reshape3A_2772 : vector<16x1xi32> to vector<16xi32>
      %gather3A_2774 = tpu.dynamic_gather %select_n3A_2725[%gather3A_2773] in [0] : vector<16xf32>, vector<16xi32> -> vector<16xf32>
      %add3A_2775 = arith.addf %select_n3A_2725, %gather3A_2774 : vector<16xf32>
      %select_n3A_2776 = arith.select %eq3A_2761, %add3A_2768, %add3A_2775 : vector<16xi1>, vector<16xf32>
      %xor3A_2777 = arith.constant 4 : i32
      %xor3A_2778 = vector.broadcast %xor3A_2777 : i32 to vector<16xi32>
      %xor3A_2779 = arith.xori %iota3A, %xor3A_2778 : vector<16xi32>
      %reshape3A_2780 = vector.shape_cast %xor3A_2779 : vector<16xi32> to vector<16x1xi32>
      %gather3A_2781 = vector.shape_cast %reshape3A_2780 : vector<16x1xi32> to vector<16xi32>
      %gather3A_2782 = tpu.dynamic_gather %select_n3A_2740[%gather3A_2781] in [0] : vector<16xf32>, vector<16xi32> -> vector<16xf32>
      %add3A_2783 = arith.addf %select_n3A_2740, %gather3A_2782 : vector<16xf32>
      %xor3A_2784 = arith.constant 4 : i32
      %xor3A_2785 = vector.broadcast %xor3A_2784 : i32 to vector<16xi32>
      %xor3A_2786 = arith.xori %iota3A, %xor3A_2785 : vector<16xi32>
      %reshape3A_2787 = vector.shape_cast %xor3A_2786 : vector<16xi32> to vector<16x1xi32>
      %gather3A_2788 = vector.shape_cast %reshape3A_2787 : vector<16x1xi32> to vector<16xi32>
      %gather3A_2789 = tpu.dynamic_gather %select_n3A_2755[%gather3A_2788] in [0] : vector<16xf32>, vector<16xi32> -> vector<16xf32>
      %add3A_2790 = arith.addf %select_n3A_2755, %gather3A_2789 : vector<16xf32>
      %select_n3A_2791 = arith.select %eq3A_2761, %add3A_2783, %add3A_2790 : vector<16xi1>, vector<16xf32>
      %and3A_2792 = arith.constant 8 : i32
      %and3A_2793 = vector.broadcast %and3A_2792 : i32 to vector<16xi32>
      %and3A_2794 = arith.andi %iota3A, %and3A_2793 : vector<16xi32>
      %eq3A_2795 = arith.constant 0 : i32
      %eq3A_2796 = vector.broadcast %eq3A_2795 : i32 to vector<16xi32>
      %eq3A_2797 = arith.cmpi eq, %and3A_2794, %eq3A_2796 : vector<16xi32>
      %xor3A_2798 = arith.constant 8 : i32
      %xor3A_2799 = vector.broadcast %xor3A_2798 : i32 to vector<16xi32>
      %xor3A_2800 = arith.xori %iota3A, %xor3A_2799 : vector<16xi32>
      %reshape3A_2801 = vector.shape_cast %xor3A_2800 : vector<16xi32> to vector<16x1xi32>
      %gather3A_2802 = vector.shape_cast %reshape3A_2801 : vector<16x1xi32> to vector<16xi32>
      %gather3A_2803 = tpu.dynamic_gather %select_n3A_2776[%gather3A_2802] in [0] : vector<16xf32>, vector<16xi32> -> vector<16xf32>
      %add3A_2804 = arith.addf %select_n3A_2776, %gather3A_2803 : vector<16xf32>
      %xor3A_2805 = arith.constant 8 : i32
      %xor3A_2806 = vector.broadcast %xor3A_2805 : i32 to vector<16xi32>
      %xor3A_2807 = arith.xori %iota3A, %xor3A_2806 : vector<16xi32>
      %reshape3A_2808 = vector.shape_cast %xor3A_2807 : vector<16xi32> to vector<16x1xi32>
      %gather3A_2809 = vector.shape_cast %reshape3A_2808 : vector<16x1xi32> to vector<16xi32>
      %gather3A_2810 = tpu.dynamic_gather %select_n3A_2791[%gather3A_2809] in [0] : vector<16xf32>, vector<16xi32> -> vector<16xf32>
      %add3A_2811 = arith.addf %select_n3A_2791, %gather3A_2810 : vector<16xf32>
      %select_n3A_2812 = arith.select %eq3A_2797, %add3A_2804, %add3A_2811 : vector<16xi1>, vector<16xf32>
      %neg3A = arith.constant 0.000000e+00 : f32
      %neg3A_2813 = vector.broadcast %neg3A : f32 to vector<16xf32>
      %neg3A_2814 = arith.subf %neg3A_2813, %select_n3A_2812 : vector<16xf32>
      %exp3A = math.exp %neg3A_2814 : vector<16xf32>
      %add3A_2815 = arith.constant 1.000000e+00 : f32
      %add3A_2816 = vector.broadcast %add3A_2815 : f32 to vector<16xf32>
      %add3A_2817 = arith.addf %add3A_2816, %exp3A : vector<16xf32>
      %div3A = arith.constant 1.000000e+00 : f32
      %div3A_2818 = vector.broadcast %div3A : f32 to vector<16xf32>
      %div3A_2819 = arith.divf %div3A_2818, %add3A_2817 : vector<16xf32>
      %mul3A_2820 = arith.constant 16 : i32
      %mul3A_2821 = arith.muli %scan3A_8, %mul3A_2820 : i32
      %swap3A = arith.index_cast %mul3A_2821 : i32 to index
      %swap3A_2822 = tpu.vector_load %arg11[%swap3A] {strides = array<i32>} : memref<512xf32, #tpu.memory_space<vmem>>, vector<16xf32>,
      %swap3A_2823 = vector.shape_cast %swap3A_2822 : vector<16xf32> to vector<16xf32>
      %swap3A_2824 = vector.shape_cast %div3A_2819 : vector<16xf32> to vector<16xf32>
      tpu.vector_store %arg11[%swap3A], %swap3A_2824 {strides = array<i32>} : memref<512xf32, #tpu.memory_space<vmem>>, vector<16xf32>,
    }
    %scan3A_7 = arith.constant 32 : i32
    "tpu.region"() ({
      %run_scoped3A = tpu.sem_alloc : memref<!tpu.dma_semaphore, #tpu.memory_space<semaphore_mem>>
      %dma_start3A = tpu.memref_slice %arg6[%mul3A_2] : memref<16384xf32, #tpu.memory_space<hbm>> -> memref<512xf32, #tpu.memory_space<hbm>>
      %dma_start3A_8 = tpu.memref_slice %arg6[%mul3A_2] : memref<16384xf32, #tpu.memory_space<hbm>> -> memref<512xf32, #tpu.memory_space<hbm>>
      tpu.enqueue_dma source(%arg11 : memref<512xf32, #tpu.memory_space<vmem>>) target(%dma_start3A_8 : memref<512xf32, #tpu.memory_space<hbm>>) target_semaphore(%run_scoped3A : memref<!tpu.dma_semaphore, #tpu.memory_space<semaphore_mem>>)
      %dma_wait3A = tpu.memref_slice %arg6[%mul3A_2] : memref<16384xf32, #tpu.memory_space<hbm>> -> memref<512xf32, #tpu.memory_space<hbm>>
      %dma_wait3A_9 = tpu.memref_slice %arg6[%mul3A_2] : memref<16384xf32, #tpu.memory_space<hbm>> -> memref<512xf32, #tpu.memory_space<hbm>>
      tpu.wait_dma2 semaphore(%run_scoped3A : memref<!tpu.dma_semaphore, #tpu.memory_space<semaphore_mem>>) src(%arg11 : memref<512xf32, #tpu.memory_space<vmem>>) dst(%dma_wait3A_9 : memref<512xf32, #tpu.memory_space<hbm>>)
      tpu.yield
    }) : () -> ()
    return
  }
}

module attributes {stable_mosaic.version = 14 : i64} {
  func.func @_pack_body(%arg0: i32, %arg1: memref<64x2048xf32, #tpu.memory_space<vmem>>, %arg2: memref<64x2048xf32, #tpu.memory_space<vmem>>, %arg3: memref<2048x128xf32, #tpu.memory_space<vmem>>) attributes {dimension_semantics = [#tpu.dimension_semantics<arbitrary>], iteration_bounds = array<i64: 25>, scalar_prefetch = 0 : i64, scratch_operands = 0 : i64, tpu.core_type = #tpu.core_type<tc>, window_params = [{transform_indices = @transform_0, window_bounds = array<i64: 64, 2048>}, {transform_indices = @transform_1, window_bounds = array<i64: 64, 2048>}, {transform_indices = @transform_2, window_bounds = array<i64: 2048, 128>}]} {
    %get3A = arith.constant 0 : index
    %get3A_0 = arith.constant 0 : index
    %get3A_1 = vector.load %arg1[%get3A, %get3A_0] : memref<64x2048xf32, #tpu.memory_space<vmem>>, vector<64x2048xf32>
    %transpose3A = tpu.transpose %get3A_1, [1, 0] : vector<64x2048xf32> -> vector<2048x64xf32>
    %get3A_2 = arith.constant 0 : index
    %get3A_3 = arith.constant 0 : index
    %get3A_4 = vector.load %arg2[%get3A_2, %get3A_3] : memref<64x2048xf32, #tpu.memory_space<vmem>>, vector<64x2048xf32>
    %transpose3A_5 = tpu.transpose %get3A_4, [1, 0] : vector<64x2048xf32> -> vector<2048x64xf32>
    %concatenate3A = tpu.concatenate %transpose3A, %transpose3A_5 in 1 : vector<2048x64xf32>, vector<2048x64xf32> -> vector<2048x128xf32>
    %swap3A = arith.constant 0 : index
    %swap3A_6 = arith.constant 0 : index
    %swap3A_7 = vector.load %arg3[%swap3A, %swap3A_6] : memref<2048x128xf32, #tpu.memory_space<vmem>>, vector<2048x128xf32>
    tpu.vector_store %arg3[%swap3A, %swap3A_6], %concatenate3A {strides = array<i32>} : memref<2048x128xf32, #tpu.memory_space<vmem>>, vector<2048x128xf32>,
    return
  }
  func.func @transform_0(%arg0: i32) -> (i32, i32) {
    %c0_i32 = arith.constant 0 : i32
    %c0_i32_0 = arith.constant 0 : i32
    return %c0_i32, %arg0 : i32, i32
  }
  func.func @transform_1(%arg0: i32) -> (i32, i32) {
    %add3A = arith.constant 25 : i32
    %add3A_0 = arith.addi %arg0, %add3A : i32
    %min3A = arith.constant 48 : i32
    %min3A_1 = arith.minsi %add3A_0, %min3A : i32
    %c0_i32 = arith.constant 0 : i32
    %c0_i32_2 = arith.constant 0 : i32
    return %c0_i32, %min3A_1 : i32, i32
  }
  func.func @transform_2(%arg0: i32) -> (i32, i32) {
    %c0_i32 = arith.constant 0 : i32
    %c0_i32_0 = arith.constant 0 : i32
    return %arg0, %c0_i32 : i32, i32
  }
}

</mosaic_0001>

<sc_bundles>
// kernel: kernel.5.cloned.1.call-start
scs
__scs_entry_jumppad:
0x0: {  	(pc) =	sbr.rel $0x88, $3  }
0x1: {  	(tag) =	ssettag $0x0;
	lr =	simm.s32 $0x1  }
0x2: {  	[smem:$0x3F9D] =	sst lr;
	_ =	strace $0xD0000000  }
0x3: {  	_ = 	snop  }
0x4: {  	_ = 	snop  }
0x5: {  	_ = 	snop  }
0x6: {  	_ = 	snop  }
0x7: {  	_ = 	snop  }
__scs_overlays_trampoline_lowered:
0x8: {  	[smem:$0x3FAC] =	sst s0  }
0x9: {  	[smem:$0x3FAD] =	sst s1  }
0xa: {  	[smem:$0x3FAE] =	sst s2  }
0xb: {  	[smem:$0x3FAF] =	sst s3  }
0xc: {  	[smem:$0x3FB0] =	sst s4  }
0xd: {  	[smem:$0x3FB1] =	sst s5  }
0xe: {  	[smem:$0x3FB2] =	sst s6  }
0xf: {  	[smem:$0x3FB3] =	sst s7  }
0x10: {  	[smem:$0x3FB4] =	sst s8  }
0x11: {  	[smem:$0x3FB5] =	sst s9;
	s0 =	simm.s32 @!p0 $0x0  }
0x12: {  	s1 =	sld [smem:$0x3F9B];
	s0 =	simm.s32 @p0 $0x1  }
0x13: {  	[smem:$0x3FB6] =	sst s0;
	s0 =	simm.s32 @!p1 $0x0  }
0x14: {  	s2 =	sld [smem:$0x3F9A];
	s0 =	simm.s32 @p1 $0x1  }
0x15: {  	[smem:$0x3FB7] =	sst s0;
	s0 =	simm.s32 @!p2 $0x0  }
0x16: {  	s3 =	sld [smem:$0x3FDB];
	s0 =	simm.s32 @p2 $0x1  }
0x17: {  	s4 =	simm.s32 $0x1BF5;
	[smem:$0x3FB9] =	sst s0  }
0x18: {  	s0 =	sld [smem:$0x3F9C];
	_ =	swait.ge [sflag:s4], $0x0  }
0x19: {  	s7 =	sld [smem:$0x3F9D]  }
0x1a: {  	s8 =	sadd.s32 $0xFFFFE003, lr  }
0x1b: {  	s9 =	sadd.s32 $0xFFFFFEF7, lr;
	s5 =	simm.s32 $0xFFFFFFFF;
	p2 =	slt.u32 s8, $0xFFFFF086  }
0x1c: {  	p1 =	slt.u32 s9, $0xF7A;
	s5 =	simm.s32 @!p2 $0x0  }
0x1d: {  	s5 =	simm.s32 @p1 $0x1;
	p0 =	seq.s32 s7, s2  }
0x1e: {  	s7 =	smul.u32 @!p0 $0xF7A, s2;
	p2 =	seq.s32 @!p0 s5, $0x0  }
0x1f: {  	s9 =	smul.u32 $0xF7A, s1;
	s8 =	simm.s32 @!p0 $0x1BF5;
	p2 =	por !p2, p0  }
0x20: {  	[sflag:s8] =	ssyncset.s32 @!p0 $0xFFFFF086;
	s6 =	sadd.s32 @!p0 s3, s7;
	s7 =	simm.s32 @!p0 $0x108  }
0x21: {  	s3 =	sadd.s32 s3, s9;
	s6 =	sadd.s32 @!p0 $0x88, s6;
	s7 =	simm.s32 @p2 $0x1082  }
0x22: {  	[simem:s7], [sflag:s8] =	dma.local @!p0 [hbm:s6], $0xF7A  }
0x23: {  	s9 =	sor.u32 $0xD0000000, s2;
	s6 =	simm.s32 $0x108;
	_ =	swait.ge @!p0 [sflag:s8], $0x0  }
0x24: {  	s3 =	sadd.s32 $0x88, s3;
	s6 =	simm.s32 @!p1 $0x1082;
	[sflag:s4] =	ssyncset.s32 $0xFFFFF086  }
0x25: {  	[simem:s6], [sflag:s4] =	dma.local [hbm:s3], $0xF7A  }
0x26: {  	[smem:$0x3F9D] =	sst s1;
	(tag) =	ssettag s2;
	_ =	strace s9  }
0x27: {  	s1 =	sld [smem:$0x3FAD]  }
0x28: {  	s2 =	sld [smem:$0x3FAE]  }
0x29: {  	s4 =	sld [smem:$0x3FB0]  }
0x2a: {  	p0 =	seq.s32 s5, $0x0;
	s5 =	sld [smem:$0x3FB1]  }
0x2b: {  	s6 =	sld [smem:$0x3FB2]  }
0x2c: {  	s7 =	sld [smem:$0x3FB3]  }
0x2d: {  	s3 =	simm.s32 $0x108;
	s8 =	sld [smem:$0x3FB4]  }
0x2e: {  	s3 =	simm.s32 @!p0 $0x1082;
	s9 =	sld [smem:$0x3FB5]  }
0x2f: {  	lr =	sadd.s32 s0, s3;
	s0 =	sld [smem:$0x3FAC]  }
0x30: {  	s3 =	sld [smem:$0x3FAF]  }
0x31: {  	[smem:$0x3FB8] =	sst s10  }
0x32: {  	s10 =	sld [smem:$0x3FB6];
	_ =	sdelay $0x3  }
0x33: {  	p0 =	seq.s32 s10, $0x1;
	s10 =	sld [smem:$0x3FB8];
	_ =	sdelay $0x3  }
0x34: {  	[smem:$0x3FB8] =	sst s10  }
0x35: {  	s10 =	sld [smem:$0x3FB7];
	_ =	sdelay $0x3  }
0x36: {  	p1 =	seq.s32 s10, $0x1;
	s10 =	sld [smem:$0x3FB8];
	_ =	sdelay $0x3  }
0x37: {  	[smem:$0x3FB8] =	sst s10  }
0x38: {  	s10 =	sld [smem:$0x3FB9]  }
0x39: {  	_ = 	snop;
	(pc) =	sbr.ind lr, $3  }
0x3a: {  	_ = 	snop  }
0x3b: {  	_ = 	snop  }
0x3c: {  	p2 =	seq.s32 s10, $0x1;
	s10 =	sld [smem:$0x3FB8]  }
0x3d: {  	_ =	shalt  }
0x3e: {  	_ =	shalt  }
0x3f: {  	_ =	shalt  }
0x40: {  	_ =	shalt  }
0x41: {  	_ =	shalt  }
0x42: {  	_ =	shalt  }
0x43: {  	_ =	shalt  }
0x44: {  	_ =	shalt  }
0x45: {  	_ =	shalt  }
0x46: {  	_ =	shalt  }
0x47: {  	_ =	shalt  }
0x48: {  	_ =	shalt  }
0x49: {  	_ =	shalt  }
0x4a: {  	_ =	shalt  }
0x4b: {  	_ =	shalt  }
0x4c: {  	_ =	shalt  }
0x4d: {  	_ =	shalt  }
0x4e: {  	_ =	shalt  }
0x4f: {  	_ =	shalt  }
0x50: {  	_ =	shalt  }
0x51: {  	_ =	shalt  }
0x52: {  	_ =	shalt  }
0x53: {  	_ =	shalt  }
0x54: {  	_ =	shalt  }
0x55: {  	_ =	shalt  }
0x56: {  	_ =	shalt  }
0x57: {  	_ =	shalt  }
0x58: {  	_ =	shalt  }
0x59: {  	_ =	shalt  }
0x5a: {  	_ =	shalt  }
0x5b: {  	_ =	shalt  }
0x5c: {  	_ =	shalt  }
0x5d: {  	_ =	shalt  }
0x5e: {  	_ =	shalt  }
0x5f: {  	_ =	shalt  }
0x60: {  	_ =	shalt  }
0x61: {  	_ =	shalt  }
0x62: {  	_ =	shalt  }
0x63: {  	_ =	shalt  }
0x64: {  	_ =	shalt  }
0x65: {  	_ =	shalt  }
0x66: {  	_ =	shalt  }
0x67: {  	_ =	shalt  }
0x68: {  	_ =	shalt  }
0x69: {  	_ =	shalt  }
0x6a: {  	_ =	shalt  }
0x6b: {  	_ =	shalt  }
0x6c: {  	_ =	shalt  }
0x6d: {  	_ =	shalt  }
0x6e: {  	_ =	shalt  }
0x6f: {  	_ =	shalt  }
0x70: {  	_ =	shalt  }
0x71: {  	_ =	shalt  }
0x72: {  	_ =	shalt  }
0x73: {  	_ =	shalt  }
0x74: {  	_ =	shalt  }
0x75: {  	_ =	shalt  }
0x76: {  	_ =	shalt  }
0x77: {  	_ =	shalt  }
0x78: {  	_ =	shalt  }
0x79: {  	_ =	shalt  }
0x7a: {  	_ =	shalt  }
0x7b: {  	_ =	shalt  }
0x7c: {  	_ =	shalt  }
0x7d: {  	_ =	shalt  }
0x7e: {  	_ =	shalt  }
0x7f: {  	_ =	shalt  }
0x80: {  	_ =	shalt  }
0x81: {  	_ =	shalt  }
0x82: {  	_ =	shalt  }
0x83: {  	_ =	shalt  }
0x84: {  	_ =	shalt  }
0x85: {  	_ =	shalt  }
0x86: {  	_ =	shalt  }
0x87: {  	_ =	shalt  }
.Lfunc_end0:
.L_simem_size_0:
called_computation_lowered:
.L_overlay_start_0:
0x88: {  	s2 =	sld [smem:$0x3FD9]  }
0x89: {  	s3 =	sld [smem:$0x3FFE];
	_ =	sdelay $0x1  }
0x8a: {  	s1 =	srdreg.scid  }
0x8b: {  	s0 =	sand.u32 $0x1, s1  }
0x8c: {  	s17 =	sshll.u32 s0, $0xA;
	s2 =	sadd.s32 s3, s2  }
0x8d: {  	s2 =	sadd.s32 s2, s17  }
0x8e: {  	[smem:$0x3FC4] =	sst s2  }
0x8f: {  	_ = 	snop  }
0x90: {  	s2 =	sld [smem:$0x3FC9]  }
0x91: {  	s18 =	sld [smem:$0x3FC8]  }
0x92: {  	s4 =	sld [smem:$0x3FD0];
	(tm) =	ssettm $0x1  }
0x93: {  	s5 =	sld [smem:$0x3FFB];
	_ =	sdelay $0x3  }
0x94: {  	_ =	strace s5  }
0x95: {  	s5 =	sld [smem:$0x3FFC];
	_ =	sdelay $0x3  }
0x96: {  	_ =	strace s5  }
0x97: {  	s5 =	sld [smem:$0x3FFD];
	_ =	sdelay $0x3  }
0x98: {  	_ =	strace s5  }
0x99: {  	_ =	strace $0x8FFFFFFF  }
0x9a: {  	s19 =	sld [smem:$0x3FDB];
	_ =	sdelay $0x1  }
0x9b: {  	s6 =	simm.s32 $_scs_section_size  }
0x9c: {  	s7 =	simm.s32 $_size__tile_overlayer_lowered;
	s8 =	simm.s32 $_tile_overlayer_lowered  }
0x9d: {  	s22 =	simm.s32 $0x1BFF;
	s21 =	sshll.u32 s8, $0x1;
	s5 =	sadd.s32 s6, s19  }
0x9e: {  	s9 =	simm.s32 $0x0;
	s20 =	sshll.u32 s7, $0x1;
	s7 =	sadd.s32 s21, s5  }
0x9f: {  	[timem:s9], [sflag:s22] =	dma.local [hbm:s7], s20  }
0xa0: {  	_ =	swait.ge [sflag:s22], s20  }
0xa1: {  	s6 =	ssub.s32 $0x0, s20;
	[sflag:s22] =	ssyncset.done $0x0  }
0xa2: {  	[sflag:s22] =	ssyncadd.s32 s6;
	_ =	sdelay $0x1  }
0xa3: {  	s23 =	simm.s32 $0x1B8B  }
0xa4: {  	_ =	swait.ge [sflag:s23], $0x1  }
0xa5: {  	[sflag:s23] =	ssyncset.done $0x0  }
0xa6: {  	s25 =	simm.s32 $0x1B8E;
	s24 =	sld [smem:$0x3FFE];
	[sflag:s23] =	ssyncadd.s32 $0xFFFFFFFF  }
0xa7: {  	s26 =	simm.s32 $execute0_lowered;
	[smem:$0x3FD2] =	sst s25  }
0xa8: {  	s7 =	sshll.u32 s26, $0x1;
	_ =	strace $0x80000046;
	[dreg:$0x1] =	wrdreg $0xFFFFFFFF  }
0xa9: {  	s28 =	simm.s32 $_size_execute0_lowered;
	s5 =	sadd.s32 s5, s7;
	[dreg:$0x0] =	wrdreg $0x0  }
0xaa: {  	s7 =	sshll.u32 s28, $0x1;
	[dreg:$0x2] =	wrdreg s5  }
0xab: {  	[dreg:$0x3] =	wrdreg s7  }
0xac: {  	[dreg:$0x4] =	wrdreg $0xC0  }
0xad: {  	_ =	task [dreg:s9], $0x5FFFF  }
0xae: {  	[dreg:$0x1] =	wrdreg $0xFFFFFFFF  }
0xaf: {  	[dreg:$0x0] =	wrdreg $0x60  }
0xb0: {  	[dreg:$0x2] =	wrdreg s2  }
0xb1: {  	[dreg:$0x3] =	wrdreg s18  }
0xb2: {  	[dreg:$0x4] =	wrdreg s24  }
0xb3: {  	[dreg:$0x5] =	wrdreg s4  }
0xb4: {  	[dreg:$0x6] =	wrdreg $0x9  }
0xb5: {  	_ =	task.clear_ibuf [dreg:s9], $0x7FFFF;
	_ =	strace $0x90000046  }
0xb6: {  	s29 =	simm.s32 $0x9;
	_ =	strace $0x80000048  }
0xb7: {  	_ =	swait.ge [sflag:s29], $0x1  }
0xb8: {  	[sflag:s29] =	ssyncadd.s32 $0xFFFFFFFF  }
0xb9: {  	_ =	strace $0x90000048  }
0xba: {  	_ =	sfence  }
0xbb: {  	s30 =	sld [smem:$0x0];
	_ =	sdelay $0x2  }
0xbc: {  	s31 =	sshll.u32 s1, $0xD;
	s1 =	sshrl.u32 s1, $0x2  }
0xbd: {  	s3 =	sand.u32 $0x4000, s31;
	s1 =	sadd.s32 s1, s30  }
0xbe: {  	s0 =	sor.u32 s3, s0;
	s1 =	sshll.u32 s1, $0x11  }
0xbf: {  	s0 =	sor.u32 s1, s0  }
0xc0: {  	s0 =	sadd.s32 $0x8F2B, s0  }
0xc1: {  	[sflag:s0] =	ssyncadd.remote.s32 $0x1  }
0xc2: {  	_ =	sfence.sel $0xFFFF  }
0xc3: {  	[dreg:$0x0] =	wrdreg $0xFFFFFFFF;
	(pc) =	sbr.abs _section_cstart, $3  }
0xc4: {  	[dreg:$0x1] =	wrdreg $0xFFFFFFFF  }
0xc5: {  	_ =	task.clear_ibuf [dreg:s9], $0x2FFFF;
	_ =	strace $0x9FFFFFFF  }
0xc6: {  	(tm) =	ssettm $0x7FFFFFFF  }
0xc7: {  	_ =	shalt  }
tec
execute0_lowered:
.L_overlay_start_1:
0x0: {  	(tag) =	ssettag $0x1  }
0x1: {  	s5 =	rddreg [dreg:$0x0]  }
0x2: {  	s6 =	rddreg [dreg:$0x1]  }
0x3: {  	s3 =	rddreg [dreg:$0x2]  }
0x4: {  	s7 =	rddreg [dreg:$0x3];
	s1 =	simm.s32 $0x0  }
0x5: {  	s0 =	simm.s32 $0x400;
	[smem:$0x7FF] =	sst s1  }
0x6: {  	s19 =	simm.s32 $0xC00;
	_ =	strace $0x80000047;
	[dreg:$0x5] =	wrdreg s0  }
0x7: {  	s20 =	simm.s32 $0x480;
	[dreg:$0x6] =	wrdreg s19  }
0x8: {  	s21 =	simm.s32 $0xC80;
	[dreg:$0x7] =	wrdreg s20  }
0x9: {  	s22 =	simm.s32 $0x500;
	[dreg:$0x8] =	wrdreg s21  }
0xa: {  	s23 =	simm.s32 $0xD00;
	[dreg:$0x9] =	wrdreg s22  }
0xb: {  	s24 =	simm.s32 $0x580;
	[dreg:$0xa] =	wrdreg s23  }
0xc: {  	s25 =	simm.s32 $0xD80;
	[dreg:$0xb] =	wrdreg s24  }
0xd: {  	s26 =	simm.s32 $0x600;
	[dreg:$0xc] =	wrdreg s25  }
0xe: {  	s28 =	simm.s32 $0xE00;
	[dreg:$0xd] =	wrdreg s26  }
0xf: {  	s29 =	simm.s32 $0x680;
	[dreg:$0xe] =	wrdreg s28  }
0x10: {  	s30 =	simm.s32 $0xE80;
	[dreg:$0xf] =	wrdreg s29  }
0x11: {  	s31 =	simm.s32 $0x700;
	[dreg:$0x10] =	wrdreg s30  }
0x12: {  	s2 =	simm.s32 $0xF00;
	[dreg:$0x11] =	wrdreg s31  }
0x13: {  	s4 =	simm.s32 $0x780;
	[dreg:$0x12] =	wrdreg s2  }
0x14: {  	s8 =	simm.s32 $0xF80;
	[dreg:$0x13] =	wrdreg s4  }
0x15: {  	s9 =	simm.s32 $0x800;
	[dreg:$0x14] =	wrdreg s8  }
0x16: {  	s10 =	simm.s32 $0x1000;
	[dreg:$0x15] =	wrdreg s9  }
0x17: {  	s11 =	simm.s32 $0x880;
	[dreg:$0x16] =	wrdreg s10  }
0x18: {  	s12 =	simm.s32 $0x1080;
	[dreg:$0x17] =	wrdreg s11  }
0x19: {  	s13 =	simm.s32 $0x900;
	[dreg:$0x18] =	wrdreg s12  }
0x1a: {  	s14 =	simm.s32 $0x1100;
	[dreg:$0x19] =	wrdreg s13  }
0x1b: {  	s15 =	simm.s32 $0x980;
	[dreg:$0x1a] =	wrdreg s14  }
0x1c: {  	s16 =	simm.s32 $0x1180;
	[dreg:$0x1b] =	wrdreg s15  }
0x1d: {  	s17 =	simm.s32 $0xA00;
	[dreg:$0x1c] =	wrdreg s16  }
0x1e: {  	s18 =	simm.s32 $0x1200;
	[dreg:$0x1d] =	wrdreg s17  }
0x1f: {  	[dreg:$0x1e] =	wrdreg s18;
	s19 =	simm.s32 $0xA80  }
0x20: {  	s20 =	simm.s32 $0x1280;
	[dreg:$0x1f] =	wrdreg s19  }
0x21: {  	s21 =	simm.s32 $0xB00;
	[smem:$0x775] =	sst s20  }
0x22: {  	s22 =	simm.s32 $0x1300;
	[smem:$0x776] =	sst s21  }
0x23: {  	s23 =	simm.s32 $0xB80;
	[smem:$0x777] =	sst s22  }
0x24: {  	s24 =	simm.s32 $0x1380;
	[smem:$0x778] =	sst s23  }
0x25: {  	s25 =	simm.s32 $0x440;
	[smem:$0x779] =	sst s24  }
0x26: {  	s26 =	simm.s32 $0xC40;
	[smem:$0x77A] =	sst s25  }
0x27: {  	s28 =	simm.s32 $0x450;
	[smem:$0x77B] =	sst s26  }
0x28: {  	s29 =	simm.s32 $0xC50;
	[smem:$0x77C] =	sst s28  }
0x29: {  	s30 =	simm.s32 $0x460;
	[smem:$0x77D] =	sst s29  }
0x2a: {  	s31 =	simm.s32 $0xC60;
	[smem:$0x77E] =	sst s30  }
0x2b: {  	s2 =	simm.s32 $0x470;
	[smem:$0x77F] =	sst s31  }
0x2c: {  	s4 =	simm.s32 $0xC70;
	[smem:$0x780] =	sst s2  }
0x2d: {  	s8 =	simm.s32 $0x4C0;
	[smem:$0x781] =	sst s4  }
0x2e: {  	s9 =	simm.s32 $0xCC0;
	[smem:$0x782] =	sst s8  }
0x2f: {  	s10 =	simm.s32 $0x4D0;
	[smem:$0x783] =	sst s9  }
0x30: {  	s11 =	simm.s32 $0xCD0;
	[smem:$0x784] =	sst s10  }
0x31: {  	s12 =	simm.s32 $0x4E0;
	[smem:$0x785] =	sst s11  }
0x32: {  	s13 =	simm.s32 $0xCE0;
	[smem:$0x786] =	sst s12  }
0x33: {  	s14 =	simm.s32 $0x4F0;
	[smem:$0x787] =	sst s13  }
0x34: {  	s15 =	simm.s32 $0xCF0;
	[smem:$0x788] =	sst s14  }
0x35: {  	s16 =	simm.s32 $0x540;
	[smem:$0x789] =	sst s15  }
0x36: {  	s17 =	simm.s32 $0xD40;
	[smem:$0x78A] =	sst s16  }
0x37: {  	s18 =	simm.s32 $0x550;
	[smem:$0x78B] =	sst s17  }
0x38: {  	[smem:$0x78C] =	sst s18;
	s19 =	simm.s32 $0xD50  }
0x39: {  	s20 =	simm.s32 $0x560;
	[smem:$0x78D] =	sst s19  }
0x3a: {  	s21 =	simm.s32 $0xD60;
	[smem:$0x78E] =	sst s20  }
0x3b: {  	s22 =	simm.s32 $0x570;
	[smem:$0x78F] =	sst s21  }
0x3c: {  	s23 =	simm.s32 $0xD70;
	[smem:$0x790] =	sst s22  }
0x3d: {  	s24 =	simm.s32 $0x5C0;
	[smem:$0x791] =	sst s23  }
0x3e: {  	s25 =	simm.s32 $0xDC0;
	[smem:$0x792] =	sst s24  }
0x3f: {  	s26 =	simm.s32 $0x5D0;
	[smem:$0x793] =	sst s25  }
0x40: {  	s28 =	simm.s32 $0xDD0;
	[smem:$0x794] =	sst s26  }
0x41: {  	s29 =	simm.s32 $0x5E0;
	[smem:$0x795] =	sst s28  }
0x42: {  	s30 =	simm.s32 $0xDE0;
	[smem:$0x796] =	sst s29  }
0x43: {  	s31 =	simm.s32 $0x5F0;
	[smem:$0x797] =	sst s30  }
0x44: {  	s2 =	simm.s32 $0xDF0;
	[smem:$0x798] =	sst s31  }
0x45: {  	s4 =	simm.s32 $0x640;
	[smem:$0x799] =	sst s2  }
0x46: {  	s8 =	simm.s32 $0xE40;
	[smem:$0x79A] =	sst s4  }
0x47: {  	s9 =	simm.s32 $0x650;
	[smem:$0x79B] =	sst s8  }
0x48: {  	s10 =	simm.s32 $0xE50;
	[smem:$0x79C] =	sst s9  }
0x49: {  	s11 =	simm.s32 $0x660;
	[smem:$0x79D] =	sst s10  }
0x4a: {  	s12 =	simm.s32 $0xE60;
	[smem:$0x79E] =	sst s11  }
0x4b: {  	s13 =	simm.s32 $0x670;
	[smem:$0x79F] =	sst s12  }
0x4c: {  	s14 =	simm.s32 $0xE70;
	[smem:$0x7A0] =	sst s13  }
0x4d: {  	s15 =	simm.s32 $0x6C0;
	[smem:$0x7A1] =	sst s14  }
0x4e: {  	s16 =	simm.s32 $0xEC0;
	[smem:$0x7A2] =	sst s15  }
0x4f: {  	s17 =	simm.s32 $0x6D0;
	[smem:$0x7A3] =	sst s16  }
0x50: {  	s18 =	simm.s32 $0xED0;
	[smem:$0x7A4] =	sst s17  }
0x51: {  	[smem:$0x7A5] =	sst s18;
	s19 =	simm.s32 $0x6E0  }
0x52: {  	s20 =	simm.s32 $0xEE0;
	[smem:$0x7A6] =	sst s19  }
0x53: {  	s21 =	simm.s32 $0x6F0;
	[smem:$0x7A7] =	sst s20  }
0x54: {  	s22 =	simm.s32 $0xEF0;
	[smem:$0x7A8] =	sst s21  }
0x55: {  	s23 =	simm.s32 $0x740;
	[smem:$0x7A9] =	sst s22  }
0x56: {  	s24 =	simm.s32 $0xF40;
	[smem:$0x7AA] =	sst s23  }
0x57: {  	s25 =	simm.s32 $0x750;
	[smem:$0x7AB] =	sst s24  }
0x58: {  	s26 =	simm.s32 $0xF50;
	[smem:$0x7AC] =	sst s25  }
0x59: {  	s28 =	simm.s32 $0x760;
	[smem:$0x7AD] =	sst s26  }
0x5a: {  	s29 =	simm.s32 $0xF60;
	[smem:$0x7AE] =	sst s28  }
0x5b: {  	s30 =	simm.s32 $0x770;
	[smem:$0x7AF] =	sst s29  }
0x5c: {  	s31 =	simm.s32 $0xF70;
	[smem:$0x7B0] =	sst s30  }
0x5d: {  	s2 =	simm.s32 $0x7C0;
	[smem:$0x7B1] =	sst s31  }
0x5e: {  	s4 =	simm.s32 $0xFC0;
	[smem:$0x7B2] =	sst s2  }
0x5f: {  	s8 =	simm.s32 $0x7D0;
	[smem:$0x7B3] =	sst s4  }
0x60: {  	s9 =	simm.s32 $0xFD0;
	[smem:$0x7B4] =	sst s8  }
0x61: {  	s10 =	simm.s32 $0x7E0;
	[smem:$0x7B5] =	sst s9  }
0x62: {  	s11 =	simm.s32 $0xFE0;
	[smem:$0x7B6] =	sst s10  }
0x63: {  	s12 =	simm.s32 $0x7F0;
	[smem:$0x7B7] =	sst s11  }
0x64: {  	s13 =	simm.s32 $0xFF0;
	[smem:$0x7B8] =	sst s12  }
0x65: {  	s14 =	simm.s32 $0x840;
	[smem:$0x7B9] =	sst s13  }
0x66: {  	s15 =	simm.s32 $0x1040;
	[smem:$0x7BA] =	sst s14  }
0x67: {  	s16 =	simm.s32 $0x850;
	[smem:$0x7BB] =	sst s15  }
0x68: {  	s17 =	simm.s32 $0x1050;
	[smem:$0x7BC] =	sst s16  }
0x69: {  	s18 =	simm.s32 $0x860;
	[smem:$0x7BD] =	sst s17  }
0x6a: {  	[smem:$0x7BE] =	sst s18;
	s19 =	simm.s32 $0x1060  }
0x6b: {  	s20 =	simm.s32 $0x870;
	[smem:$0x7BF] =	sst s19  }
0x6c: {  	s21 =	simm.s32 $0x1070;
	[smem:$0x7C0] =	sst s20  }
0x6d: {  	s22 =	simm.s32 $0x8C0;
	[smem:$0x7C1] =	sst s21  }
0x6e: {  	s23 =	simm.s32 $0x10C0;
	[smem:$0x7C2] =	sst s22  }
0x6f: {  	s24 =	simm.s32 $0x8D0;
	[smem:$0x7C3] =	sst s23  }
0x70: {  	s25 =	simm.s32 $0x10D0;
	[smem:$0x7C4] =	sst s24  }
0x71: {  	s26 =	simm.s32 $0x8E0;
	[smem:$0x7C5] =	sst s25  }
0x72: {  	s28 =	simm.s32 $0x10E0;
	[smem:$0x7C6] =	sst s26  }
0x73: {  	s29 =	simm.s32 $0x8F0;
	[smem:$0x7C7] =	sst s28  }
0x74: {  	s30 =	simm.s32 $0x10F0;
	[smem:$0x7C8] =	sst s29  }
0x75: {  	s31 =	simm.s32 $0x940;
	[smem:$0x7C9] =	sst s30  }
0x76: {  	s2 =	simm.s32 $0x1140;
	[smem:$0x7CA] =	sst s31  }
0x77: {  	s4 =	simm.s32 $0x950;
	[smem:$0x7CB] =	sst s2  }
0x78: {  	s8 =	simm.s32 $0x1150;
	[smem:$0x7CC] =	sst s4  }
0x79: {  	s9 =	simm.s32 $0x960;
	[smem:$0x7CD] =	sst s8  }
0x7a: {  	s10 =	simm.s32 $0x1160;
	[smem:$0x7CE] =	sst s9  }
0x7b: {  	s11 =	simm.s32 $0x970;
	[smem:$0x7CF] =	sst s10  }
0x7c: {  	s12 =	simm.s32 $0x1170;
	[smem:$0x7D0] =	sst s11  }
0x7d: {  	s13 =	simm.s32 $0x9C0;
	[smem:$0x7D1] =	sst s12  }
0x7e: {  	s14 =	simm.s32 $0x11C0;
	[smem:$0x7D2] =	sst s13  }
0x7f: {  	s15 =	simm.s32 $0x9D0;
	[smem:$0x7D3] =	sst s14  }
0x80: {  	s16 =	simm.s32 $0x11D0;
	[smem:$0x7D4] =	sst s15  }
0x81: {  	s17 =	simm.s32 $0x9E0;
	[smem:$0x7D5] =	sst s16  }
0x82: {  	s18 =	simm.s32 $0x11E0;
	[smem:$0x7D6] =	sst s17  }
0x83: {  	[smem:$0x7D7] =	sst s18;
	s19 =	simm.s32 $0x9F0  }
0x84: {  	s20 =	simm.s32 $0x11F0;
	[smem:$0x7D8] =	sst s19  }
0x85: {  	s21 =	simm.s32 $0xA40;
	[smem:$0x7D9] =	sst s20  }
0x86: {  	s22 =	simm.s32 $0x1240;
	[smem:$0x7DA] =	sst s21  }
0x87: {  	s23 =	simm.s32 $0xA50;
	[smem:$0x7DB] =	sst s22  }
0x88: {  	s24 =	simm.s32 $0x1250;
	[smem:$0x7DC] =	sst s23  }
0x89: {  	s25 =	simm.s32 $0xA60;
	[smem:$0x7DD] =	sst s24  }
0x8a: {  	s26 =	simm.s32 $0x1260;
	[smem:$0x7DE] =	sst s25  }
0x8b: {  	s28 =	simm.s32 $0xA70;
	[smem:$0x7DF] =	sst s26  }
0x8c: {  	s29 =	simm.s32 $0x1270;
	[smem:$0x7E0] =	sst s28  }
0x8d: {  	s30 =	simm.s32 $0xAC0;
	[smem:$0x7E1] =	sst s29  }
0x8e: {  	s31 =	simm.s32 $0x12C0;
	[smem:$0x7E2] =	sst s30  }
0x8f: {  	s2 =	simm.s32 $0xAD0;
	[smem:$0x7E3] =	sst s31  }
0x90: {  	s4 =	simm.s32 $0x12D0;
	[smem:$0x7E4] =	sst s2  }
0x91: {  	s8 =	simm.s32 $0xAE0;
	[smem:$0x7E5] =	sst s4  }
0x92: {  	s9 =	simm.s32 $0x12E0;
	[smem:$0x7E6] =	sst s8  }
0x93: {  	s10 =	simm.s32 $0xAF0;
	[smem:$0x7E7] =	sst s9  }
0x94: {  	s11 =	simm.s32 $0x12F0;
	[smem:$0x7E8] =	sst s10  }
0x95: {  	s12 =	simm.s32 $0xB40;
	[smem:$0x7E9] =	sst s11  }
0x96: {  	v0 =	vimm.s32 $0xEFCDAB89;
	vm0 =	vcmask $0xB08;
	vm1 =	vcmask $0x300;
	s13 =	simm.s32 $0x1340;
	[smem:$0x7EA] =	sst s12  }
0x97: {  	v1 =	vimm.s32 $0x67452301;
	v2 =	vimm.s32 $0xDCFE98BA;
	s14 =	simm.s32 $0xB50;
	[smem:$0x7EB] =	sst s13  }
0x98: {  	v3 =	vimm.s32 $0x54761032;
	vm2 =	vcmask $0x700;
	vm3 =	vcmask $0x3B38;
	s15 =	simm.s32 $0x1350;
	[smem:$0x7EC] =	sst s14  }
0x99: {  	v57 =	vimm.s32 $0xBA98FEDC;
	v58 =	vimm.s32 $0x32107654;
	s16 =	simm.s32 $0xB60;
	[smem:$0x7ED] =	sst s15  }
0x9a: {  	v4 =	vimm.s32 $0xFEDCBA98;
	v5 =	vimm.s32 $0x76543210;
	v0 =	vunpack.c.l.s4.s8 v0;
	s18 =	simm.s32 $0x1360;
	[smem:$0x7EE] =	sst s16  }
0x9b: {  	vm0 =	vmor vm1, vm0;
	vm1 =	vcmask $0x1310;
	v1 =	vunpack.c.l.s4.s8 v1;
	[smem:$0x7EF] =	sst s18;
	s19 =	simm.s32 $0xB70  }
0x9c: {  	v2 =	vunpack.c.l.s4.s8 v2;
	v3 =	vunpack.c.l.s4.s8 v3;
	v4 =	vunpack.c.l.s4.s8 v4;
	s2 =	sadd.s32 $0x400, s3;
	s20 =	simm.s32 $0x1370;
	[smem:$0x7F0] =	sst s19  }
0x9d: {  	v5 =	vunpack.c.l.s4.s8 v5;
	vm0 =	vmor vm0, vm1;
	vm1 =	vcmask $0x1B18;
	s3 =	sadd.s32 $0xC8400, s3;
	s21 =	simm.s32 $0xBC0;
	[smem:$0x7F2] =	sst s20  }
0x9e: {  	v0 =	vunpack.c.0.s8.s32 v0;
	vm0 =	vmor vm0, vm1;
	vm1 =	vcmask $0x2320;
	s4 =	srdreg.scid;
	s23 =	simm.s32 $0x13C0;
	[smem:$0x7F4] =	sst s21  }
0x9f: {  	v1 =	vunpack.c.0.s8.s32 v1;
	v55 =	vunpack.c.0.s8.s32 v2;
	v56 =	vunpack.c.0.s8.s32 v3;
	s10 =	stileid.u32;
	s24 =	simm.s32 $0xBD0;
	[smem:$0x7F6] =	sst s23  }
0xa0: {  	v2 =	vunpack.c.l.s4.s8 v57;
	v3 =	vunpack.c.l.s4.s8 v58;
	v4 =	vunpack.c.0.s8.s32 v4;
	s26 =	simm.s32 $0x13D0;
	s28 =	simm.s32 $0xBE0;
	[smem:$0x7F8] =	sst s24  }
0xa1: {  	v59 =	vunpack.c.0.s8.s32 v5;
	vm0 =	vmor vm0, vm1;
	vm1 =	vcmask $0x2B28;
	s29 =	simm.s32 $0x13E0;
	s30 =	simm.s32 $0xBF0;
	[smem:$0x7F9] =	sst s26  }
0xa2: {  	vm0 =	vmor vm0, vm1;
	vm1 =	vcmask $0x3330;
	v0 =	vcombine.low v1, v0;
	s4 =	sand.u32 $0x1, s4;
	s17 =	sshll.u32 s10, $0x7;
	[smem:$0x7FA] =	sst s28  }
0xa3: {  	v1 =	vcombine.low v56, v55;
	v2 =	vunpack.c.0.s8.s32 v2;
	v3 =	vunpack.c.0.s8.s32 v3;
	[smem:$0x7FB] =	sst s29;
	s8 =	ssub.s32 $0x2, s4;
	s4 =	sshll.u32 s4, $0x6  }
0xa4: {  	v63 =	vand.u32 $0xF, v4;
	vm0 =	vmor vm0, vm1;
	vm1 =	vcmask $0x1710;
	s31 =	simm.s32 $0x13F0;
	[smem:$0x7FC] =	sst s30;
	s4 =	sor.u32 s4, s17  }
0xa5: {  	v4 =	vcombine.low v63, v59;
	vm1 =	vmor vm2, vm1;
	vm2 =	vcmask $0x2720;
	s11 =	simm.s32 $0x1;
	[smem:$0x7FD] =	sst s31;
	s5 =	sadd.s32 s5, s4  }
0xa6: {  	vm0 =	vmor vm0, vm3;
	v2 =	vcombine.low v3, v2;
	v12 =	vand.u32 $0xF, v1;
	s9 =	sshrl.u32 s8, $0x1;
	s22 =	sadd.s32 s6, s4;
	[smem:$0x7F1] =	sst s5  }
0xa7: {  	vm3 =	vcmask $0xF00;
	vm1 =	vmor vm1, vm2;
	vm2 =	vcmask $0x3730;
	[tilespmem:$0x1FFD0] =	vst v12;
	s8 =	ssub.s32 s8, s9;
	s4 =	sadd.s32 s7, s4;
	[smem:$0x7F3] =	sst s22  }
0xa8: {  	s12 =	simm.s32 $0x2;
	[tilespmem:$0x1FFF0] =	vst v4;
	vm1 =	vmor vm1, vm2;
	vm2 =	vcmask $0x2F20;
	v8 =	vand.u32 $0xF, v2;
	[smem:$0x7F5] =	sst s4;
	s25 =	smax.u32 s8, $0x1  }
0xa9: {  	v61 =	vand.u32 $0xF, v0;
	vm2 =	vmor vm3, vm2;
	vm3 =	vmmov $0xff;
	[tilespmem:$0x1FFE0] =	vst v8;
	s4 =	simm.s32 $0x3;
	s5 =	simm.s32 $0x0;
	[smem:$0x7F7] =	sst s25  }
.LBB2_1:
0xaa: {  	s0 =	sld [smem:$0x7F1];
	_ =	sdelay $0x1  }
0xab: {  	[smem:$0x774] =	sst s5  }
0xac: {  	[tilespmem:s1], [sflag:$0x3] =	stream.linear.gather [hbm4b:s0+s1], $0x200, $0x38;
	[tilespmem:$0x1600] =	vst v63  }
0xad: {  	_ =	swait.ge [sflag:s4], $0x200  }
0xae: {  	s30 =	sld [smem:$0x7F3]  }
0xaf: {  	[sflag:s4] =	ssyncset.done $0x0  }
0xb0: {  	s31 =	simm.s32 $0x200;
	[sflag:s4] =	ssyncadd.s32 $0xFFFFFE00  }
0xb1: {  	[tilespmem:s31], [sflag:$0x3] =	stream.linear.gather [hbm4b:s30+s1], $0x200, $0x38;
	[tilespmem:$0x1600] =	vst v63  }
0xb2: {  	_ =	swait.ge [sflag:s4], $0x200  }
0xb3: {  	[sflag:s4] =	ssyncset.done $0x0  }
0xb4: {  	s0 =	simm.s32 $0x0;
	[sflag:s4] =	ssyncadd.s32 $0xFFFFFE00  }
.LBB2_2:
0xb5: {  	s23 =	sshra.s32 s0, $0x2  }
0xb6: {  	v5 =	vld [tilespmem:s23+$0x0];
	_ =	sdelay $0x4  }
0xb7: {  	vm4 =	vgt.s32 v5, $0xC7FF;
	v1 =	vadd.s32 $0xFFFF3800, v5  }
0xb8: {  	v1 =	vsel vm4, v1, v5  }
0xb9: {  	v6 =	vshll.u32 v1, $0x4  }
0xba: {  	(v2sf) =	vpush v6, $0x0;
	_ =	sdelay $0xb  }
0xbb: {  	v4 =	vld [tilespmem:s23+$0x200];
	_ =	sdelay $0x2  }
0xbc: {  	[smem:$0x772] =	sst s0;
	s24 =	spop (v2sf)  }
0xbd: {  	s4 =	rddreg [dreg:$0x5];
	s0 =	sand.u32 $0x1FFFFFF0, s24  }
0xbe: {  	[smem:$0x773] =	sst s23;
	v59 =	vadd.s32 $0xFFFF3800, v4;
	vm4 =	vgt.s32 v4, $0xC7FF;
	s0 =	sadd.s32 s2, s0  }
0xbf: {  	v1 =	vsel vm4, v59, v4;
	[tilespmem:s4], [sflag:$0x1] =	stream.linear.gather [hbm4b:s0+s1], $0x80, $0x38;
	[tilespmem:$0x1600] =	vst v63  }
0xc0: {  	v7 =	vshll.u32 v1, $0x4;
	_ =	swait.ge [sflag:s11], $0x80  }
0xc1: {  	(v2sf) =	vpush v7, $0x0;
	_ =	sdelay $0xe  }
0xc2: {  	s25 =	spop (v2sf)  }
0xc3: {  	[sflag:s11] =	ssyncset.done $0x0;
	s0 =	sand.u32 $0x1FFFFFF0, s25  }
0xc4: {  	s26 =	rddreg [dreg:$0x6];
	[sflag:s11] =	ssyncadd.s32 $0xFFFFFF80;
	s0 =	sadd.s32 s3, s0  }
0xc5: {  	[tilespmem:s26], [sflag:$0x2] =	stream.linear.gather [hbm4b:s0+s1], $0x80, $0x38;
	[tilespmem:$0x1600] =	vst v63  }
0xc6: {  	_ =	swait.ge [sflag:s12], $0x80  }
0xc7: {  	(v2sf) =	vpush v6, $0x1;
	_ =	sdelay $0xe  }
0xc8: {  	s28 =	spop (v2sf)  }
0xc9: {  	[sflag:s12] =	ssyncset.done $0x0;
	s0 =	sand.u32 $0x1FFFFFF0, s28  }
0xca: {  	s29 =	rddreg [dreg:$0x7];
	[sflag:s12] =	ssyncadd.s32 $0xFFFFFF80;
	s0 =	sadd.s32 s2, s0  }
0xcb: {  	[tilespmem:s29], [sflag:$0x1] =	stream.linear.gather [hbm4b:s0+s1], $0x80, $0x38;
	[tilespmem:$0x1600] =	vst v63  }
0xcc: {  	_ =	swait.ge [sflag:s11], $0x80  }
0xcd: {  	(v2sf) =	vpush v7, $0x1;
	_ =	sdelay $0xe  }
0xce: {  	s30 =	spop (v2sf)  }
0xcf: {  	[sflag:s11] =	ssyncset.done $0x0;
	s0 =	sand.u32 $0x1FFFFFF0, s30  }
0xd0: {  	s31 =	rddreg [dreg:$0x8];
	[sflag:s11] =	ssyncadd.s32 $0xFFFFFF80;
	s0 =	sadd.s32 s3, s0  }
0xd1: {  	[tilespmem:s31], [sflag:$0x2] =	stream.linear.gather [hbm4b:s0+s1], $0x80, $0x38;
	[tilespmem:$0x1600] =	vst v63  }
0xd2: {  	_ =	swait.ge [sflag:s12], $0x80  }
0xd3: {  	(v2sf) =	vpush v6, $0x2;
	_ =	sdelay $0xe  }
0xd4: {  	s5 =	spop (v2sf)  }
0xd5: {  	[sflag:s12] =	ssyncset.done $0x0;
	s0 =	sand.u32 $0x1FFFFFF0, s5  }
0xd6: {  	s6 =	rddreg [dreg:$0x9];
	[sflag:s12] =	ssyncadd.s32 $0xFFFFFF80;
	s0 =	sadd.s32 s2, s0  }
0xd7: {  	[tilespmem:s6], [sflag:$0x1] =	stream.linear.gather [hbm4b:s0+s1], $0x80, $0x38;
	[tilespmem:$0x1600] =	vst v63  }
0xd8: {  	_ =	swait.ge [sflag:s11], $0x80  }
0xd9: {  	(v2sf) =	vpush v7, $0x2;
	_ =	sdelay $0xe  }
0xda: {  	s7 =	spop (v2sf)  }
0xdb: {  	[sflag:s11] =	ssyncset.done $0x0;
	s0 =	sand.u32 $0x1FFFFFF0, s7  }
0xdc: {  	s8 =	rddreg [dreg:$0xa];
	[sflag:s11] =	ssyncadd.s32 $0xFFFFFF80;
	s0 =	sadd.s32 s3, s0  }
0xdd: {  	[tilespmem:s8], [sflag:$0x2] =	stream.linear.gather [hbm4b:s0+s1], $0x80, $0x38;
	[tilespmem:$0x1600] =	vst v63  }
0xde: {  	_ =	swait.ge [sflag:s12], $0x80  }
0xdf: {  	(v2sf) =	vpush v6, $0x3;
	_ =	sdelay $0xe  }
0xe0: {  	s9 =	spop (v2sf)  }
0xe1: {  	[sflag:s12] =	ssyncset.done $0x0;
	s0 =	sand.u32 $0x1FFFFFF0, s9  }
0xe2: {  	s10 =	rddreg [dreg:$0xb];
	[sflag:s12] =	ssyncadd.s32 $0xFFFFFF80;
	s0 =	sadd.s32 s2, s0  }
0xe3: {  	[tilespmem:s10], [sflag:$0x1] =	stream.linear.gather [hbm4b:s0+s1], $0x80, $0x38;
	[tilespmem:$0x1600] =	vst v63  }
0xe4: {  	_ =	swait.ge [sflag:s11], $0x80  }
0xe5: {  	(v2sf) =	vpush v7, $0x3;
	_ =	sdelay $0xe  }
0xe6: {  	s13 =	spop (v2sf)  }
0xe7: {  	[sflag:s11] =	ssyncset.done $0x0;
	s0 =	sand.u32 $0x1FFFFFF0, s13  }
0xe8: {  	s14 =	rddreg [dreg:$0xc];
	[sflag:s11] =	ssyncadd.s32 $0xFFFFFF80;
	s0 =	sadd.s32 s3, s0  }
0xe9: {  	[tilespmem:s14], [sflag:$0x2] =	stream.linear.gather [hbm4b:s0+s1], $0x80, $0x38;
	[tilespmem:$0x1600] =	vst v63  }
0xea: {  	_ =	swait.ge [sflag:s12], $0x80  }
0xeb: {  	(v2sf) =	vpush v6, $0x4;
	_ =	sdelay $0xe  }
0xec: {  	s15 =	spop (v2sf)  }
0xed: {  	[sflag:s12] =	ssyncset.done $0x0;
	s0 =	sand.u32 $0x1FFFFFF0, s15  }
0xee: {  	s16 =	rddreg [dreg:$0xd];
	[sflag:s12] =	ssyncadd.s32 $0xFFFFFF80;
	s0 =	sadd.s32 s2, s0  }
0xef: {  	[tilespmem:s16], [sflag:$0x1] =	stream.linear.gather [hbm4b:s0+s1], $0x80, $0x38;
	[tilespmem:$0x1600] =	vst v63  }
0xf0: {  	_ =	swait.ge [sflag:s11], $0x80  }
0xf1: {  	(v2sf) =	vpush v7, $0x4;
	_ =	sdelay $0xe  }
0xf2: {  	s17 =	spop (v2sf)  }
0xf3: {  	[sflag:s11] =	ssyncset.done $0x0;
	s0 =	sand.u32 $0x1FFFFFF0, s17  }
0xf4: {  	s18 =	rddreg [dreg:$0xe];
	[sflag:s11] =	ssyncadd.s32 $0xFFFFFF80;
	s0 =	sadd.s32 s3, s0  }
0xf5: {  	[tilespmem:s18], [sflag:$0x2] =	stream.linear.gather [hbm4b:s0+s1], $0x80, $0x38;
	[tilespmem:$0x1600] =	vst v63  }
0xf6: {  	_ =	swait.ge [sflag:s12], $0x80  }
0xf7: {  	(v2sf) =	vpush v6, $0x5;
	_ =	sdelay $0xe  }
0xf8: {  	s19 =	spop (v2sf)  }
0xf9: {  	[sflag:s12] =	ssyncset.done $0x0;
	s0 =	sand.u32 $0x1FFFFFF0, s19  }
0xfa: {  	s20 =	rddreg [dreg:$0xf];
	[sflag:s12] =	ssyncadd.s32 $0xFFFFFF80;
	s0 =	sadd.s32 s2, s0  }
0xfb: {  	[tilespmem:s20], [sflag:$0x1] =	stream.linear.gather [hbm4b:s0+s1], $0x80, $0x38;
	[tilespmem:$0x1600] =	vst v63  }
0xfc: {  	_ =	swait.ge [sflag:s11], $0x80  }
0xfd: {  	(v2sf) =	vpush v7, $0x5;
	_ =	sdelay $0xe  }
0xfe: {  	s21 =	spop (v2sf)  }
0xff: {  	[sflag:s11] =	ssyncset.done $0x0;
	s0 =	sand.u32 $0x1FFFFFF0, s21  }
0x100: {  	s22 =	rddreg [dreg:$0x10];
	[sflag:s11] =	ssyncadd.s32 $0xFFFFFF80;
	s0 =	sadd.s32 s3, s0  }
0x101: {  	[tilespmem:s22], [sflag:$0x2] =	stream.linear.gather [hbm4b:s0+s1], $0x80, $0x38;
	[tilespmem:$0x1600] =	vst v63  }
0x102: {  	_ =	swait.ge [sflag:s12], $0x80  }
0x103: {  	(v2sf) =	vpush v6, $0x6;
	_ =	sdelay $0xe  }
0x104: {  	s23 =	spop (v2sf)  }
0x105: {  	[sflag:s12] =	ssyncset.done $0x0;
	s0 =	sand.u32 $0x1FFFFFF0, s23  }
0x106: {  	s24 =	rddreg [dreg:$0x11];
	[sflag:s12] =	ssyncadd.s32 $0xFFFFFF80;
	s0 =	sadd.s32 s2, s0  }
0x107: {  	[tilespmem:s24], [sflag:$0x1] =	stream.linear.gather [hbm4b:s0+s1], $0x80, $0x38;
	[tilespmem:$0x1600] =	vst v63  }
0x108: {  	_ =	swait.ge [sflag:s11], $0x80  }
0x109: {  	(v2sf) =	vpush v7, $0x6;
	_ =	sdelay $0xe  }
0x10a: {  	s25 =	spop (v2sf)  }
0x10b: {  	[sflag:s11] =	ssyncset.done $0x0;
	s0 =	sand.u32 $0x1FFFFFF0, s25  }
0x10c: {  	s26 =	rddreg [dreg:$0x12];
	[sflag:s11] =	ssyncadd.s32 $0xFFFFFF80;
	s0 =	sadd.s32 s3, s0  }
0x10d: {  	[tilespmem:s26], [sflag:$0x2] =	stream.linear.gather [hbm4b:s0+s1], $0x80, $0x38;
	[tilespmem:$0x1600] =	vst v63  }
0x10e: {  	_ =	swait.ge [sflag:s12], $0x80  }
0x10f: {  	(v2sf) =	vpush v6, $0x7;
	_ =	sdelay $0xe  }
0x110: {  	s28 =	spop (v2sf)  }
0x111: {  	[sflag:s12] =	ssyncset.done $0x0;
	s0 =	sand.u32 $0x1FFFFFF0, s28  }
0x112: {  	s29 =	rddreg [dreg:$0x13];
	[sflag:s12] =	ssyncadd.s32 $0xFFFFFF80;
	s0 =	sadd.s32 s2, s0  }
0x113: {  	[tilespmem:s29], [sflag:$0x1] =	stream.linear.gather [hbm4b:s0+s1], $0x80, $0x38;
	[tilespmem:$0x1600] =	vst v63  }
0x114: {  	_ =	swait.ge [sflag:s11], $0x80  }
0x115: {  	(v2sf) =	vpush v7, $0x7;
	_ =	sdelay $0xe  }
0x116: {  	s30 =	spop (v2sf)  }
0x117: {  	[sflag:s11] =	ssyncset.done $0x0;
	s0 =	sand.u32 $0x1FFFFFF0, s30  }
0x118: {  	s31 =	rddreg [dreg:$0x14];
	[sflag:s11] =	ssyncadd.s32 $0xFFFFFF80;
	s0 =	sadd.s32 s3, s0  }
0x119: {  	[tilespmem:s31], [sflag:$0x2] =	stream.linear.gather [hbm4b:s0+s1], $0x80, $0x38;
	[tilespmem:$0x1600] =	vst v63  }
0x11a: {  	_ =	swait.ge [sflag:s12], $0x80  }
0x11b: {  	(v2sf) =	vpush v6, $0x8;
	_ =	sdelay $0xe  }
0x11c: {  	s5 =	spop (v2sf)  }
0x11d: {  	[sflag:s12] =	ssyncset.done $0x0;
	s0 =	sand.u32 $0x1FFFFFF0, s5  }
0x11e: {  	s6 =	rddreg [dreg:$0x15];
	[sflag:s12] =	ssyncadd.s32 $0xFFFFFF80;
	s0 =	sadd.s32 s2, s0  }
0x11f: {  	[tilespmem:s6], [sflag:$0x1] =	stream.linear.gather [hbm4b:s0+s1], $0x80, $0x38;
	[tilespmem:$0x1600] =	vst v63  }
0x120: {  	_ =	swait.ge [sflag:s11], $0x80  }
0x121: {  	(v2sf) =	vpush v7, $0x8;
	_ =	sdelay $0xe  }
0x122: {  	s7 =	spop (v2sf)  }
0x123: {  	[sflag:s11] =	ssyncset.done $0x0;
	s0 =	sand.u32 $0x1FFFFFF0, s7  }
0x124: {  	s8 =	rddreg [dreg:$0x16];
	[sflag:s11] =	ssyncadd.s32 $0xFFFFFF80;
	s0 =	sadd.s32 s3, s0  }
0x125: {  	[tilespmem:s8], [sflag:$0x2] =	stream.linear.gather [hbm4b:s0+s1], $0x80, $0x38;
	[tilespmem:$0x1600] =	vst v63  }
0x126: {  	_ =	swait.ge [sflag:s12], $0x80  }
0x127: {  	(v2sf) =	vpush v6, $0x9;
	_ =	sdelay $0xe  }
0x128: {  	s9 =	spop (v2sf)  }
0x129: {  	[sflag:s12] =	ssyncset.done $0x0;
	s0 =	sand.u32 $0x1FFFFFF0, s9  }
0x12a: {  	s10 =	rddreg [dreg:$0x17];
	[sflag:s12] =	ssyncadd.s32 $0xFFFFFF80;
	s0 =	sadd.s32 s2, s0  }
0x12b: {  	[tilespmem:s10], [sflag:$0x1] =	stream.linear.gather [hbm4b:s0+s1], $0x80, $0x38;
	[tilespmem:$0x1600] =	vst v63  }
0x12c: {  	_ =	swait.ge [sflag:s11], $0x80  }
0x12d: {  	(v2sf) =	vpush v7, $0x9;
	_ =	sdelay $0xe  }
0x12e: {  	s13 =	spop (v2sf)  }
0x12f: {  	[sflag:s11] =	ssyncset.done $0x0;
	s0 =	sand.u32 $0x1FFFFFF0, s13  }
0x130: {  	s14 =	rddreg [dreg:$0x18];
	[sflag:s11] =	ssyncadd.s32 $0xFFFFFF80;
	s0 =	sadd.s32 s3, s0  }
0x131: {  	[tilespmem:s14], [sflag:$0x2] =	stream.linear.gather [hbm4b:s0+s1], $0x80, $0x38;
	[tilespmem:$0x1600] =	vst v63  }
0x132: {  	_ =	swait.ge [sflag:s12], $0x80  }
0x133: {  	(v2sf) =	vpush v6, $0xA;
	_ =	sdelay $0xe  }
0x134: {  	s15 =	spop (v2sf)  }
0x135: {  	[sflag:s12] =	ssyncset.done $0x0;
	s0 =	sand.u32 $0x1FFFFFF0, s15  }
0x136: {  	s16 =	rddreg [dreg:$0x19];
	[sflag:s12] =	ssyncadd.s32 $0xFFFFFF80;
	s0 =	sadd.s32 s2, s0  }
0x137: {  	[tilespmem:s16], [sflag:$0x1] =	stream.linear.gather [hbm4b:s0+s1], $0x80, $0x38;
	[tilespmem:$0x1600] =	vst v63  }
0x138: {  	_ =	swait.ge [sflag:s11], $0x80  }
0x139: {  	(v2sf) =	vpush v7, $0xA;
	_ =	sdelay $0xe  }
0x13a: {  	s17 =	spop (v2sf)  }
0x13b: {  	[sflag:s11] =	ssyncset.done $0x0;
	s0 =	sand.u32 $0x1FFFFFF0, s17  }
0x13c: {  	s18 =	rddreg [dreg:$0x1a];
	[sflag:s11] =	ssyncadd.s32 $0xFFFFFF80;
	s0 =	sadd.s32 s3, s0  }
0x13d: {  	[tilespmem:s18], [sflag:$0x2] =	stream.linear.gather [hbm4b:s0+s1], $0x80, $0x38;
	[tilespmem:$0x1600] =	vst v63  }
0x13e: {  	_ =	swait.ge [sflag:s12], $0x80  }
0x13f: {  	(v2sf) =	vpush v6, $0xB;
	_ =	sdelay $0xe  }
0x140: {  	s19 =	spop (v2sf)  }
0x141: {  	[sflag:s12] =	ssyncset.done $0x0;
	s0 =	sand.u32 $0x1FFFFFF0, s19  }
0x142: {  	s20 =	rddreg [dreg:$0x1b];
	[sflag:s12] =	ssyncadd.s32 $0xFFFFFF80;
	s0 =	sadd.s32 s2, s0  }
0x143: {  	[tilespmem:s20], [sflag:$0x1] =	stream.linear.gather [hbm4b:s0+s1], $0x80, $0x38;
	[tilespmem:$0x1600] =	vst v63  }
0x144: {  	_ =	swait.ge [sflag:s11], $0x80  }
0x145: {  	(v2sf) =	vpush v7, $0xB;
	_ =	sdelay $0xe  }
0x146: {  	s21 =	spop (v2sf)  }
0x147: {  	[sflag:s11] =	ssyncset.done $0x0;
	s0 =	sand.u32 $0x1FFFFFF0, s21  }
0x148: {  	s22 =	rddreg [dreg:$0x1c];
	[sflag:s11] =	ssyncadd.s32 $0xFFFFFF80;
	s0 =	sadd.s32 s3, s0  }
0x149: {  	[tilespmem:s22], [sflag:$0x2] =	stream.linear.gather [hbm4b:s0+s1], $0x80, $0x38;
	[tilespmem:$0x1600] =	vst v63  }
0x14a: {  	_ =	swait.ge [sflag:s12], $0x80  }
0x14b: {  	(v2sf) =	vpush v6, $0xC;
	_ =	sdelay $0xe  }
0x14c: {  	s23 =	spop (v2sf)  }
0x14d: {  	[sflag:s12] =	ssyncset.done $0x0;
	s0 =	sand.u32 $0x1FFFFFF0, s23  }
0x14e: {  	s24 =	rddreg [dreg:$0x1d];
	[sflag:s12] =	ssyncadd.s32 $0xFFFFFF80;
	s0 =	sadd.s32 s2, s0  }
0x14f: {  	[tilespmem:s24], [sflag:$0x1] =	stream.linear.gather [hbm4b:s0+s1], $0x80, $0x38;
	[tilespmem:$0x1600] =	vst v63  }
0x150: {  	_ =	swait.ge [sflag:s11], $0x80  }
0x151: {  	(v2sf) =	vpush v7, $0xC;
	_ =	sdelay $0xe  }
0x152: {  	s25 =	spop (v2sf)  }
0x153: {  	[sflag:s11] =	ssyncset.done $0x0;
	s0 =	sand.u32 $0x1FFFFFF0, s25  }
0x154: {  	s26 =	rddreg [dreg:$0x1e];
	[sflag:s11] =	ssyncadd.s32 $0xFFFFFF80;
	s0 =	sadd.s32 s3, s0  }
0x155: {  	[tilespmem:s26], [sflag:$0x2] =	stream.linear.gather [hbm4b:s0+s1], $0x80, $0x38;
	[tilespmem:$0x1600] =	vst v63  }
0x156: {  	_ =	swait.ge [sflag:s12], $0x80  }
0x157: {  	(v2sf) =	vpush v6, $0xD;
	_ =	sdelay $0xe  }
0x158: {  	s28 =	spop (v2sf)  }
0x159: {  	[sflag:s12] =	ssyncset.done $0x0;
	s0 =	sand.u32 $0x1FFFFFF0, s28  }
0x15a: {  	s29 =	rddreg [dreg:$0x1f];
	[sflag:s12] =	ssyncadd.s32 $0xFFFFFF80;
	s0 =	sadd.s32 s2, s0  }
0x15b: {  	[tilespmem:s29], [sflag:$0x1] =	stream.linear.gather [hbm4b:s0+s1], $0x80, $0x38;
	[tilespmem:$0x1600] =	vst v63  }
0x15c: {  	_ =	swait.ge [sflag:s11], $0x80  }
0x15d: {  	(v2sf) =	vpush v7, $0xD;
	_ =	sdelay $0xe  }
0x15e: {  	s31 =	sld [smem:$0x775];
	s30 =	spop (v2sf)  }
0x15f: {  	[sflag:s11] =	ssyncset.done $0x0;
	s0 =	sand.u32 $0x1FFFFFF0, s30  }
0x160: {  	[sflag:s11] =	ssyncadd.s32 $0xFFFFFF80;
	s0 =	sadd.s32 s3, s0  }
0x161: {  	[tilespmem:s31], [sflag:$0x2] =	stream.linear.gather [hbm4b:s0+s1], $0x80, $0x38;
	[tilespmem:$0x1600] =	vst v63  }
0x162: {  	_ =	swait.ge [sflag:s12], $0x80  }
0x163: {  	(v2sf) =	vpush v6, $0xE;
	_ =	sdelay $0xe  }
0x164: {  	s6 =	sld [smem:$0x776];
	s5 =	spop (v2sf)  }
0x165: {  	[sflag:s12] =	ssyncset.done $0x0;
	s0 =	sand.u32 $0x1FFFFFF0, s5  }
0x166: {  	[sflag:s12] =	ssyncadd.s32 $0xFFFFFF80;
	s0 =	sadd.s32 s2, s0  }
0x167: {  	[tilespmem:s6], [sflag:$0x1] =	stream.linear.gather [hbm4b:s0+s1], $0x80, $0x38;
	[tilespmem:$0x1600] =	vst v63  }
0x168: {  	_ =	swait.ge [sflag:s11], $0x80  }
0x169: {  	(v2sf) =	vpush v7, $0xE;
	_ =	sdelay $0xe  }
0x16a: {  	s8 =	sld [smem:$0x777];
	s7 =	spop (v2sf)  }
0x16b: {  	[sflag:s11] =	ssyncset.done $0x0;
	s0 =	sand.u32 $0x1FFFFFF0, s7  }
0x16c: {  	[sflag:s11] =	ssyncadd.s32 $0xFFFFFF80;
	s0 =	sadd.s32 s3, s0  }
0x16d: {  	[tilespmem:s8], [sflag:$0x2] =	stream.linear.gather [hbm4b:s0+s1], $0x80, $0x38;
	[tilespmem:$0x1600] =	vst v63  }
0x16e: {  	_ =	swait.ge [sflag:s12], $0x80  }
0x16f: {  	(v2sf) =	vpush v6, $0xF;
	_ =	sdelay $0xe  }
0x170: {  	s10 =	sld [smem:$0x778];
	s9 =	spop (v2sf)  }
0x171: {  	[sflag:s12] =	ssyncset.done $0x0;
	s0 =	sand.u32 $0x1FFFFFF0, s9  }
0x172: {  	[sflag:s12] =	ssyncadd.s32 $0xFFFFFF80;
	s0 =	sadd.s32 s2, s0  }
0x173: {  	[tilespmem:s10], [sflag:$0x1] =	stream.linear.gather [hbm4b:s0+s1], $0x80, $0x38;
	[tilespmem:$0x1600] =	vst v63  }
0x174: {  	_ =	swait.ge [sflag:s11], $0x80  }
0x175: {  	(v2sf) =	vpush v7, $0xF;
	_ =	sdelay $0xe  }
0x176: {  	s14 =	sld [smem:$0x779];
	s13 =	spop (v2sf)  }
0x177: {  	[sflag:s11] =	ssyncset.done $0x0;
	s0 =	sand.u32 $0x1FFFFFF0, s13  }
0x178: {  	[sflag:s11] =	ssyncadd.s32 $0xFFFFFF80;
	s0 =	sadd.s32 s3, s0  }
0x179: {  	[tilespmem:s14], [sflag:$0x2] =	stream.linear.gather [hbm4b:s0+s1], $0x80, $0x38;
	[tilespmem:$0x1600] =	vst v63  }
0x17a: {  	_ =	swait.ge [sflag:s12], $0x80  }
0x17b: {  	(v2sf) =	vpush v5, $0x0  }
0x17c: {  	(v2sf) =	vpush v4, $0x0  }
0x17d: {  	(v2sf) =	vpush v5, $0x1  }
0x17e: {  	(v2sf) =	vpush v4, $0x1  }
0x17f: {  	(v2sf) =	vpush v5, $0x2  }
0x180: {  	(v2sf) =	vpush v4, $0x2  }
0x181: {  	(v2sf) =	vpush v5, $0x3  }
0x182: {  	(v2sf) =	vpush v4, $0x3  }
0x183: {  	(v2sf) =	vpush v5, $0x4  }
0x184: {  	(v2sf) =	vpush v4, $0x4  }
0x185: {  	(v2sf) =	vpush v5, $0x5  }
0x186: {  	(v2sf) =	vpush v4, $0x5  }
0x187: {  	(v2sf) =	vpush v5, $0x6  }
0x188: {  	(v2sf) =	vpush v4, $0x6  }
0x189: {  	(v2sf) =	vpush v5, $0x7  }
0x18a: {  	s17 =	spop (v2sf);
	(v2sf) =	vpush v4, $0x7  }
0x18b: {  	s20 =	spop (v2sf);
	(v2sf) =	vpush v5, $0x8  }
0x18c: {  	s21 =	spop (v2sf)  }
0x18d: {  	s23 =	spop (v2sf)  }
0x18e: {  	s19 =	spop (v2sf)  }
0x18f: {  	s18 =	spop (v2sf)  }
0x190: {  	s5 =	spop (v2sf)  }
0x191: {  	s22 =	spop (v2sf)  }
0x192: {  	s13 =	spop (v2sf)  }
0x193: {  	s10 =	spop (v2sf)  }
0x194: {  	s4 =	spop (v2sf)  }
0x195: {  	s26 =	sld [smem:$0x77A];
	s25 =	spop (v2sf)  }
0x196: {  	s6 =	sld [smem:$0x77B];
	s31 =	spop (v2sf)  }
0x197: {  	s7 =	sld [smem:$0x77E];
	s24 =	spop (v2sf)  }
0x198: {  	s8 =	sld [smem:$0x77F];
	[sflag:s12] =	ssyncset.done $0x0;
	s29 =	spop (v2sf)  }
0x199: {  	p0 =	sgt.s32 s17, $0xC7FF;
	s17 =	sld [smem:$0x77C];
	s30 =	spop (v2sf)  }
0x19a: {  	p1 =	sgt.s32 s20, $0xC7FF;
	s20 =	sld [smem:$0x77D];
	s15 =	spop (v2sf)  }
0x19b: {  	[sflag:s12] =	ssyncadd.s32 $0xFFFFFF80;
	s26 =	simm.s32 @!p0 $0x400;
	[smem:$0x771] =	sst s15  }
0x19c: {  	s9 =	sld [smem:$0x780];
	s6 =	simm.s32 @!p1 $0xC00;
	v0 =	vld [tilespmem:s26+$0x0]  }
0x19d: {  	s14 =	sld [smem:$0x781];
	s17 =	simm.s32 @!p0 $0x410;
	v1 =	vld [tilespmem:s6+$0x0]  }
0x19e: {  	s16 =	sld [smem:$0x784];
	s20 =	simm.s32 @!p1 $0xC10;
	v3 =	vld [tilespmem:s17+$0x0]  }
0x19f: {  	s0 =	sld [smem:$0x787];
	s7 =	simm.s32 @!p0 $0x420;
	s9 =	simm.s32 @!p0 $0x430;
	v35 =	vld [tilespmem:s20+$0x0]  }
0x1a0: {  	s8 =	simm.s32 @!p1 $0xC20;
	p0 =	sgt.s32 s21, $0xC7FF;
	s21 =	sld [smem:$0x783];
	v2 =	vld [tilespmem:s7+$0x0]  }
0x1a1: {  	s15 =	sld [smem:$0x782];
	v44 =	vld [tilespmem:s8+$0x0]  }
0x1a2: {  	s14 =	simm.s32 @!p1 $0xC30;
	p1 =	sgt.s32 s23, $0xC7FF;
	s6 =	sld [smem:$0x785];
	v45 =	vld [tilespmem:s9+$0x0]  }
0x1a3: {  	s21 =	simm.s32 @!p1 $0xC80;
	s9 =	sld [smem:$0x789];
	v46 =	vld [tilespmem:s14+$0x0]  }
0x1a4: {  	s16 =	simm.s32 @!p0 $0x490;
	v48 =	vld [tilespmem:s21+$0x0];
	s21 =	sld [smem:$0x78B]  }
0x1a5: {  	s0 =	simm.s32 @!p1 $0xCA0;
	s17 =	sld [smem:$0x786];
	v49 =	vld [tilespmem:s16+$0x0];
	s15 =	simm.s32 @!p0 $0x480  }
0x1a6: {  	v55 =	vld [tilespmem:s0+$0x0];
	s6 =	simm.s32 @!p1 $0xC90;
	s9 =	simm.s32 @!p1 $0xCB0;
	p1 =	sgt.s32 s18, $0xC7FF  }
0x1a7: {  	s8 =	sld [smem:$0x788];
	v47 =	vld [tilespmem:s15+$0x0];
	s21 =	simm.s32 @!p1 $0xD00  }
0x1a8: {  	v60 =	vld [tilespmem:s21+$0x0]  }
0x1a9: {  	s14 =	sld [smem:$0x78A];
	s17 =	simm.s32 @!p0 $0x4A0;
	v50 =	vld [tilespmem:s6+$0x0]  }
0x1aa: {  	s16 =	sld [smem:$0x78C];
	s8 =	simm.s32 @!p0 $0x4B0;
	v52 =	vld [tilespmem:s17+$0x0]  }
0x1ab: {  	p0 =	sgt.s32 s19, $0xC7FF;
	v54 =	vld [tilespmem:s8+$0x0]  }
0x1ac: {  	s14 =	simm.s32 @!p0 $0x500;
	v56 =	vld [tilespmem:s9+$0x0]  }
0x1ad: {  	s16 =	simm.s32 @!p0 $0x510;
	v51 =	vld [tilespmem:s14+$0x0];
	[tilespmem:$0x1FDA0] =	vst v60  }
0x1ae: {  	v6 =	vld [tilespmem:s16+$0x0];
	_ =	sdelay $0x1  }
0x1af: {  	s6 =	sld [smem:$0x78D];
	_ =	sdelay $0x2  }
0x1b0: {  	s6 =	simm.s32 @!p1 $0xD10;
	[tilespmem:$0x1FDB0] =	vst v6  }
0x1b1: {  	v6 =	vld [tilespmem:s6+$0x0];
	_ =	sdelay $0x1  }
0x1b2: {  	s0 =	sld [smem:$0x78F];
	_ =	sdelay $0x2  }
0x1b3: {  	s0 =	simm.s32 @!p1 $0xD20;
	[tilespmem:$0x1FDC0] =	vst v6  }
0x1b4: {  	v6 =	vld [tilespmem:s0+$0x0]  }
0x1b5: {  	s17 =	sld [smem:$0x78E]  }
0x1b6: {  	s14 =	sld [smem:$0x792];
	_ =	sdelay $0x1  }
0x1b7: {  	p2 =	sgt.s32 s5, $0xC7FF;
	s17 =	simm.s32 @!p0 $0x520  }
0x1b8: {  	s14 =	simm.s32 @!p2 $0x580;
	v59 =	vld [tilespmem:s17+$0x0];
	[tilespmem:$0x1FDD0] =	vst v6  }
0x1b9: {  	s8 =	sld [smem:$0x790];
	v6 =	vld [tilespmem:s14+$0x0]  }
0x1ba: {  	s9 =	sld [smem:$0x791]  }
0x1bb: {  	s21 =	sld [smem:$0x793]  }
0x1bc: {  	s8 =	simm.s32 @!p0 $0x530  }
0x1bd: {  	s9 =	simm.s32 @!p1 $0xD30;
	p0 =	sgt.s32 s22, $0xC7FF;
	v57 =	vld [tilespmem:s8+$0x0]  }
0x1be: {  	s21 =	simm.s32 @!p0 $0xD80;
	v58 =	vld [tilespmem:s9+$0x0];
	[tilespmem:$0x1FDE0] =	vst v6  }
0x1bf: {  	v6 =	vld [tilespmem:s21+$0x0];
	_ =	sdelay $0x1  }
0x1c0: {  	s16 =	sld [smem:$0x794];
	_ =	sdelay $0x2  }
0x1c1: {  	s16 =	simm.s32 @!p2 $0x590;
	[tilespmem:$0x1FDF0] =	vst v6  }
0x1c2: {  	v6 =	vld [tilespmem:s16+$0x0];
	_ =	sdelay $0x1  }
0x1c3: {  	s5 =	sld [smem:$0x795];
	_ =	sdelay $0x2  }
0x1c4: {  	s5 =	simm.s32 @!p0 $0xD90;
	[tilespmem:$0x1FE00] =	vst v6  }
0x1c5: {  	v6 =	vld [tilespmem:s5+$0x0];
	_ =	sdelay $0x1  }
0x1c6: {  	s6 =	sld [smem:$0x796];
	_ =	sdelay $0x2  }
0x1c7: {  	s6 =	simm.s32 @!p2 $0x5A0;
	[tilespmem:$0x1FE10] =	vst v6  }
0x1c8: {  	v6 =	vld [tilespmem:s6+$0x0];
	_ =	sdelay $0x1  }
0x1c9: {  	s0 =	sld [smem:$0x797];
	_ =	sdelay $0x2  }
0x1ca: {  	s0 =	simm.s32 @!p0 $0xDA0;
	[tilespmem:$0x1FE20] =	vst v6  }
0x1cb: {  	v6 =	vld [tilespmem:s0+$0x0];
	_ =	sdelay $0x1  }
0x1cc: {  	s9 =	sld [smem:$0x799];
	_ =	sdelay $0x2  }
0x1cd: {  	s9 =	simm.s32 @!p0 $0xDB0;
	[tilespmem:$0x1FE30] =	vst v6  }
0x1ce: {  	v6 =	vld [tilespmem:s9+$0x0]  }
0x1cf: {  	s8 =	sld [smem:$0x798]  }
0x1d0: {  	s14 =	sld [smem:$0x79A];
	_ =	sdelay $0x1  }
0x1d1: {  	s8 =	simm.s32 @!p2 $0x5B0;
	p0 =	sgt.s32 s13, $0xC7FF  }
0x1d2: {  	s14 =	simm.s32 @!p0 $0x600;
	v60 =	vld [tilespmem:s8+$0x0];
	[tilespmem:$0x1FEB0] =	vst v6  }
0x1d3: {  	v6 =	vld [tilespmem:s14+$0x0];
	_ =	sdelay $0x1  }
0x1d4: {  	s16 =	sld [smem:$0x79B];
	_ =	sdelay $0x1  }
0x1d5: {  	p1 =	sgt.s32 s10, $0xC7FF  }
0x1d6: {  	s16 =	simm.s32 @!p1 $0xE00;
	[tilespmem:$0x1FE40] =	vst v6  }
0x1d7: {  	v6 =	vld [tilespmem:s16+$0x0];
	_ =	sdelay $0x1  }
0x1d8: {  	s5 =	sld [smem:$0x79C];
	_ =	sdelay $0x2  }
0x1d9: {  	s5 =	simm.s32 @!p0 $0x610;
	[tilespmem:$0x1FE50] =	vst v6  }
0x1da: {  	v6 =	vld [tilespmem:s5+$0x0];
	_ =	sdelay $0x1  }
0x1db: {  	s6 =	sld [smem:$0x79D];
	_ =	sdelay $0x2  }
0x1dc: {  	s6 =	simm.s32 @!p1 $0xE10;
	[tilespmem:$0x1FE60] =	vst v6  }
0x1dd: {  	v6 =	vld [tilespmem:s6+$0x0];
	_ =	sdelay $0x1  }
0x1de: {  	s0 =	sld [smem:$0x79E];
	_ =	sdelay $0x2  }
0x1df: {  	s0 =	simm.s32 @!p0 $0x620;
	[tilespmem:$0x1FE70] =	vst v6  }
0x1e0: {  	v6 =	vld [tilespmem:s0+$0x0];
	_ =	sdelay $0x1  }
0x1e1: {  	s8 =	sld [smem:$0x79F];
	_ =	sdelay $0x2  }
0x1e2: {  	s8 =	simm.s32 @!p1 $0xE20;
	[tilespmem:$0x1FEC0] =	vst v6  }
0x1e3: {  	v6 =	vld [tilespmem:s8+$0x0];
	_ =	sdelay $0x1  }
0x1e4: {  	s9 =	sld [smem:$0x7A0];
	_ =	sdelay $0x2  }
0x1e5: {  	s9 =	simm.s32 @!p0 $0x630;
	[tilespmem:$0x1FED0] =	vst v6  }
0x1e6: {  	v6 =	vld [tilespmem:s9+$0x0];
	_ =	sdelay $0x1  }
0x1e7: {  	s10 =	sld [smem:$0x7A1];
	_ =	sdelay $0x2  }
0x1e8: {  	s10 =	simm.s32 @!p1 $0xE30;
	[tilespmem:$0x1FEE0] =	vst v6  }
0x1e9: {  	v6 =	vld [tilespmem:s10+$0x0];
	_ =	sdelay $0x1  }
0x1ea: {  	s13 =	sld [smem:$0x7A2];
	_ =	sdelay $0x1  }
0x1eb: {  	p0 =	sgt.s32 s4, $0xC7FF  }
0x1ec: {  	s13 =	simm.s32 @!p0 $0x680;
	[tilespmem:$0x1FEF0] =	vst v6  }
0x1ed: {  	v6 =	vld [tilespmem:s13+$0x0];
	_ =	sdelay $0x1  }
0x1ee: {  	s5 =	sld [smem:$0x7A3];
	_ =	sdelay $0x1  }
0x1ef: {  	p1 =	sgt.s32 s25, $0xC7FF  }
0x1f0: {  	s5 =	simm.s32 @!p1 $0xE80;
	[tilespmem:$0x1FE80] =	vst v6  }
0x1f1: {  	v6 =	vld [tilespmem:s5+$0x0];
	_ =	sdelay $0x1  }
0x1f2: {  	(v2sf) =	vpush v4, $0x8;
	s4 =	sld [smem:$0x7A4]  }
0x1f3: {  	(v2sf) =	vpush v5, $0x9  }
0x1f4: {  	(v2sf) =	vpush v4, $0x9  }
0x1f5: {  	(v2sf) =	vpush v5, $0xA;
	s4 =	simm.s32 @!p0 $0x690;
	[tilespmem:$0x1FE90] =	vst v6  }
0x1f6: {  	(v2sf) =	vpush v4, $0xA;
	v6 =	vld [tilespmem:s4+$0x0];
	_ =	sdelay $0x1  }
0x1f7: {  	s6 =	sld [smem:$0x7A6];
	_ =	sdelay $0x2  }
0x1f8: {  	s6 =	simm.s32 @!p0 $0x6A0;
	[tilespmem:$0x1FEA0] =	vst v6  }
0x1f9: {  	v6 =	vld [tilespmem:s6+$0x0]  }
0x1fa: {  	s0 =	sld [smem:$0x7A5]  }
0x1fb: {  	s8 =	sld [smem:$0x7A7];
	_ =	sdelay $0x1  }
0x1fc: {  	s0 =	simm.s32 @!p1 $0xE90  }
0x1fd: {  	s28 =	spop (v2sf);
	s8 =	simm.s32 @!p1 $0xEA0;
	v53 =	vld [tilespmem:s0+$0x0];
	[tilespmem:$0x1FF00] =	vst v6  }
0x1fe: {  	(v2sf) =	vpush v5, $0xB;
	s23 =	spop (v2sf);
	v6 =	vld [tilespmem:s8+$0x0]  }
0x1ff: {  	(v2sf) =	vpush v4, $0xB;
	s26 =	spop (v2sf)  }
0x200: {  	(v2sf) =	vpush v5, $0xC;
	s20 =	spop (v2sf);
	s9 =	sld [smem:$0x7A8]  }
0x201: {  	s7 =	spop (v2sf);
	(v2sf) =	vpush v4, $0xC;
	_ =	sdelay $0x1  }
0x202: {  	s9 =	simm.s32 @!p0 $0x6B0;
	[tilespmem:$0x1FF10] =	vst v6  }
0x203: {  	v6 =	vld [tilespmem:s9+$0x0];
	_ =	sdelay $0x1  }
0x204: {  	s10 =	sld [smem:$0x7A9];
	_ =	sdelay $0x2  }
0x205: {  	s10 =	simm.s32 @!p1 $0xEB0;
	[tilespmem:$0x1FF40] =	vst v6  }
0x206: {  	v6 =	vld [tilespmem:s10+$0x0];
	_ =	sdelay $0x1  }
0x207: {  	s5 =	sld [smem:$0x7AA]  }
0x208: {  	s15 =	spop (v2sf)  }
0x209: {  	s19 =	spop (v2sf);
	p0 =	sgt.s32 s31, $0xC7FF  }
0x20a: {  	s18 =	spop (v2sf);
	s5 =	simm.s32 @!p0 $0x700;
	[tilespmem:$0x1FF50] =	vst v6  }
0x20b: {  	s22 =	spop (v2sf);
	(v2sf) =	vpush v5, $0xD;
	v6 =	vld [tilespmem:s5+$0x0];
	_ =	sdelay $0x1  }
0x20c: {  	s4 =	sld [smem:$0x7AB];
	_ =	sdelay $0x1  }
0x20d: {  	p1 =	sgt.s32 s24, $0xC7FF  }
0x20e: {  	s4 =	simm.s32 @!p1 $0xF00;
	[tilespmem:$0x1FF20] =	vst v6  }
0x20f: {  	v6 =	vld [tilespmem:s4+$0x0];
	_ =	sdelay $0x1  }
0x210: {  	s8 =	sld [smem:$0x7AE];
	_ =	sdelay $0x2  }
0x211: {  	s8 =	simm.s32 @!p0 $0x720;
	[tilespmem:$0x1FF30] =	vst v6  }
0x212: {  	s0 =	sld [smem:$0x7AC];
	v62 =	vld [tilespmem:s8+$0x0]  }
0x213: {  	s6 =	sld [smem:$0x7AD]  }
0x214: {  	s9 =	sld [smem:$0x7AF]  }
0x215: {  	s16 =	spop (v2sf);
	(v2sf) =	vpush v4, $0xD;
	s0 =	simm.s32 @!p0 $0x710  }
0x216: {  	s6 =	simm.s32 @!p1 $0xF10;
	v6 =	vld [tilespmem:s0+$0x0]  }
0x217: {  	s9 =	simm.s32 @!p1 $0xF20;
	v63 =	vld [tilespmem:s6+$0x0];
	[tilespmem:$0x1FF60] =	vst v62  }
0x218: {  	v7 =	vld [tilespmem:s9+$0x0];
	_ =	sdelay $0x1  }
0x219: {  	s10 =	sld [smem:$0x7B0];
	_ =	sdelay $0x2  }
0x21a: {  	s10 =	simm.s32 @!p0 $0x730;
	[tilespmem:$0x1FF70] =	vst v7  }
0x21b: {  	v7 =	vld [tilespmem:s10+$0x0];
	_ =	sdelay $0x1  }
0x21c: {  	s5 =	sld [smem:$0x7B1];
	_ =	sdelay $0x2  }
0x21d: {  	s5 =	simm.s32 @!p1 $0xF30;
	[tilespmem:$0x1FF90] =	vst v7  }
0x21e: {  	s17 =	spop (v2sf);
	(v2sf) =	vpush v5, $0xE;
	v7 =	vld [tilespmem:s5+$0x0];
	_ =	sdelay $0x1  }
0x21f: {  	s4 =	sld [smem:$0x7B2];
	_ =	sdelay $0x1  }
0x220: {  	p0 =	sgt.s32 s29, $0xC7FF  }
0x221: {  	s4 =	simm.s32 @!p0 $0x780;
	[tilespmem:$0x1FFA0] =	vst v7  }
0x222: {  	v7 =	vld [tilespmem:s4+$0x0];
	_ =	sdelay $0x1  }
0x223: {  	s9 =	sld [smem:$0x7B6];
	_ =	sdelay $0x2  }
0x224: {  	s13 =	sld [smem:$0x7B3];
	s9 =	simm.s32 @!p0 $0x7A0;
	[tilespmem:$0x1FF80] =	vst v7  }
0x225: {  	s6 =	sld [smem:$0x7B4];
	v7 =	vld [tilespmem:s9+$0x0]  }
0x226: {  	p1 =	sgt.s32 s30, $0xC7FF;
	s8 =	sld [smem:$0x7B5]  }
0x227: {  	v1 =	vmul.f32 v1, v0;
	v0 =	vld [tilespmem:$0x1FEB0];
	s13 =	simm.s32 @!p1 $0xF80;
	s5 =	sld [smem:$0x7B7]  }
0x228: {  	s24 =	spop (v2sf);
	(v2sf) =	vpush v4, $0xE;
	s6 =	simm.s32 @!p0 $0x790;
	v62 =	vld [tilespmem:s13+$0x0]  }
0x229: {  	s8 =	simm.s32 @!p1 $0xF90;
	v8 =	vld [tilespmem:s6+$0x0]  }
0x22a: {  	s5 =	simm.s32 @!p1 $0xFA0;
	v10 =	vld [tilespmem:s8+$0x0];
	[tilespmem:$0x1FFB0] =	vst v7  }
0x22b: {  	s21 =	sld [smem:$0x771];
	v7 =	vld [tilespmem:s5+$0x0]  }
0x22c: {  	s10 =	sld [smem:$0x7B9]  }
0x22d: {  	s4 =	sld [smem:$0x7B8]  }
0x22e: {  	s6 =	sld [smem:$0x7BA]  }
0x22f: {  	v57 =	vmul.f32 v58, v57;
	v58 =	vld [tilespmem:$0x1FE30];
	s8 =	sld [smem:$0x7BB]  }
0x230: {  	v60 =	vmul.f32 v0, v60;
	v0 =	vld [tilespmem:$0x1FEC0];
	s4 =	simm.s32 @!p0 $0x7B0;
	s9 =	sld [smem:$0x7BC];
	[tilespmem:$0x1FFC0] =	vst v7  }
0x231: {  	s10 =	simm.s32 @!p1 $0xFB0;
	p0 =	sgt.s32 s21, $0xC7FF;
	s13 =	sld [smem:$0x7BE];
	v7 =	vld [tilespmem:s4+$0x0]  }
0x232: {  	p1 =	sgt.s32 s28, $0xC7FF;
	s6 =	simm.s32 @!p0 $0x800;
	s5 =	sld [smem:$0x7BD];
	v9 =	vld [tilespmem:s10+$0x0]  }
0x233: {  	s8 =	simm.s32 @!p1 $0x1000;
	s4 =	sld [smem:$0x7BF];
	v15 =	vld [tilespmem:s6+$0x0]  }
0x234: {  	s9 =	simm.s32 @!p0 $0x810;
	s6 =	sld [smem:$0x7C1];
	v17 =	vld [tilespmem:s8+$0x0]  }
0x235: {  	s5 =	simm.s32 @!p1 $0x1010;
	v19 =	vld [tilespmem:s9+$0x0]  }
0x236: {  	v43 =	vmul.f32 v35, v3;
	s13 =	simm.s32 @!p0 $0x820;
	v20 =	vld [tilespmem:s5+$0x0];
	s4 =	simm.s32 @!p1 $0x1020  }
0x237: {  	v13 =	vld [tilespmem:s13+$0x0];
	s6 =	simm.s32 @!p1 $0x1030;
	p1 =	sgt.s32 s26, $0xC7FF;
	s26 =	spop (v2sf);
	(v2sf) =	vpush v5, $0xF  }
0x238: {  	s10 =	sld [smem:$0x7C0];
	v5 =	vadd.f32 v43, v1;
	v43 =	vmul.f32 v48, v47;
	v47 =	vmul.f32 v50, v49;
	v49 =	vld [tilespmem:$0x1FDA0]  }
0x239: {  	v50 =	vld [tilespmem:$0x1FDB0]  }
0x23a: {  	s8 =	sld [smem:$0x7C2];
	v1 =	vld [tilespmem:$0x1FEF0]  }
0x23b: {  	s9 =	sld [smem:$0x7C3];
	s10 =	simm.s32 @!p0 $0x830;
	v18 =	vld [tilespmem:s4+$0x0]  }
0x23c: {  	s5 =	sld [smem:$0x7C4];
	p0 =	sgt.s32 s23, $0xC7FF;
	v11 =	vld [tilespmem:s10+$0x0]  }
0x23d: {  	s13 =	sld [smem:$0x7C5];
	s8 =	simm.s32 @!p0 $0x880;
	v14 =	vld [tilespmem:s6+$0x0]  }
0x23e: {  	v3 =	vmul.f32 v44, v2;
	s9 =	simm.s32 @!p1 $0x1080;
	v22 =	vld [tilespmem:s8+$0x0]  }
0x23f: {  	s5 =	simm.s32 @!p0 $0x890;
	v23 =	vld [tilespmem:s9+$0x0]  }
0x240: {  	v46 =	vmul.f32 v46, v45;
	s4 =	sld [smem:$0x7C6];
	s13 =	simm.s32 @!p1 $0x1090;
	v25 =	vld [tilespmem:s5+$0x0];
	v5 =	vadd.f32 v3, v5  }
0x241: {  	v28 =	vld [tilespmem:s13+$0x0]  }
0x242: {  	s10 =	sld [smem:$0x7C7];
	v5 =	vadd.f32 v46, v5;
	v46 =	vmul.f32 v55, v52;
	v52 =	vmul.f32 v56, v54;
	v56 =	vld [tilespmem:$0x1FDD0]  }
0x243: {  	s4 =	simm.s32 @!p0 $0x8A0;
	v55 =	vld [tilespmem:$0x1FDF0]  }
0x244: {  	v21 =	vld [tilespmem:s4+$0x0]  }
0x245: {  	s6 =	sld [smem:$0x7C8];
	s10 =	simm.s32 @!p1 $0x10A0;
	v49 =	vmul.f32 v49, v51;
	v51 =	vld [tilespmem:$0x1FDC0]  }
0x246: {  	s8 =	sld [smem:$0x7C9];
	v24 =	vld [tilespmem:s10+$0x0]  }
0x247: {  	s9 =	sld [smem:$0x7CA];
	v54 =	vmul.f32 v56, v59;
	v56 =	vld [tilespmem:$0x1FE00]  }
0x248: {  	s6 =	simm.s32 @!p0 $0x8B0;
	v59 =	vld [tilespmem:$0x1FE10]  }
0x249: {  	p0 =	sgt.s32 s20, $0xC7FF;
	s8 =	simm.s32 @!p1 $0x10B0;
	v12 =	vld [tilespmem:s6+$0x0]  }
0x24a: {  	s13 =	sld [smem:$0x7CC];
	v43 =	vadd.f32 v47, v43;
	s9 =	simm.s32 @!p0 $0x900;
	v16 =	vld [tilespmem:s8+$0x0];
	v2 =	vmul.f32 v51, v50  }
0x24b: {  	v26 =	vld [tilespmem:s9+$0x0]  }
0x24c: {  	v43 =	vadd.f32 v46, v43;
	v46 =	vld [tilespmem:$0x1FDE0];
	v49 =	vadd.f32 v2, v49  }
0x24d: {  	s13 =	simm.s32 @!p0 $0x910;
	v2 =	vmul.f32 v59, v56;
	v56 =	vld [tilespmem:$0x1FE20]  }
0x24e: {  	v32 =	vld [tilespmem:s13+$0x0];
	v54 =	vadd.f32 v54, v49  }
0x24f: {  	s5 =	sld [smem:$0x7CB];
	v59 =	vld [tilespmem:$0x1FE40];
	s28 =	spop (v2sf);
	(v2sf) =	vpush v4, $0xF  }
0x250: {  	s4 =	sld [smem:$0x7CD];
	v4 =	vadd.f32 v52, v43;
	v43 =	vadd.f32 v57, v54;
	v54 =	vld [tilespmem:$0x1FE50]  }
0x251: {  	p1 =	sgt.s32 s7, $0xC7FF;
	v57 =	vld [tilespmem:$0x1FE60]  }
0x252: {  	s5 =	simm.s32 @!p1 $0x1100;
	v55 =	vmul.f32 v55, v46;
	v56 =	vmul.f32 v58, v56;
	v58 =	vld [tilespmem:$0x1FE70]  }
0x253: {  	s7 =	sld [smem:$0x7CE];
	v29 =	vld [tilespmem:s5+$0x0];
	s4 =	simm.s32 @!p1 $0x1110  }
0x254: {  	s6 =	sld [smem:$0x7CF];
	v34 =	vld [tilespmem:s4+$0x0];
	v55 =	vadd.f32 v2, v55  }
0x255: {  	v54 =	vmul.f32 v54, v59;
	v59 =	vld [tilespmem:$0x1FE80]  }
0x256: {  	s8 =	sld [smem:$0x7D0];
	s7 =	simm.s32 @!p0 $0x920;
	v55 =	vadd.f32 v56, v55;
	v56 =	vld [tilespmem:$0x1FE90]  }
0x257: {  	s6 =	simm.s32 @!p1 $0x1120;
	v27 =	vld [tilespmem:s7+$0x0];
	v57 =	vmul.f32 v58, v57  }
0x258: {  	s9 =	sld [smem:$0x7D1];
	v30 =	vld [tilespmem:s6+$0x0]  }
0x259: {  	s5 =	sld [smem:$0x7D2];
	s8 =	simm.s32 @!p0 $0x930;
	v54 =	vadd.f32 v57, v54;
	v57 =	vld [tilespmem:$0x1FED0]  }
0x25a: {  	v31 =	vld [tilespmem:s8+$0x0]  }
0x25b: {  	s10 =	sld [smem:$0x7D3];
	s9 =	simm.s32 @!p1 $0x1130;
	p0 =	sgt.s32 s15, $0xC7FF;
	v56 =	vmul.f32 v56, v59;
	v59 =	vld [tilespmem:$0x1FEA0]  }
0x25c: {  	s7 =	sld [smem:$0x7D4];
	s5 =	simm.s32 @!p0 $0x980;
	v33 =	vld [tilespmem:s9+$0x0]  }
0x25d: {  	p1 =	sgt.s32 s19, $0xC7FF;
	s6 =	sld [smem:$0x7D5];
	v38 =	vld [tilespmem:s5+$0x0]  }
0x25e: {  	s10 =	simm.s32 @!p1 $0x1180;
	v57 =	vmul.f32 v57, v0;
	v0 =	vld [tilespmem:$0x1FEE0]  }
0x25f: {  	v39 =	vld [tilespmem:s10+$0x0];
	s7 =	simm.s32 @!p0 $0x990  }
0x260: {  	s8 =	sld [smem:$0x7D6];
	s6 =	simm.s32 @!p1 $0x1190;
	v41 =	vld [tilespmem:s7+$0x0];
	v53 =	vmul.f32 v53, v59  }
0x261: {  	s9 =	sld [smem:$0x7D7];
	v42 =	vld [tilespmem:s6+$0x0]  }
0x262: {  	s5 =	sld [smem:$0x7D8];
	v53 =	vadd.f32 v53, v56;
	v56 =	vld [tilespmem:$0x1FF10]  }
0x263: {  	s8 =	simm.s32 @!p0 $0x9A0;
	v0 =	vmul.f32 v1, v0;
	v1 =	vld [tilespmem:$0x1FF00]  }
0x264: {  	s9 =	simm.s32 @!p1 $0x11A0;
	v36 =	vld [tilespmem:s8+$0x0]  }
0x265: {  	s5 =	simm.s32 @!p0 $0x9B0;
	v40 =	vld [tilespmem:s9+$0x0]  }
0x266: {  	v35 =	vld [tilespmem:s5+$0x0]  }
0x267: {  	v63 =	vmul.f32 v63, v6;
	s10 =	sld [smem:$0x7D9];
	v6 =	vadd.f32 v60, v55;
	v60 =	vld [tilespmem:$0x1FF50]  }
0x268: {  	s7 =	sld [smem:$0x7DA];
	v54 =	vadd.f32 v57, v54;
	v57 =	vld [tilespmem:$0x1FF30];
	v56 =	vmul.f32 v56, v1  }
0x269: {  	s6 =	sld [smem:$0x7DB];
	v1 =	vld [tilespmem:$0x1FF20]  }
0x26a: {  	s10 =	simm.s32 @!p1 $0x11B0;
	p1 =	sgt.s32 s18, $0xC7FF;
	s8 =	sld [smem:$0x7DC];
	v55 =	vadd.f32 v56, v53;
	v53 =	vld [tilespmem:$0x1FF40]  }
0x26b: {  	p0 =	sgt.s32 s22, $0xC7FF;
	v37 =	vld [tilespmem:s10+$0x0];
	s7 =	simm.s32 @!p1 $0xA00  }
0x26c: {  	s0 =	sld [smem:$0x7E6];
	s6 =	simm.s32 @!p0 $0x1200;
	v44 =	vld [tilespmem:s7+$0x0]  }
0x26d: {  	s9 =	sld [smem:$0x7DD];
	s8 =	simm.s32 @!p1 $0xA10;
	v45 =	vld [tilespmem:s6+$0x0]  }
0x26e: {  	s5 =	sld [smem:$0x7DE];
	v48 =	vld [tilespmem:s8+$0x0];
	v57 =	vmul.f32 v57, v1  }
0x26f: {  	s10 =	sld [smem:$0x7DF];
	v56 =	vmul.f32 v60, v53;
	v53 =	vadd.f32 v0, v54;
	v54 =	vld [tilespmem:$0x1FF60]  }
0x270: {  	s9 =	simm.s32 @!p0 $0x1210;
	s7 =	sld [smem:$0x7E0];
	v0 =	vadd.f32 v63, v57;
	v63 =	vld [tilespmem:$0x1FF70]  }
0x271: {  	s13 =	sld [smem:$0x7E4];
	s5 =	simm.s32 @!p1 $0xA20;
	v50 =	vld [tilespmem:s9+$0x0]  }
0x272: {  	s6 =	sld [smem:$0x7E1];
	s10 =	simm.s32 @!p0 $0x1220;
	v47 =	vld [tilespmem:s5+$0x0]  }
0x273: {  	s8 =	sld [smem:$0x7E2];
	v51 =	vld [tilespmem:s10+$0x0];
	s7 =	simm.s32 @!p1 $0xA30  }
0x274: {  	s10 =	sld [smem:$0x7E5];
	v46 =	vld [tilespmem:s7+$0x0]  }
0x275: {  	s9 =	sld [smem:$0x7E3];
	s6 =	simm.s32 @!p0 $0x1230;
	p0 =	sgt.s32 s16, $0xC7FF;
	v54 =	vmul.f32 v63, v54;
	v63 =	vld [tilespmem:$0x1FF80]  }
0x276: {  	p1 =	sgt.s32 s17, $0xC7FF;
	s8 =	simm.s32 @!p0 $0xA80;
	v49 =	vld [tilespmem:s6+$0x0];
	s6 =	sld [smem:$0x7E7]  }
0x277: {  	s7 =	sld [smem:$0x7E8];
	v52 =	vld [tilespmem:s8+$0x0];
	s10 =	simm.s32 @!p1 $0x1290  }
0x278: {  	s9 =	simm.s32 @!p1 $0x1280;
	s8 =	sld [smem:$0x7E9];
	v2 =	vld [tilespmem:s10+$0x0]  }
0x279: {  	s10 =	sld [smem:$0x7EB];
	v58 =	vld [tilespmem:s9+$0x0]  }
0x27a: {  	s13 =	simm.s32 @!p0 $0xA90;
	s0 =	simm.s32 @!p0 $0xAA0;
	s9 =	sld [smem:$0x7EA];
	v55 =	vadd.f32 v56, v55;
	v56 =	vmul.f32 v62, v63;
	v63 =	vld [tilespmem:$0x1FF90]  }
0x27b: {  	s6 =	simm.s32 @!p1 $0x12A0;
	s8 =	simm.s32 @!p1 $0x12B0;
	p1 =	sgt.s32 s26, $0xC7FF;
	v62 =	vld [tilespmem:$0x1FFA0]  }
0x27c: {  	v8 =	vmul.f32 v10, v8;
	v15 =	vmul.f32 v17, v15;
	v3 =	vld [tilespmem:s0+$0x0];
	s7 =	simm.s32 @!p0 $0xAB0;
	p0 =	sgt.s32 s24, $0xC7FF;
	s10 =	simm.s32 @!p1 $0x1300  }
0x27d: {  	v17 =	vmul.f32 v20, v19;
	v7 =	vmul.f32 v9, v7;
	s9 =	simm.s32 @!p0 $0xB00;
	v19 =	vld [tilespmem:s10+$0x0]  }
0x27e: {  	v13 =	vmul.f32 v18, v13;
	v11 =	vmul.f32 v14, v11;
	v10 =	vld [tilespmem:s9+$0x0]  }
0x27f: {  	v22 =	vmul.f32 v23, v22;
	v23 =	vmul.f32 v28, v25;
	v59 =	vld [tilespmem:s13+$0x0]  }
0x280: {  	v28 =	vmul.f32 v24, v21;
	v20 =	vmul.f32 v62, v63;
	v63 =	vld [tilespmem:$0x1FFB0]  }
0x281: {  	v12 =	vmul.f32 v16, v12;
	v29 =	vmul.f32 v29, v26;
	v62 =	vld [tilespmem:$0x1FFC0]  }
0x282: {  	v34 =	vmul.f32 v34, v32;
	v30 =	vmul.f32 v30, v27;
	v1 =	vld [tilespmem:s6+$0x0]  }
0x283: {  	v33 =	vmul.f32 v33, v31;
	v39 =	vmul.f32 v39, v38;
	v60 =	vld [tilespmem:s7+$0x0]  }
0x284: {  	v27 =	vperm.xlane v4, v61;
	v38 =	vmul.f32 v45, v44;
	v57 =	vld [tilespmem:s8+$0x0]  }
0x285: {  	s0 =	sld [smem:$0x7EC];
	v44 =	vmul.f32 v37, v35;
	v47 =	vmul.f32 v51, v47;
	v0 =	vadd.f32 v54, v0  }
0x286: {  	s6 =	sld [smem:$0x7ED];
	v8 =	vadd.f32 v8, v56;
	v54 =	vmul.f32 v62, v63;
	v63 =	vadd.f32 v17, v15  }
0x287: {  	v25 =	vadd.f32 v23, v22;
	v10 =	vmul.f32 v19, v10;
	v2 =	vmul.f32 v2, v59  }
0x288: {  	s4 =	sld [smem:$0x7EE];
	s0 =	simm.s32 @!p0 $0xB10;
	v1 =	vmul.f32 v1, v3;
	v8 =	vadd.f32 v54, v8;
	v9 =	vadd.f32 v13, v63  }
0x289: {  	v4 =	vadd.f32 v27, v4;
	s8 =	sld [smem:$0x7F0];
	s6 =	simm.s32 @!p1 $0x1310;
	v31 =	vperm.xlane v55, v61;
	v21 =	vmul.f32 v57, v60;
	v56 =	vld [tilespmem:s0+$0x0]  }
0x28a: {  	s0 =	sld [smem:$0x7F2];
	v62 =	vld [tilespmem:s6+$0x0];
	v54 =	vmul.f32 v42, v41;
	v7 =	vadd.f32 v7, v8;
	v9 =	vadd.f32 v11, v9  }
0x28b: {  	s4 =	simm.s32 @!p0 $0xB20;
	s7 =	sld [smem:$0x7EF];
	v8 =	vadd.f32 v28, v25;
	v11 =	vadd.f32 v34, v29;
	v34 =	vmul.f32 v40, v36  }
0x28c: {  	v18 =	vld [tilespmem:s4+$0x0];
	s4 =	sld [smem:$0x7F4];
	s8 =	simm.s32 @!p0 $0xB30;
	v14 =	vadd.f32 v54, v39;
	v39 =	vmul.f32 v50, v48;
	v48 =	vmul.f32 v58, v52  }
0x28d: {  	s29 =	spop (v2sf);
	s0 =	simm.s32 @!p1 $0x1330;
	v0 =	vadd.f32 v20, v0;
	s6 =	sld [smem:$0x7F6];
	v15 =	vld [tilespmem:s8+$0x0];
	v25 =	vperm.xlane v5, v61;
	v28 =	vperm.xlane v43, v61  }
0x28e: {  	s7 =	simm.s32 @!p1 $0x1320;
	p0 =	sgt.s32 s28, $0xC7FF;
	v17 =	vld [tilespmem:s0+$0x0];
	s0 =	sld [smem:$0x7F9];
	v29 =	vperm.xlane v6, v61;
	v11 =	vadd.f32 v30, v11;
	v8 =	vadd.f32 v12, v8  }
0x28f: {  	s4 =	simm.s32 @!p0 $0xB80;
	p1 =	sgt.s32 s29, $0xC7FF;
	v13 =	vld [tilespmem:s7+$0x0];
	s7 =	sld [smem:$0x7F8];
	v51 =	vmul.f32 v62, v56;
	v42 =	vadd.f32 v34, v14;
	v16 =	vadd.f32 v39, v38  }
0x290: {  	s5 =	sld [smem:$0x7FB];
	v63 =	vld [tilespmem:s4+$0x0];
	s6 =	simm.s32 @!p1 $0x1380;
	v62 =	vmul.f32 v49, v46;
	v2 =	vadd.f32 v2, v48;
	v6 =	vadd.f32 v29, v6  }
0x291: {  	s4 =	sld [smem:$0x7FA];
	s0 =	simm.s32 @!p1 $0x1390;
	v32 =	vld [tilespmem:s6+$0x0];
	v30 =	vperm.xlane v53, v61;
	v58 =	vadd.f32 v51, v10;
	v11 =	vadd.f32 v33, v11  }
0x292: {  	s6 =	sld [smem:$0x7FC];
	v40 =	vld [tilespmem:s0+$0x0];
	s7 =	simm.s32 @!p0 $0xB90;
	v34 =	vperm.xlane v0, v61;
	v12 =	vadd.f32 v44, v42;
	v16 =	vadd.f32 v47, v16  }
0x293: {  	s5 =	simm.s32 @!p1 $0x13A0;
	s0 =	sld [smem:$0x7FD];
	v36 =	vld [tilespmem:s7+$0x0];
	v35 =	vperm.xlane v7, v61;
	v1 =	vadd.f32 v1, v2;
	v2 =	vadd.f32 v25, v5  }
0x294: {  	v45 =	vld [tilespmem:s5+$0x0];
	s4 =	simm.s32 @!p0 $0xBA0;
	v59 =	vmul.f32 v13, v18;
	v5 =	vadd.f32 v28, v43;
	v33 =	vadd.f32 v31, v55  }
0x295: {  	v22 =	vmul.f32 v17, v15;
	v41 =	vld [tilespmem:s4+$0x0];
	s6 =	simm.s32 @!p0 $0xBB0;
	v0 =	vadd.f32 v34, v0;
	v38 =	vadd.f32 v35, v7  }
0x296: {  	s0 =	simm.s32 @!p1 $0x13B0;
	v50 =	vld [tilespmem:s6+$0x0];
	v54 =	vmul.f32 v32, v63;
	v3 =	vadd.f32 v59, v58;
	v32 =	vadd.f32 v30, v53  }
0x297: {  	v52 =	vld [tilespmem:s0+$0x0];
	v37 =	vperm.xlane v8, v61;
	v13 =	vadd.f32 v62, v16;
	v1 =	vadd.f32 v21, v1  }
0x298: {  	v2 =	vsel vm0, v2, v4;
	v5 =	vsel vm0, v5, v6;
	v56 =	vmul.f32 v40, v36  }
0x299: {  	v47 =	vld [tilespmem:$0x1FFD0];
	v39 =	vperm.xlane v11, v61;
	v8 =	vadd.f32 v37, v8;
	v0 =	vsel vm0, v0, v38  }
0x29a: {  	v63 =	vmul.f32 v45, v41;
	v3 =	vadd.f32 v22, v3;
	v14 =	vadd.f32 v56, v54  }
0x29b: {  	v4 =	vsel vm0, v32, v33;
	v36 =	vperm.xlane v9, v61;
	v40 =	vperm.xlane v12, v61  }
0x29c: {  	v7 =	vadd.f32 v39, v11;
	v24 =	vmul.f32 v52, v50;
	v14 =	vadd.f32 v63, v14  }
0x29d: {  	v41 =	vperm.xlane v13, v61;
	v42 =	vperm.xlane v1, v61;
	v9 =	vadd.f32 v36, v9  }
0x29e: {  	v43 =	vperm.xlane v3, v61;
	v48 =	vperm.xlane v2, v47;
	v26 =	vadd.f32 v24, v14  }
0x29f: {  	v12 =	vadd.f32 v40, v12;
	v49 =	vperm.xlane v5, v47;
	v50 =	vperm.xlane v4, v47  }
0x2a0: {  	v51 =	vperm.xlane v0, v47;
	v45 =	vadd.f32 v41, v13;
	v44 =	vperm.xlane v26, v61  }
0x2a1: {  	v1 =	vadd.f32 v42, v1;
	v8 =	vsel vm0, v9, v8;
	v3 =	vadd.f32 v43, v3  }
0x2a2: {  	v7 =	vsel vm0, v7, v12;
	v2 =	vadd.f32 v48, v2;
	v46 =	vadd.f32 v44, v26  }
0x2a3: {  	v56 =	vld [tilespmem:$0x1FFE0];
	v5 =	vadd.f32 v49, v5;
	v4 =	vadd.f32 v50, v4;
	v1 =	vsel vm0, v45, v1  }
0x2a4: {  	v52 =	vperm.xlane v8, v47;
	v53 =	vperm.xlane v7, v47;
	v3 =	vsel vm0, v3, v46  }
0x2a5: {  	v0 =	vadd.f32 v51, v0;
	v54 =	vperm.xlane v1, v47;
	v55 =	vperm.xlane v3, v47  }
0x2a6: {  	v6 =	vadd.f32 v52, v8;
	v7 =	vadd.f32 v53, v7  }
0x2a7: {  	v2 =	vsel vm1, v2, v5;
	v1 =	vadd.f32 v54, v1;
	v3 =	vadd.f32 v55, v3  }
0x2a8: {  	v0 =	vsel vm1, v4, v0;
	v58 =	vperm.xlane v2, v56  }
0x2a9: {  	v59 =	vperm.xlane v0, v56;
	v57 =	vsel vm1, v6, v7;
	v1 =	vsel vm1, v1, v3  }
0x2aa: {  	v63 =	vld [tilespmem:$0x1FFF0];
	v6 =	vperm.xlane v57, v56;
	v60 =	vperm.xlane v1, v56  }
0x2ab: {  	v2 =	vadd.f32 v58, v2;
	v0 =	vadd.f32 v59, v0  }
0x2ac: {  	v62 =	vadd.f32 v6, v57;
	v1 =	vadd.f32 v60, v1;
	_ =	sdelay $0x1  }
0x2ad: {  	v0 =	vsel vm2, v2, v0;
	v1 =	vsel vm2, v62, v1  }
0x2ae: {  	v2 =	vperm.xlane v0, v63;
	v3 =	vperm.xlane v1, v63;
	_ =	sdelay $0x1  }
0x2af: {  	v0 =	vadd.f32 v2, v0;
	v1 =	vadd.f32 v3, v1;
	_ =	sdelay $0x1  }
0x2b0: {  	v0 =	vsel vm3, v0, v1  }
0x2b1: {  	v0 =	vsub.f32 $0.0e+00, v0;
	_ =	sdelay $0x1  }
0x2b2: {  	v0 =	vmul.f32 $1.442695020e+00, v0;
	_ =	sdelay $0x1  }
0x2b3: {  	(erf) = vpow2.f32 v0;
	_ =	sdelay $0x8  }
0x2b4: {  	v0 =	vpop (erf)  }
0x2b5: {  	v0 =	vadd.f32 $1.000000000e+00, v0;
	_ =	sdelay $0x1  }
0x2b6: {  	(erf) = vrcp.f32 v0;
	_ =	sdelay $0x1  }
0x2b7: {  	s30 =	sld [smem:$0x772];
	_ =	sdelay $0x2  }
0x2b8: {  	p0 =	sne.s32 s30, $0x7C0  }
.Ltmp0:
0x2b9: {  	_ = 	snop;
	(pc) =	sbr.rel @p0 .LBB2_2-.Ltmp0, $3  }
0x2ba: {  	s31 =	sld [smem:$0x773];
	_ =	sdelay $0x1  }
0x2bb: {  	v0 =	vpop (erf)  }
0x2bc: {  	s0 =	sadd.s32 $0x40, s30;
	[tilespmem:s31+$0x1400] =	vst v0  }
0x2bd: {  	s0 =	sld [smem:$0x7F5];
	_ =	sdelay $0x1  }
0x2be: {  	s4 =	simm.s32 $0x1400  }
0x2bf: {  	[hbm4b:s0+s1] =	stream.linear.scatter [tilespmem:s4], [sflag:$0x3], $0x200, $0x38;
	[tilespmem:$0x1600] =	vst v63  }
0x2c0: {  	s4 =	simm.s32 $0x3  }
0x2c1: {  	_ =	swait.ge [sflag:s4], $0x200  }
0x2c2: {  	s5 =	sld [smem:$0x774]  }
0x2c3: {  	s31 =	sld [smem:$0x7F7];
	_ =	sdelay $0x1  }
0x2c4: {  	s5 =	sadd.s32 $0x1, s5  }
0x2c5: {  	p0 =	sne.s32 s5, s31  }
.Ltmp1:
0x2c6: {  	_ = 	snop;
	(pc) =	sbr.rel @p0 .LBB2_1-.Ltmp1, $3  }
0x2c7: {  	_ =	sdelay $0x1  }
0x2c8: {  	[sflag:s4] =	ssyncset.done $0x0  }
0x2c9: {  	[sflag:s4] =	ssyncadd.s32 $0xFFFFFE00  }
0x2ca: {  	_ =	sfence.sel $0x180000  }
0x2cb: {  	[bflag:$0x0] =	sbarrier.arrive $0xFFFF  }
0x2cc: {  	_ =	strace $0x90000047  }
0x2cd: {  	s0 =	stileid.u32;
	[bflag:$0x2] =	sbarrier.arrive $0xFFFF  }
0x2ce: {  	p0 =	sne.s32 s0, $0x0;
	s0 =	rddreg [dreg:$0x4]  }
0x2cf: {  	s0 =	sadd.s32 @!p0 $0x100000, s0  }
0x2d0: {  	[sflag:s0] =	ssyncadd.tile.s32 @!p0 $0x1;
	_ =	shalt  }
.Lfunc_end2:
_tile_overlayer_lowered:
.L_overlay_start_2:
0x2d1: {  	(tag) =	ssettag $0x2  }
0x2d2: {  	s0 =	rddreg [dreg:$0x0];
	s2 =	stileid.u32  }
0x2d3: {  	s1 =	rddreg [dreg:$0x1];
	p0 =	sne.s32 s2, $0x0  }
0x2d4: {  	s3 =	rddreg [dreg:$0x2];
	[bflag:$0x3] =	sbarrier.arrive $0xFFFF;
	s2 =	simm.s32 @!p0 $0x1C03  }
0x2d5: {  	[timem:s3], [sflag:s2] =	dma.local @!p0 [hbm:s0], s1  }
0x2d6: {  	s0 =	simm.s32 @!p0 $0x3  }
0x2d7: {  	_ =	swait.ge @!p0 [sflag:s0], s1  }
0x2d8: {  	s1 =	ssub.s32 @!p0 $0x0, s1;
	[sflag:s0] =	ssyncset.done @!p0 $0x0  }
0x2d9: {  	[sflag:s0] =	ssyncadd.s32 @!p0 s1  }
0x2da: {  	[bflag:$0x3] =	sbarrier.arrive $0xFFFF  }
0x2db: {  	_ =	shalt  }

</sc_bundles>
